<compile_context>
chip_gen: v7x
topology: tpu7x:2x2x1
jax: 0.10.2.dev20260603
libtpu: 0.0.44.dev20260713+nightly
codegen_flags: <defaults>
</compile_context>

<pallas_src>
import functools

import jax
import jax.numpy as jnp
from jax import lax
from jax.experimental import pallas as pl
from jax.experimental.pallas import tpu as pltpu
from jax.experimental.pallas import tpu_sc as plsc

N = 10000
D = 256
HALF = 128
E = 160000
NS = 16
NC = 2
CH = 128
NCHUNK = 80
EPT = NCHUNK * CH
E_PAD = NS * EPT
ACC_ROWS = 10240
TRASH = N
RPT = ACC_ROWS // NS
WCH = 128
ROW_BLK = 512
NBUF = 2
NBK = ACC_ROWS // ROW_BLK
NGRID = (N + ROW_BLK - 1) // ROW_BLK



def _mm_body(x_ref, w_ref, o_ref):
    o_ref[...] = jnp.dot(x_ref[...], w_ref[...],
                         preferred_element_type=jnp.float32)


def _mm_split(x, w):
    return pl.pallas_call(
        _mm_body,
        grid=(NC, NGRID),
        in_specs=[
            pl.BlockSpec((ROW_BLK, D), lambda h, i: (i, 0)),
            pl.BlockSpec((D, HALF), lambda h, i: (0, h)),
        ],
        out_specs=pl.BlockSpec((ROW_BLK, HALF), lambda h, i: (h * NBK + i, 0)),
        out_shape=jax.ShapeDtypeStruct((NC * ACC_ROWS, HALF), jnp.float32),
    )(x, w)


def _act_body(s0_ref, s1_ref, deg_ref, x_ref, wr_ref, b_ref, o_ref, *, relu):
    r = 1.0 / jnp.maximum(deg_ref[...], 1.0)
    s = jnp.concatenate([s0_ref[...] * r, s1_ref[...] * r], axis=1)
    y = s + b_ref[...] + jnp.dot(x_ref[...], wr_ref[...],
                                 preferred_element_type=jnp.float32)
    if relu:
        y = jnp.maximum(y, 0.0)
    o_ref[...] = y


def _act(seg, degs, x, wr, b2d, t_seg, t_deg, relu):
    return pl.pallas_call(
        functools.partial(_act_body, relu=relu),
        grid=(NGRID,),
        in_specs=[
            pl.BlockSpec((ROW_BLK, HALF), lambda i: (i + t_seg * NBK, 0)),
            pl.BlockSpec((ROW_BLK, HALF), lambda i: (i + (t_seg + 1) * NBK, 0)),
            pl.BlockSpec((ROW_BLK, HALF), lambda i: (i + t_deg * NBK, 0)),
            pl.BlockSpec((ROW_BLK, D), lambda i: (i, 0)),
            pl.BlockSpec((D, D), lambda i: (0, 0)),
            pl.BlockSpec((1, D), lambda i: (0, 0)),
        ],
        out_specs=pl.BlockSpec((ROW_BLK, D), lambda i: (i, 0)),
        out_shape=jax.ShapeDtypeStruct((N, D), jnp.float32),
    )(seg, seg, degs, x, wr, b2d)



NBUF = 2
GDEPTH = NBUF - 1
MASK15 = 0x7FFF


def _zero_rows(rows):
    def zb(i, carry):
        rows[i // 8, pl.ds((i % 8) * 16, 16)] = jnp.zeros((16,), jnp.float32)
        return carry
    lax.fori_loop(0, (WCH * HALF) // 16, zb, 0)


def _zero_acc(rows, acc, s):
    def zc(k, carry):
        pltpu.sync_copy(rows, acc.at[pl.ds(s * RPT + k * WCH, WCH)])
        return carry
    lax.fori_loop(0, RPT // WCH, zc, 0)


def _writeout(rows, acc, out, base, s):
    def wo(k, carry):
        r0 = s * RPT + k * WCH
        pltpu.sync_copy(acc.at[pl.ds(r0, WCH)], rows)
        pltpu.sync_copy(rows, out.at[pl.ds(base + r0, WCH)])
        return carry
    lax.fori_loop(0, RPT // WCH, wo, 0)


def _unpack_idx(pk, j, sb, db):
    for q in range(CH // 16):
        v = pk[j, pl.ds(q * 16, 16)]
        sb[0, pl.ds(q * 16, 16)] = v & MASK15
        db[0, pl.ds(q * 16, 16)] = lax.shift_right_logical(v, 15)


def _seg_pass(ytab, pks, out, base, w, s, pk, sbs, dbs, rows, gs, acc):
    pltpu.sync_copy(pks.at[w], pk)
    _zero_rows(rows[0])
    _zero_acc(rows[0], acc, s)
    plsc.subcore_barrier()

    def grp(k, carry):
        _unpack_idx(pk, 2 * k, sbs[0], dbs[0])
        _unpack_idx(pk, 2 * k + 1, sbs[1], dbs[1])
        d0 = pltpu.async_copy(ytab.at[sbs[0].at[0]], rows[0], gs[0])
        d1 = pltpu.async_copy(ytab.at[sbs[1].at[0]], rows[1], gs[1])
        d0.wait()
        pltpu.sync_copy(rows[0], acc.at[dbs[0].at[0]], add=True)
        d1.wait()
        pltpu.sync_copy(rows[1], acc.at[dbs[1].at[0]], add=True)
        return carry
    lax.fori_loop(0, NCHUNK // 2, grp, 0)
    plsc.subcore_barrier()
    _writeout(rows[0], acc, out, base, s)


def _deg_pass(pks, consts, w, s, pk, sb, db, r0, acc):
    pltpu.sync_copy(pks.at[w], pk)
    pltpu.sync_copy(consts.at[0], r0)
    _zero_acc(r0, acc, s)
    pltpu.sync_copy(consts.at[1], r0)
    plsc.subcore_barrier()

    def dstep(j, carry):
        _unpack_idx(pk, j, sb, db)
        pltpu.sync_copy(r0, acc.at[sb.at[0]], add=True)
        return carry
    lax.fori_loop(0, NCHUNK, dstep, 0)
    plsc.subcore_barrier()


def _sc1_body(ytabA, ytabB, pkA, pkB, pkD, consts, outseg, outdeg,
              r0, r1, sb0, sb1, db0, db1, pk, acc, g0, g1):
    c = lax.axis_index("c")
    s = lax.axis_index("s")
    w = c * NS + s
    rows = (r0, r1)
    sbs = (sb0, sb1)
    dbs = (db0, db1)
    gs = (g0, g1)
    _seg_pass(ytabA, pkA, outseg, c * ACC_ROWS, w, s, pk, sbs, dbs, rows, gs, acc)
    _seg_pass(ytabB, pkB, outseg, (2 + c) * ACC_ROWS, w, s, pk, sbs, dbs, rows, gs, acc)
    _deg_pass(pkD, consts, w, s, pk, sb0, db0, r0, acc)
    _writeout(r0, acc, outdeg, c * ACC_ROWS, s)


def _sc2_body(ytabA, ytabB, pkA, pkB, outseg,
              r0, r1, sb0, sb1, db0, db1, pk, acc, g0, g1):
    c = lax.axis_index("c")
    s = lax.axis_index("s")
    w = c * NS + s
    rows = (r0, r1)
    sbs = (sb0, sb1)
    dbs = (db0, db1)
    gs = (g0, g1)
    _seg_pass(ytabA, pkA, outseg, c * ACC_ROWS, w, s, pk, sbs, dbs, rows, gs, acc)
    _seg_pass(ytabB, pkB, outseg, (2 + c) * ACC_ROWS, w, s, pk, sbs, dbs, rows, gs, acc)


_SC_SCRATCH = (
    [pltpu.VMEM((WCH, HALF), jnp.float32)] * NBUF
    + [pltpu.VMEM((1, CH), jnp.int32)] * (2 * NBUF)
    + [pltpu.VMEM((NCHUNK, CH), jnp.int32)]
    + [pltpu.VMEM_SHARED((ACC_ROWS, HALF), jnp.float32)]
    + [pltpu.SemaphoreType.DMA] * NBUF
)

_sc1_call = pl.kernel(
    _sc1_body,
    out_type=(jax.ShapeDtypeStruct((4 * ACC_ROWS, HALF), jnp.float32),
              jax.ShapeDtypeStruct((2 * ACC_ROWS, HALF), jnp.float32)),
    mesh=plsc.VectorSubcoreMesh(core_axis_name="c", subcore_axis_name="s"),
    scratch_types=_SC_SCRATCH,
)

_sc2_call = pl.kernel(
    _sc2_body,
    out_type=jax.ShapeDtypeStruct((4 * ACC_ROWS, HALF), jnp.float32),
    mesh=plsc.VectorSubcoreMesh(core_axis_name="c", subcore_axis_name="s"),
    scratch_types=_SC_SCRATCH,
)



def _prep_idx(idx, fill):
    p = jnp.full((E_PAD - E,), fill, jnp.int32)
    return jnp.concatenate([idx.astype(jnp.int32), p]).reshape(NS, NCHUNK, CH)


def _pack(src, dst):
    return jnp.concatenate([src | (dst << 15),
                            (src + ACC_ROWS) | (dst << 15)], axis=0)


def kernel(x_user, x_item, edge_index_ui, edge_index_iu,
           W1_ui_l, b1_ui, W1_ui_r, W1_iu_l, b1_iu, W1_iu_r,
           W2_ui_l, b2_ui, W2_ui_r, W2_iu_l, b2_iu, W2_iu_r):
    src_ui = _prep_idx(edge_index_ui[0], 0)
    dst_ui = _prep_idx(edge_index_ui[1], TRASH)
    src_iu = _prep_idx(edge_index_iu[0], 0)
    dst_iu = _prep_idx(edge_index_iu[1], TRASH)
    pk_ui = _pack(src_ui, dst_ui)
    pk_iu = _pack(src_iu, dst_iu)
    pk_deg = jnp.concatenate([dst_ui, dst_iu], axis=0)
    consts = jnp.stack([jnp.zeros((CH, HALF), jnp.float32),
                        jnp.ones((CH, HALF), jnp.float32)])

    y1u = _mm_split(x_user, W1_ui_l)
    y1i = _mm_split(x_item, W1_iu_l)
    seg1, degs = _sc1_call(y1u, y1i, pk_ui, pk_iu, pk_deg, consts)
    h_item = _act(seg1, degs, x_item, W1_ui_r, b1_ui.reshape(1, D),
                  t_seg=0, t_deg=0, relu=True)
    h_user = _act(seg1, degs, x_user, W1_iu_r, b1_iu.reshape(1, D),
                  t_seg=2, t_deg=1, relu=True)

    y2u = _mm_split(h_user, W2_ui_l)
    y2i = _mm_split(h_item, W2_iu_l)
    seg2 = _sc2_call(y2u, y2i, pk_ui, pk_iu)
    o_item = _act(seg2, degs, h_item, W2_ui_r, b2_ui.reshape(1, D),
                  t_seg=0, t_deg=0, relu=False)
    o_user = _act(seg2, degs, h_user, W2_iu_r, b2_iu.reshape(1, D),
                  t_seg=2, t_deg=1, relu=False)
    return (o_user, o_item)

# --- scband reference (transcript-rebuilt; emitter-appended) ---
"""Pipeline reference for scband-hetero-gcn-66219805769740 (READ-ONLY COPY).

The authoritative reference and input builder live on the scoring server;
editing this copy changes nothing except your own understanding.
"""

import jax, jax.numpy as jnp
import numpy as np

N_USER = 10000
N_ITEM = 10000
E = 160000
D = 256
H = 256
O = 256


def _lin(key, fan_in, fan_out):
    s = 1.0 / np.sqrt(fan_in)
    return jax.random.uniform(key, (fan_in, fan_out), jnp.float32, -s, s)


def setup_inputs(seed: int = 0) -> dict:
    key = jax.random.key(seed)
    ks = jax.random.split(key, 24)
    inp = {}
    inp['x_user'] = jax.random.normal(ks[0], (N_USER, D), jnp.float32)
    inp['x_item'] = jax.random.normal(ks[1], (N_ITEM, D), jnp.float32)
    inp['edge_index_ui'] = jnp.stack([
        jax.random.randint(ks[2], (E,), 0, N_USER),
        jax.random.randint(ks[3], (E,), 0, N_ITEM)]).astype(jnp.int64)
    inp['edge_index_iu'] = jnp.stack([
        jax.random.randint(ks[4], (E,), 0, N_ITEM),
        jax.random.randint(ks[5], (E,), 0, N_USER)]).astype(jnp.int64)
    # layer 1 SAGEConv weights per edge type (lin_l on aggregated neighbors w/ bias, lin_r on root)
    inp['W1_ui_l'] = _lin(ks[6], D, H)
    inp['b1_ui'] = jnp.zeros((H,), jnp.float32)
    inp['W1_ui_r'] = _lin(ks[7], D, H)
    inp['W1_iu_l'] = _lin(ks[8], D, H)
    inp['b1_iu'] = jnp.zeros((H,), jnp.float32)
    inp['W1_iu_r'] = _lin(ks[9], D, H)
    # layer 2
    inp['W2_ui_l'] = _lin(ks[10], H, O)
    inp['b2_ui'] = jnp.zeros((O,), jnp.float32)
    inp['W2_ui_r'] = _lin(ks[11], H, O)
    inp['W2_iu_l'] = _lin(ks[12], H, O)
    inp['b2_iu'] = jnp.zeros((O,), jnp.float32)
    inp['W2_iu_r'] = _lin(ks[13], H, O)
    return inp


def _sage(x_src, x_dst, edge_index, W_l, b, W_r):
    # PyG SAGEConv with mean aggregation on bipartite (src, dst) inputs
    src, dst = edge_index[0], edge_index[1]
    n_dst = x_dst.shape[0]
    msg_sum = jax.ops.segment_sum(x_src[src], dst, num_segments=n_dst)
    deg = jax.ops.segment_sum(jnp.ones((edge_index.shape[1],), x_src.dtype), dst, num_segments=n_dst)
    aggr = msg_sum / jnp.maximum(deg, 1.0)[:, None]
    return aggr @ W_l + b + x_dst @ W_r


def reference(x_user, x_item, edge_index_ui, edge_index_iu,
              W1_ui_l, b1_ui, W1_ui_r, W1_iu_l, b1_iu, W1_iu_r,
              W2_ui_l, b2_ui, W2_ui_r, W2_iu_l, b2_iu, W2_iu_r):
    # layer 1 (HeteroConv aggr='sum'; each node type has one incoming edge type)
    h_item = _sage(x_user, x_item, edge_index_ui, W1_ui_l, b1_ui, W1_ui_r)
    h_user = _sage(x_item, x_user, edge_index_iu, W1_iu_l, b1_iu, W1_iu_r)
    h_item = jax.nn.relu(h_item)
    h_user = jax.nn.relu(h_user)
    # layer 2
    o_item = _sage(h_user, h_item, edge_index_ui, W2_ui_l, b2_ui, W2_ui_r)
    o_user = _sage(h_item, h_user, edge_index_iu, W2_iu_l, b2_iu, W2_iu_r)
    return (o_user, o_item)

if __name__ == "__main__":
    import jax
    _d = setup_inputs()
    print(jax.jit(kernel)(*tuple(_d.values())))

</pallas_src>

<mosaic_0001>
#map = affine_map<(d0, d1) -> (0, 0)>
#map1 = affine_map<(d0, d1) -> (0, 0, 0)>
module attributes {stable_mosaic.version = 14 : i64} {
  func.func @_sc1_body(%arg0: i32, %arg1: i32, %arg2: memref<20480x128xf32, #tpu.memory_space<hbm>>, %arg3: memref<20480x128xf32, #tpu.memory_space<hbm>>, %arg4: memref<32x80x128xi32, #tpu.memory_space<hbm>>, %arg5: memref<32x80x128xi32, #tpu.memory_space<hbm>>, %arg6: memref<32x80x128xi32, #tpu.memory_space<hbm>>, %arg7: memref<2x128x128xf32, #tpu.memory_space<hbm>>, %arg8: memref<40960x128xf32, #tpu.memory_space<hbm>>, %arg9: memref<20480x128xf32, #tpu.memory_space<hbm>>, %arg10: memref<128x128xf32, #tpu.memory_space<vmem>>, %arg11: memref<128x128xf32, #tpu.memory_space<vmem>>, %arg12: memref<1x128xi32, #tpu.memory_space<vmem>>, %arg13: memref<1x128xi32, #tpu.memory_space<vmem>>, %arg14: memref<1x128xi32, #tpu.memory_space<vmem>>, %arg15: memref<1x128xi32, #tpu.memory_space<vmem>>, %arg16: memref<80x128xi32, #tpu.memory_space<vmem>>, %arg17: memref<10240x128xf32, #tpu.memory_space<vmem_shared>>, %arg18: memref<!tpu.dma_semaphore, #tpu.memory_space<semaphore_mem>>, %arg19: memref<!tpu.dma_semaphore, #tpu.memory_space<semaphore_mem>>) attributes {dimension_semantics = [#tpu.dimension_semantics<core_parallel>, #tpu.dimension_semantics<subcore_parallel>], iteration_bounds = array<i64: 2, 16>, scalar_prefetch = 0 : i64, scratch_operands = 10 : i64, tpu.core_type = #tpu.core_type<sc_vector_subcore>, window_params = [{transform_indices = #map}, {transform_indices = #map}, {transform_indices = #map1}, {transform_indices = #map1}, {transform_indices = #map1}, {transform_indices = #map1}, {transform_indices = #map}, {transform_indices = #map}]} {
    %mul3A = arith.constant 16 : i32
    %mul3A_0 = arith.muli %arg0, %mul3A : i32
    %add3A = arith.addi %mul3A_0, %arg1 : i32
    %mul3A_1 = arith.constant 10240 : i32
    %mul3A_2 = arith.muli %arg0, %mul3A_1 : i32
    "tpu.region"() ({
      %run_scoped3A_80 = tpu.sem_alloc : memref<!tpu.dma_semaphore, #tpu.memory_space<semaphore_mem>>
      %dma_start3A = arith.constant 0 : i32
      %dma_start3A_81 = arith.constant 0 : i32
      %dma_start3A_82 = tpu.memref_slice %arg4[%add3A, %dma_start3A, %dma_start3A_81] : memref<32x80x128xi32, #tpu.memory_space<hbm>> -> memref<1x80x128xi32, #tpu.memory_space<hbm>>
      %dma_start3A_83 = tpu.memref_squeeze %dma_start3A_82 : memref<1x80x128xi32, #tpu.memory_space<hbm>> -> memref<80x128xi32, #tpu.memory_space<hbm>>
      %dma_start3A_84 = arith.constant 0 : i32
      %dma_start3A_85 = arith.constant 0 : i32
      %dma_start3A_86 = tpu.memref_slice %arg4[%add3A, %dma_start3A_84, %dma_start3A_85] : memref<32x80x128xi32, #tpu.memory_space<hbm>> -> memref<1x80x128xi32, #tpu.memory_space<hbm>>
      %dma_start3A_87 = tpu.memref_squeeze %dma_start3A_86 : memref<1x80x128xi32, #tpu.memory_space<hbm>> -> memref<80x128xi32, #tpu.memory_space<hbm>>
      tpu.enqueue_dma source(%dma_start3A_87 : memref<80x128xi32, #tpu.memory_space<hbm>>) target(%arg16 : memref<80x128xi32, #tpu.memory_space<vmem>>) target_semaphore(%run_scoped3A_80 : memref<!tpu.dma_semaphore, #tpu.memory_space<semaphore_mem>>)
      %dma_wait3A = arith.constant 0 : i32
      %dma_wait3A_88 = arith.constant 0 : i32
      %dma_wait3A_89 = tpu.memref_slice %arg4[%add3A, %dma_wait3A, %dma_wait3A_88] : memref<32x80x128xi32, #tpu.memory_space<hbm>> -> memref<1x80x128xi32, #tpu.memory_space<hbm>>
      %dma_wait3A_90 = tpu.memref_squeeze %dma_wait3A_89 : memref<1x80x128xi32, #tpu.memory_space<hbm>> -> memref<80x128xi32, #tpu.memory_space<hbm>>
      %dma_wait3A_91 = arith.constant 0 : i32
      %dma_wait3A_92 = arith.constant 0 : i32
      %dma_wait3A_93 = tpu.memref_slice %arg4[%add3A, %dma_wait3A_91, %dma_wait3A_92] : memref<32x80x128xi32, #tpu.memory_space<hbm>> -> memref<1x80x128xi32, #tpu.memory_space<hbm>>
      %dma_wait3A_94 = tpu.memref_squeeze %dma_wait3A_93 : memref<1x80x128xi32, #tpu.memory_space<hbm>> -> memref<80x128xi32, #tpu.memory_space<hbm>>
      tpu.wait_dma2 semaphore(%run_scoped3A_80 : memref<!tpu.dma_semaphore, #tpu.memory_space<semaphore_mem>>) src(%dma_wait3A_94 : memref<80x128xi32, #tpu.memory_space<hbm>>) dst(%arg16 : memref<80x128xi32, #tpu.memory_space<vmem>>)
      tpu.yield
    }) : () -> ()
    %scan3A = arith.constant 0 : i32
    %scan3A_3 = arith.constant 0 : i32
    %scan3A_4 = arith.constant 1024 : i32
    %scan3A_5 = arith.addi %scan3A_3, %scan3A_4 : i32
    %scan3A_6 = arith.constant 1 : i32
    scf.for %scan3A_80 = %scan3A_3 to %scan3A_5 step %scan3A_6  : i32 {
      %broadcast_in_dim3A = arith.constant 0.000000e+00 : f32
      %broadcast_in_dim3A_81 = vector.broadcast %broadcast_in_dim3A : f32 to vector<16xf32>
      %jit3A = arith.constant 8 : i32
      %div3A = arith.divsi %scan3A_80, %jit3A : i32
      %sign3A = arith.constant 0 : i32
      %sign3A_82 = arith.cmpi sgt, %scan3A_80, %sign3A : i32
      %sign3A_83 = arith.extui %sign3A_82 : i1 to i32
      %sign3A_84 = arith.constant 0 : i32
      %sign3A_85 = arith.cmpi slt, %scan3A_80, %sign3A_84 : i32
      %sign3A_86 = arith.extui %sign3A_85 : i1 to i32
      %sign3A_87 = arith.subi %sign3A_83, %sign3A_86 : i32
      %sign3A_88 = arith.constant 0 : i32
      %sign3A_89 = arith.cmpi sgt, %jit3A, %sign3A_88 : i32
      %sign3A_90 = arith.extui %sign3A_89 : i1 to i32
      %sign3A_91 = arith.constant 0 : i32
      %sign3A_92 = arith.cmpi slt, %jit3A, %sign3A_91 : i32
      %sign3A_93 = arith.extui %sign3A_92 : i1 to i32
      %sign3A_94 = arith.subi %sign3A_90, %sign3A_93 : i32
      %ne3A = arith.cmpi ne, %sign3A_87, %sign3A_94 : i32
      %rem3A = arith.remsi %scan3A_80, %jit3A : i32
      %ne3A_95 = arith.constant 0 : i32
      %ne3A_96 = arith.cmpi ne, %rem3A, %ne3A_95 : i32
      %and3A = arith.andi %ne3A, %ne3A_96 : i1
      %sub3A = arith.constant 1 : i32
      %sub3A_97 = arith.subi %div3A, %sub3A : i32
      %select_n3A = arith.select %and3A, %sub3A_97, %div3A : i32
      %jit3A_98 = arith.constant 8 : i32
      %eq3A = arith.constant 0 : i32
      %eq3A_99 = arith.cmpi eq, %jit3A_98, %eq3A : i32
      %jit3A_100 = arith.constant 1 : i32
      %select_n3A_101 = arith.select %eq3A_99, %jit3A_100, %jit3A_98 : i32
      %rem3A_102 = arith.remsi %scan3A_80, %select_n3A_101 : i32
      %ne3A_103 = arith.constant 0 : i32
      %ne3A_104 = arith.cmpi ne, %rem3A_102, %ne3A_103 : i32
      %lt3A = arith.constant 0 : i32
      %lt3A_105 = arith.cmpi slt, %rem3A_102, %lt3A : i32
      %lt3A_106 = arith.constant 0 : i32
      %lt3A_107 = arith.cmpi slt, %select_n3A_101, %lt3A_106 : i32
      %ne3A_108 = arith.xori %lt3A_105, %lt3A_107 : i1
      %and3A_109 = arith.andi %ne3A_108, %ne3A_104 : i1
      %add3A_110 = arith.addi %rem3A_102, %select_n3A_101 : i32
      %select_n3A_111 = arith.select %and3A_109, %add3A_110, %rem3A_102 : i32
      %mul3A_112 = arith.constant 16 : i32
      %mul3A_113 = arith.muli %select_n3A_111, %mul3A_112 : i32
      %swap3A = arith.index_cast %select_n3A : i32 to index
      %swap3A_114 = arith.index_cast %mul3A_113 : i32 to index
      %swap3A_115 = tpu.vector_load %arg10[%swap3A, %swap3A_114] {strides = array<i32>} : memref<128x128xf32, #tpu.memory_space<vmem>>, vector<1x16xf32>,
      %swap3A_116 = vector.shape_cast %swap3A_115 : vector<1x16xf32> to vector<16xf32>
      %swap3A_117 = vector.shape_cast %broadcast_in_dim3A_81 : vector<16xf32> to vector<1x16xf32>
      tpu.vector_store %arg10[%swap3A, %swap3A_114], %swap3A_117 {strides = array<i32>} : memref<128x128xf32, #tpu.memory_space<vmem>>, vector<1x16xf32>,
    }
    %scan3A_7 = arith.constant 1024 : i32
    %scan3A_8 = arith.constant 0 : i32
    %scan3A_9 = arith.constant 0 : i32
    %scan3A_10 = arith.constant 5 : i32
    %scan3A_11 = arith.addi %scan3A_9, %scan3A_10 : i32
    %scan3A_12 = arith.constant 1 : i32
    scf.for %scan3A_80 = %scan3A_9 to %scan3A_11 step %scan3A_12  : i32 {
      %mul3A_81 = arith.constant 640 : i32
      %mul3A_82 = arith.muli %arg1, %mul3A_81 : i32
      %mul3A_83 = arith.constant 128 : i32
      %mul3A_84 = arith.muli %scan3A_80, %mul3A_83 : i32
      %add3A_85 = arith.addi %mul3A_82, %mul3A_84 : i32
      "tpu.region"() ({
        %run_scoped3A_86 = tpu.sem_alloc : memref<!tpu.dma_semaphore, #tpu.memory_space<semaphore_mem>>
        %dma_start3A = arith.constant 0 : i32
        %dma_start3A_87 = tpu.memref_slice %arg17[%add3A_85, %dma_start3A] : memref<10240x128xf32, #tpu.memory_space<vmem_shared>> -> memref<128x128xf32, #tpu.memory_space<vmem_shared>>
        %dma_start3A_88 = arith.constant 0 : i32
        %dma_start3A_89 = tpu.memref_slice %arg17[%add3A_85, %dma_start3A_88] : memref<10240x128xf32, #tpu.memory_space<vmem_shared>> -> memref<128x128xf32, #tpu.memory_space<vmem_shared>>
        tpu.enqueue_dma source(%arg10 : memref<128x128xf32, #tpu.memory_space<vmem>>) target(%dma_start3A_89 : memref<128x128xf32, #tpu.memory_space<vmem_shared>>) target_semaphore(%run_scoped3A_86 : memref<!tpu.dma_semaphore, #tpu.memory_space<semaphore_mem>>)
        %dma_wait3A = arith.constant 0 : i32
        %dma_wait3A_90 = tpu.memref_slice %arg17[%add3A_85, %dma_wait3A] : memref<10240x128xf32, #tpu.memory_space<vmem_shared>> -> memref<128x128xf32, #tpu.memory_space<vmem_shared>>
        %dma_wait3A_91 = arith.constant 0 : i32
        %dma_wait3A_92 = tpu.memref_slice %arg17[%add3A_85, %dma_wait3A_91] : memref<10240x128xf32, #tpu.memory_space<vmem_shared>> -> memref<128x128xf32, #tpu.memory_space<vmem_shared>>
        tpu.wait_dma2 semaphore(%run_scoped3A_86 : memref<!tpu.dma_semaphore, #tpu.memory_space<semaphore_mem>>) src(%arg10 : memref<128x128xf32, #tpu.memory_space<vmem>>) dst(%dma_wait3A_92 : memref<128x128xf32, #tpu.memory_space<vmem_shared>>)
        tpu.yield
      }) : () -> ()
    }
    %scan3A_13 = arith.constant 5 : i32
    %barrier3A = arith.constant 0 : index
    tpu.barrier barrier_id(%barrier3A)
    %scan3A_14 = arith.constant 0 : i32
    %scan3A_15 = arith.constant 0 : i32
    %scan3A_16 = arith.constant 40 : i32
    %scan3A_17 = arith.addi %scan3A_15, %scan3A_16 : i32
    %scan3A_18 = arith.constant 1 : i32
    scf.for %scan3A_80 = %scan3A_15 to %scan3A_17 step %scan3A_18  : i32 {
      %mul3A_81 = arith.constant 2 : i32
      %mul3A_82 = arith.muli %mul3A_81, %scan3A_80 : i32
      %get3A = arith.index_cast %mul3A_82 : i32 to index
      %get3A_83 = arith.constant 0 : index
      %get3A_84 = tpu.vector_load %arg16[%get3A, %get3A_83] {strides = array<i32>} : memref<80x128xi32, #tpu.memory_space<vmem>>, vector<1x16xi32>,
      %get3A_85 = vector.shape_cast %get3A_84 : vector<1x16xi32> to vector<16xi32>
      %and3A = arith.constant 32767 : i32
      %and3A_86 = vector.broadcast %and3A : i32 to vector<16xi32>
      %and3A_87 = arith.andi %get3A_85, %and3A_86 : vector<16xi32>
      %swap3A = arith.constant 0 : i32
      %swap3A_88 = arith.index_cast %swap3A : i32 to index
      %swap3A_89 = arith.constant 0 : index
      %swap3A_90 = tpu.vector_load %arg12[%swap3A_88, %swap3A_89] {strides = array<i32>} : memref<1x128xi32, #tpu.memory_space<vmem>>, vector<1x16xi32>,
      %swap3A_91 = vector.shape_cast %swap3A_90 : vector<1x16xi32> to vector<16xi32>
      %swap3A_92 = vector.shape_cast %and3A_87 : vector<16xi32> to vector<1x16xi32>
      tpu.vector_store %arg12[%swap3A_88, %swap3A_89], %swap3A_92 {strides = array<i32>} : memref<1x128xi32, #tpu.memory_space<vmem>>, vector<1x16xi32>,
      %shift_right_logical3A = arith.constant 15 : i32
      %shift_right_logical3A_93 = vector.broadcast %shift_right_logical3A : i32 to vector<16xi32>
      %shift_right_logical3A_94 = arith.shrui %get3A_85, %shift_right_logical3A_93 : vector<16xi32>
      %swap3A_95 = arith.constant 0 : i32
      %swap3A_96 = arith.index_cast %swap3A_95 : i32 to index
      %swap3A_97 = arith.constant 0 : index
      %swap3A_98 = tpu.vector_load %arg14[%swap3A_96, %swap3A_97] {strides = array<i32>} : memref<1x128xi32, #tpu.memory_space<vmem>>, vector<1x16xi32>,
      %swap3A_99 = vector.shape_cast %swap3A_98 : vector<1x16xi32> to vector<16xi32>
      %swap3A_100 = vector.shape_cast %shift_right_logical3A_94 : vector<16xi32> to vector<1x16xi32>
      tpu.vector_store %arg14[%swap3A_96, %swap3A_97], %swap3A_100 {strides = array<i32>} : memref<1x128xi32, #tpu.memory_space<vmem>>, vector<1x16xi32>,
      %get3A_101 = arith.index_cast %mul3A_82 : i32 to index
      %get3A_102 = arith.constant 16 : index
      %get3A_103 = tpu.vector_load %arg16[%get3A_101, %get3A_102] {strides = array<i32>} : memref<80x128xi32, #tpu.memory_space<vmem>>, vector<1x16xi32>,
      %get3A_104 = vector.shape_cast %get3A_103 : vector<1x16xi32> to vector<16xi32>
      %and3A_105 = arith.constant 32767 : i32
      %and3A_106 = vector.broadcast %and3A_105 : i32 to vector<16xi32>
      %and3A_107 = arith.andi %get3A_104, %and3A_106 : vector<16xi32>
      %swap3A_108 = arith.constant 0 : i32
      %swap3A_109 = arith.index_cast %swap3A_108 : i32 to index
      %swap3A_110 = arith.constant 16 : index
      %swap3A_111 = tpu.vector_load %arg12[%swap3A_109, %swap3A_110] {strides = array<i32>} : memref<1x128xi32, #tpu.memory_space<vmem>>, vector<1x16xi32>,
      %swap3A_112 = vector.shape_cast %swap3A_111 : vector<1x16xi32> to vector<16xi32>
      %swap3A_113 = vector.shape_cast %and3A_107 : vector<16xi32> to vector<1x16xi32>
      tpu.vector_store %arg12[%swap3A_109, %swap3A_110], %swap3A_113 {strides = array<i32>} : memref<1x128xi32, #tpu.memory_space<vmem>>, vector<1x16xi32>,
      %shift_right_logical3A_114 = arith.constant 15 : i32
      %shift_right_logical3A_115 = vector.broadcast %shift_right_logical3A_114 : i32 to vector<16xi32>
      %shift_right_logical3A_116 = arith.shrui %get3A_104, %shift_right_logical3A_115 : vector<16xi32>
      %swap3A_117 = arith.constant 0 : i32
      %swap3A_118 = arith.index_cast %swap3A_117 : i32 to index
      %swap3A_119 = arith.constant 16 : index
      %swap3A_120 = tpu.vector_load %arg14[%swap3A_118, %swap3A_119] {strides = array<i32>} : memref<1x128xi32, #tpu.memory_space<vmem>>, vector<1x16xi32>,
      %swap3A_121 = vector.shape_cast %swap3A_120 : vector<1x16xi32> to vector<16xi32>
      %swap3A_122 = vector.shape_cast %shift_right_logical3A_116 : vector<16xi32> to vector<1x16xi32>
      tpu.vector_store %arg14[%swap3A_118, %swap3A_119], %swap3A_122 {strides = array<i32>} : memref<1x128xi32, #tpu.memory_space<vmem>>, vector<1x16xi32>,
      %get3A_123 = arith.index_cast %mul3A_82 : i32 to index
      %get3A_124 = arith.constant 32 : index
      %get3A_125 = tpu.vector_load %arg16[%get3A_123, %get3A_124] {strides = array<i32>} : memref<80x128xi32, #tpu.memory_space<vmem>>, vector<1x16xi32>,
      %get3A_126 = vector.shape_cast %get3A_125 : vector<1x16xi32> to vector<16xi32>
      %and3A_127 = arith.constant 32767 : i32
      %and3A_128 = vector.broadcast %and3A_127 : i32 to vector<16xi32>
      %and3A_129 = arith.andi %get3A_126, %and3A_128 : vector<16xi32>
      %swap3A_130 = arith.constant 0 : i32
      %swap3A_131 = arith.index_cast %swap3A_130 : i32 to index
      %swap3A_132 = arith.constant 32 : index
      %swap3A_133 = tpu.vector_load %arg12[%swap3A_131, %swap3A_132] {strides = array<i32>} : memref<1x128xi32, #tpu.memory_space<vmem>>, vector<1x16xi32>,
      %swap3A_134 = vector.shape_cast %swap3A_133 : vector<1x16xi32> to vector<16xi32>
      %swap3A_135 = vector.shape_cast %and3A_129 : vector<16xi32> to vector<1x16xi32>
      tpu.vector_store %arg12[%swap3A_131, %swap3A_132], %swap3A_135 {strides = array<i32>} : memref<1x128xi32, #tpu.memory_space<vmem>>, vector<1x16xi32>,
      %shift_right_logical3A_136 = arith.constant 15 : i32
      %shift_right_logical3A_137 = vector.broadcast %shift_right_logical3A_136 : i32 to vector<16xi32>
      %shift_right_logical3A_138 = arith.shrui %get3A_126, %shift_right_logical3A_137 : vector<16xi32>
      %swap3A_139 = arith.constant 0 : i32
      %swap3A_140 = arith.index_cast %swap3A_139 : i32 to index
      %swap3A_141 = arith.constant 32 : index
      %swap3A_142 = tpu.vector_load %arg14[%swap3A_140, %swap3A_141] {strides = array<i32>} : memref<1x128xi32, #tpu.memory_space<vmem>>, vector<1x16xi32>,
      %swap3A_143 = vector.shape_cast %swap3A_142 : vector<1x16xi32> to vector<16xi32>
      %swap3A_144 = vector.shape_cast %shift_right_logical3A_138 : vector<16xi32> to vector<1x16xi32>
      tpu.vector_store %arg14[%swap3A_140, %swap3A_141], %swap3A_144 {strides = array<i32>} : memref<1x128xi32, #tpu.memory_space<vmem>>, vector<1x16xi32>,
      %get3A_145 = arith.index_cast %mul3A_82 : i32 to index
      %get3A_146 = arith.constant 48 : index
      %get3A_147 = tpu.vector_load %arg16[%get3A_145, %get3A_146] {strides = array<i32>} : memref<80x128xi32, #tpu.memory_space<vmem>>, vector<1x16xi32>,
      %get3A_148 = vector.shape_cast %get3A_147 : vector<1x16xi32> to vector<16xi32>
      %and3A_149 = arith.constant 32767 : i32
      %and3A_150 = vector.broadcast %and3A_149 : i32 to vector<16xi32>
      %and3A_151 = arith.andi %get3A_148, %and3A_150 : vector<16xi32>
      %swap3A_152 = arith.constant 0 : i32
      %swap3A_153 = arith.index_cast %swap3A_152 : i32 to index
      %swap3A_154 = arith.constant 48 : index
      %swap3A_155 = tpu.vector_load %arg12[%swap3A_153, %swap3A_154] {strides = array<i32>} : memref<1x128xi32, #tpu.memory_space<vmem>>, vector<1x16xi32>,
      %swap3A_156 = vector.shape_cast %swap3A_155 : vector<1x16xi32> to vector<16xi32>
      %swap3A_157 = vector.shape_cast %and3A_151 : vector<16xi32> to vector<1x16xi32>
      tpu.vector_store %arg12[%swap3A_153, %swap3A_154], %swap3A_157 {strides = array<i32>} : memref<1x128xi32, #tpu.memory_space<vmem>>, vector<1x16xi32>,
      %shift_right_logical3A_158 = arith.constant 15 : i32
      %shift_right_logical3A_159 = vector.broadcast %shift_right_logical3A_158 : i32 to vector<16xi32>
      %shift_right_logical3A_160 = arith.shrui %get3A_148, %shift_right_logical3A_159 : vector<16xi32>
      %swap3A_161 = arith.constant 0 : i32
      %swap3A_162 = arith.index_cast %swap3A_161 : i32 to index
      %swap3A_163 = arith.constant 48 : index
      %swap3A_164 = tpu.vector_load %arg14[%swap3A_162, %swap3A_163] {strides = array<i32>} : memref<1x128xi32, #tpu.memory_space<vmem>>, vector<1x16xi32>,
      %swap3A_165 = vector.shape_cast %swap3A_164 : vector<1x16xi32> to vector<16xi32>
      %swap3A_166 = vector.shape_cast %shift_right_logical3A_160 : vector<16xi32> to vector<1x16xi32>
      tpu.vector_store %arg14[%swap3A_162, %swap3A_163], %swap3A_166 {strides = array<i32>} : memref<1x128xi32, #tpu.memory_space<vmem>>, vector<1x16xi32>,
      %get3A_167 = arith.index_cast %mul3A_82 : i32 to index
      %get3A_168 = arith.constant 64 : index
      %get3A_169 = tpu.vector_load %arg16[%get3A_167, %get3A_168] {strides = array<i32>} : memref<80x128xi32, #tpu.memory_space<vmem>>, vector<1x16xi32>,
      %get3A_170 = vector.shape_cast %get3A_169 : vector<1x16xi32> to vector<16xi32>
      %and3A_171 = arith.constant 32767 : i32
      %and3A_172 = vector.broadcast %and3A_171 : i32 to vector<16xi32>
      %and3A_173 = arith.andi %get3A_170, %and3A_172 : vector<16xi32>
      %swap3A_174 = arith.constant 0 : i32
      %swap3A_175 = arith.index_cast %swap3A_174 : i32 to index
      %swap3A_176 = arith.constant 64 : index
      %swap3A_177 = tpu.vector_load %arg12[%swap3A_175, %swap3A_176] {strides = array<i32>} : memref<1x128xi32, #tpu.memory_space<vmem>>, vector<1x16xi32>,
      %swap3A_178 = vector.shape_cast %swap3A_177 : vector<1x16xi32> to vector<16xi32>
      %swap3A_179 = vector.shape_cast %and3A_173 : vector<16xi32> to vector<1x16xi32>
      tpu.vector_store %arg12[%swap3A_175, %swap3A_176], %swap3A_179 {strides = array<i32>} : memref<1x128xi32, #tpu.memory_space<vmem>>, vector<1x16xi32>,
      %shift_right_logical3A_180 = arith.constant 15 : i32
      %shift_right_logical3A_181 = vector.broadcast %shift_right_logical3A_180 : i32 to vector<16xi32>
      %shift_right_logical3A_182 = arith.shrui %get3A_170, %shift_right_logical3A_181 : vector<16xi32>
      %swap3A_183 = arith.constant 0 : i32
      %swap3A_184 = arith.index_cast %swap3A_183 : i32 to index
      %swap3A_185 = arith.constant 64 : index
      %swap3A_186 = tpu.vector_load %arg14[%swap3A_184, %swap3A_185] {strides = array<i32>} : memref<1x128xi32, #tpu.memory_space<vmem>>, vector<1x16xi32>,
      %swap3A_187 = vector.shape_cast %swap3A_186 : vector<1x16xi32> to vector<16xi32>
      %swap3A_188 = vector.shape_cast %shift_right_logical3A_182 : vector<16xi32> to vector<1x16xi32>
      tpu.vector_store %arg14[%swap3A_184, %swap3A_185], %swap3A_188 {strides = array<i32>} : memref<1x128xi32, #tpu.memory_space<vmem>>, vector<1x16xi32>,
      %get3A_189 = arith.index_cast %mul3A_82 : i32 to index
      %get3A_190 = arith.constant 80 : index
      %get3A_191 = tpu.vector_load %arg16[%get3A_189, %get3A_190] {strides = array<i32>} : memref<80x128xi32, #tpu.memory_space<vmem>>, vector<1x16xi32>,
      %get3A_192 = vector.shape_cast %get3A_191 : vector<1x16xi32> to vector<16xi32>
      %and3A_193 = arith.constant 32767 : i32
      %and3A_194 = vector.broadcast %and3A_193 : i32 to vector<16xi32>
      %and3A_195 = arith.andi %get3A_192, %and3A_194 : vector<16xi32>
      %swap3A_196 = arith.constant 0 : i32
      %swap3A_197 = arith.index_cast %swap3A_196 : i32 to index
      %swap3A_198 = arith.constant 80 : index
      %swap3A_199 = tpu.vector_load %arg12[%swap3A_197, %swap3A_198] {strides = array<i32>} : memref<1x128xi32, #tpu.memory_space<vmem>>, vector<1x16xi32>,
      %swap3A_200 = vector.shape_cast %swap3A_199 : vector<1x16xi32> to vector<16xi32>
      %swap3A_201 = vector.shape_cast %and3A_195 : vector<16xi32> to vector<1x16xi32>
      tpu.vector_store %arg12[%swap3A_197, %swap3A_198], %swap3A_201 {strides = array<i32>} : memref<1x128xi32, #tpu.memory_space<vmem>>, vector<1x16xi32>,
      %shift_right_logical3A_202 = arith.constant 15 : i32
      %shift_right_logical3A_203 = vector.broadcast %shift_right_logical3A_202 : i32 to vector<16xi32>
      %shift_right_logical3A_204 = arith.shrui %get3A_192, %shift_right_logical3A_203 : vector<16xi32>
      %swap3A_205 = arith.constant 0 : i32
      %swap3A_206 = arith.index_cast %swap3A_205 : i32 to index
      %swap3A_207 = arith.constant 80 : index
      %swap3A_208 = tpu.vector_load %arg14[%swap3A_206, %swap3A_207] {strides = array<i32>} : memref<1x128xi32, #tpu.memory_space<vmem>>, vector<1x16xi32>,
      %swap3A_209 = vector.shape_cast %swap3A_208 : vector<1x16xi32> to vector<16xi32>
      %swap3A_210 = vector.shape_cast %shift_right_logical3A_204 : vector<16xi32> to vector<1x16xi32>
      tpu.vector_store %arg14[%swap3A_206, %swap3A_207], %swap3A_210 {strides = array<i32>} : memref<1x128xi32, #tpu.memory_space<vmem>>, vector<1x16xi32>,
      %get3A_211 = arith.index_cast %mul3A_82 : i32 to index
      %get3A_212 = arith.constant 96 : index
      %get3A_213 = tpu.vector_load %arg16[%get3A_211, %get3A_212] {strides = array<i32>} : memref<80x128xi32, #tpu.memory_space<vmem>>, vector<1x16xi32>,
      %get3A_214 = vector.shape_cast %get3A_213 : vector<1x16xi32> to vector<16xi32>
      %and3A_215 = arith.constant 32767 : i32
      %and3A_216 = vector.broadcast %and3A_215 : i32 to vector<16xi32>
      %and3A_217 = arith.andi %get3A_214, %and3A_216 : vector<16xi32>
      %swap3A_218 = arith.constant 0 : i32
      %swap3A_219 = arith.index_cast %swap3A_218 : i32 to index
      %swap3A_220 = arith.constant 96 : index
      %swap3A_221 = tpu.vector_load %arg12[%swap3A_219, %swap3A_220] {strides = array<i32>} : memref<1x128xi32, #tpu.memory_space<vmem>>, vector<1x16xi32>,
      %swap3A_222 = vector.shape_cast %swap3A_221 : vector<1x16xi32> to vector<16xi32>
      %swap3A_223 = vector.shape_cast %and3A_217 : vector<16xi32> to vector<1x16xi32>
      tpu.vector_store %arg12[%swap3A_219, %swap3A_220], %swap3A_223 {strides = array<i32>} : memref<1x128xi32, #tpu.memory_space<vmem>>, vector<1x16xi32>,
      %shift_right_logical3A_224 = arith.constant 15 : i32
      %shift_right_logical3A_225 = vector.broadcast %shift_right_logical3A_224 : i32 to vector<16xi32>
      %shift_right_logical3A_226 = arith.shrui %get3A_214, %shift_right_logical3A_225 : vector<16xi32>
      %swap3A_227 = arith.constant 0 : i32
      %swap3A_228 = arith.index_cast %swap3A_227 : i32 to index
      %swap3A_229 = arith.constant 96 : index
      %swap3A_230 = tpu.vector_load %arg14[%swap3A_228, %swap3A_229] {strides = array<i32>} : memref<1x128xi32, #tpu.memory_space<vmem>>, vector<1x16xi32>,
      %swap3A_231 = vector.shape_cast %swap3A_230 : vector<1x16xi32> to vector<16xi32>
      %swap3A_232 = vector.shape_cast %shift_right_logical3A_226 : vector<16xi32> to vector<1x16xi32>
      tpu.vector_store %arg14[%swap3A_228, %swap3A_229], %swap3A_232 {strides = array<i32>} : memref<1x128xi32, #tpu.memory_space<vmem>>, vector<1x16xi32>,
      %get3A_233 = arith.index_cast %mul3A_82 : i32 to index
      %get3A_234 = arith.constant 112 : index
      %get3A_235 = tpu.vector_load %arg16[%get3A_233, %get3A_234] {strides = array<i32>} : memref<80x128xi32, #tpu.memory_space<vmem>>, vector<1x16xi32>,
      %get3A_236 = vector.shape_cast %get3A_235 : vector<1x16xi32> to vector<16xi32>
      %and3A_237 = arith.constant 32767 : i32
      %and3A_238 = vector.broadcast %and3A_237 : i32 to vector<16xi32>
      %and3A_239 = arith.andi %get3A_236, %and3A_238 : vector<16xi32>
      %swap3A_240 = arith.constant 0 : i32
      %swap3A_241 = arith.index_cast %swap3A_240 : i32 to index
      %swap3A_242 = arith.constant 112 : index
      %swap3A_243 = tpu.vector_load %arg12[%swap3A_241, %swap3A_242] {strides = array<i32>} : memref<1x128xi32, #tpu.memory_space<vmem>>, vector<1x16xi32>,
      %swap3A_244 = vector.shape_cast %swap3A_243 : vector<1x16xi32> to vector<16xi32>
      %swap3A_245 = vector.shape_cast %and3A_239 : vector<16xi32> to vector<1x16xi32>
      tpu.vector_store %arg12[%swap3A_241, %swap3A_242], %swap3A_245 {strides = array<i32>} : memref<1x128xi32, #tpu.memory_space<vmem>>, vector<1x16xi32>,
      %shift_right_logical3A_246 = arith.constant 15 : i32
      %shift_right_logical3A_247 = vector.broadcast %shift_right_logical3A_246 : i32 to vector<16xi32>
      %shift_right_logical3A_248 = arith.shrui %get3A_236, %shift_right_logical3A_247 : vector<16xi32>
      %swap3A_249 = arith.constant 0 : i32
      %swap3A_250 = arith.index_cast %swap3A_249 : i32 to index
      %swap3A_251 = arith.constant 112 : index
      %swap3A_252 = tpu.vector_load %arg14[%swap3A_250, %swap3A_251] {strides = array<i32>} : memref<1x128xi32, #tpu.memory_space<vmem>>, vector<1x16xi32>,
      %swap3A_253 = vector.shape_cast %swap3A_252 : vector<1x16xi32> to vector<16xi32>
      %swap3A_254 = vector.shape_cast %shift_right_logical3A_248 : vector<16xi32> to vector<1x16xi32>
      tpu.vector_store %arg14[%swap3A_250, %swap3A_251], %swap3A_254 {strides = array<i32>} : memref<1x128xi32, #tpu.memory_space<vmem>>, vector<1x16xi32>,
      %mul3A_255 = arith.constant 2 : i32
      %mul3A_256 = arith.muli %mul3A_255, %scan3A_80 : i32
      %add3A_257 = arith.constant 1 : i32
      %add3A_258 = arith.addi %mul3A_256, %add3A_257 : i32
      %get3A_259 = arith.index_cast %add3A_258 : i32 to index
      %get3A_260 = arith.constant 0 : index
      %get3A_261 = tpu.vector_load %arg16[%get3A_259, %get3A_260] {strides = array<i32>} : memref<80x128xi32, #tpu.memory_space<vmem>>, vector<1x16xi32>,
      %get3A_262 = vector.shape_cast %get3A_261 : vector<1x16xi32> to vector<16xi32>
      %and3A_263 = arith.constant 32767 : i32
      %and3A_264 = vector.broadcast %and3A_263 : i32 to vector<16xi32>
      %and3A_265 = arith.andi %get3A_262, %and3A_264 : vector<16xi32>
      %swap3A_266 = arith.constant 0 : i32
      %swap3A_267 = arith.index_cast %swap3A_266 : i32 to index
      %swap3A_268 = arith.constant 0 : index
      %swap3A_269 = tpu.vector_load %arg13[%swap3A_267, %swap3A_268] {strides = array<i32>} : memref<1x128xi32, #tpu.memory_space<vmem>>, vector<1x16xi32>,
      %swap3A_270 = vector.shape_cast %swap3A_269 : vector<1x16xi32> to vector<16xi32>
      %swap3A_271 = vector.shape_cast %and3A_265 : vector<16xi32> to vector<1x16xi32>
      tpu.vector_store %arg13[%swap3A_267, %swap3A_268], %swap3A_271 {strides = array<i32>} : memref<1x128xi32, #tpu.memory_space<vmem>>, vector<1x16xi32>,
      %shift_right_logical3A_272 = arith.constant 15 : i32
      %shift_right_logical3A_273 = vector.broadcast %shift_right_logical3A_272 : i32 to vector<16xi32>
      %shift_right_logical3A_274 = arith.shrui %get3A_262, %shift_right_logical3A_273 : vector<16xi32>
      %swap3A_275 = arith.constant 0 : i32
      %swap3A_276 = arith.index_cast %swap3A_275 : i32 to index
      %swap3A_277 = arith.constant 0 : index
      %swap3A_278 = tpu.vector_load %arg15[%swap3A_276, %swap3A_277] {strides = array<i32>} : memref<1x128xi32, #tpu.memory_space<vmem>>, vector<1x16xi32>,
      %swap3A_279 = vector.shape_cast %swap3A_278 : vector<1x16xi32> to vector<16xi32>
      %swap3A_280 = vector.shape_cast %shift_right_logical3A_274 : vector<16xi32> to vector<1x16xi32>
      tpu.vector_store %arg15[%swap3A_276, %swap3A_277], %swap3A_280 {strides = array<i32>} : memref<1x128xi32, #tpu.memory_space<vmem>>, vector<1x16xi32>,
      %get3A_281 = arith.index_cast %add3A_258 : i32 to index
      %get3A_282 = arith.constant 16 : index
      %get3A_283 = tpu.vector_load %arg16[%get3A_281, %get3A_282] {strides = array<i32>} : memref<80x128xi32, #tpu.memory_space<vmem>>, vector<1x16xi32>,
      %get3A_284 = vector.shape_cast %get3A_283 : vector<1x16xi32> to vector<16xi32>
      %and3A_285 = arith.constant 32767 : i32
      %and3A_286 = vector.broadcast %and3A_285 : i32 to vector<16xi32>
      %and3A_287 = arith.andi %get3A_284, %and3A_286 : vector<16xi32>
      %swap3A_288 = arith.constant 0 : i32
      %swap3A_289 = arith.index_cast %swap3A_288 : i32 to index
      %swap3A_290 = arith.constant 16 : index
      %swap3A_291 = tpu.vector_load %arg13[%swap3A_289, %swap3A_290] {strides = array<i32>} : memref<1x128xi32, #tpu.memory_space<vmem>>, vector<1x16xi32>,
      %swap3A_292 = vector.shape_cast %swap3A_291 : vector<1x16xi32> to vector<16xi32>
      %swap3A_293 = vector.shape_cast %and3A_287 : vector<16xi32> to vector<1x16xi32>
      tpu.vector_store %arg13[%swap3A_289, %swap3A_290], %swap3A_293 {strides = array<i32>} : memref<1x128xi32, #tpu.memory_space<vmem>>, vector<1x16xi32>,
      %shift_right_logical3A_294 = arith.constant 15 : i32
      %shift_right_logical3A_295 = vector.broadcast %shift_right_logical3A_294 : i32 to vector<16xi32>
      %shift_right_logical3A_296 = arith.shrui %get3A_284, %shift_right_logical3A_295 : vector<16xi32>
      %swap3A_297 = arith.constant 0 : i32
      %swap3A_298 = arith.index_cast %swap3A_297 : i32 to index
      %swap3A_299 = arith.constant 16 : index
      %swap3A_300 = tpu.vector_load %arg15[%swap3A_298, %swap3A_299] {strides = array<i32>} : memref<1x128xi32, #tpu.memory_space<vmem>>, vector<1x16xi32>,
      %swap3A_301 = vector.shape_cast %swap3A_300 : vector<1x16xi32> to vector<16xi32>
      %swap3A_302 = vector.shape_cast %shift_right_logical3A_296 : vector<16xi32> to vector<1x16xi32>
      tpu.vector_store %arg15[%swap3A_298, %swap3A_299], %swap3A_302 {strides = array<i32>} : memref<1x128xi32, #tpu.memory_space<vmem>>, vector<1x16xi32>,
      %get3A_303 = arith.index_cast %add3A_258 : i32 to index
      %get3A_304 = arith.constant 32 : index
      %get3A_305 = tpu.vector_load %arg16[%get3A_303, %get3A_304] {strides = array<i32>} : memref<80x128xi32, #tpu.memory_space<vmem>>, vector<1x16xi32>,
      %get3A_306 = vector.shape_cast %get3A_305 : vector<1x16xi32> to vector<16xi32>
      %and3A_307 = arith.constant 32767 : i32
      %and3A_308 = vector.broadcast %and3A_307 : i32 to vector<16xi32>
      %and3A_309 = arith.andi %get3A_306, %and3A_308 : vector<16xi32>
      %swap3A_310 = arith.constant 0 : i32
      %swap3A_311 = arith.index_cast %swap3A_310 : i32 to index
      %swap3A_312 = arith.constant 32 : index
      %swap3A_313 = tpu.vector_load %arg13[%swap3A_311, %swap3A_312] {strides = array<i32>} : memref<1x128xi32, #tpu.memory_space<vmem>>, vector<1x16xi32>,
      %swap3A_314 = vector.shape_cast %swap3A_313 : vector<1x16xi32> to vector<16xi32>
      %swap3A_315 = vector.shape_cast %and3A_309 : vector<16xi32> to vector<1x16xi32>
      tpu.vector_store %arg13[%swap3A_311, %swap3A_312], %swap3A_315 {strides = array<i32>} : memref<1x128xi32, #tpu.memory_space<vmem>>, vector<1x16xi32>,
      %shift_right_logical3A_316 = arith.constant 15 : i32
      %shift_right_logical3A_317 = vector.broadcast %shift_right_logical3A_316 : i32 to vector<16xi32>
      %shift_right_logical3A_318 = arith.shrui %get3A_306, %shift_right_logical3A_317 : vector<16xi32>
      %swap3A_319 = arith.constant 0 : i32
      %swap3A_320 = arith.index_cast %swap3A_319 : i32 to index
      %swap3A_321 = arith.constant 32 : index
      %swap3A_322 = tpu.vector_load %arg15[%swap3A_320, %swap3A_321] {strides = array<i32>} : memref<1x128xi32, #tpu.memory_space<vmem>>, vector<1x16xi32>,
      %swap3A_323 = vector.shape_cast %swap3A_322 : vector<1x16xi32> to vector<16xi32>
      %swap3A_324 = vector.shape_cast %shift_right_logical3A_318 : vector<16xi32> to vector<1x16xi32>
      tpu.vector_store %arg15[%swap3A_320, %swap3A_321], %swap3A_324 {strides = array<i32>} : memref<1x128xi32, #tpu.memory_space<vmem>>, vector<1x16xi32>,
      %get3A_325 = arith.index_cast %add3A_258 : i32 to index
      %get3A_326 = arith.constant 48 : index
      %get3A_327 = tpu.vector_load %arg16[%get3A_325, %get3A_326] {strides = array<i32>} : memref<80x128xi32, #tpu.memory_space<vmem>>, vector<1x16xi32>,
      %get3A_328 = vector.shape_cast %get3A_327 : vector<1x16xi32> to vector<16xi32>
      %and3A_329 = arith.constant 32767 : i32
      %and3A_330 = vector.broadcast %and3A_329 : i32 to vector<16xi32>
      %and3A_331 = arith.andi %get3A_328, %and3A_330 : vector<16xi32>
      %swap3A_332 = arith.constant 0 : i32
      %swap3A_333 = arith.index_cast %swap3A_332 : i32 to index
      %swap3A_334 = arith.constant 48 : index
      %swap3A_335 = tpu.vector_load %arg13[%swap3A_333, %swap3A_334] {strides = array<i32>} : memref<1x128xi32, #tpu.memory_space<vmem>>, vector<1x16xi32>,
      %swap3A_336 = vector.shape_cast %swap3A_335 : vector<1x16xi32> to vector<16xi32>
      %swap3A_337 = vector.shape_cast %and3A_331 : vector<16xi32> to vector<1x16xi32>
      tpu.vector_store %arg13[%swap3A_333, %swap3A_334], %swap3A_337 {strides = array<i32>} : memref<1x128xi32, #tpu.memory_space<vmem>>, vector<1x16xi32>,
      %shift_right_logical3A_338 = arith.constant 15 : i32
      %shift_right_logical3A_339 = vector.broadcast %shift_right_logical3A_338 : i32 to vector<16xi32>
      %shift_right_logical3A_340 = arith.shrui %get3A_328, %shift_right_logical3A_339 : vector<16xi32>
      %swap3A_341 = arith.constant 0 : i32
      %swap3A_342 = arith.index_cast %swap3A_341 : i32 to index
      %swap3A_343 = arith.constant 48 : index
      %swap3A_344 = tpu.vector_load %arg15[%swap3A_342, %swap3A_343] {strides = array<i32>} : memref<1x128xi32, #tpu.memory_space<vmem>>, vector<1x16xi32>,
      %swap3A_345 = vector.shape_cast %swap3A_344 : vector<1x16xi32> to vector<16xi32>
      %swap3A_346 = vector.shape_cast %shift_right_logical3A_340 : vector<16xi32> to vector<1x16xi32>
      tpu.vector_store %arg15[%swap3A_342, %swap3A_343], %swap3A_346 {strides = array<i32>} : memref<1x128xi32, #tpu.memory_space<vmem>>, vector<1x16xi32>,
      %get3A_347 = arith.index_cast %add3A_258 : i32 to index
      %get3A_348 = arith.constant 64 : index
      %get3A_349 = tpu.vector_load %arg16[%get3A_347, %get3A_348] {strides = array<i32>} : memref<80x128xi32, #tpu.memory_space<vmem>>, vector<1x16xi32>,
      %get3A_350 = vector.shape_cast %get3A_349 : vector<1x16xi32> to vector<16xi32>
      %and3A_351 = arith.constant 32767 : i32
      %and3A_352 = vector.broadcast %and3A_351 : i32 to vector<16xi32>
      %and3A_353 = arith.andi %get3A_350, %and3A_352 : vector<16xi32>
      %swap3A_354 = arith.constant 0 : i32
      %swap3A_355 = arith.index_cast %swap3A_354 : i32 to index
      %swap3A_356 = arith.constant 64 : index
      %swap3A_357 = tpu.vector_load %arg13[%swap3A_355, %swap3A_356] {strides = array<i32>} : memref<1x128xi32, #tpu.memory_space<vmem>>, vector<1x16xi32>,
      %swap3A_358 = vector.shape_cast %swap3A_357 : vector<1x16xi32> to vector<16xi32>
      %swap3A_359 = vector.shape_cast %and3A_353 : vector<16xi32> to vector<1x16xi32>
      tpu.vector_store %arg13[%swap3A_355, %swap3A_356], %swap3A_359 {strides = array<i32>} : memref<1x128xi32, #tpu.memory_space<vmem>>, vector<1x16xi32>,
      %shift_right_logical3A_360 = arith.constant 15 : i32
      %shift_right_logical3A_361 = vector.broadcast %shift_right_logical3A_360 : i32 to vector<16xi32>
      %shift_right_logical3A_362 = arith.shrui %get3A_350, %shift_right_logical3A_361 : vector<16xi32>
      %swap3A_363 = arith.constant 0 : i32
      %swap3A_364 = arith.index_cast %swap3A_363 : i32 to index
      %swap3A_365 = arith.constant 64 : index
      %swap3A_366 = tpu.vector_load %arg15[%swap3A_364, %swap3A_365] {strides = array<i32>} : memref<1x128xi32, #tpu.memory_space<vmem>>, vector<1x16xi32>,
      %swap3A_367 = vector.shape_cast %swap3A_366 : vector<1x16xi32> to vector<16xi32>
      %swap3A_368 = vector.shape_cast %shift_right_logical3A_362 : vector<16xi32> to vector<1x16xi32>
      tpu.vector_store %arg15[%swap3A_364, %swap3A_365], %swap3A_368 {strides = array<i32>} : memref<1x128xi32, #tpu.memory_space<vmem>>, vector<1x16xi32>,
      %get3A_369 = arith.index_cast %add3A_258 : i32 to index
      %get3A_370 = arith.constant 80 : index
      %get3A_371 = tpu.vector_load %arg16[%get3A_369, %get3A_370] {strides = array<i32>} : memref<80x128xi32, #tpu.memory_space<vmem>>, vector<1x16xi32>,
      %get3A_372 = vector.shape_cast %get3A_371 : vector<1x16xi32> to vector<16xi32>
      %and3A_373 = arith.constant 32767 : i32
      %and3A_374 = vector.broadcast %and3A_373 : i32 to vector<16xi32>
      %and3A_375 = arith.andi %get3A_372, %and3A_374 : vector<16xi32>
      %swap3A_376 = arith.constant 0 : i32
      %swap3A_377 = arith.index_cast %swap3A_376 : i32 to index
      %swap3A_378 = arith.constant 80 : index
      %swap3A_379 = tpu.vector_load %arg13[%swap3A_377, %swap3A_378] {strides = array<i32>} : memref<1x128xi32, #tpu.memory_space<vmem>>, vector<1x16xi32>,
      %swap3A_380 = vector.shape_cast %swap3A_379 : vector<1x16xi32> to vector<16xi32>
      %swap3A_381 = vector.shape_cast %and3A_375 : vector<16xi32> to vector<1x16xi32>
      tpu.vector_store %arg13[%swap3A_377, %swap3A_378], %swap3A_381 {strides = array<i32>} : memref<1x128xi32, #tpu.memory_space<vmem>>, vector<1x16xi32>,
      %shift_right_logical3A_382 = arith.constant 15 : i32
      %shift_right_logical3A_383 = vector.broadcast %shift_right_logical3A_382 : i32 to vector<16xi32>
      %shift_right_logical3A_384 = arith.shrui %get3A_372, %shift_right_logical3A_383 : vector<16xi32>
      %swap3A_385 = arith.constant 0 : i32
      %swap3A_386 = arith.index_cast %swap3A_385 : i32 to index
      %swap3A_387 = arith.constant 80 : index
      %swap3A_388 = tpu.vector_load %arg15[%swap3A_386, %swap3A_387] {strides = array<i32>} : memref<1x128xi32, #tpu.memory_space<vmem>>, vector<1x16xi32>,
      %swap3A_389 = vector.shape_cast %swap3A_388 : vector<1x16xi32> to vector<16xi32>
      %swap3A_390 = vector.shape_cast %shift_right_logical3A_384 : vector<16xi32> to vector<1x16xi32>
      tpu.vector_store %arg15[%swap3A_386, %swap3A_387], %swap3A_390 {strides = array<i32>} : memref<1x128xi32, #tpu.memory_space<vmem>>, vector<1x16xi32>,
      %get3A_391 = arith.index_cast %add3A_258 : i32 to index
      %get3A_392 = arith.constant 96 : index
      %get3A_393 = tpu.vector_load %arg16[%get3A_391, %get3A_392] {strides = array<i32>} : memref<80x128xi32, #tpu.memory_space<vmem>>, vector<1x16xi32>,
      %get3A_394 = vector.shape_cast %get3A_393 : vector<1x16xi32> to vector<16xi32>
      %and3A_395 = arith.constant 32767 : i32
      %and3A_396 = vector.broadcast %and3A_395 : i32 to vector<16xi32>
      %and3A_397 = arith.andi %get3A_394, %and3A_396 : vector<16xi32>
      %swap3A_398 = arith.constant 0 : i32
      %swap3A_399 = arith.index_cast %swap3A_398 : i32 to index
      %swap3A_400 = arith.constant 96 : index
      %swap3A_401 = tpu.vector_load %arg13[%swap3A_399, %swap3A_400] {strides = array<i32>} : memref<1x128xi32, #tpu.memory_space<vmem>>, vector<1x16xi32>,
      %swap3A_402 = vector.shape_cast %swap3A_401 : vector<1x16xi32> to vector<16xi32>
      %swap3A_403 = vector.shape_cast %and3A_397 : vector<16xi32> to vector<1x16xi32>
      tpu.vector_store %arg13[%swap3A_399, %swap3A_400], %swap3A_403 {strides = array<i32>} : memref<1x128xi32, #tpu.memory_space<vmem>>, vector<1x16xi32>,
      %shift_right_logical3A_404 = arith.constant 15 : i32
      %shift_right_logical3A_405 = vector.broadcast %shift_right_logical3A_404 : i32 to vector<16xi32>
      %shift_right_logical3A_406 = arith.shrui %get3A_394, %shift_right_logical3A_405 : vector<16xi32>
      %swap3A_407 = arith.constant 0 : i32
      %swap3A_408 = arith.index_cast %swap3A_407 : i32 to index
      %swap3A_409 = arith.constant 96 : index
      %swap3A_410 = tpu.vector_load %arg15[%swap3A_408, %swap3A_409] {strides = array<i32>} : memref<1x128xi32, #tpu.memory_space<vmem>>, vector<1x16xi32>,
      %swap3A_411 = vector.shape_cast %swap3A_410 : vector<1x16xi32> to vector<16xi32>
      %swap3A_412 = vector.shape_cast %shift_right_logical3A_406 : vector<16xi32> to vector<1x16xi32>
      tpu.vector_store %arg15[%swap3A_408, %swap3A_409], %swap3A_412 {strides = array<i32>} : memref<1x128xi32, #tpu.memory_space<vmem>>, vector<1x16xi32>,
      %get3A_413 = arith.index_cast %add3A_258 : i32 to index
      %get3A_414 = arith.constant 112 : index
      %get3A_415 = tpu.vector_load %arg16[%get3A_413, %get3A_414] {strides = array<i32>} : memref<80x128xi32, #tpu.memory_space<vmem>>, vector<1x16xi32>,
      %get3A_416 = vector.shape_cast %get3A_415 : vector<1x16xi32> to vector<16xi32>
      %and3A_417 = arith.constant 32767 : i32
      %and3A_418 = vector.broadcast %and3A_417 : i32 to vector<16xi32>
      %and3A_419 = arith.andi %get3A_416, %and3A_418 : vector<16xi32>
      %swap3A_420 = arith.constant 0 : i32
      %swap3A_421 = arith.index_cast %swap3A_420 : i32 to index
      %swap3A_422 = arith.constant 112 : index
      %swap3A_423 = tpu.vector_load %arg13[%swap3A_421, %swap3A_422] {strides = array<i32>} : memref<1x128xi32, #tpu.memory_space<vmem>>, vector<1x16xi32>,
      %swap3A_424 = vector.shape_cast %swap3A_423 : vector<1x16xi32> to vector<16xi32>
      %swap3A_425 = vector.shape_cast %and3A_419 : vector<16xi32> to vector<1x16xi32>
      tpu.vector_store %arg13[%swap3A_421, %swap3A_422], %swap3A_425 {strides = array<i32>} : memref<1x128xi32, #tpu.memory_space<vmem>>, vector<1x16xi32>,
      %shift_right_logical3A_426 = arith.constant 15 : i32
      %shift_right_logical3A_427 = vector.broadcast %shift_right_logical3A_426 : i32 to vector<16xi32>
      %shift_right_logical3A_428 = arith.shrui %get3A_416, %shift_right_logical3A_427 : vector<16xi32>
      %swap3A_429 = arith.constant 0 : i32
      %swap3A_430 = arith.index_cast %swap3A_429 : i32 to index
      %swap3A_431 = arith.constant 112 : index
      %swap3A_432 = tpu.vector_load %arg15[%swap3A_430, %swap3A_431] {strides = array<i32>} : memref<1x128xi32, #tpu.memory_space<vmem>>, vector<1x16xi32>,
      %swap3A_433 = vector.shape_cast %swap3A_432 : vector<1x16xi32> to vector<16xi32>
      %swap3A_434 = vector.shape_cast %shift_right_logical3A_428 : vector<16xi32> to vector<1x16xi32>
      tpu.vector_store %arg15[%swap3A_430, %swap3A_431], %swap3A_434 {strides = array<i32>} : memref<1x128xi32, #tpu.memory_space<vmem>>, vector<1x16xi32>,
      %dma_start3A = arith.constant 0 : i32
      %dma_start3A_435 = arith.constant 0 : i32
      %dma_start3A_436 = tpu.memref_slice %arg12[%dma_start3A, %dma_start3A_435] : memref<1x128xi32, #tpu.memory_space<vmem>> -> memref<1x128xi32, #tpu.memory_space<vmem>>
      %dma_start3A_437 = tpu.memref_squeeze %dma_start3A_436 : memref<1x128xi32, #tpu.memory_space<vmem>> -> memref<128xi32, #tpu.memory_space<vmem>>
      %dma_start3A_438 = arith.constant 0 : i32
      %dma_start3A_439 = arith.constant 0 : i32
      %dma_start3A_440 = tpu.memref_slice %arg2[%dma_start3A_438, %dma_start3A_439] : memref<20480x128xf32, #tpu.memory_space<hbm>> -> memref<20480x128xf32, #tpu.memory_space<hbm>>
      tpu.enqueue_indirect_dma source(%dma_start3A_440 : memref<20480x128xf32, #tpu.memory_space<hbm>>) target(%arg10 : memref<128x128xf32, #tpu.memory_space<vmem>>) offsets(%dma_start3A_437 : memref<128xi32, #tpu.memory_space<vmem>>) semaphore(%arg18 : memref<!tpu.dma_semaphore, #tpu.memory_space<semaphore_mem>>)
      %dma_start3A_441 = arith.constant 0 : i32
      %dma_start3A_442 = arith.constant 0 : i32
      %dma_start3A_443 = tpu.memref_slice %arg13[%dma_start3A_441, %dma_start3A_442] : memref<1x128xi32, #tpu.memory_space<vmem>> -> memref<1x128xi32, #tpu.memory_space<vmem>>
      %dma_start3A_444 = tpu.memref_squeeze %dma_start3A_443 : memref<1x128xi32, #tpu.memory_space<vmem>> -> memref<128xi32, #tpu.memory_space<vmem>>
      %dma_start3A_445 = arith.constant 0 : i32
      %dma_start3A_446 = arith.constant 0 : i32
      %dma_start3A_447 = tpu.memref_slice %arg2[%dma_start3A_445, %dma_start3A_446] : memref<20480x128xf32, #tpu.memory_space<hbm>> -> memref<20480x128xf32, #tpu.memory_space<hbm>>
      tpu.enqueue_indirect_dma source(%dma_start3A_447 : memref<20480x128xf32, #tpu.memory_space<hbm>>) target(%arg11 : memref<128x128xf32, #tpu.memory_space<vmem>>) offsets(%dma_start3A_444 : memref<128xi32, #tpu.memory_space<vmem>>) semaphore(%arg19 : memref<!tpu.dma_semaphore, #tpu.memory_space<semaphore_mem>>)
      %dma_wait3A = arith.constant 0 : i32
      %dma_wait3A_448 = arith.constant 0 : i32
      %dma_wait3A_449 = tpu.memref_slice %arg12[%dma_wait3A, %dma_wait3A_448] : memref<1x128xi32, #tpu.memory_space<vmem>> -> memref<1x128xi32, #tpu.memory_space<vmem>>
      %dma_wait3A_450 = tpu.memref_squeeze %dma_wait3A_449 : memref<1x128xi32, #tpu.memory_space<vmem>> -> memref<128xi32, #tpu.memory_space<vmem>>
      %dma_wait3A_451 = arith.constant 0 : i32
      %dma_wait3A_452 = arith.constant 0 : i32
      %dma_wait3A_453 = tpu.memref_slice %arg2[%dma_wait3A_451, %dma_wait3A_452] : memref<20480x128xf32, #tpu.memory_space<hbm>> -> memref<20480x128xf32, #tpu.memory_space<hbm>>
      tpu.wait_indirect_dma semaphore(%arg18 : memref<!tpu.dma_semaphore, #tpu.memory_space<semaphore_mem>>) src(%dma_wait3A_453 : memref<20480x128xf32, #tpu.memory_space<hbm>>) dst(%arg10 : memref<128x128xf32, #tpu.memory_space<vmem>>)
      %run_scoped3A_454 = arith.constant 0 : i32
      "tpu.region"() ({
        %run_scoped3A_463 = tpu.sem_alloc : memref<!tpu.dma_semaphore, #tpu.memory_space<semaphore_mem>>
        %dma_start3A_464 = arith.constant 0 : i32
        %dma_start3A_465 = tpu.memref_slice %arg14[%run_scoped3A_454, %dma_start3A_464] : memref<1x128xi32, #tpu.memory_space<vmem>> -> memref<1x128xi32, #tpu.memory_space<vmem>>
        %dma_start3A_466 = tpu.memref_squeeze %dma_start3A_465 : memref<1x128xi32, #tpu.memory_space<vmem>> -> memref<128xi32, #tpu.memory_space<vmem>>
        %dma_start3A_467 = arith.constant 0 : i32
        %dma_start3A_468 = arith.constant 0 : i32
        %dma_start3A_469 = tpu.memref_slice %arg17[%dma_start3A_467, %dma_start3A_468] : memref<10240x128xf32, #tpu.memory_space<vmem_shared>> -> memref<10240x128xf32, #tpu.memory_space<vmem_shared>>
        tpu.enqueue_indirect_dma source(%arg10 : memref<128x128xf32, #tpu.memory_space<vmem>>) target(%dma_start3A_469 : memref<10240x128xf32, #tpu.memory_space<vmem_shared>>) offsets(%dma_start3A_466 : memref<128xi32, #tpu.memory_space<vmem>>) semaphore(%run_scoped3A_463 : memref<!tpu.dma_semaphore, #tpu.memory_space<semaphore_mem>>) {add = true}
        %dma_wait3A_470 = arith.constant 0 : i32
        %dma_wait3A_471 = tpu.memref_slice %arg14[%run_scoped3A_454, %dma_wait3A_470] : memref<1x128xi32, #tpu.memory_space<vmem>> -> memref<1x128xi32, #tpu.memory_space<vmem>>
        %dma_wait3A_472 = tpu.memref_squeeze %dma_wait3A_471 : memref<1x128xi32, #tpu.memory_space<vmem>> -> memref<128xi32, #tpu.memory_space<vmem>>
        %dma_wait3A_473 = arith.constant 0 : i32
        %dma_wait3A_474 = arith.constant 0 : i32
        %dma_wait3A_475 = tpu.memref_slice %arg17[%dma_wait3A_473, %dma_wait3A_474] : memref<10240x128xf32, #tpu.memory_space<vmem_shared>> -> memref<10240x128xf32, #tpu.memory_space<vmem_shared>>
        tpu.wait_indirect_dma semaphore(%run_scoped3A_463 : memref<!tpu.dma_semaphore, #tpu.memory_space<semaphore_mem>>) src(%arg10 : memref<128x128xf32, #tpu.memory_space<vmem>>) dst(%dma_wait3A_475 : memref<10240x128xf32, #tpu.memory_space<vmem_shared>>)
        tpu.yield
      }) : () -> ()
      %dma_wait3A_455 = arith.constant 0 : i32
      %dma_wait3A_456 = arith.constant 0 : i32
      %dma_wait3A_457 = tpu.memref_slice %arg13[%dma_wait3A_455, %dma_wait3A_456] : memref<1x128xi32, #tpu.memory_space<vmem>> -> memref<1x128xi32, #tpu.memory_space<vmem>>
      %dma_wait3A_458 = tpu.memref_squeeze %dma_wait3A_457 : memref<1x128xi32, #tpu.memory_space<vmem>> -> memref<128xi32, #tpu.memory_space<vmem>>
      %dma_wait3A_459 = arith.constant 0 : i32
      %dma_wait3A_460 = arith.constant 0 : i32
      %dma_wait3A_461 = tpu.memref_slice %arg2[%dma_wait3A_459, %dma_wait3A_460] : memref<20480x128xf32, #tpu.memory_space<hbm>> -> memref<20480x128xf32, #tpu.memory_space<hbm>>
      tpu.wait_indirect_dma semaphore(%arg19 : memref<!tpu.dma_semaphore, #tpu.memory_space<semaphore_mem>>) src(%dma_wait3A_461 : memref<20480x128xf32, #tpu.memory_space<hbm>>) dst(%arg11 : memref<128x128xf32, #tpu.memory_space<vmem>>)
      %run_scoped3A_462 = arith.constant 0 : i32
      "tpu.region"() ({
        %run_scoped3A_463 = tpu.sem_alloc : memref<!tpu.dma_semaphore, #tpu.memory_space<semaphore_mem>>
        %dma_start3A_464 = arith.constant 0 : i32
        %dma_start3A_465 = tpu.memref_slice %arg15[%run_scoped3A_462, %dma_start3A_464] : memref<1x128xi32, #tpu.memory_space<vmem>> -> memref<1x128xi32, #tpu.memory_space<vmem>>
        %dma_start3A_466 = tpu.memref_squeeze %dma_start3A_465 : memref<1x128xi32, #tpu.memory_space<vmem>> -> memref<128xi32, #tpu.memory_space<vmem>>
        %dma_start3A_467 = arith.constant 0 : i32
        %dma_start3A_468 = arith.constant 0 : i32
        %dma_start3A_469 = tpu.memref_slice %arg17[%dma_start3A_467, %dma_start3A_468] : memref<10240x128xf32, #tpu.memory_space<vmem_shared>> -> memref<10240x128xf32, #tpu.memory_space<vmem_shared>>
        tpu.enqueue_indirect_dma source(%arg11 : memref<128x128xf32, #tpu.memory_space<vmem>>) target(%dma_start3A_469 : memref<10240x128xf32, #tpu.memory_space<vmem_shared>>) offsets(%dma_start3A_466 : memref<128xi32, #tpu.memory_space<vmem>>) semaphore(%run_scoped3A_463 : memref<!tpu.dma_semaphore, #tpu.memory_space<semaphore_mem>>) {add = true}
        %dma_wait3A_470 = arith.constant 0 : i32
        %dma_wait3A_471 = tpu.memref_slice %arg15[%run_scoped3A_462, %dma_wait3A_470] : memref<1x128xi32, #tpu.memory_space<vmem>> -> memref<1x128xi32, #tpu.memory_space<vmem>>
        %dma_wait3A_472 = tpu.memref_squeeze %dma_wait3A_471 : memref<1x128xi32, #tpu.memory_space<vmem>> -> memref<128xi32, #tpu.memory_space<vmem>>
        %dma_wait3A_473 = arith.constant 0 : i32
        %dma_wait3A_474 = arith.constant 0 : i32
        %dma_wait3A_475 = tpu.memref_slice %arg17[%dma_wait3A_473, %dma_wait3A_474] : memref<10240x128xf32, #tpu.memory_space<vmem_shared>> -> memref<10240x128xf32, #tpu.memory_space<vmem_shared>>
        tpu.wait_indirect_dma semaphore(%run_scoped3A_463 : memref<!tpu.dma_semaphore, #tpu.memory_space<semaphore_mem>>) src(%arg11 : memref<128x128xf32, #tpu.memory_space<vmem>>) dst(%dma_wait3A_475 : memref<10240x128xf32, #tpu.memory_space<vmem_shared>>)
        tpu.yield
      }) : () -> ()
    }
    %scan3A_19 = arith.constant 40 : i32
    %barrier3A_20 = arith.constant 0 : index
    tpu.barrier barrier_id(%barrier3A_20)
    %scan3A_21 = arith.constant 0 : i32
    %scan3A_22 = arith.constant 0 : i32
    %scan3A_23 = arith.constant 5 : i32
    %scan3A_24 = arith.addi %scan3A_22, %scan3A_23 : i32
    %scan3A_25 = arith.constant 1 : i32
    scf.for %scan3A_80 = %scan3A_22 to %scan3A_24 step %scan3A_25  : i32 {
      %mul3A_81 = arith.constant 640 : i32
      %mul3A_82 = arith.muli %arg1, %mul3A_81 : i32
      %mul3A_83 = arith.constant 128 : i32
      %mul3A_84 = arith.muli %scan3A_80, %mul3A_83 : i32
      %add3A_85 = arith.addi %mul3A_82, %mul3A_84 : i32
      "tpu.region"() ({
        %run_scoped3A_87 = tpu.sem_alloc : memref<!tpu.dma_semaphore, #tpu.memory_space<semaphore_mem>>
        %dma_start3A = arith.constant 0 : i32
        %dma_start3A_88 = tpu.memref_slice %arg17[%add3A_85, %dma_start3A] : memref<10240x128xf32, #tpu.memory_space<vmem_shared>> -> memref<128x128xf32, #tpu.memory_space<vmem_shared>>
        %dma_start3A_89 = arith.constant 0 : i32
        %dma_start3A_90 = tpu.memref_slice %arg17[%add3A_85, %dma_start3A_89] : memref<10240x128xf32, #tpu.memory_space<vmem_shared>> -> memref<128x128xf32, #tpu.memory_space<vmem_shared>>
        tpu.enqueue_dma source(%dma_start3A_90 : memref<128x128xf32, #tpu.memory_space<vmem_shared>>) target(%arg10 : memref<128x128xf32, #tpu.memory_space<vmem>>) target_semaphore(%run_scoped3A_87 : memref<!tpu.dma_semaphore, #tpu.memory_space<semaphore_mem>>)
        %dma_wait3A = arith.constant 0 : i32
        %dma_wait3A_91 = tpu.memref_slice %arg17[%add3A_85, %dma_wait3A] : memref<10240x128xf32, #tpu.memory_space<vmem_shared>> -> memref<128x128xf32, #tpu.memory_space<vmem_shared>>
        %dma_wait3A_92 = arith.constant 0 : i32
        %dma_wait3A_93 = tpu.memref_slice %arg17[%add3A_85, %dma_wait3A_92] : memref<10240x128xf32, #tpu.memory_space<vmem_shared>> -> memref<128x128xf32, #tpu.memory_space<vmem_shared>>
        tpu.wait_dma2 semaphore(%run_scoped3A_87 : memref<!tpu.dma_semaphore, #tpu.memory_space<semaphore_mem>>) src(%dma_wait3A_93 : memref<128x128xf32, #tpu.memory_space<vmem_shared>>) dst(%arg10 : memref<128x128xf32, #tpu.memory_space<vmem>>)
        tpu.yield
      }) : () -> ()
      %add3A_86 = arith.addi %mul3A_2, %add3A_85 : i32
      "tpu.region"() ({
        %run_scoped3A_87 = tpu.sem_alloc : memref<!tpu.dma_semaphore, #tpu.memory_space<semaphore_mem>>
        %dma_start3A = arith.constant 0 : i32
        %dma_start3A_88 = tpu.memref_slice %arg8[%add3A_86, %dma_start3A] : memref<40960x128xf32, #tpu.memory_space<hbm>> -> memref<128x128xf32, #tpu.memory_space<hbm>>
        %dma_start3A_89 = arith.constant 0 : i32
        %dma_start3A_90 = tpu.memref_slice %arg8[%add3A_86, %dma_start3A_89] : memref<40960x128xf32, #tpu.memory_space<hbm>> -> memref<128x128xf32, #tpu.memory_space<hbm>>
        tpu.enqueue_dma source(%arg10 : memref<128x128xf32, #tpu.memory_space<vmem>>) target(%dma_start3A_90 : memref<128x128xf32, #tpu.memory_space<hbm>>) target_semaphore(%run_scoped3A_87 : memref<!tpu.dma_semaphore, #tpu.memory_space<semaphore_mem>>)
        %dma_wait3A = arith.constant 0 : i32
        %dma_wait3A_91 = tpu.memref_slice %arg8[%add3A_86, %dma_wait3A] : memref<40960x128xf32, #tpu.memory_space<hbm>> -> memref<128x128xf32, #tpu.memory_space<hbm>>
        %dma_wait3A_92 = arith.constant 0 : i32
        %dma_wait3A_93 = tpu.memref_slice %arg8[%add3A_86, %dma_wait3A_92] : memref<40960x128xf32, #tpu.memory_space<hbm>> -> memref<128x128xf32, #tpu.memory_space<hbm>>
        tpu.wait_dma2 semaphore(%run_scoped3A_87 : memref<!tpu.dma_semaphore, #tpu.memory_space<semaphore_mem>>) src(%arg10 : memref<128x128xf32, #tpu.memory_space<vmem>>) dst(%dma_wait3A_93 : memref<128x128xf32, #tpu.memory_space<hbm>>)
        tpu.yield
      }) : () -> ()
    }
    %scan3A_26 = arith.constant 5 : i32
    %add3A_27 = arith.constant 2 : i32
    %add3A_28 = arith.addi %add3A_27, %arg0 : i32
    %mul3A_29 = arith.constant 10240 : i32
    %mul3A_30 = arith.muli %add3A_28, %mul3A_29 : i32
    "tpu.region"() ({
      %run_scoped3A_80 = tpu.sem_alloc : memref<!tpu.dma_semaphore, #tpu.memory_space<semaphore_mem>>
      %dma_start3A = arith.constant 0 : i32
      %dma_start3A_81 = arith.constant 0 : i32
      %dma_start3A_82 = tpu.memref_slice %arg5[%add3A, %dma_start3A, %dma_start3A_81] : memref<32x80x128xi32, #tpu.memory_space<hbm>> -> memref<1x80x128xi32, #tpu.memory_space<hbm>>
      %dma_start3A_83 = tpu.memref_squeeze %dma_start3A_82 : memref<1x80x128xi32, #tpu.memory_space<hbm>> -> memref<80x128xi32, #tpu.memory_space<hbm>>
      %dma_start3A_84 = arith.constant 0 : i32
      %dma_start3A_85 = arith.constant 0 : i32
      %dma_start3A_86 = tpu.memref_slice %arg5[%add3A, %dma_start3A_84, %dma_start3A_85] : memref<32x80x128xi32, #tpu.memory_space<hbm>> -> memref<1x80x128xi32, #tpu.memory_space<hbm>>
      %dma_start3A_87 = tpu.memref_squeeze %dma_start3A_86 : memref<1x80x128xi32, #tpu.memory_space<hbm>> -> memref<80x128xi32, #tpu.memory_space<hbm>>
      tpu.enqueue_dma source(%dma_start3A_87 : memref<80x128xi32, #tpu.memory_space<hbm>>) target(%arg16 : memref<80x128xi32, #tpu.memory_space<vmem>>) target_semaphore(%run_scoped3A_80 : memref<!tpu.dma_semaphore, #tpu.memory_space<semaphore_mem>>)
      %dma_wait3A = arith.constant 0 : i32
      %dma_wait3A_88 = arith.constant 0 : i32
      %dma_wait3A_89 = tpu.memref_slice %arg5[%add3A, %dma_wait3A, %dma_wait3A_88] : memref<32x80x128xi32, #tpu.memory_space<hbm>> -> memref<1x80x128xi32, #tpu.memory_space<hbm>>
      %dma_wait3A_90 = tpu.memref_squeeze %dma_wait3A_89 : memref<1x80x128xi32, #tpu.memory_space<hbm>> -> memref<80x128xi32, #tpu.memory_space<hbm>>
      %dma_wait3A_91 = arith.constant 0 : i32
      %dma_wait3A_92 = arith.constant 0 : i32
      %dma_wait3A_93 = tpu.memref_slice %arg5[%add3A, %dma_wait3A_91, %dma_wait3A_92] : memref<32x80x128xi32, #tpu.memory_space<hbm>> -> memref<1x80x128xi32, #tpu.memory_space<hbm>>
      %dma_wait3A_94 = tpu.memref_squeeze %dma_wait3A_93 : memref<1x80x128xi32, #tpu.memory_space<hbm>> -> memref<80x128xi32, #tpu.memory_space<hbm>>
      tpu.wait_dma2 semaphore(%run_scoped3A_80 : memref<!tpu.dma_semaphore, #tpu.memory_space<semaphore_mem>>) src(%dma_wait3A_94 : memref<80x128xi32, #tpu.memory_space<hbm>>) dst(%arg16 : memref<80x128xi32, #tpu.memory_space<vmem>>)
      tpu.yield
    }) : () -> ()
    %scan3A_31 = arith.constant 0 : i32
    %scan3A_32 = arith.constant 0 : i32
    %scan3A_33 = arith.constant 1024 : i32
    %scan3A_34 = arith.addi %scan3A_32, %scan3A_33 : i32
    %scan3A_35 = arith.constant 1 : i32
    scf.for %scan3A_80 = %scan3A_32 to %scan3A_34 step %scan3A_35  : i32 {
      %broadcast_in_dim3A = arith.constant 0.000000e+00 : f32
      %broadcast_in_dim3A_81 = vector.broadcast %broadcast_in_dim3A : f32 to vector<16xf32>
      %jit3A = arith.constant 8 : i32
      %div3A = arith.divsi %scan3A_80, %jit3A : i32
      %sign3A = arith.constant 0 : i32
      %sign3A_82 = arith.cmpi sgt, %scan3A_80, %sign3A : i32
      %sign3A_83 = arith.extui %sign3A_82 : i1 to i32
      %sign3A_84 = arith.constant 0 : i32
      %sign3A_85 = arith.cmpi slt, %scan3A_80, %sign3A_84 : i32
      %sign3A_86 = arith.extui %sign3A_85 : i1 to i32
      %sign3A_87 = arith.subi %sign3A_83, %sign3A_86 : i32
      %sign3A_88 = arith.constant 0 : i32
      %sign3A_89 = arith.cmpi sgt, %jit3A, %sign3A_88 : i32
      %sign3A_90 = arith.extui %sign3A_89 : i1 to i32
      %sign3A_91 = arith.constant 0 : i32
      %sign3A_92 = arith.cmpi slt, %jit3A, %sign3A_91 : i32
      %sign3A_93 = arith.extui %sign3A_92 : i1 to i32
      %sign3A_94 = arith.subi %sign3A_90, %sign3A_93 : i32
      %ne3A = arith.cmpi ne, %sign3A_87, %sign3A_94 : i32
      %rem3A = arith.remsi %scan3A_80, %jit3A : i32
      %ne3A_95 = arith.constant 0 : i32
      %ne3A_96 = arith.cmpi ne, %rem3A, %ne3A_95 : i32
      %and3A = arith.andi %ne3A, %ne3A_96 : i1
      %sub3A = arith.constant 1 : i32
      %sub3A_97 = arith.subi %div3A, %sub3A : i32
      %select_n3A = arith.select %and3A, %sub3A_97, %div3A : i32
      %jit3A_98 = arith.constant 8 : i32
      %eq3A = arith.constant 0 : i32
      %eq3A_99 = arith.cmpi eq, %jit3A_98, %eq3A : i32
      %jit3A_100 = arith.constant 1 : i32
      %select_n3A_101 = arith.select %eq3A_99, %jit3A_100, %jit3A_98 : i32
      %rem3A_102 = arith.remsi %scan3A_80, %select_n3A_101 : i32
      %ne3A_103 = arith.constant 0 : i32
      %ne3A_104 = arith.cmpi ne, %rem3A_102, %ne3A_103 : i32
      %lt3A = arith.constant 0 : i32
      %lt3A_105 = arith.cmpi slt, %rem3A_102, %lt3A : i32
      %lt3A_106 = arith.constant 0 : i32
      %lt3A_107 = arith.cmpi slt, %select_n3A_101, %lt3A_106 : i32
      %ne3A_108 = arith.xori %lt3A_105, %lt3A_107 : i1
      %and3A_109 = arith.andi %ne3A_108, %ne3A_104 : i1
      %add3A_110 = arith.addi %rem3A_102, %select_n3A_101 : i32
      %select_n3A_111 = arith.select %and3A_109, %add3A_110, %rem3A_102 : i32
      %mul3A_112 = arith.constant 16 : i32
      %mul3A_113 = arith.muli %select_n3A_111, %mul3A_112 : i32
      %swap3A = arith.index_cast %select_n3A : i32 to index
      %swap3A_114 = arith.index_cast %mul3A_113 : i32 to index
      %swap3A_115 = tpu.vector_load %arg10[%swap3A, %swap3A_114] {strides = array<i32>} : memref<128x128xf32, #tpu.memory_space<vmem>>, vector<1x16xf32>,
      %swap3A_116 = vector.shape_cast %swap3A_115 : vector<1x16xf32> to vector<16xf32>
      %swap3A_117 = vector.shape_cast %broadcast_in_dim3A_81 : vector<16xf32> to vector<1x16xf32>
      tpu.vector_store %arg10[%swap3A, %swap3A_114], %swap3A_117 {strides = array<i32>} : memref<128x128xf32, #tpu.memory_space<vmem>>, vector<1x16xf32>,
    }
    %scan3A_36 = arith.constant 1024 : i32
    %scan3A_37 = arith.constant 0 : i32
    %scan3A_38 = arith.constant 0 : i32
    %scan3A_39 = arith.constant 5 : i32
    %scan3A_40 = arith.addi %scan3A_38, %scan3A_39 : i32
    %scan3A_41 = arith.constant 1 : i32
    scf.for %scan3A_80 = %scan3A_38 to %scan3A_40 step %scan3A_41  : i32 {
      %mul3A_81 = arith.constant 640 : i32
      %mul3A_82 = arith.muli %arg1, %mul3A_81 : i32
      %mul3A_83 = arith.constant 128 : i32
      %mul3A_84 = arith.muli %scan3A_80, %mul3A_83 : i32
      %add3A_85 = arith.addi %mul3A_82, %mul3A_84 : i32
      "tpu.region"() ({
        %run_scoped3A_86 = tpu.sem_alloc : memref<!tpu.dma_semaphore, #tpu.memory_space<semaphore_mem>>
        %dma_start3A = arith.constant 0 : i32
        %dma_start3A_87 = tpu.memref_slice %arg17[%add3A_85, %dma_start3A] : memref<10240x128xf32, #tpu.memory_space<vmem_shared>> -> memref<128x128xf32, #tpu.memory_space<vmem_shared>>
        %dma_start3A_88 = arith.constant 0 : i32
        %dma_start3A_89 = tpu.memref_slice %arg17[%add3A_85, %dma_start3A_88] : memref<10240x128xf32, #tpu.memory_space<vmem_shared>> -> memref<128x128xf32, #tpu.memory_space<vmem_shared>>
        tpu.enqueue_dma source(%arg10 : memref<128x128xf32, #tpu.memory_space<vmem>>) target(%dma_start3A_89 : memref<128x128xf32, #tpu.memory_space<vmem_shared>>) target_semaphore(%run_scoped3A_86 : memref<!tpu.dma_semaphore, #tpu.memory_space<semaphore_mem>>)
        %dma_wait3A = arith.constant 0 : i32
        %dma_wait3A_90 = tpu.memref_slice %arg17[%add3A_85, %dma_wait3A] : memref<10240x128xf32, #tpu.memory_space<vmem_shared>> -> memref<128x128xf32, #tpu.memory_space<vmem_shared>>
        %dma_wait3A_91 = arith.constant 0 : i32
        %dma_wait3A_92 = tpu.memref_slice %arg17[%add3A_85, %dma_wait3A_91] : memref<10240x128xf32, #tpu.memory_space<vmem_shared>> -> memref<128x128xf32, #tpu.memory_space<vmem_shared>>
        tpu.wait_dma2 semaphore(%run_scoped3A_86 : memref<!tpu.dma_semaphore, #tpu.memory_space<semaphore_mem>>) src(%arg10 : memref<128x128xf32, #tpu.memory_space<vmem>>) dst(%dma_wait3A_92 : memref<128x128xf32, #tpu.memory_space<vmem_shared>>)
        tpu.yield
      }) : () -> ()
    }
    %scan3A_42 = arith.constant 5 : i32
    %barrier3A_43 = arith.constant 0 : index
    tpu.barrier barrier_id(%barrier3A_43)
    %scan3A_44 = arith.constant 0 : i32
    %scan3A_45 = arith.constant 0 : i32
    %scan3A_46 = arith.constant 40 : i32
    %scan3A_47 = arith.addi %scan3A_45, %scan3A_46 : i32
    %scan3A_48 = arith.constant 1 : i32
    scf.for %scan3A_80 = %scan3A_45 to %scan3A_47 step %scan3A_48  : i32 {
      %mul3A_81 = arith.constant 2 : i32
      %mul3A_82 = arith.muli %mul3A_81, %scan3A_80 : i32
      %get3A = arith.index_cast %mul3A_82 : i32 to index
      %get3A_83 = arith.constant 0 : index
      %get3A_84 = tpu.vector_load %arg16[%get3A, %get3A_83] {strides = array<i32>} : memref<80x128xi32, #tpu.memory_space<vmem>>, vector<1x16xi32>,
      %get3A_85 = vector.shape_cast %get3A_84 : vector<1x16xi32> to vector<16xi32>
      %and3A = arith.constant 32767 : i32
      %and3A_86 = vector.broadcast %and3A : i32 to vector<16xi32>
      %and3A_87 = arith.andi %get3A_85, %and3A_86 : vector<16xi32>
      %swap3A = arith.constant 0 : i32
      %swap3A_88 = arith.index_cast %swap3A : i32 to index
      %swap3A_89 = arith.constant 0 : index
      %swap3A_90 = tpu.vector_load %arg12[%swap3A_88, %swap3A_89] {strides = array<i32>} : memref<1x128xi32, #tpu.memory_space<vmem>>, vector<1x16xi32>,
      %swap3A_91 = vector.shape_cast %swap3A_90 : vector<1x16xi32> to vector<16xi32>
      %swap3A_92 = vector.shape_cast %and3A_87 : vector<16xi32> to vector<1x16xi32>
      tpu.vector_store %arg12[%swap3A_88, %swap3A_89], %swap3A_92 {strides = array<i32>} : memref<1x128xi32, #tpu.memory_space<vmem>>, vector<1x16xi32>,
      %shift_right_logical3A = arith.constant 15 : i32
      %shift_right_logical3A_93 = vector.broadcast %shift_right_logical3A : i32 to vector<16xi32>
      %shift_right_logical3A_94 = arith.shrui %get3A_85, %shift_right_logical3A_93 : vector<16xi32>
      %swap3A_95 = arith.constant 0 : i32
      %swap3A_96 = arith.index_cast %swap3A_95 : i32 to index
      %swap3A_97 = arith.constant 0 : index
      %swap3A_98 = tpu.vector_load %arg14[%swap3A_96, %swap3A_97] {strides = array<i32>} : memref<1x128xi32, #tpu.memory_space<vmem>>, vector<1x16xi32>,
      %swap3A_99 = vector.shape_cast %swap3A_98 : vector<1x16xi32> to vector<16xi32>
      %swap3A_100 = vector.shape_cast %shift_right_logical3A_94 : vector<16xi32> to vector<1x16xi32>
      tpu.vector_store %arg14[%swap3A_96, %swap3A_97], %swap3A_100 {strides = array<i32>} : memref<1x128xi32, #tpu.memory_space<vmem>>, vector<1x16xi32>,
      %get3A_101 = arith.index_cast %mul3A_82 : i32 to index
      %get3A_102 = arith.constant 16 : index
      %get3A_103 = tpu.vector_load %arg16[%get3A_101, %get3A_102] {strides = array<i32>} : memref<80x128xi32, #tpu.memory_space<vmem>>, vector<1x16xi32>,
      %get3A_104 = vector.shape_cast %get3A_103 : vector<1x16xi32> to vector<16xi32>
      %and3A_105 = arith.constant 32767 : i32
      %and3A_106 = vector.broadcast %and3A_105 : i32 to vector<16xi32>
      %and3A_107 = arith.andi %get3A_104, %and3A_106 : vector<16xi32>
      %swap3A_108 = arith.constant 0 : i32
      %swap3A_109 = arith.index_cast %swap3A_108 : i32 to index
      %swap3A_110 = arith.constant 16 : index
      %swap3A_111 = tpu.vector_load %arg12[%swap3A_109, %swap3A_110] {strides = array<i32>} : memref<1x128xi32, #tpu.memory_space<vmem>>, vector<1x16xi32>,
      %swap3A_112 = vector.shape_cast %swap3A_111 : vector<1x16xi32> to vector<16xi32>
      %swap3A_113 = vector.shape_cast %and3A_107 : vector<16xi32> to vector<1x16xi32>
      tpu.vector_store %arg12[%swap3A_109, %swap3A_110], %swap3A_113 {strides = array<i32>} : memref<1x128xi32, #tpu.memory_space<vmem>>, vector<1x16xi32>,
      %shift_right_logical3A_114 = arith.constant 15 : i32
      %shift_right_logical3A_115 = vector.broadcast %shift_right_logical3A_114 : i32 to vector<16xi32>
      %shift_right_logical3A_116 = arith.shrui %get3A_104, %shift_right_logical3A_115 : vector<16xi32>
      %swap3A_117 = arith.constant 0 : i32
      %swap3A_118 = arith.index_cast %swap3A_117 : i32 to index
      %swap3A_119 = arith.constant 16 : index
      %swap3A_120 = tpu.vector_load %arg14[%swap3A_118, %swap3A_119] {strides = array<i32>} : memref<1x128xi32, #tpu.memory_space<vmem>>, vector<1x16xi32>,
      %swap3A_121 = vector.shape_cast %swap3A_120 : vector<1x16xi32> to vector<16xi32>
      %swap3A_122 = vector.shape_cast %shift_right_logical3A_116 : vector<16xi32> to vector<1x16xi32>
      tpu.vector_store %arg14[%swap3A_118, %swap3A_119], %swap3A_122 {strides = array<i32>} : memref<1x128xi32, #tpu.memory_space<vmem>>, vector<1x16xi32>,
      %get3A_123 = arith.index_cast %mul3A_82 : i32 to index
      %get3A_124 = arith.constant 32 : index
      %get3A_125 = tpu.vector_load %arg16[%get3A_123, %get3A_124] {strides = array<i32>} : memref<80x128xi32, #tpu.memory_space<vmem>>, vector<1x16xi32>,
      %get3A_126 = vector.shape_cast %get3A_125 : vector<1x16xi32> to vector<16xi32>
      %and3A_127 = arith.constant 32767 : i32
      %and3A_128 = vector.broadcast %and3A_127 : i32 to vector<16xi32>
      %and3A_129 = arith.andi %get3A_126, %and3A_128 : vector<16xi32>
      %swap3A_130 = arith.constant 0 : i32
      %swap3A_131 = arith.index_cast %swap3A_130 : i32 to index
      %swap3A_132 = arith.constant 32 : index
      %swap3A_133 = tpu.vector_load %arg12[%swap3A_131, %swap3A_132] {strides = array<i32>} : memref<1x128xi32, #tpu.memory_space<vmem>>, vector<1x16xi32>,
      %swap3A_134 = vector.shape_cast %swap3A_133 : vector<1x16xi32> to vector<16xi32>
      %swap3A_135 = vector.shape_cast %and3A_129 : vector<16xi32> to vector<1x16xi32>
      tpu.vector_store %arg12[%swap3A_131, %swap3A_132], %swap3A_135 {strides = array<i32>} : memref<1x128xi32, #tpu.memory_space<vmem>>, vector<1x16xi32>,
      %shift_right_logical3A_136 = arith.constant 15 : i32
      %shift_right_logical3A_137 = vector.broadcast %shift_right_logical3A_136 : i32 to vector<16xi32>
      %shift_right_logical3A_138 = arith.shrui %get3A_126, %shift_right_logical3A_137 : vector<16xi32>
      %swap3A_139 = arith.constant 0 : i32
      %swap3A_140 = arith.index_cast %swap3A_139 : i32 to index
      %swap3A_141 = arith.constant 32 : index
      %swap3A_142 = tpu.vector_load %arg14[%swap3A_140, %swap3A_141] {strides = array<i32>} : memref<1x128xi32, #tpu.memory_space<vmem>>, vector<1x16xi32>,
      %swap3A_143 = vector.shape_cast %swap3A_142 : vector<1x16xi32> to vector<16xi32>
      %swap3A_144 = vector.shape_cast %shift_right_logical3A_138 : vector<16xi32> to vector<1x16xi32>
      tpu.vector_store %arg14[%swap3A_140, %swap3A_141], %swap3A_144 {strides = array<i32>} : memref<1x128xi32, #tpu.memory_space<vmem>>, vector<1x16xi32>,
      %get3A_145 = arith.index_cast %mul3A_82 : i32 to index
      %get3A_146 = arith.constant 48 : index
      %get3A_147 = tpu.vector_load %arg16[%get3A_145, %get3A_146] {strides = array<i32>} : memref<80x128xi32, #tpu.memory_space<vmem>>, vector<1x16xi32>,
      %get3A_148 = vector.shape_cast %get3A_147 : vector<1x16xi32> to vector<16xi32>
      %and3A_149 = arith.constant 32767 : i32
      %and3A_150 = vector.broadcast %and3A_149 : i32 to vector<16xi32>
      %and3A_151 = arith.andi %get3A_148, %and3A_150 : vector<16xi32>
      %swap3A_152 = arith.constant 0 : i32
      %swap3A_153 = arith.index_cast %swap3A_152 : i32 to index
      %swap3A_154 = arith.constant 48 : index
      %swap3A_155 = tpu.vector_load %arg12[%swap3A_153, %swap3A_154] {strides = array<i32>} : memref<1x128xi32, #tpu.memory_space<vmem>>, vector<1x16xi32>,
      %swap3A_156 = vector.shape_cast %swap3A_155 : vector<1x16xi32> to vector<16xi32>
      %swap3A_157 = vector.shape_cast %and3A_151 : vector<16xi32> to vector<1x16xi32>
      tpu.vector_store %arg12[%swap3A_153, %swap3A_154], %swap3A_157 {strides = array<i32>} : memref<1x128xi32, #tpu.memory_space<vmem>>, vector<1x16xi32>,
      %shift_right_logical3A_158 = arith.constant 15 : i32
      %shift_right_logical3A_159 = vector.broadcast %shift_right_logical3A_158 : i32 to vector<16xi32>
      %shift_right_logical3A_160 = arith.shrui %get3A_148, %shift_right_logical3A_159 : vector<16xi32>
      %swap3A_161 = arith.constant 0 : i32
      %swap3A_162 = arith.index_cast %swap3A_161 : i32 to index
      %swap3A_163 = arith.constant 48 : index
      %swap3A_164 = tpu.vector_load %arg14[%swap3A_162, %swap3A_163] {strides = array<i32>} : memref<1x128xi32, #tpu.memory_space<vmem>>, vector<1x16xi32>,
      %swap3A_165 = vector.shape_cast %swap3A_164 : vector<1x16xi32> to vector<16xi32>
      %swap3A_166 = vector.shape_cast %shift_right_logical3A_160 : vector<16xi32> to vector<1x16xi32>
      tpu.vector_store %arg14[%swap3A_162, %swap3A_163], %swap3A_166 {strides = array<i32>} : memref<1x128xi32, #tpu.memory_space<vmem>>, vector<1x16xi32>,
      %get3A_167 = arith.index_cast %mul3A_82 : i32 to index
      %get3A_168 = arith.constant 64 : index
      %get3A_169 = tpu.vector_load %arg16[%get3A_167, %get3A_168] {strides = array<i32>} : memref<80x128xi32, #tpu.memory_space<vmem>>, vector<1x16xi32>,
      %get3A_170 = vector.shape_cast %get3A_169 : vector<1x16xi32> to vector<16xi32>
      %and3A_171 = arith.constant 32767 : i32
      %and3A_172 = vector.broadcast %and3A_171 : i32 to vector<16xi32>
      %and3A_173 = arith.andi %get3A_170, %and3A_172 : vector<16xi32>
      %swap3A_174 = arith.constant 0 : i32
      %swap3A_175 = arith.index_cast %swap3A_174 : i32 to index
      %swap3A_176 = arith.constant 64 : index
      %swap3A_177 = tpu.vector_load %arg12[%swap3A_175, %swap3A_176] {strides = array<i32>} : memref<1x128xi32, #tpu.memory_space<vmem>>, vector<1x16xi32>,
      %swap3A_178 = vector.shape_cast %swap3A_177 : vector<1x16xi32> to vector<16xi32>
      %swap3A_179 = vector.shape_cast %and3A_173 : vector<16xi32> to vector<1x16xi32>
      tpu.vector_store %arg12[%swap3A_175, %swap3A_176], %swap3A_179 {strides = array<i32>} : memref<1x128xi32, #tpu.memory_space<vmem>>, vector<1x16xi32>,
      %shift_right_logical3A_180 = arith.constant 15 : i32
      %shift_right_logical3A_181 = vector.broadcast %shift_right_logical3A_180 : i32 to vector<16xi32>
      %shift_right_logical3A_182 = arith.shrui %get3A_170, %shift_right_logical3A_181 : vector<16xi32>
      %swap3A_183 = arith.constant 0 : i32
      %swap3A_184 = arith.index_cast %swap3A_183 : i32 to index
      %swap3A_185 = arith.constant 64 : index
      %swap3A_186 = tpu.vector_load %arg14[%swap3A_184, %swap3A_185] {strides = array<i32>} : memref<1x128xi32, #tpu.memory_space<vmem>>, vector<1x16xi32>,
      %swap3A_187 = vector.shape_cast %swap3A_186 : vector<1x16xi32> to vector<16xi32>
      %swap3A_188 = vector.shape_cast %shift_right_logical3A_182 : vector<16xi32> to vector<1x16xi32>
      tpu.vector_store %arg14[%swap3A_184, %swap3A_185], %swap3A_188 {strides = array<i32>} : memref<1x128xi32, #tpu.memory_space<vmem>>, vector<1x16xi32>,
      %get3A_189 = arith.index_cast %mul3A_82 : i32 to index
      %get3A_190 = arith.constant 80 : index
      %get3A_191 = tpu.vector_load %arg16[%get3A_189, %get3A_190] {strides = array<i32>} : memref<80x128xi32, #tpu.memory_space<vmem>>, vector<1x16xi32>,
      %get3A_192 = vector.shape_cast %get3A_191 : vector<1x16xi32> to vector<16xi32>
      %and3A_193 = arith.constant 32767 : i32
      %and3A_194 = vector.broadcast %and3A_193 : i32 to vector<16xi32>
      %and3A_195 = arith.andi %get3A_192, %and3A_194 : vector<16xi32>
      %swap3A_196 = arith.constant 0 : i32
      %swap3A_197 = arith.index_cast %swap3A_196 : i32 to index
      %swap3A_198 = arith.constant 80 : index
      %swap3A_199 = tpu.vector_load %arg12[%swap3A_197, %swap3A_198] {strides = array<i32>} : memref<1x128xi32, #tpu.memory_space<vmem>>, vector<1x16xi32>,
      %swap3A_200 = vector.shape_cast %swap3A_199 : vector<1x16xi32> to vector<16xi32>
      %swap3A_201 = vector.shape_cast %and3A_195 : vector<16xi32> to vector<1x16xi32>
      tpu.vector_store %arg12[%swap3A_197, %swap3A_198], %swap3A_201 {strides = array<i32>} : memref<1x128xi32, #tpu.memory_space<vmem>>, vector<1x16xi32>,
      %shift_right_logical3A_202 = arith.constant 15 : i32
      %shift_right_logical3A_203 = vector.broadcast %shift_right_logical3A_202 : i32 to vector<16xi32>
      %shift_right_logical3A_204 = arith.shrui %get3A_192, %shift_right_logical3A_203 : vector<16xi32>
      %swap3A_205 = arith.constant 0 : i32
      %swap3A_206 = arith.index_cast %swap3A_205 : i32 to index
      %swap3A_207 = arith.constant 80 : index
      %swap3A_208 = tpu.vector_load %arg14[%swap3A_206, %swap3A_207] {strides = array<i32>} : memref<1x128xi32, #tpu.memory_space<vmem>>, vector<1x16xi32>,
      %swap3A_209 = vector.shape_cast %swap3A_208 : vector<1x16xi32> to vector<16xi32>
      %swap3A_210 = vector.shape_cast %shift_right_logical3A_204 : vector<16xi32> to vector<1x16xi32>
      tpu.vector_store %arg14[%swap3A_206, %swap3A_207], %swap3A_210 {strides = array<i32>} : memref<1x128xi32, #tpu.memory_space<vmem>>, vector<1x16xi32>,
      %get3A_211 = arith.index_cast %mul3A_82 : i32 to index
      %get3A_212 = arith.constant 96 : index
      %get3A_213 = tpu.vector_load %arg16[%get3A_211, %get3A_212] {strides = array<i32>} : memref<80x128xi32, #tpu.memory_space<vmem>>, vector<1x16xi32>,
      %get3A_214 = vector.shape_cast %get3A_213 : vector<1x16xi32> to vector<16xi32>
      %and3A_215 = arith.constant 32767 : i32
      %and3A_216 = vector.broadcast %and3A_215 : i32 to vector<16xi32>
      %and3A_217 = arith.andi %get3A_214, %and3A_216 : vector<16xi32>
      %swap3A_218 = arith.constant 0 : i32
      %swap3A_219 = arith.index_cast %swap3A_218 : i32 to index
      %swap3A_220 = arith.constant 96 : index
      %swap3A_221 = tpu.vector_load %arg12[%swap3A_219, %swap3A_220] {strides = array<i32>} : memref<1x128xi32, #tpu.memory_space<vmem>>, vector<1x16xi32>,
      %swap3A_222 = vector.shape_cast %swap3A_221 : vector<1x16xi32> to vector<16xi32>
      %swap3A_223 = vector.shape_cast %and3A_217 : vector<16xi32> to vector<1x16xi32>
      tpu.vector_store %arg12[%swap3A_219, %swap3A_220], %swap3A_223 {strides = array<i32>} : memref<1x128xi32, #tpu.memory_space<vmem>>, vector<1x16xi32>,
      %shift_right_logical3A_224 = arith.constant 15 : i32
      %shift_right_logical3A_225 = vector.broadcast %shift_right_logical3A_224 : i32 to vector<16xi32>
      %shift_right_logical3A_226 = arith.shrui %get3A_214, %shift_right_logical3A_225 : vector<16xi32>
      %swap3A_227 = arith.constant 0 : i32
      %swap3A_228 = arith.index_cast %swap3A_227 : i32 to index
      %swap3A_229 = arith.constant 96 : index
      %swap3A_230 = tpu.vector_load %arg14[%swap3A_228, %swap3A_229] {strides = array<i32>} : memref<1x128xi32, #tpu.memory_space<vmem>>, vector<1x16xi32>,
      %swap3A_231 = vector.shape_cast %swap3A_230 : vector<1x16xi32> to vector<16xi32>
      %swap3A_232 = vector.shape_cast %shift_right_logical3A_226 : vector<16xi32> to vector<1x16xi32>
      tpu.vector_store %arg14[%swap3A_228, %swap3A_229], %swap3A_232 {strides = array<i32>} : memref<1x128xi32, #tpu.memory_space<vmem>>, vector<1x16xi32>,
      %get3A_233 = arith.index_cast %mul3A_82 : i32 to index
      %get3A_234 = arith.constant 112 : index
      %get3A_235 = tpu.vector_load %arg16[%get3A_233, %get3A_234] {strides = array<i32>} : memref<80x128xi32, #tpu.memory_space<vmem>>, vector<1x16xi32>,
      %get3A_236 = vector.shape_cast %get3A_235 : vector<1x16xi32> to vector<16xi32>
      %and3A_237 = arith.constant 32767 : i32
      %and3A_238 = vector.broadcast %and3A_237 : i32 to vector<16xi32>
      %and3A_239 = arith.andi %get3A_236, %and3A_238 : vector<16xi32>
      %swap3A_240 = arith.constant 0 : i32
      %swap3A_241 = arith.index_cast %swap3A_240 : i32 to index
      %swap3A_242 = arith.constant 112 : index
      %swap3A_243 = tpu.vector_load %arg12[%swap3A_241, %swap3A_242] {strides = array<i32>} : memref<1x128xi32, #tpu.memory_space<vmem>>, vector<1x16xi32>,
      %swap3A_244 = vector.shape_cast %swap3A_243 : vector<1x16xi32> to vector<16xi32>
      %swap3A_245 = vector.shape_cast %and3A_239 : vector<16xi32> to vector<1x16xi32>
      tpu.vector_store %arg12[%swap3A_241, %swap3A_242], %swap3A_245 {strides = array<i32>} : memref<1x128xi32, #tpu.memory_space<vmem>>, vector<1x16xi32>,
      %shift_right_logical3A_246 = arith.constant 15 : i32
      %shift_right_logical3A_247 = vector.broadcast %shift_right_logical3A_246 : i32 to vector<16xi32>
      %shift_right_logical3A_248 = arith.shrui %get3A_236, %shift_right_logical3A_247 : vector<16xi32>
      %swap3A_249 = arith.constant 0 : i32
      %swap3A_250 = arith.index_cast %swap3A_249 : i32 to index
      %swap3A_251 = arith.constant 112 : index
      %swap3A_252 = tpu.vector_load %arg14[%swap3A_250, %swap3A_251] {strides = array<i32>} : memref<1x128xi32, #tpu.memory_space<vmem>>, vector<1x16xi32>,
      %swap3A_253 = vector.shape_cast %swap3A_252 : vector<1x16xi32> to vector<16xi32>
      %swap3A_254 = vector.shape_cast %shift_right_logical3A_248 : vector<16xi32> to vector<1x16xi32>
      tpu.vector_store %arg14[%swap3A_250, %swap3A_251], %swap3A_254 {strides = array<i32>} : memref<1x128xi32, #tpu.memory_space<vmem>>, vector<1x16xi32>,
      %mul3A_255 = arith.constant 2 : i32
      %mul3A_256 = arith.muli %mul3A_255, %scan3A_80 : i32
      %add3A_257 = arith.constant 1 : i32
      %add3A_258 = arith.addi %mul3A_256, %add3A_257 : i32
      %get3A_259 = arith.index_cast %add3A_258 : i32 to index
      %get3A_260 = arith.constant 0 : index
      %get3A_261 = tpu.vector_load %arg16[%get3A_259, %get3A_260] {strides = array<i32>} : memref<80x128xi32, #tpu.memory_space<vmem>>, vector<1x16xi32>,
      %get3A_262 = vector.shape_cast %get3A_261 : vector<1x16xi32> to vector<16xi32>
      %and3A_263 = arith.constant 32767 : i32
      %and3A_264 = vector.broadcast %and3A_263 : i32 to vector<16xi32>
      %and3A_265 = arith.andi %get3A_262, %and3A_264 : vector<16xi32>
      %swap3A_266 = arith.constant 0 : i32
      %swap3A_267 = arith.index_cast %swap3A_266 : i32 to index
      %swap3A_268 = arith.constant 0 : index
      %swap3A_269 = tpu.vector_load %arg13[%swap3A_267, %swap3A_268] {strides = array<i32>} : memref<1x128xi32, #tpu.memory_space<vmem>>, vector<1x16xi32>,
      %swap3A_270 = vector.shape_cast %swap3A_269 : vector<1x16xi32> to vector<16xi32>
      %swap3A_271 = vector.shape_cast %and3A_265 : vector<16xi32> to vector<1x16xi32>
      tpu.vector_store %arg13[%swap3A_267, %swap3A_268], %swap3A_271 {strides = array<i32>} : memref<1x128xi32, #tpu.memory_space<vmem>>, vector<1x16xi32>,
      %shift_right_logical3A_272 = arith.constant 15 : i32
      %shift_right_logical3A_273 = vector.broadcast %shift_right_logical3A_272 : i32 to vector<16xi32>
      %shift_right_logical3A_274 = arith.shrui %get3A_262, %shift_right_logical3A_273 : vector<16xi32>
      %swap3A_275 = arith.constant 0 : i32
      %swap3A_276 = arith.index_cast %swap3A_275 : i32 to index
      %swap3A_277 = arith.constant 0 : index
      %swap3A_278 = tpu.vector_load %arg15[%swap3A_276, %swap3A_277] {strides = array<i32>} : memref<1x128xi32, #tpu.memory_space<vmem>>, vector<1x16xi32>,
      %swap3A_279 = vector.shape_cast %swap3A_278 : vector<1x16xi32> to vector<16xi32>
      %swap3A_280 = vector.shape_cast %shift_right_logical3A_274 : vector<16xi32> to vector<1x16xi32>
      tpu.vector_store %arg15[%swap3A_276, %swap3A_277], %swap3A_280 {strides = array<i32>} : memref<1x128xi32, #tpu.memory_space<vmem>>, vector<1x16xi32>,
      %get3A_281 = arith.index_cast %add3A_258 : i32 to index
      %get3A_282 = arith.constant 16 : index
      %get3A_283 = tpu.vector_load %arg16[%get3A_281, %get3A_282] {strides = array<i32>} : memref<80x128xi32, #tpu.memory_space<vmem>>, vector<1x16xi32>,
      %get3A_284 = vector.shape_cast %get3A_283 : vector<1x16xi32> to vector<16xi32>
      %and3A_285 = arith.constant 32767 : i32
      %and3A_286 = vector.broadcast %and3A_285 : i32 to vector<16xi32>
      %and3A_287 = arith.andi %get3A_284, %and3A_286 : vector<16xi32>
      %swap3A_288 = arith.constant 0 : i32
      %swap3A_289 = arith.index_cast %swap3A_288 : i32 to index
      %swap3A_290 = arith.constant 16 : index
      %swap3A_291 = tpu.vector_load %arg13[%swap3A_289, %swap3A_290] {strides = array<i32>} : memref<1x128xi32, #tpu.memory_space<vmem>>, vector<1x16xi32>,
      %swap3A_292 = vector.shape_cast %swap3A_291 : vector<1x16xi32> to vector<16xi32>
      %swap3A_293 = vector.shape_cast %and3A_287 : vector<16xi32> to vector<1x16xi32>
      tpu.vector_store %arg13[%swap3A_289, %swap3A_290], %swap3A_293 {strides = array<i32>} : memref<1x128xi32, #tpu.memory_space<vmem>>, vector<1x16xi32>,
      %shift_right_logical3A_294 = arith.constant 15 : i32
      %shift_right_logical3A_295 = vector.broadcast %shift_right_logical3A_294 : i32 to vector<16xi32>
      %shift_right_logical3A_296 = arith.shrui %get3A_284, %shift_right_logical3A_295 : vector<16xi32>
      %swap3A_297 = arith.constant 0 : i32
      %swap3A_298 = arith.index_cast %swap3A_297 : i32 to index
      %swap3A_299 = arith.constant 16 : index
      %swap3A_300 = tpu.vector_load %arg15[%swap3A_298, %swap3A_299] {strides = array<i32>} : memref<1x128xi32, #tpu.memory_space<vmem>>, vector<1x16xi32>,
      %swap3A_301 = vector.shape_cast %swap3A_300 : vector<1x16xi32> to vector<16xi32>
      %swap3A_302 = vector.shape_cast %shift_right_logical3A_296 : vector<16xi32> to vector<1x16xi32>
      tpu.vector_store %arg15[%swap3A_298, %swap3A_299], %swap3A_302 {strides = array<i32>} : memref<1x128xi32, #tpu.memory_space<vmem>>, vector<1x16xi32>,
      %get3A_303 = arith.index_cast %add3A_258 : i32 to index
      %get3A_304 = arith.constant 32 : index
      %get3A_305 = tpu.vector_load %arg16[%get3A_303, %get3A_304] {strides = array<i32>} : memref<80x128xi32, #tpu.memory_space<vmem>>, vector<1x16xi32>,
      %get3A_306 = vector.shape_cast %get3A_305 : vector<1x16xi32> to vector<16xi32>
      %and3A_307 = arith.constant 32767 : i32
      %and3A_308 = vector.broadcast %and3A_307 : i32 to vector<16xi32>
      %and3A_309 = arith.andi %get3A_306, %and3A_308 : vector<16xi32>
      %swap3A_310 = arith.constant 0 : i32
      %swap3A_311 = arith.index_cast %swap3A_310 : i32 to index
      %swap3A_312 = arith.constant 32 : index
      %swap3A_313 = tpu.vector_load %arg13[%swap3A_311, %swap3A_312] {strides = array<i32>} : memref<1x128xi32, #tpu.memory_space<vmem>>, vector<1x16xi32>,
      %swap3A_314 = vector.shape_cast %swap3A_313 : vector<1x16xi32> to vector<16xi32>
      %swap3A_315 = vector.shape_cast %and3A_309 : vector<16xi32> to vector<1x16xi32>
      tpu.vector_store %arg13[%swap3A_311, %swap3A_312], %swap3A_315 {strides = array<i32>} : memref<1x128xi32, #tpu.memory_space<vmem>>, vector<1x16xi32>,
      %shift_right_logical3A_316 = arith.constant 15 : i32
      %shift_right_logical3A_317 = vector.broadcast %shift_right_logical3A_316 : i32 to vector<16xi32>
      %shift_right_logical3A_318 = arith.shrui %get3A_306, %shift_right_logical3A_317 : vector<16xi32>
      %swap3A_319 = arith.constant 0 : i32
      %swap3A_320 = arith.index_cast %swap3A_319 : i32 to index
      %swap3A_321 = arith.constant 32 : index
      %swap3A_322 = tpu.vector_load %arg15[%swap3A_320, %swap3A_321] {strides = array<i32>} : memref<1x128xi32, #tpu.memory_space<vmem>>, vector<1x16xi32>,
      %swap3A_323 = vector.shape_cast %swap3A_322 : vector<1x16xi32> to vector<16xi32>
      %swap3A_324 = vector.shape_cast %shift_right_logical3A_318 : vector<16xi32> to vector<1x16xi32>
      tpu.vector_store %arg15[%swap3A_320, %swap3A_321], %swap3A_324 {strides = array<i32>} : memref<1x128xi32, #tpu.memory_space<vmem>>, vector<1x16xi32>,
      %get3A_325 = arith.index_cast %add3A_258 : i32 to index
      %get3A_326 = arith.constant 48 : index
      %get3A_327 = tpu.vector_load %arg16[%get3A_325, %get3A_326] {strides = array<i32>} : memref<80x128xi32, #tpu.memory_space<vmem>>, vector<1x16xi32>,
      %get3A_328 = vector.shape_cast %get3A_327 : vector<1x16xi32> to vector<16xi32>
      %and3A_329 = arith.constant 32767 : i32
      %and3A_330 = vector.broadcast %and3A_329 : i32 to vector<16xi32>
      %and3A_331 = arith.andi %get3A_328, %and3A_330 : vector<16xi32>
      %swap3A_332 = arith.constant 0 : i32
      %swap3A_333 = arith.index_cast %swap3A_332 : i32 to index
      %swap3A_334 = arith.constant 48 : index
      %swap3A_335 = tpu.vector_load %arg13[%swap3A_333, %swap3A_334] {strides = array<i32>} : memref<1x128xi32, #tpu.memory_space<vmem>>, vector<1x16xi32>,
      %swap3A_336 = vector.shape_cast %swap3A_335 : vector<1x16xi32> to vector<16xi32>
      %swap3A_337 = vector.shape_cast %and3A_331 : vector<16xi32> to vector<1x16xi32>
      tpu.vector_store %arg13[%swap3A_333, %swap3A_334], %swap3A_337 {strides = array<i32>} : memref<1x128xi32, #tpu.memory_space<vmem>>, vector<1x16xi32>,
      %shift_right_logical3A_338 = arith.constant 15 : i32
      %shift_right_logical3A_339 = vector.broadcast %shift_right_logical3A_338 : i32 to vector<16xi32>
      %shift_right_logical3A_340 = arith.shrui %get3A_328, %shift_right_logical3A_339 : vector<16xi32>
      %swap3A_341 = arith.constant 0 : i32
      %swap3A_342 = arith.index_cast %swap3A_341 : i32 to index
      %swap3A_343 = arith.constant 48 : index
      %swap3A_344 = tpu.vector_load %arg15[%swap3A_342, %swap3A_343] {strides = array<i32>} : memref<1x128xi32, #tpu.memory_space<vmem>>, vector<1x16xi32>,
      %swap3A_345 = vector.shape_cast %swap3A_344 : vector<1x16xi32> to vector<16xi32>
      %swap3A_346 = vector.shape_cast %shift_right_logical3A_340 : vector<16xi32> to vector<1x16xi32>
      tpu.vector_store %arg15[%swap3A_342, %swap3A_343], %swap3A_346 {strides = array<i32>} : memref<1x128xi32, #tpu.memory_space<vmem>>, vector<1x16xi32>,
      %get3A_347 = arith.index_cast %add3A_258 : i32 to index
      %get3A_348 = arith.constant 64 : index
      %get3A_349 = tpu.vector_load %arg16[%get3A_347, %get3A_348] {strides = array<i32>} : memref<80x128xi32, #tpu.memory_space<vmem>>, vector<1x16xi32>,
      %get3A_350 = vector.shape_cast %get3A_349 : vector<1x16xi32> to vector<16xi32>
      %and3A_351 = arith.constant 32767 : i32
      %and3A_352 = vector.broadcast %and3A_351 : i32 to vector<16xi32>
      %and3A_353 = arith.andi %get3A_350, %and3A_352 : vector<16xi32>
      %swap3A_354 = arith.constant 0 : i32
      %swap3A_355 = arith.index_cast %swap3A_354 : i32 to index
      %swap3A_356 = arith.constant 64 : index
      %swap3A_357 = tpu.vector_load %arg13[%swap3A_355, %swap3A_356] {strides = array<i32>} : memref<1x128xi32, #tpu.memory_space<vmem>>, vector<1x16xi32>,
      %swap3A_358 = vector.shape_cast %swap3A_357 : vector<1x16xi32> to vector<16xi32>
      %swap3A_359 = vector.shape_cast %and3A_353 : vector<16xi32> to vector<1x16xi32>
      tpu.vector_store %arg13[%swap3A_355, %swap3A_356], %swap3A_359 {strides = array<i32>} : memref<1x128xi32, #tpu.memory_space<vmem>>, vector<1x16xi32>,
      %shift_right_logical3A_360 = arith.constant 15 : i32
      %shift_right_logical3A_361 = vector.broadcast %shift_right_logical3A_360 : i32 to vector<16xi32>
      %shift_right_logical3A_362 = arith.shrui %get3A_350, %shift_right_logical3A_361 : vector<16xi32>
      %swap3A_363 = arith.constant 0 : i32
      %swap3A_364 = arith.index_cast %swap3A_363 : i32 to index
      %swap3A_365 = arith.constant 64 : index
      %swap3A_366 = tpu.vector_load %arg15[%swap3A_364, %swap3A_365] {strides = array<i32>} : memref<1x128xi32, #tpu.memory_space<vmem>>, vector<1x16xi32>,
      %swap3A_367 = vector.shape_cast %swap3A_366 : vector<1x16xi32> to vector<16xi32>
      %swap3A_368 = vector.shape_cast %shift_right_logical3A_362 : vector<16xi32> to vector<1x16xi32>
      tpu.vector_store %arg15[%swap3A_364, %swap3A_365], %swap3A_368 {strides = array<i32>} : memref<1x128xi32, #tpu.memory_space<vmem>>, vector<1x16xi32>,
      %get3A_369 = arith.index_cast %add3A_258 : i32 to index
      %get3A_370 = arith.constant 80 : index
      %get3A_371 = tpu.vector_load %arg16[%get3A_369, %get3A_370] {strides = array<i32>} : memref<80x128xi32, #tpu.memory_space<vmem>>, vector<1x16xi32>,
      %get3A_372 = vector.shape_cast %get3A_371 : vector<1x16xi32> to vector<16xi32>
      %and3A_373 = arith.constant 32767 : i32
      %and3A_374 = vector.broadcast %and3A_373 : i32 to vector<16xi32>
      %and3A_375 = arith.andi %get3A_372, %and3A_374 : vector<16xi32>
      %swap3A_376 = arith.constant 0 : i32
      %swap3A_377 = arith.index_cast %swap3A_376 : i32 to index
      %swap3A_378 = arith.constant 80 : index
      %swap3A_379 = tpu.vector_load %arg13[%swap3A_377, %swap3A_378] {strides = array<i32>} : memref<1x128xi32, #tpu.memory_space<vmem>>, vector<1x16xi32>,
      %swap3A_380 = vector.shape_cast %swap3A_379 : vector<1x16xi32> to vector<16xi32>
      %swap3A_381 = vector.shape_cast %and3A_375 : vector<16xi32> to vector<1x16xi32>
      tpu.vector_store %arg13[%swap3A_377, %swap3A_378], %swap3A_381 {strides = array<i32>} : memref<1x128xi32, #tpu.memory_space<vmem>>, vector<1x16xi32>,
      %shift_right_logical3A_382 = arith.constant 15 : i32
      %shift_right_logical3A_383 = vector.broadcast %shift_right_logical3A_382 : i32 to vector<16xi32>
      %shift_right_logical3A_384 = arith.shrui %get3A_372, %shift_right_logical3A_383 : vector<16xi32>
      %swap3A_385 = arith.constant 0 : i32
      %swap3A_386 = arith.index_cast %swap3A_385 : i32 to index
      %swap3A_387 = arith.constant 80 : index
      %swap3A_388 = tpu.vector_load %arg15[%swap3A_386, %swap3A_387] {strides = array<i32>} : memref<1x128xi32, #tpu.memory_space<vmem>>, vector<1x16xi32>,
      %swap3A_389 = vector.shape_cast %swap3A_388 : vector<1x16xi32> to vector<16xi32>
      %swap3A_390 = vector.shape_cast %shift_right_logical3A_384 : vector<16xi32> to vector<1x16xi32>
      tpu.vector_store %arg15[%swap3A_386, %swap3A_387], %swap3A_390 {strides = array<i32>} : memref<1x128xi32, #tpu.memory_space<vmem>>, vector<1x16xi32>,
      %get3A_391 = arith.index_cast %add3A_258 : i32 to index
      %get3A_392 = arith.constant 96 : index
      %get3A_393 = tpu.vector_load %arg16[%get3A_391, %get3A_392] {strides = array<i32>} : memref<80x128xi32, #tpu.memory_space<vmem>>, vector<1x16xi32>,
      %get3A_394 = vector.shape_cast %get3A_393 : vector<1x16xi32> to vector<16xi32>
      %and3A_395 = arith.constant 32767 : i32
      %and3A_396 = vector.broadcast %and3A_395 : i32 to vector<16xi32>
      %and3A_397 = arith.andi %get3A_394, %and3A_396 : vector<16xi32>
      %swap3A_398 = arith.constant 0 : i32
      %swap3A_399 = arith.index_cast %swap3A_398 : i32 to index
      %swap3A_400 = arith.constant 96 : index
      %swap3A_401 = tpu.vector_load %arg13[%swap3A_399, %swap3A_400] {strides = array<i32>} : memref<1x128xi32, #tpu.memory_space<vmem>>, vector<1x16xi32>,
      %swap3A_402 = vector.shape_cast %swap3A_401 : vector<1x16xi32> to vector<16xi32>
      %swap3A_403 = vector.shape_cast %and3A_397 : vector<16xi32> to vector<1x16xi32>
      tpu.vector_store %arg13[%swap3A_399, %swap3A_400], %swap3A_403 {strides = array<i32>} : memref<1x128xi32, #tpu.memory_space<vmem>>, vector<1x16xi32>,
      %shift_right_logical3A_404 = arith.constant 15 : i32
      %shift_right_logical3A_405 = vector.broadcast %shift_right_logical3A_404 : i32 to vector<16xi32>
      %shift_right_logical3A_406 = arith.shrui %get3A_394, %shift_right_logical3A_405 : vector<16xi32>
      %swap3A_407 = arith.constant 0 : i32
      %swap3A_408 = arith.index_cast %swap3A_407 : i32 to index
      %swap3A_409 = arith.constant 96 : index
      %swap3A_410 = tpu.vector_load %arg15[%swap3A_408, %swap3A_409] {strides = array<i32>} : memref<1x128xi32, #tpu.memory_space<vmem>>, vector<1x16xi32>,
      %swap3A_411 = vector.shape_cast %swap3A_410 : vector<1x16xi32> to vector<16xi32>
      %swap3A_412 = vector.shape_cast %shift_right_logical3A_406 : vector<16xi32> to vector<1x16xi32>
      tpu.vector_store %arg15[%swap3A_408, %swap3A_409], %swap3A_412 {strides = array<i32>} : memref<1x128xi32, #tpu.memory_space<vmem>>, vector<1x16xi32>,
      %get3A_413 = arith.index_cast %add3A_258 : i32 to index
      %get3A_414 = arith.constant 112 : index
      %get3A_415 = tpu.vector_load %arg16[%get3A_413, %get3A_414] {strides = array<i32>} : memref<80x128xi32, #tpu.memory_space<vmem>>, vector<1x16xi32>,
      %get3A_416 = vector.shape_cast %get3A_415 : vector<1x16xi32> to vector<16xi32>
      %and3A_417 = arith.constant 32767 : i32
      %and3A_418 = vector.broadcast %and3A_417 : i32 to vector<16xi32>
      %and3A_419 = arith.andi %get3A_416, %and3A_418 : vector<16xi32>
      %swap3A_420 = arith.constant 0 : i32
      %swap3A_421 = arith.index_cast %swap3A_420 : i32 to index
      %swap3A_422 = arith.constant 112 : index
      %swap3A_423 = tpu.vector_load %arg13[%swap3A_421, %swap3A_422] {strides = array<i32>} : memref<1x128xi32, #tpu.memory_space<vmem>>, vector<1x16xi32>,
      %swap3A_424 = vector.shape_cast %swap3A_423 : vector<1x16xi32> to vector<16xi32>
      %swap3A_425 = vector.shape_cast %and3A_419 : vector<16xi32> to vector<1x16xi32>
      tpu.vector_store %arg13[%swap3A_421, %swap3A_422], %swap3A_425 {strides = array<i32>} : memref<1x128xi32, #tpu.memory_space<vmem>>, vector<1x16xi32>,
      %shift_right_logical3A_426 = arith.constant 15 : i32
      %shift_right_logical3A_427 = vector.broadcast %shift_right_logical3A_426 : i32 to vector<16xi32>
      %shift_right_logical3A_428 = arith.shrui %get3A_416, %shift_right_logical3A_427 : vector<16xi32>
      %swap3A_429 = arith.constant 0 : i32
      %swap3A_430 = arith.index_cast %swap3A_429 : i32 to index
      %swap3A_431 = arith.constant 112 : index
      %swap3A_432 = tpu.vector_load %arg15[%swap3A_430, %swap3A_431] {strides = array<i32>} : memref<1x128xi32, #tpu.memory_space<vmem>>, vector<1x16xi32>,
      %swap3A_433 = vector.shape_cast %swap3A_432 : vector<1x16xi32> to vector<16xi32>
      %swap3A_434 = vector.shape_cast %shift_right_logical3A_428 : vector<16xi32> to vector<1x16xi32>
      tpu.vector_store %arg15[%swap3A_430, %swap3A_431], %swap3A_434 {strides = array<i32>} : memref<1x128xi32, #tpu.memory_space<vmem>>, vector<1x16xi32>,
      %dma_start3A = arith.constant 0 : i32
      %dma_start3A_435 = arith.constant 0 : i32
      %dma_start3A_436 = tpu.memref_slice %arg12[%dma_start3A, %dma_start3A_435] : memref<1x128xi32, #tpu.memory_space<vmem>> -> memref<1x128xi32, #tpu.memory_space<vmem>>
      %dma_start3A_437 = tpu.memref_squeeze %dma_start3A_436 : memref<1x128xi32, #tpu.memory_space<vmem>> -> memref<128xi32, #tpu.memory_space<vmem>>
      %dma_start3A_438 = arith.constant 0 : i32
      %dma_start3A_439 = arith.constant 0 : i32
      %dma_start3A_440 = tpu.memref_slice %arg3[%dma_start3A_438, %dma_start3A_439] : memref<20480x128xf32, #tpu.memory_space<hbm>> -> memref<20480x128xf32, #tpu.memory_space<hbm>>
      tpu.enqueue_indirect_dma source(%dma_start3A_440 : memref<20480x128xf32, #tpu.memory_space<hbm>>) target(%arg10 : memref<128x128xf32, #tpu.memory_space<vmem>>) offsets(%dma_start3A_437 : memref<128xi32, #tpu.memory_space<vmem>>) semaphore(%arg18 : memref<!tpu.dma_semaphore, #tpu.memory_space<semaphore_mem>>)
      %dma_start3A_441 = arith.constant 0 : i32
      %dma_start3A_442 = arith.constant 0 : i32
      %dma_start3A_443 = tpu.memref_slice %arg13[%dma_start3A_441, %dma_start3A_442] : memref<1x128xi32, #tpu.memory_space<vmem>> -> memref<1x128xi32, #tpu.memory_space<vmem>>
      %dma_start3A_444 = tpu.memref_squeeze %dma_start3A_443 : memref<1x128xi32, #tpu.memory_space<vmem>> -> memref<128xi32, #tpu.memory_space<vmem>>
      %dma_start3A_445 = arith.constant 0 : i32
      %dma_start3A_446 = arith.constant 0 : i32
      %dma_start3A_447 = tpu.memref_slice %arg3[%dma_start3A_445, %dma_start3A_446] : memref<20480x128xf32, #tpu.memory_space<hbm>> -> memref<20480x128xf32, #tpu.memory_space<hbm>>
      tpu.enqueue_indirect_dma source(%dma_start3A_447 : memref<20480x128xf32, #tpu.memory_space<hbm>>) target(%arg11 : memref<128x128xf32, #tpu.memory_space<vmem>>) offsets(%dma_start3A_444 : memref<128xi32, #tpu.memory_space<vmem>>) semaphore(%arg19 : memref<!tpu.dma_semaphore, #tpu.memory_space<semaphore_mem>>)
      %dma_wait3A = arith.constant 0 : i32
      %dma_wait3A_448 = arith.constant 0 : i32
      %dma_wait3A_449 = tpu.memref_slice %arg12[%dma_wait3A, %dma_wait3A_448] : memref<1x128xi32, #tpu.memory_space<vmem>> -> memref<1x128xi32, #tpu.memory_space<vmem>>
      %dma_wait3A_450 = tpu.memref_squeeze %dma_wait3A_449 : memref<1x128xi32, #tpu.memory_space<vmem>> -> memref<128xi32, #tpu.memory_space<vmem>>
      %dma_wait3A_451 = arith.constant 0 : i32
      %dma_wait3A_452 = arith.constant 0 : i32
      %dma_wait3A_453 = tpu.memref_slice %arg3[%dma_wait3A_451, %dma_wait3A_452] : memref<20480x128xf32, #tpu.memory_space<hbm>> -> memref<20480x128xf32, #tpu.memory_space<hbm>>
      tpu.wait_indirect_dma semaphore(%arg18 : memref<!tpu.dma_semaphore, #tpu.memory_space<semaphore_mem>>) src(%dma_wait3A_453 : memref<20480x128xf32, #tpu.memory_space<hbm>>) dst(%arg10 : memref<128x128xf32, #tpu.memory_space<vmem>>)
      %run_scoped3A_454 = arith.constant 0 : i32
      "tpu.region"() ({
        %run_scoped3A_463 = tpu.sem_alloc : memref<!tpu.dma_semaphore, #tpu.memory_space<semaphore_mem>>
        %dma_start3A_464 = arith.constant 0 : i32
        %dma_start3A_465 = tpu.memref_slice %arg14[%run_scoped3A_454, %dma_start3A_464] : memref<1x128xi32, #tpu.memory_space<vmem>> -> memref<1x128xi32, #tpu.memory_space<vmem>>
        %dma_start3A_466 = tpu.memref_squeeze %dma_start3A_465 : memref<1x128xi32, #tpu.memory_space<vmem>> -> memref<128xi32, #tpu.memory_space<vmem>>
        %dma_start3A_467 = arith.constant 0 : i32
        %dma_start3A_468 = arith.constant 0 : i32
        %dma_start3A_469 = tpu.memref_slice %arg17[%dma_start3A_467, %dma_start3A_468] : memref<10240x128xf32, #tpu.memory_space<vmem_shared>> -> memref<10240x128xf32, #tpu.memory_space<vmem_shared>>
        tpu.enqueue_indirect_dma source(%arg10 : memref<128x128xf32, #tpu.memory_space<vmem>>) target(%dma_start3A_469 : memref<10240x128xf32, #tpu.memory_space<vmem_shared>>) offsets(%dma_start3A_466 : memref<128xi32, #tpu.memory_space<vmem>>) semaphore(%run_scoped3A_463 : memref<!tpu.dma_semaphore, #tpu.memory_space<semaphore_mem>>) {add = true}
        %dma_wait3A_470 = arith.constant 0 : i32
        %dma_wait3A_471 = tpu.memref_slice %arg14[%run_scoped3A_454, %dma_wait3A_470] : memref<1x128xi32, #tpu.memory_space<vmem>> -> memref<1x128xi32, #tpu.memory_space<vmem>>
        %dma_wait3A_472 = tpu.memref_squeeze %dma_wait3A_471 : memref<1x128xi32, #tpu.memory_space<vmem>> -> memref<128xi32, #tpu.memory_space<vmem>>
        %dma_wait3A_473 = arith.constant 0 : i32
        %dma_wait3A_474 = arith.constant 0 : i32
        %dma_wait3A_475 = tpu.memref_slice %arg17[%dma_wait3A_473, %dma_wait3A_474] : memref<10240x128xf32, #tpu.memory_space<vmem_shared>> -> memref<10240x128xf32, #tpu.memory_space<vmem_shared>>
        tpu.wait_indirect_dma semaphore(%run_scoped3A_463 : memref<!tpu.dma_semaphore, #tpu.memory_space<semaphore_mem>>) src(%arg10 : memref<128x128xf32, #tpu.memory_space<vmem>>) dst(%dma_wait3A_475 : memref<10240x128xf32, #tpu.memory_space<vmem_shared>>)
        tpu.yield
      }) : () -> ()
      %dma_wait3A_455 = arith.constant 0 : i32
      %dma_wait3A_456 = arith.constant 0 : i32
      %dma_wait3A_457 = tpu.memref_slice %arg13[%dma_wait3A_455, %dma_wait3A_456] : memref<1x128xi32, #tpu.memory_space<vmem>> -> memref<1x128xi32, #tpu.memory_space<vmem>>
      %dma_wait3A_458 = tpu.memref_squeeze %dma_wait3A_457 : memref<1x128xi32, #tpu.memory_space<vmem>> -> memref<128xi32, #tpu.memory_space<vmem>>
      %dma_wait3A_459 = arith.constant 0 : i32
      %dma_wait3A_460 = arith.constant 0 : i32
      %dma_wait3A_461 = tpu.memref_slice %arg3[%dma_wait3A_459, %dma_wait3A_460] : memref<20480x128xf32, #tpu.memory_space<hbm>> -> memref<20480x128xf32, #tpu.memory_space<hbm>>
      tpu.wait_indirect_dma semaphore(%arg19 : memref<!tpu.dma_semaphore, #tpu.memory_space<semaphore_mem>>) src(%dma_wait3A_461 : memref<20480x128xf32, #tpu.memory_space<hbm>>) dst(%arg11 : memref<128x128xf32, #tpu.memory_space<vmem>>)
      %run_scoped3A_462 = arith.constant 0 : i32
      "tpu.region"() ({
        %run_scoped3A_463 = tpu.sem_alloc : memref<!tpu.dma_semaphore, #tpu.memory_space<semaphore_mem>>
        %dma_start3A_464 = arith.constant 0 : i32
        %dma_start3A_465 = tpu.memref_slice %arg15[%run_scoped3A_462, %dma_start3A_464] : memref<1x128xi32, #tpu.memory_space<vmem>> -> memref<1x128xi32, #tpu.memory_space<vmem>>
        %dma_start3A_466 = tpu.memref_squeeze %dma_start3A_465 : memref<1x128xi32, #tpu.memory_space<vmem>> -> memref<128xi32, #tpu.memory_space<vmem>>
        %dma_start3A_467 = arith.constant 0 : i32
        %dma_start3A_468 = arith.constant 0 : i32
        %dma_start3A_469 = tpu.memref_slice %arg17[%dma_start3A_467, %dma_start3A_468] : memref<10240x128xf32, #tpu.memory_space<vmem_shared>> -> memref<10240x128xf32, #tpu.memory_space<vmem_shared>>
        tpu.enqueue_indirect_dma source(%arg11 : memref<128x128xf32, #tpu.memory_space<vmem>>) target(%dma_start3A_469 : memref<10240x128xf32, #tpu.memory_space<vmem_shared>>) offsets(%dma_start3A_466 : memref<128xi32, #tpu.memory_space<vmem>>) semaphore(%run_scoped3A_463 : memref<!tpu.dma_semaphore, #tpu.memory_space<semaphore_mem>>) {add = true}
        %dma_wait3A_470 = arith.constant 0 : i32
        %dma_wait3A_471 = tpu.memref_slice %arg15[%run_scoped3A_462, %dma_wait3A_470] : memref<1x128xi32, #tpu.memory_space<vmem>> -> memref<1x128xi32, #tpu.memory_space<vmem>>
        %dma_wait3A_472 = tpu.memref_squeeze %dma_wait3A_471 : memref<1x128xi32, #tpu.memory_space<vmem>> -> memref<128xi32, #tpu.memory_space<vmem>>
        %dma_wait3A_473 = arith.constant 0 : i32
        %dma_wait3A_474 = arith.constant 0 : i32
        %dma_wait3A_475 = tpu.memref_slice %arg17[%dma_wait3A_473, %dma_wait3A_474] : memref<10240x128xf32, #tpu.memory_space<vmem_shared>> -> memref<10240x128xf32, #tpu.memory_space<vmem_shared>>
        tpu.wait_indirect_dma semaphore(%run_scoped3A_463 : memref<!tpu.dma_semaphore, #tpu.memory_space<semaphore_mem>>) src(%arg11 : memref<128x128xf32, #tpu.memory_space<vmem>>) dst(%dma_wait3A_475 : memref<10240x128xf32, #tpu.memory_space<vmem_shared>>)
        tpu.yield
      }) : () -> ()
    }
    %scan3A_49 = arith.constant 40 : i32
    %barrier3A_50 = arith.constant 0 : index
    tpu.barrier barrier_id(%barrier3A_50)
    %scan3A_51 = arith.constant 0 : i32
    %scan3A_52 = arith.constant 0 : i32
    %scan3A_53 = arith.constant 5 : i32
    %scan3A_54 = arith.addi %scan3A_52, %scan3A_53 : i32
    %scan3A_55 = arith.constant 1 : i32
    scf.for %scan3A_80 = %scan3A_52 to %scan3A_54 step %scan3A_55  : i32 {
      %mul3A_81 = arith.constant 640 : i32
      %mul3A_82 = arith.muli %arg1, %mul3A_81 : i32
      %mul3A_83 = arith.constant 128 : i32
      %mul3A_84 = arith.muli %scan3A_80, %mul3A_83 : i32
      %add3A_85 = arith.addi %mul3A_82, %mul3A_84 : i32
      "tpu.region"() ({
        %run_scoped3A_87 = tpu.sem_alloc : memref<!tpu.dma_semaphore, #tpu.memory_space<semaphore_mem>>
        %dma_start3A = arith.constant 0 : i32
        %dma_start3A_88 = tpu.memref_slice %arg17[%add3A_85, %dma_start3A] : memref<10240x128xf32, #tpu.memory_space<vmem_shared>> -> memref<128x128xf32, #tpu.memory_space<vmem_shared>>
        %dma_start3A_89 = arith.constant 0 : i32
        %dma_start3A_90 = tpu.memref_slice %arg17[%add3A_85, %dma_start3A_89] : memref<10240x128xf32, #tpu.memory_space<vmem_shared>> -> memref<128x128xf32, #tpu.memory_space<vmem_shared>>
        tpu.enqueue_dma source(%dma_start3A_90 : memref<128x128xf32, #tpu.memory_space<vmem_shared>>) target(%arg10 : memref<128x128xf32, #tpu.memory_space<vmem>>) target_semaphore(%run_scoped3A_87 : memref<!tpu.dma_semaphore, #tpu.memory_space<semaphore_mem>>)
        %dma_wait3A = arith.constant 0 : i32
        %dma_wait3A_91 = tpu.memref_slice %arg17[%add3A_85, %dma_wait3A] : memref<10240x128xf32, #tpu.memory_space<vmem_shared>> -> memref<128x128xf32, #tpu.memory_space<vmem_shared>>
        %dma_wait3A_92 = arith.constant 0 : i32
        %dma_wait3A_93 = tpu.memref_slice %arg17[%add3A_85, %dma_wait3A_92] : memref<10240x128xf32, #tpu.memory_space<vmem_shared>> -> memref<128x128xf32, #tpu.memory_space<vmem_shared>>
        tpu.wait_dma2 semaphore(%run_scoped3A_87 : memref<!tpu.dma_semaphore, #tpu.memory_space<semaphore_mem>>) src(%dma_wait3A_93 : memref<128x128xf32, #tpu.memory_space<vmem_shared>>) dst(%arg10 : memref<128x128xf32, #tpu.memory_space<vmem>>)
        tpu.yield
      }) : () -> ()
      %add3A_86 = arith.addi %mul3A_30, %add3A_85 : i32
      "tpu.region"() ({
        %run_scoped3A_87 = tpu.sem_alloc : memref<!tpu.dma_semaphore, #tpu.memory_space<semaphore_mem>>
        %dma_start3A = arith.constant 0 : i32
        %dma_start3A_88 = tpu.memref_slice %arg8[%add3A_86, %dma_start3A] : memref<40960x128xf32, #tpu.memory_space<hbm>> -> memref<128x128xf32, #tpu.memory_space<hbm>>
        %dma_start3A_89 = arith.constant 0 : i32
        %dma_start3A_90 = tpu.memref_slice %arg8[%add3A_86, %dma_start3A_89] : memref<40960x128xf32, #tpu.memory_space<hbm>> -> memref<128x128xf32, #tpu.memory_space<hbm>>
        tpu.enqueue_dma source(%arg10 : memref<128x128xf32, #tpu.memory_space<vmem>>) target(%dma_start3A_90 : memref<128x128xf32, #tpu.memory_space<hbm>>) target_semaphore(%run_scoped3A_87 : memref<!tpu.dma_semaphore, #tpu.memory_space<semaphore_mem>>)
        %dma_wait3A = arith.constant 0 : i32
        %dma_wait3A_91 = tpu.memref_slice %arg8[%add3A_86, %dma_wait3A] : memref<40960x128xf32, #tpu.memory_space<hbm>> -> memref<128x128xf32, #tpu.memory_space<hbm>>
        %dma_wait3A_92 = arith.constant 0 : i32
        %dma_wait3A_93 = tpu.memref_slice %arg8[%add3A_86, %dma_wait3A_92] : memref<40960x128xf32, #tpu.memory_space<hbm>> -> memref<128x128xf32, #tpu.memory_space<hbm>>
        tpu.wait_dma2 semaphore(%run_scoped3A_87 : memref<!tpu.dma_semaphore, #tpu.memory_space<semaphore_mem>>) src(%arg10 : memref<128x128xf32, #tpu.memory_space<vmem>>) dst(%dma_wait3A_93 : memref<128x128xf32, #tpu.memory_space<hbm>>)
        tpu.yield
      }) : () -> ()
    }
    %scan3A_56 = arith.constant 5 : i32
    "tpu.region"() ({
      %run_scoped3A_80 = tpu.sem_alloc : memref<!tpu.dma_semaphore, #tpu.memory_space<semaphore_mem>>
      %dma_start3A = arith.constant 0 : i32
      %dma_start3A_81 = arith.constant 0 : i32
      %dma_start3A_82 = tpu.memref_slice %arg6[%add3A, %dma_start3A, %dma_start3A_81] : memref<32x80x128xi32, #tpu.memory_space<hbm>> -> memref<1x80x128xi32, #tpu.memory_space<hbm>>
      %dma_start3A_83 = tpu.memref_squeeze %dma_start3A_82 : memref<1x80x128xi32, #tpu.memory_space<hbm>> -> memref<80x128xi32, #tpu.memory_space<hbm>>
      %dma_start3A_84 = arith.constant 0 : i32
      %dma_start3A_85 = arith.constant 0 : i32
      %dma_start3A_86 = tpu.memref_slice %arg6[%add3A, %dma_start3A_84, %dma_start3A_85] : memref<32x80x128xi32, #tpu.memory_space<hbm>> -> memref<1x80x128xi32, #tpu.memory_space<hbm>>
      %dma_start3A_87 = tpu.memref_squeeze %dma_start3A_86 : memref<1x80x128xi32, #tpu.memory_space<hbm>> -> memref<80x128xi32, #tpu.memory_space<hbm>>
      tpu.enqueue_dma source(%dma_start3A_87 : memref<80x128xi32, #tpu.memory_space<hbm>>) target(%arg16 : memref<80x128xi32, #tpu.memory_space<vmem>>) target_semaphore(%run_scoped3A_80 : memref<!tpu.dma_semaphore, #tpu.memory_space<semaphore_mem>>)
      %dma_wait3A = arith.constant 0 : i32
      %dma_wait3A_88 = arith.constant 0 : i32
      %dma_wait3A_89 = tpu.memref_slice %arg6[%add3A, %dma_wait3A, %dma_wait3A_88] : memref<32x80x128xi32, #tpu.memory_space<hbm>> -> memref<1x80x128xi32, #tpu.memory_space<hbm>>
      %dma_wait3A_90 = tpu.memref_squeeze %dma_wait3A_89 : memref<1x80x128xi32, #tpu.memory_space<hbm>> -> memref<80x128xi32, #tpu.memory_space<hbm>>
      %dma_wait3A_91 = arith.constant 0 : i32
      %dma_wait3A_92 = arith.constant 0 : i32
      %dma_wait3A_93 = tpu.memref_slice %arg6[%add3A, %dma_wait3A_91, %dma_wait3A_92] : memref<32x80x128xi32, #tpu.memory_space<hbm>> -> memref<1x80x128xi32, #tpu.memory_space<hbm>>
      %dma_wait3A_94 = tpu.memref_squeeze %dma_wait3A_93 : memref<1x80x128xi32, #tpu.memory_space<hbm>> -> memref<80x128xi32, #tpu.memory_space<hbm>>
      tpu.wait_dma2 semaphore(%run_scoped3A_80 : memref<!tpu.dma_semaphore, #tpu.memory_space<semaphore_mem>>) src(%dma_wait3A_94 : memref<80x128xi32, #tpu.memory_space<hbm>>) dst(%arg16 : memref<80x128xi32, #tpu.memory_space<vmem>>)
      tpu.yield
    }) : () -> ()
    %run_scoped3A = arith.constant 0 : i32
    "tpu.region"() ({
      %run_scoped3A_80 = tpu.sem_alloc : memref<!tpu.dma_semaphore, #tpu.memory_space<semaphore_mem>>
      %dma_start3A = arith.constant 0 : i32
      %dma_start3A_81 = arith.constant 0 : i32
      %dma_start3A_82 = tpu.memref_slice %arg7[%run_scoped3A, %dma_start3A, %dma_start3A_81] : memref<2x128x128xf32, #tpu.memory_space<hbm>> -> memref<1x128x128xf32, #tpu.memory_space<hbm>>
      %dma_start3A_83 = tpu.memref_squeeze %dma_start3A_82 : memref<1x128x128xf32, #tpu.memory_space<hbm>> -> memref<128x128xf32, #tpu.memory_space<hbm>>
      %dma_start3A_84 = arith.constant 0 : i32
      %dma_start3A_85 = arith.constant 0 : i32
      %dma_start3A_86 = tpu.memref_slice %arg7[%run_scoped3A, %dma_start3A_84, %dma_start3A_85] : memref<2x128x128xf32, #tpu.memory_space<hbm>> -> memref<1x128x128xf32, #tpu.memory_space<hbm>>
      %dma_start3A_87 = tpu.memref_squeeze %dma_start3A_86 : memref<1x128x128xf32, #tpu.memory_space<hbm>> -> memref<128x128xf32, #tpu.memory_space<hbm>>
      tpu.enqueue_dma source(%dma_start3A_87 : memref<128x128xf32, #tpu.memory_space<hbm>>) target(%arg10 : memref<128x128xf32, #tpu.memory_space<vmem>>) target_semaphore(%run_scoped3A_80 : memref<!tpu.dma_semaphore, #tpu.memory_space<semaphore_mem>>)
      %dma_wait3A = arith.constant 0 : i32
      %dma_wait3A_88 = arith.constant 0 : i32
      %dma_wait3A_89 = tpu.memref_slice %arg7[%run_scoped3A, %dma_wait3A, %dma_wait3A_88] : memref<2x128x128xf32, #tpu.memory_space<hbm>> -> memref<1x128x128xf32, #tpu.memory_space<hbm>>
      %dma_wait3A_90 = tpu.memref_squeeze %dma_wait3A_89 : memref<1x128x128xf32, #tpu.memory_space<hbm>> -> memref<128x128xf32, #tpu.memory_space<hbm>>
      %dma_wait3A_91 = arith.constant 0 : i32
      %dma_wait3A_92 = arith.constant 0 : i32
      %dma_wait3A_93 = tpu.memref_slice %arg7[%run_scoped3A, %dma_wait3A_91, %dma_wait3A_92] : memref<2x128x128xf32, #tpu.memory_space<hbm>> -> memref<1x128x128xf32, #tpu.memory_space<hbm>>
      %dma_wait3A_94 = tpu.memref_squeeze %dma_wait3A_93 : memref<1x128x128xf32, #tpu.memory_space<hbm>> -> memref<128x128xf32, #tpu.memory_space<hbm>>
      tpu.wait_dma2 semaphore(%run_scoped3A_80 : memref<!tpu.dma_semaphore, #tpu.memory_space<semaphore_mem>>) src(%dma_wait3A_94 : memref<128x128xf32, #tpu.memory_space<hbm>>) dst(%arg10 : memref<128x128xf32, #tpu.memory_space<vmem>>)
      tpu.yield
    }) : () -> ()
    %scan3A_57 = arith.constant 0 : i32
    %scan3A_58 = arith.constant 0 : i32
    %scan3A_59 = arith.constant 5 : i32
    %scan3A_60 = arith.addi %scan3A_58, %scan3A_59 : i32
    %scan3A_61 = arith.constant 1 : i32
    scf.for %scan3A_80 = %scan3A_58 to %scan3A_60 step %scan3A_61  : i32 {
      %mul3A_81 = arith.constant 640 : i32
      %mul3A_82 = arith.muli %arg1, %mul3A_81 : i32
      %mul3A_83 = arith.constant 128 : i32
      %mul3A_84 = arith.muli %scan3A_80, %mul3A_83 : i32
      %add3A_85 = arith.addi %mul3A_82, %mul3A_84 : i32
      "tpu.region"() ({
        %run_scoped3A_86 = tpu.sem_alloc : memref<!tpu.dma_semaphore, #tpu.memory_space<semaphore_mem>>
        %dma_start3A = arith.constant 0 : i32
        %dma_start3A_87 = tpu.memref_slice %arg17[%add3A_85, %dma_start3A] : memref<10240x128xf32, #tpu.memory_space<vmem_shared>> -> memref<128x128xf32, #tpu.memory_space<vmem_shared>>
        %dma_start3A_88 = arith.constant 0 : i32
        %dma_start3A_89 = tpu.memref_slice %arg17[%add3A_85, %dma_start3A_88] : memref<10240x128xf32, #tpu.memory_space<vmem_shared>> -> memref<128x128xf32, #tpu.memory_space<vmem_shared>>
        tpu.enqueue_dma source(%arg10 : memref<128x128xf32, #tpu.memory_space<vmem>>) target(%dma_start3A_89 : memref<128x128xf32, #tpu.memory_space<vmem_shared>>) target_semaphore(%run_scoped3A_86 : memref<!tpu.dma_semaphore, #tpu.memory_space<semaphore_mem>>)
        %dma_wait3A = arith.constant 0 : i32
        %dma_wait3A_90 = tpu.memref_slice %arg17[%add3A_85, %dma_wait3A] : memref<10240x128xf32, #tpu.memory_space<vmem_shared>> -> memref<128x128xf32, #tpu.memory_space<vmem_shared>>
        %dma_wait3A_91 = arith.constant 0 : i32
        %dma_wait3A_92 = tpu.memref_slice %arg17[%add3A_85, %dma_wait3A_91] : memref<10240x128xf32, #tpu.memory_space<vmem_shared>> -> memref<128x128xf32, #tpu.memory_space<vmem_shared>>
        tpu.wait_dma2 semaphore(%run_scoped3A_86 : memref<!tpu.dma_semaphore, #tpu.memory_space<semaphore_mem>>) src(%arg10 : memref<128x128xf32, #tpu.memory_space<vmem>>) dst(%dma_wait3A_92 : memref<128x128xf32, #tpu.memory_space<vmem_shared>>)
        tpu.yield
      }) : () -> ()
    }
    %scan3A_62 = arith.constant 5 : i32
    %run_scoped3A_63 = arith.constant 1 : i32
    "tpu.region"() ({
      %run_scoped3A_80 = tpu.sem_alloc : memref<!tpu.dma_semaphore, #tpu.memory_space<semaphore_mem>>
      %dma_start3A = arith.constant 0 : i32
      %dma_start3A_81 = arith.constant 0 : i32
      %dma_start3A_82 = tpu.memref_slice %arg7[%run_scoped3A_63, %dma_start3A, %dma_start3A_81] : memref<2x128x128xf32, #tpu.memory_space<hbm>> -> memref<1x128x128xf32, #tpu.memory_space<hbm>>
      %dma_start3A_83 = tpu.memref_squeeze %dma_start3A_82 : memref<1x128x128xf32, #tpu.memory_space<hbm>> -> memref<128x128xf32, #tpu.memory_space<hbm>>
      %dma_start3A_84 = arith.constant 0 : i32
      %dma_start3A_85 = arith.constant 0 : i32
      %dma_start3A_86 = tpu.memref_slice %arg7[%run_scoped3A_63, %dma_start3A_84, %dma_start3A_85] : memref<2x128x128xf32, #tpu.memory_space<hbm>> -> memref<1x128x128xf32, #tpu.memory_space<hbm>>
      %dma_start3A_87 = tpu.memref_squeeze %dma_start3A_86 : memref<1x128x128xf32, #tpu.memory_space<hbm>> -> memref<128x128xf32, #tpu.memory_space<hbm>>
      tpu.enqueue_dma source(%dma_start3A_87 : memref<128x128xf32, #tpu.memory_space<hbm>>) target(%arg10 : memref<128x128xf32, #tpu.memory_space<vmem>>) target_semaphore(%run_scoped3A_80 : memref<!tpu.dma_semaphore, #tpu.memory_space<semaphore_mem>>)
      %dma_wait3A = arith.constant 0 : i32
      %dma_wait3A_88 = arith.constant 0 : i32
      %dma_wait3A_89 = tpu.memref_slice %arg7[%run_scoped3A_63, %dma_wait3A, %dma_wait3A_88] : memref<2x128x128xf32, #tpu.memory_space<hbm>> -> memref<1x128x128xf32, #tpu.memory_space<hbm>>
      %dma_wait3A_90 = tpu.memref_squeeze %dma_wait3A_89 : memref<1x128x128xf32, #tpu.memory_space<hbm>> -> memref<128x128xf32, #tpu.memory_space<hbm>>
      %dma_wait3A_91 = arith.constant 0 : i32
      %dma_wait3A_92 = arith.constant 0 : i32
      %dma_wait3A_93 = tpu.memref_slice %arg7[%run_scoped3A_63, %dma_wait3A_91, %dma_wait3A_92] : memref<2x128x128xf32, #tpu.memory_space<hbm>> -> memref<1x128x128xf32, #tpu.memory_space<hbm>>
      %dma_wait3A_94 = tpu.memref_squeeze %dma_wait3A_93 : memref<1x128x128xf32, #tpu.memory_space<hbm>> -> memref<128x128xf32, #tpu.memory_space<hbm>>
      tpu.wait_dma2 semaphore(%run_scoped3A_80 : memref<!tpu.dma_semaphore, #tpu.memory_space<semaphore_mem>>) src(%dma_wait3A_94 : memref<128x128xf32, #tpu.memory_space<hbm>>) dst(%arg10 : memref<128x128xf32, #tpu.memory_space<vmem>>)
      tpu.yield
    }) : () -> ()
    %barrier3A_64 = arith.constant 0 : index
    tpu.barrier barrier_id(%barrier3A_64)
    %scan3A_65 = arith.constant 0 : i32
    %scan3A_66 = arith.constant 0 : i32
    %scan3A_67 = arith.constant 80 : i32
    %scan3A_68 = arith.addi %scan3A_66, %scan3A_67 : i32
    %scan3A_69 = arith.constant 1 : i32
    scf.for %scan3A_80 = %scan3A_66 to %scan3A_68 step %scan3A_69  : i32 {
      %get3A = arith.index_cast %scan3A_80 : i32 to index
      %get3A_81 = arith.constant 0 : index
      %get3A_82 = tpu.vector_load %arg16[%get3A, %get3A_81] {strides = array<i32>} : memref<80x128xi32, #tpu.memory_space<vmem>>, vector<1x16xi32>,
      %get3A_83 = vector.shape_cast %get3A_82 : vector<1x16xi32> to vector<16xi32>
      %and3A = arith.constant 32767 : i32
      %and3A_84 = vector.broadcast %and3A : i32 to vector<16xi32>
      %and3A_85 = arith.andi %get3A_83, %and3A_84 : vector<16xi32>
      %swap3A = arith.constant 0 : i32
      %swap3A_86 = arith.index_cast %swap3A : i32 to index
      %swap3A_87 = arith.constant 0 : index
      %swap3A_88 = tpu.vector_load %arg12[%swap3A_86, %swap3A_87] {strides = array<i32>} : memref<1x128xi32, #tpu.memory_space<vmem>>, vector<1x16xi32>,
      %swap3A_89 = vector.shape_cast %swap3A_88 : vector<1x16xi32> to vector<16xi32>
      %swap3A_90 = vector.shape_cast %and3A_85 : vector<16xi32> to vector<1x16xi32>
      tpu.vector_store %arg12[%swap3A_86, %swap3A_87], %swap3A_90 {strides = array<i32>} : memref<1x128xi32, #tpu.memory_space<vmem>>, vector<1x16xi32>,
      %shift_right_logical3A = arith.constant 15 : i32
      %shift_right_logical3A_91 = vector.broadcast %shift_right_logical3A : i32 to vector<16xi32>
      %shift_right_logical3A_92 = arith.shrui %get3A_83, %shift_right_logical3A_91 : vector<16xi32>
      %swap3A_93 = arith.constant 0 : i32
      %swap3A_94 = arith.index_cast %swap3A_93 : i32 to index
      %swap3A_95 = arith.constant 0 : index
      %swap3A_96 = tpu.vector_load %arg14[%swap3A_94, %swap3A_95] {strides = array<i32>} : memref<1x128xi32, #tpu.memory_space<vmem>>, vector<1x16xi32>,
      %swap3A_97 = vector.shape_cast %swap3A_96 : vector<1x16xi32> to vector<16xi32>
      %swap3A_98 = vector.shape_cast %shift_right_logical3A_92 : vector<16xi32> to vector<1x16xi32>
      tpu.vector_store %arg14[%swap3A_94, %swap3A_95], %swap3A_98 {strides = array<i32>} : memref<1x128xi32, #tpu.memory_space<vmem>>, vector<1x16xi32>,
      %get3A_99 = arith.index_cast %scan3A_80 : i32 to index
      %get3A_100 = arith.constant 16 : index
      %get3A_101 = tpu.vector_load %arg16[%get3A_99, %get3A_100] {strides = array<i32>} : memref<80x128xi32, #tpu.memory_space<vmem>>, vector<1x16xi32>,
      %get3A_102 = vector.shape_cast %get3A_101 : vector<1x16xi32> to vector<16xi32>
      %and3A_103 = arith.constant 32767 : i32
      %and3A_104 = vector.broadcast %and3A_103 : i32 to vector<16xi32>
      %and3A_105 = arith.andi %get3A_102, %and3A_104 : vector<16xi32>
      %swap3A_106 = arith.constant 0 : i32
      %swap3A_107 = arith.index_cast %swap3A_106 : i32 to index
      %swap3A_108 = arith.constant 16 : index
      %swap3A_109 = tpu.vector_load %arg12[%swap3A_107, %swap3A_108] {strides = array<i32>} : memref<1x128xi32, #tpu.memory_space<vmem>>, vector<1x16xi32>,
      %swap3A_110 = vector.shape_cast %swap3A_109 : vector<1x16xi32> to vector<16xi32>
      %swap3A_111 = vector.shape_cast %and3A_105 : vector<16xi32> to vector<1x16xi32>
      tpu.vector_store %arg12[%swap3A_107, %swap3A_108], %swap3A_111 {strides = array<i32>} : memref<1x128xi32, #tpu.memory_space<vmem>>, vector<1x16xi32>,
      %shift_right_logical3A_112 = arith.constant 15 : i32
      %shift_right_logical3A_113 = vector.broadcast %shift_right_logical3A_112 : i32 to vector<16xi32>
      %shift_right_logical3A_114 = arith.shrui %get3A_102, %shift_right_logical3A_113 : vector<16xi32>
      %swap3A_115 = arith.constant 0 : i32
      %swap3A_116 = arith.index_cast %swap3A_115 : i32 to index
      %swap3A_117 = arith.constant 16 : index
      %swap3A_118 = tpu.vector_load %arg14[%swap3A_116, %swap3A_117] {strides = array<i32>} : memref<1x128xi32, #tpu.memory_space<vmem>>, vector<1x16xi32>,
      %swap3A_119 = vector.shape_cast %swap3A_118 : vector<1x16xi32> to vector<16xi32>
      %swap3A_120 = vector.shape_cast %shift_right_logical3A_114 : vector<16xi32> to vector<1x16xi32>
      tpu.vector_store %arg14[%swap3A_116, %swap3A_117], %swap3A_120 {strides = array<i32>} : memref<1x128xi32, #tpu.memory_space<vmem>>, vector<1x16xi32>,
      %get3A_121 = arith.index_cast %scan3A_80 : i32 to index
      %get3A_122 = arith.constant 32 : index
      %get3A_123 = tpu.vector_load %arg16[%get3A_121, %get3A_122] {strides = array<i32>} : memref<80x128xi32, #tpu.memory_space<vmem>>, vector<1x16xi32>,
      %get3A_124 = vector.shape_cast %get3A_123 : vector<1x16xi32> to vector<16xi32>
      %and3A_125 = arith.constant 32767 : i32
      %and3A_126 = vector.broadcast %and3A_125 : i32 to vector<16xi32>
      %and3A_127 = arith.andi %get3A_124, %and3A_126 : vector<16xi32>
      %swap3A_128 = arith.constant 0 : i32
      %swap3A_129 = arith.index_cast %swap3A_128 : i32 to index
      %swap3A_130 = arith.constant 32 : index
      %swap3A_131 = tpu.vector_load %arg12[%swap3A_129, %swap3A_130] {strides = array<i32>} : memref<1x128xi32, #tpu.memory_space<vmem>>, vector<1x16xi32>,
      %swap3A_132 = vector.shape_cast %swap3A_131 : vector<1x16xi32> to vector<16xi32>
      %swap3A_133 = vector.shape_cast %and3A_127 : vector<16xi32> to vector<1x16xi32>
      tpu.vector_store %arg12[%swap3A_129, %swap3A_130], %swap3A_133 {strides = array<i32>} : memref<1x128xi32, #tpu.memory_space<vmem>>, vector<1x16xi32>,
      %shift_right_logical3A_134 = arith.constant 15 : i32
      %shift_right_logical3A_135 = vector.broadcast %shift_right_logical3A_134 : i32 to vector<16xi32>
      %shift_right_logical3A_136 = arith.shrui %get3A_124, %shift_right_logical3A_135 : vector<16xi32>
      %swap3A_137 = arith.constant 0 : i32
      %swap3A_138 = arith.index_cast %swap3A_137 : i32 to index
      %swap3A_139 = arith.constant 32 : index
      %swap3A_140 = tpu.vector_load %arg14[%swap3A_138, %swap3A_139] {strides = array<i32>} : memref<1x128xi32, #tpu.memory_space<vmem>>, vector<1x16xi32>,
      %swap3A_141 = vector.shape_cast %swap3A_140 : vector<1x16xi32> to vector<16xi32>
      %swap3A_142 = vector.shape_cast %shift_right_logical3A_136 : vector<16xi32> to vector<1x16xi32>
      tpu.vector_store %arg14[%swap3A_138, %swap3A_139], %swap3A_142 {strides = array<i32>} : memref<1x128xi32, #tpu.memory_space<vmem>>, vector<1x16xi32>,
      %get3A_143 = arith.index_cast %scan3A_80 : i32 to index
      %get3A_144 = arith.constant 48 : index
      %get3A_145 = tpu.vector_load %arg16[%get3A_143, %get3A_144] {strides = array<i32>} : memref<80x128xi32, #tpu.memory_space<vmem>>, vector<1x16xi32>,
      %get3A_146 = vector.shape_cast %get3A_145 : vector<1x16xi32> to vector<16xi32>
      %and3A_147 = arith.constant 32767 : i32
      %and3A_148 = vector.broadcast %and3A_147 : i32 to vector<16xi32>
      %and3A_149 = arith.andi %get3A_146, %and3A_148 : vector<16xi32>
      %swap3A_150 = arith.constant 0 : i32
      %swap3A_151 = arith.index_cast %swap3A_150 : i32 to index
      %swap3A_152 = arith.constant 48 : index
      %swap3A_153 = tpu.vector_load %arg12[%swap3A_151, %swap3A_152] {strides = array<i32>} : memref<1x128xi32, #tpu.memory_space<vmem>>, vector<1x16xi32>,
      %swap3A_154 = vector.shape_cast %swap3A_153 : vector<1x16xi32> to vector<16xi32>
      %swap3A_155 = vector.shape_cast %and3A_149 : vector<16xi32> to vector<1x16xi32>
      tpu.vector_store %arg12[%swap3A_151, %swap3A_152], %swap3A_155 {strides = array<i32>} : memref<1x128xi32, #tpu.memory_space<vmem>>, vector<1x16xi32>,
      %shift_right_logical3A_156 = arith.constant 15 : i32
      %shift_right_logical3A_157 = vector.broadcast %shift_right_logical3A_156 : i32 to vector<16xi32>
      %shift_right_logical3A_158 = arith.shrui %get3A_146, %shift_right_logical3A_157 : vector<16xi32>
      %swap3A_159 = arith.constant 0 : i32
      %swap3A_160 = arith.index_cast %swap3A_159 : i32 to index
      %swap3A_161 = arith.constant 48 : index
      %swap3A_162 = tpu.vector_load %arg14[%swap3A_160, %swap3A_161] {strides = array<i32>} : memref<1x128xi32, #tpu.memory_space<vmem>>, vector<1x16xi32>,
      %swap3A_163 = vector.shape_cast %swap3A_162 : vector<1x16xi32> to vector<16xi32>
      %swap3A_164 = vector.shape_cast %shift_right_logical3A_158 : vector<16xi32> to vector<1x16xi32>
      tpu.vector_store %arg14[%swap3A_160, %swap3A_161], %swap3A_164 {strides = array<i32>} : memref<1x128xi32, #tpu.memory_space<vmem>>, vector<1x16xi32>,
      %get3A_165 = arith.index_cast %scan3A_80 : i32 to index
      %get3A_166 = arith.constant 64 : index
      %get3A_167 = tpu.vector_load %arg16[%get3A_165, %get3A_166] {strides = array<i32>} : memref<80x128xi32, #tpu.memory_space<vmem>>, vector<1x16xi32>,
      %get3A_168 = vector.shape_cast %get3A_167 : vector<1x16xi32> to vector<16xi32>
      %and3A_169 = arith.constant 32767 : i32
      %and3A_170 = vector.broadcast %and3A_169 : i32 to vector<16xi32>
      %and3A_171 = arith.andi %get3A_168, %and3A_170 : vector<16xi32>
      %swap3A_172 = arith.constant 0 : i32
      %swap3A_173 = arith.index_cast %swap3A_172 : i32 to index
      %swap3A_174 = arith.constant 64 : index
      %swap3A_175 = tpu.vector_load %arg12[%swap3A_173, %swap3A_174] {strides = array<i32>} : memref<1x128xi32, #tpu.memory_space<vmem>>, vector<1x16xi32>,
      %swap3A_176 = vector.shape_cast %swap3A_175 : vector<1x16xi32> to vector<16xi32>
      %swap3A_177 = vector.shape_cast %and3A_171 : vector<16xi32> to vector<1x16xi32>
      tpu.vector_store %arg12[%swap3A_173, %swap3A_174], %swap3A_177 {strides = array<i32>} : memref<1x128xi32, #tpu.memory_space<vmem>>, vector<1x16xi32>,
      %shift_right_logical3A_178 = arith.constant 15 : i32
      %shift_right_logical3A_179 = vector.broadcast %shift_right_logical3A_178 : i32 to vector<16xi32>
      %shift_right_logical3A_180 = arith.shrui %get3A_168, %shift_right_logical3A_179 : vector<16xi32>
      %swap3A_181 = arith.constant 0 : i32
      %swap3A_182 = arith.index_cast %swap3A_181 : i32 to index
      %swap3A_183 = arith.constant 64 : index
      %swap3A_184 = tpu.vector_load %arg14[%swap3A_182, %swap3A_183] {strides = array<i32>} : memref<1x128xi32, #tpu.memory_space<vmem>>, vector<1x16xi32>,
      %swap3A_185 = vector.shape_cast %swap3A_184 : vector<1x16xi32> to vector<16xi32>
      %swap3A_186 = vector.shape_cast %shift_right_logical3A_180 : vector<16xi32> to vector<1x16xi32>
      tpu.vector_store %arg14[%swap3A_182, %swap3A_183], %swap3A_186 {strides = array<i32>} : memref<1x128xi32, #tpu.memory_space<vmem>>, vector<1x16xi32>,
      %get3A_187 = arith.index_cast %scan3A_80 : i32 to index
      %get3A_188 = arith.constant 80 : index
      %get3A_189 = tpu.vector_load %arg16[%get3A_187, %get3A_188] {strides = array<i32>} : memref<80x128xi32, #tpu.memory_space<vmem>>, vector<1x16xi32>,
      %get3A_190 = vector.shape_cast %get3A_189 : vector<1x16xi32> to vector<16xi32>
      %and3A_191 = arith.constant 32767 : i32
      %and3A_192 = vector.broadcast %and3A_191 : i32 to vector<16xi32>
      %and3A_193 = arith.andi %get3A_190, %and3A_192 : vector<16xi32>
      %swap3A_194 = arith.constant 0 : i32
      %swap3A_195 = arith.index_cast %swap3A_194 : i32 to index
      %swap3A_196 = arith.constant 80 : index
      %swap3A_197 = tpu.vector_load %arg12[%swap3A_195, %swap3A_196] {strides = array<i32>} : memref<1x128xi32, #tpu.memory_space<vmem>>, vector<1x16xi32>,
      %swap3A_198 = vector.shape_cast %swap3A_197 : vector<1x16xi32> to vector<16xi32>
      %swap3A_199 = vector.shape_cast %and3A_193 : vector<16xi32> to vector<1x16xi32>
      tpu.vector_store %arg12[%swap3A_195, %swap3A_196], %swap3A_199 {strides = array<i32>} : memref<1x128xi32, #tpu.memory_space<vmem>>, vector<1x16xi32>,
      %shift_right_logical3A_200 = arith.constant 15 : i32
      %shift_right_logical3A_201 = vector.broadcast %shift_right_logical3A_200 : i32 to vector<16xi32>
      %shift_right_logical3A_202 = arith.shrui %get3A_190, %shift_right_logical3A_201 : vector<16xi32>
      %swap3A_203 = arith.constant 0 : i32
      %swap3A_204 = arith.index_cast %swap3A_203 : i32 to index
      %swap3A_205 = arith.constant 80 : index
      %swap3A_206 = tpu.vector_load %arg14[%swap3A_204, %swap3A_205] {strides = array<i32>} : memref<1x128xi32, #tpu.memory_space<vmem>>, vector<1x16xi32>,
      %swap3A_207 = vector.shape_cast %swap3A_206 : vector<1x16xi32> to vector<16xi32>
      %swap3A_208 = vector.shape_cast %shift_right_logical3A_202 : vector<16xi32> to vector<1x16xi32>
      tpu.vector_store %arg14[%swap3A_204, %swap3A_205], %swap3A_208 {strides = array<i32>} : memref<1x128xi32, #tpu.memory_space<vmem>>, vector<1x16xi32>,
      %get3A_209 = arith.index_cast %scan3A_80 : i32 to index
      %get3A_210 = arith.constant 96 : index
      %get3A_211 = tpu.vector_load %arg16[%get3A_209, %get3A_210] {strides = array<i32>} : memref<80x128xi32, #tpu.memory_space<vmem>>, vector<1x16xi32>,
      %get3A_212 = vector.shape_cast %get3A_211 : vector<1x16xi32> to vector<16xi32>
      %and3A_213 = arith.constant 32767 : i32
      %and3A_214 = vector.broadcast %and3A_213 : i32 to vector<16xi32>
      %and3A_215 = arith.andi %get3A_212, %and3A_214 : vector<16xi32>
      %swap3A_216 = arith.constant 0 : i32
      %swap3A_217 = arith.index_cast %swap3A_216 : i32 to index
      %swap3A_218 = arith.constant 96 : index
      %swap3A_219 = tpu.vector_load %arg12[%swap3A_217, %swap3A_218] {strides = array<i32>} : memref<1x128xi32, #tpu.memory_space<vmem>>, vector<1x16xi32>,
      %swap3A_220 = vector.shape_cast %swap3A_219 : vector<1x16xi32> to vector<16xi32>
      %swap3A_221 = vector.shape_cast %and3A_215 : vector<16xi32> to vector<1x16xi32>
      tpu.vector_store %arg12[%swap3A_217, %swap3A_218], %swap3A_221 {strides = array<i32>} : memref<1x128xi32, #tpu.memory_space<vmem>>, vector<1x16xi32>,
      %shift_right_logical3A_222 = arith.constant 15 : i32
      %shift_right_logical3A_223 = vector.broadcast %shift_right_logical3A_222 : i32 to vector<16xi32>
      %shift_right_logical3A_224 = arith.shrui %get3A_212, %shift_right_logical3A_223 : vector<16xi32>
      %swap3A_225 = arith.constant 0 : i32
      %swap3A_226 = arith.index_cast %swap3A_225 : i32 to index
      %swap3A_227 = arith.constant 96 : index
      %swap3A_228 = tpu.vector_load %arg14[%swap3A_226, %swap3A_227] {strides = array<i32>} : memref<1x128xi32, #tpu.memory_space<vmem>>, vector<1x16xi32>,
      %swap3A_229 = vector.shape_cast %swap3A_228 : vector<1x16xi32> to vector<16xi32>
      %swap3A_230 = vector.shape_cast %shift_right_logical3A_224 : vector<16xi32> to vector<1x16xi32>
      tpu.vector_store %arg14[%swap3A_226, %swap3A_227], %swap3A_230 {strides = array<i32>} : memref<1x128xi32, #tpu.memory_space<vmem>>, vector<1x16xi32>,
      %get3A_231 = arith.index_cast %scan3A_80 : i32 to index
      %get3A_232 = arith.constant 112 : index
      %get3A_233 = tpu.vector_load %arg16[%get3A_231, %get3A_232] {strides = array<i32>} : memref<80x128xi32, #tpu.memory_space<vmem>>, vector<1x16xi32>,
      %get3A_234 = vector.shape_cast %get3A_233 : vector<1x16xi32> to vector<16xi32>
      %and3A_235 = arith.constant 32767 : i32
      %and3A_236 = vector.broadcast %and3A_235 : i32 to vector<16xi32>
      %and3A_237 = arith.andi %get3A_234, %and3A_236 : vector<16xi32>
      %swap3A_238 = arith.constant 0 : i32
      %swap3A_239 = arith.index_cast %swap3A_238 : i32 to index
      %swap3A_240 = arith.constant 112 : index
      %swap3A_241 = tpu.vector_load %arg12[%swap3A_239, %swap3A_240] {strides = array<i32>} : memref<1x128xi32, #tpu.memory_space<vmem>>, vector<1x16xi32>,
      %swap3A_242 = vector.shape_cast %swap3A_241 : vector<1x16xi32> to vector<16xi32>
      %swap3A_243 = vector.shape_cast %and3A_237 : vector<16xi32> to vector<1x16xi32>
      tpu.vector_store %arg12[%swap3A_239, %swap3A_240], %swap3A_243 {strides = array<i32>} : memref<1x128xi32, #tpu.memory_space<vmem>>, vector<1x16xi32>,
      %shift_right_logical3A_244 = arith.constant 15 : i32
      %shift_right_logical3A_245 = vector.broadcast %shift_right_logical3A_244 : i32 to vector<16xi32>
      %shift_right_logical3A_246 = arith.shrui %get3A_234, %shift_right_logical3A_245 : vector<16xi32>
      %swap3A_247 = arith.constant 0 : i32
      %swap3A_248 = arith.index_cast %swap3A_247 : i32 to index
      %swap3A_249 = arith.constant 112 : index
      %swap3A_250 = tpu.vector_load %arg14[%swap3A_248, %swap3A_249] {strides = array<i32>} : memref<1x128xi32, #tpu.memory_space<vmem>>, vector<1x16xi32>,
      %swap3A_251 = vector.shape_cast %swap3A_250 : vector<1x16xi32> to vector<16xi32>
      %swap3A_252 = vector.shape_cast %shift_right_logical3A_246 : vector<16xi32> to vector<1x16xi32>
      tpu.vector_store %arg14[%swap3A_248, %swap3A_249], %swap3A_252 {strides = array<i32>} : memref<1x128xi32, #tpu.memory_space<vmem>>, vector<1x16xi32>,
      %run_scoped3A_253 = arith.constant 0 : i32
      "tpu.region"() ({
        %run_scoped3A_254 = tpu.sem_alloc : memref<!tpu.dma_semaphore, #tpu.memory_space<semaphore_mem>>
        %dma_start3A = arith.constant 0 : i32
        %dma_start3A_255 = tpu.memref_slice %arg12[%run_scoped3A_253, %dma_start3A] : memref<1x128xi32, #tpu.memory_space<vmem>> -> memref<1x128xi32, #tpu.memory_space<vmem>>
        %dma_start3A_256 = tpu.memref_squeeze %dma_start3A_255 : memref<1x128xi32, #tpu.memory_space<vmem>> -> memref<128xi32, #tpu.memory_space<vmem>>
        %dma_start3A_257 = arith.constant 0 : i32
        %dma_start3A_258 = arith.constant 0 : i32
        %dma_start3A_259 = tpu.memref_slice %arg17[%dma_start3A_257, %dma_start3A_258] : memref<10240x128xf32, #tpu.memory_space<vmem_shared>> -> memref<10240x128xf32, #tpu.memory_space<vmem_shared>>
        tpu.enqueue_indirect_dma source(%arg10 : memref<128x128xf32, #tpu.memory_space<vmem>>) target(%dma_start3A_259 : memref<10240x128xf32, #tpu.memory_space<vmem_shared>>) offsets(%dma_start3A_256 : memref<128xi32, #tpu.memory_space<vmem>>) semaphore(%run_scoped3A_254 : memref<!tpu.dma_semaphore, #tpu.memory_space<semaphore_mem>>) {add = true}
        %dma_wait3A = arith.constant 0 : i32
        %dma_wait3A_260 = tpu.memref_slice %arg12[%run_scoped3A_253, %dma_wait3A] : memref<1x128xi32, #tpu.memory_space<vmem>> -> memref<1x128xi32, #tpu.memory_space<vmem>>
        %dma_wait3A_261 = tpu.memref_squeeze %dma_wait3A_260 : memref<1x128xi32, #tpu.memory_space<vmem>> -> memref<128xi32, #tpu.memory_space<vmem>>
        %dma_wait3A_262 = arith.constant 0 : i32
        %dma_wait3A_263 = arith.constant 0 : i32
        %dma_wait3A_264 = tpu.memref_slice %arg17[%dma_wait3A_262, %dma_wait3A_263] : memref<10240x128xf32, #tpu.memory_space<vmem_shared>> -> memref<10240x128xf32, #tpu.memory_space<vmem_shared>>
        tpu.wait_indirect_dma semaphore(%run_scoped3A_254 : memref<!tpu.dma_semaphore, #tpu.memory_space<semaphore_mem>>) src(%arg10 : memref<128x128xf32, #tpu.memory_space<vmem>>) dst(%dma_wait3A_264 : memref<10240x128xf32, #tpu.memory_space<vmem_shared>>)
        tpu.yield
      }) : () -> ()
    }
    %scan3A_70 = arith.constant 80 : i32
    %barrier3A_71 = arith.constant 0 : index
    tpu.barrier barrier_id(%barrier3A_71)
    %mul3A_72 = arith.constant 10240 : i32
    %mul3A_73 = arith.muli %arg0, %mul3A_72 : i32
    %scan3A_74 = arith.constant 0 : i32
    %scan3A_75 = arith.constant 0 : i32
    %scan3A_76 = arith.constant 5 : i32
    %scan3A_77 = arith.addi %scan3A_75, %scan3A_76 : i32
    %scan3A_78 = arith.constant 1 : i32
    scf.for %scan3A_80 = %scan3A_75 to %scan3A_77 step %scan3A_78  : i32 {
      %mul3A_81 = arith.constant 640 : i32
      %mul3A_82 = arith.muli %arg1, %mul3A_81 : i32
      %mul3A_83 = arith.constant 128 : i32
      %mul3A_84 = arith.muli %scan3A_80, %mul3A_83 : i32
      %add3A_85 = arith.addi %mul3A_82, %mul3A_84 : i32
      "tpu.region"() ({
        %run_scoped3A_87 = tpu.sem_alloc : memref<!tpu.dma_semaphore, #tpu.memory_space<semaphore_mem>>
        %dma_start3A = arith.constant 0 : i32
        %dma_start3A_88 = tpu.memref_slice %arg17[%add3A_85, %dma_start3A] : memref<10240x128xf32, #tpu.memory_space<vmem_shared>> -> memref<128x128xf32, #tpu.memory_space<vmem_shared>>
        %dma_start3A_89 = arith.constant 0 : i32
        %dma_start3A_90 = tpu.memref_slice %arg17[%add3A_85, %dma_start3A_89] : memref<10240x128xf32, #tpu.memory_space<vmem_shared>> -> memref<128x128xf32, #tpu.memory_space<vmem_shared>>
        tpu.enqueue_dma source(%dma_start3A_90 : memref<128x128xf32, #tpu.memory_space<vmem_shared>>) target(%arg10 : memref<128x128xf32, #tpu.memory_space<vmem>>) target_semaphore(%run_scoped3A_87 : memref<!tpu.dma_semaphore, #tpu.memory_space<semaphore_mem>>)
        %dma_wait3A = arith.constant 0 : i32
        %dma_wait3A_91 = tpu.memref_slice %arg17[%add3A_85, %dma_wait3A] : memref<10240x128xf32, #tpu.memory_space<vmem_shared>> -> memref<128x128xf32, #tpu.memory_space<vmem_shared>>
        %dma_wait3A_92 = arith.constant 0 : i32
        %dma_wait3A_93 = tpu.memref_slice %arg17[%add3A_85, %dma_wait3A_92] : memref<10240x128xf32, #tpu.memory_space<vmem_shared>> -> memref<128x128xf32, #tpu.memory_space<vmem_shared>>
        tpu.wait_dma2 semaphore(%run_scoped3A_87 : memref<!tpu.dma_semaphore, #tpu.memory_space<semaphore_mem>>) src(%dma_wait3A_93 : memref<128x128xf32, #tpu.memory_space<vmem_shared>>) dst(%arg10 : memref<128x128xf32, #tpu.memory_space<vmem>>)
        tpu.yield
      }) : () -> ()
      %add3A_86 = arith.addi %mul3A_73, %add3A_85 : i32
      "tpu.region"() ({
        %run_scoped3A_87 = tpu.sem_alloc : memref<!tpu.dma_semaphore, #tpu.memory_space<semaphore_mem>>
        %dma_start3A = arith.constant 0 : i32
        %dma_start3A_88 = tpu.memref_slice %arg9[%add3A_86, %dma_start3A] : memref<20480x128xf32, #tpu.memory_space<hbm>> -> memref<128x128xf32, #tpu.memory_space<hbm>>
        %dma_start3A_89 = arith.constant 0 : i32
        %dma_start3A_90 = tpu.memref_slice %arg9[%add3A_86, %dma_start3A_89] : memref<20480x128xf32, #tpu.memory_space<hbm>> -> memref<128x128xf32, #tpu.memory_space<hbm>>
        tpu.enqueue_dma source(%arg10 : memref<128x128xf32, #tpu.memory_space<vmem>>) target(%dma_start3A_90 : memref<128x128xf32, #tpu.memory_space<hbm>>) target_semaphore(%run_scoped3A_87 : memref<!tpu.dma_semaphore, #tpu.memory_space<semaphore_mem>>)
        %dma_wait3A = arith.constant 0 : i32
        %dma_wait3A_91 = tpu.memref_slice %arg9[%add3A_86, %dma_wait3A] : memref<20480x128xf32, #tpu.memory_space<hbm>> -> memref<128x128xf32, #tpu.memory_space<hbm>>
        %dma_wait3A_92 = arith.constant 0 : i32
        %dma_wait3A_93 = tpu.memref_slice %arg9[%add3A_86, %dma_wait3A_92] : memref<20480x128xf32, #tpu.memory_space<hbm>> -> memref<128x128xf32, #tpu.memory_space<hbm>>
        tpu.wait_dma2 semaphore(%run_scoped3A_87 : memref<!tpu.dma_semaphore, #tpu.memory_space<semaphore_mem>>) src(%arg10 : memref<128x128xf32, #tpu.memory_space<vmem>>) dst(%dma_wait3A_93 : memref<128x128xf32, #tpu.memory_space<hbm>>)
        tpu.yield
      }) : () -> ()
    }
    %scan3A_79 = arith.constant 5 : i32
    return
  }
}

#map = affine_map<(d0, d1) -> (0, 0)>
#map1 = affine_map<(d0, d1) -> (0, 0, 0)>
module attributes {stable_mosaic.version = 14 : i64} {
  func.func @_sc2_body(%arg0: i32, %arg1: i32, %arg2: memref<20480x128xf32, #tpu.memory_space<hbm>>, %arg3: memref<20480x128xf32, #tpu.memory_space<hbm>>, %arg4: memref<32x80x128xi32, #tpu.memory_space<hbm>>, %arg5: memref<32x80x128xi32, #tpu.memory_space<hbm>>, %arg6: memref<40960x128xf32, #tpu.memory_space<hbm>>, %arg7: memref<128x128xf32, #tpu.memory_space<vmem>>, %arg8: memref<128x128xf32, #tpu.memory_space<vmem>>, %arg9: memref<1x128xi32, #tpu.memory_space<vmem>>, %arg10: memref<1x128xi32, #tpu.memory_space<vmem>>, %arg11: memref<1x128xi32, #tpu.memory_space<vmem>>, %arg12: memref<1x128xi32, #tpu.memory_space<vmem>>, %arg13: memref<80x128xi32, #tpu.memory_space<vmem>>, %arg14: memref<10240x128xf32, #tpu.memory_space<vmem_shared>>, %arg15: memref<!tpu.dma_semaphore, #tpu.memory_space<semaphore_mem>>, %arg16: memref<!tpu.dma_semaphore, #tpu.memory_space<semaphore_mem>>) attributes {dimension_semantics = [#tpu.dimension_semantics<core_parallel>, #tpu.dimension_semantics<subcore_parallel>], iteration_bounds = array<i64: 2, 16>, scalar_prefetch = 0 : i64, scratch_operands = 10 : i64, tpu.core_type = #tpu.core_type<sc_vector_subcore>, window_params = [{transform_indices = #map}, {transform_indices = #map}, {transform_indices = #map1}, {transform_indices = #map1}, {transform_indices = #map}]} {
    %mul3A = arith.constant 16 : i32
    %mul3A_0 = arith.muli %arg0, %mul3A : i32
    %add3A = arith.addi %mul3A_0, %arg1 : i32
    %mul3A_1 = arith.constant 10240 : i32
    %mul3A_2 = arith.muli %arg0, %mul3A_1 : i32
    "tpu.region"() ({
      %run_scoped3A = tpu.sem_alloc : memref<!tpu.dma_semaphore, #tpu.memory_space<semaphore_mem>>
      %dma_start3A = arith.constant 0 : i32
      %dma_start3A_57 = arith.constant 0 : i32
      %dma_start3A_58 = tpu.memref_slice %arg4[%add3A, %dma_start3A, %dma_start3A_57] : memref<32x80x128xi32, #tpu.memory_space<hbm>> -> memref<1x80x128xi32, #tpu.memory_space<hbm>>
      %dma_start3A_59 = tpu.memref_squeeze %dma_start3A_58 : memref<1x80x128xi32, #tpu.memory_space<hbm>> -> memref<80x128xi32, #tpu.memory_space<hbm>>
      %dma_start3A_60 = arith.constant 0 : i32
      %dma_start3A_61 = arith.constant 0 : i32
      %dma_start3A_62 = tpu.memref_slice %arg4[%add3A, %dma_start3A_60, %dma_start3A_61] : memref<32x80x128xi32, #tpu.memory_space<hbm>> -> memref<1x80x128xi32, #tpu.memory_space<hbm>>
      %dma_start3A_63 = tpu.memref_squeeze %dma_start3A_62 : memref<1x80x128xi32, #tpu.memory_space<hbm>> -> memref<80x128xi32, #tpu.memory_space<hbm>>
      tpu.enqueue_dma source(%dma_start3A_63 : memref<80x128xi32, #tpu.memory_space<hbm>>) target(%arg13 : memref<80x128xi32, #tpu.memory_space<vmem>>) target_semaphore(%run_scoped3A : memref<!tpu.dma_semaphore, #tpu.memory_space<semaphore_mem>>)
      %dma_wait3A = arith.constant 0 : i32
      %dma_wait3A_64 = arith.constant 0 : i32
      %dma_wait3A_65 = tpu.memref_slice %arg4[%add3A, %dma_wait3A, %dma_wait3A_64] : memref<32x80x128xi32, #tpu.memory_space<hbm>> -> memref<1x80x128xi32, #tpu.memory_space<hbm>>
      %dma_wait3A_66 = tpu.memref_squeeze %dma_wait3A_65 : memref<1x80x128xi32, #tpu.memory_space<hbm>> -> memref<80x128xi32, #tpu.memory_space<hbm>>
      %dma_wait3A_67 = arith.constant 0 : i32
      %dma_wait3A_68 = arith.constant 0 : i32
      %dma_wait3A_69 = tpu.memref_slice %arg4[%add3A, %dma_wait3A_67, %dma_wait3A_68] : memref<32x80x128xi32, #tpu.memory_space<hbm>> -> memref<1x80x128xi32, #tpu.memory_space<hbm>>
      %dma_wait3A_70 = tpu.memref_squeeze %dma_wait3A_69 : memref<1x80x128xi32, #tpu.memory_space<hbm>> -> memref<80x128xi32, #tpu.memory_space<hbm>>
      tpu.wait_dma2 semaphore(%run_scoped3A : memref<!tpu.dma_semaphore, #tpu.memory_space<semaphore_mem>>) src(%dma_wait3A_70 : memref<80x128xi32, #tpu.memory_space<hbm>>) dst(%arg13 : memref<80x128xi32, #tpu.memory_space<vmem>>)
      tpu.yield
    }) : () -> ()
    %scan3A = arith.constant 0 : i32
    %scan3A_3 = arith.constant 0 : i32
    %scan3A_4 = arith.constant 1024 : i32
    %scan3A_5 = arith.addi %scan3A_3, %scan3A_4 : i32
    %scan3A_6 = arith.constant 1 : i32
    scf.for %scan3A_57 = %scan3A_3 to %scan3A_5 step %scan3A_6  : i32 {
      %broadcast_in_dim3A = arith.constant 0.000000e+00 : f32
      %broadcast_in_dim3A_58 = vector.broadcast %broadcast_in_dim3A : f32 to vector<16xf32>
      %jit3A = arith.constant 8 : i32
      %div3A = arith.divsi %scan3A_57, %jit3A : i32
      %sign3A = arith.constant 0 : i32
      %sign3A_59 = arith.cmpi sgt, %scan3A_57, %sign3A : i32
      %sign3A_60 = arith.extui %sign3A_59 : i1 to i32
      %sign3A_61 = arith.constant 0 : i32
      %sign3A_62 = arith.cmpi slt, %scan3A_57, %sign3A_61 : i32
      %sign3A_63 = arith.extui %sign3A_62 : i1 to i32
      %sign3A_64 = arith.subi %sign3A_60, %sign3A_63 : i32
      %sign3A_65 = arith.constant 0 : i32
      %sign3A_66 = arith.cmpi sgt, %jit3A, %sign3A_65 : i32
      %sign3A_67 = arith.extui %sign3A_66 : i1 to i32
      %sign3A_68 = arith.constant 0 : i32
      %sign3A_69 = arith.cmpi slt, %jit3A, %sign3A_68 : i32
      %sign3A_70 = arith.extui %sign3A_69 : i1 to i32
      %sign3A_71 = arith.subi %sign3A_67, %sign3A_70 : i32
      %ne3A = arith.cmpi ne, %sign3A_64, %sign3A_71 : i32
      %rem3A = arith.remsi %scan3A_57, %jit3A : i32
      %ne3A_72 = arith.constant 0 : i32
      %ne3A_73 = arith.cmpi ne, %rem3A, %ne3A_72 : i32
      %and3A = arith.andi %ne3A, %ne3A_73 : i1
      %sub3A = arith.constant 1 : i32
      %sub3A_74 = arith.subi %div3A, %sub3A : i32
      %select_n3A = arith.select %and3A, %sub3A_74, %div3A : i32
      %jit3A_75 = arith.constant 8 : i32
      %eq3A = arith.constant 0 : i32
      %eq3A_76 = arith.cmpi eq, %jit3A_75, %eq3A : i32
      %jit3A_77 = arith.constant 1 : i32
      %select_n3A_78 = arith.select %eq3A_76, %jit3A_77, %jit3A_75 : i32
      %rem3A_79 = arith.remsi %scan3A_57, %select_n3A_78 : i32
      %ne3A_80 = arith.constant 0 : i32
      %ne3A_81 = arith.cmpi ne, %rem3A_79, %ne3A_80 : i32
      %lt3A = arith.constant 0 : i32
      %lt3A_82 = arith.cmpi slt, %rem3A_79, %lt3A : i32
      %lt3A_83 = arith.constant 0 : i32
      %lt3A_84 = arith.cmpi slt, %select_n3A_78, %lt3A_83 : i32
      %ne3A_85 = arith.xori %lt3A_82, %lt3A_84 : i1
      %and3A_86 = arith.andi %ne3A_85, %ne3A_81 : i1
      %add3A_87 = arith.addi %rem3A_79, %select_n3A_78 : i32
      %select_n3A_88 = arith.select %and3A_86, %add3A_87, %rem3A_79 : i32
      %mul3A_89 = arith.constant 16 : i32
      %mul3A_90 = arith.muli %select_n3A_88, %mul3A_89 : i32
      %swap3A = arith.index_cast %select_n3A : i32 to index
      %swap3A_91 = arith.index_cast %mul3A_90 : i32 to index
      %swap3A_92 = tpu.vector_load %arg7[%swap3A, %swap3A_91] {strides = array<i32>} : memref<128x128xf32, #tpu.memory_space<vmem>>, vector<1x16xf32>,
      %swap3A_93 = vector.shape_cast %swap3A_92 : vector<1x16xf32> to vector<16xf32>
      %swap3A_94 = vector.shape_cast %broadcast_in_dim3A_58 : vector<16xf32> to vector<1x16xf32>
      tpu.vector_store %arg7[%swap3A, %swap3A_91], %swap3A_94 {strides = array<i32>} : memref<128x128xf32, #tpu.memory_space<vmem>>, vector<1x16xf32>,
    }
    %scan3A_7 = arith.constant 1024 : i32
    %scan3A_8 = arith.constant 0 : i32
    %scan3A_9 = arith.constant 0 : i32
    %scan3A_10 = arith.constant 5 : i32
    %scan3A_11 = arith.addi %scan3A_9, %scan3A_10 : i32
    %scan3A_12 = arith.constant 1 : i32
    scf.for %scan3A_57 = %scan3A_9 to %scan3A_11 step %scan3A_12  : i32 {
      %mul3A_58 = arith.constant 640 : i32
      %mul3A_59 = arith.muli %arg1, %mul3A_58 : i32
      %mul3A_60 = arith.constant 128 : i32
      %mul3A_61 = arith.muli %scan3A_57, %mul3A_60 : i32
      %add3A_62 = arith.addi %mul3A_59, %mul3A_61 : i32
      "tpu.region"() ({
        %run_scoped3A = tpu.sem_alloc : memref<!tpu.dma_semaphore, #tpu.memory_space<semaphore_mem>>
        %dma_start3A = arith.constant 0 : i32
        %dma_start3A_63 = tpu.memref_slice %arg14[%add3A_62, %dma_start3A] : memref<10240x128xf32, #tpu.memory_space<vmem_shared>> -> memref<128x128xf32, #tpu.memory_space<vmem_shared>>
        %dma_start3A_64 = arith.constant 0 : i32
        %dma_start3A_65 = tpu.memref_slice %arg14[%add3A_62, %dma_start3A_64] : memref<10240x128xf32, #tpu.memory_space<vmem_shared>> -> memref<128x128xf32, #tpu.memory_space<vmem_shared>>
        tpu.enqueue_dma source(%arg7 : memref<128x128xf32, #tpu.memory_space<vmem>>) target(%dma_start3A_65 : memref<128x128xf32, #tpu.memory_space<vmem_shared>>) target_semaphore(%run_scoped3A : memref<!tpu.dma_semaphore, #tpu.memory_space<semaphore_mem>>)
        %dma_wait3A = arith.constant 0 : i32
        %dma_wait3A_66 = tpu.memref_slice %arg14[%add3A_62, %dma_wait3A] : memref<10240x128xf32, #tpu.memory_space<vmem_shared>> -> memref<128x128xf32, #tpu.memory_space<vmem_shared>>
        %dma_wait3A_67 = arith.constant 0 : i32
        %dma_wait3A_68 = tpu.memref_slice %arg14[%add3A_62, %dma_wait3A_67] : memref<10240x128xf32, #tpu.memory_space<vmem_shared>> -> memref<128x128xf32, #tpu.memory_space<vmem_shared>>
        tpu.wait_dma2 semaphore(%run_scoped3A : memref<!tpu.dma_semaphore, #tpu.memory_space<semaphore_mem>>) src(%arg7 : memref<128x128xf32, #tpu.memory_space<vmem>>) dst(%dma_wait3A_68 : memref<128x128xf32, #tpu.memory_space<vmem_shared>>)
        tpu.yield
      }) : () -> ()
    }
    %scan3A_13 = arith.constant 5 : i32
    %barrier3A = arith.constant 0 : index
    tpu.barrier barrier_id(%barrier3A)
    %scan3A_14 = arith.constant 0 : i32
    %scan3A_15 = arith.constant 0 : i32
    %scan3A_16 = arith.constant 40 : i32
    %scan3A_17 = arith.addi %scan3A_15, %scan3A_16 : i32
    %scan3A_18 = arith.constant 1 : i32
    scf.for %scan3A_57 = %scan3A_15 to %scan3A_17 step %scan3A_18  : i32 {
      %mul3A_58 = arith.constant 2 : i32
      %mul3A_59 = arith.muli %mul3A_58, %scan3A_57 : i32
      %get3A = arith.index_cast %mul3A_59 : i32 to index
      %get3A_60 = arith.constant 0 : index
      %get3A_61 = tpu.vector_load %arg13[%get3A, %get3A_60] {strides = array<i32>} : memref<80x128xi32, #tpu.memory_space<vmem>>, vector<1x16xi32>,
      %get3A_62 = vector.shape_cast %get3A_61 : vector<1x16xi32> to vector<16xi32>
      %and3A = arith.constant 32767 : i32
      %and3A_63 = vector.broadcast %and3A : i32 to vector<16xi32>
      %and3A_64 = arith.andi %get3A_62, %and3A_63 : vector<16xi32>
      %swap3A = arith.constant 0 : i32
      %swap3A_65 = arith.index_cast %swap3A : i32 to index
      %swap3A_66 = arith.constant 0 : index
      %swap3A_67 = tpu.vector_load %arg9[%swap3A_65, %swap3A_66] {strides = array<i32>} : memref<1x128xi32, #tpu.memory_space<vmem>>, vector<1x16xi32>,
      %swap3A_68 = vector.shape_cast %swap3A_67 : vector<1x16xi32> to vector<16xi32>
      %swap3A_69 = vector.shape_cast %and3A_64 : vector<16xi32> to vector<1x16xi32>
      tpu.vector_store %arg9[%swap3A_65, %swap3A_66], %swap3A_69 {strides = array<i32>} : memref<1x128xi32, #tpu.memory_space<vmem>>, vector<1x16xi32>,
      %shift_right_logical3A = arith.constant 15 : i32
      %shift_right_logical3A_70 = vector.broadcast %shift_right_logical3A : i32 to vector<16xi32>
      %shift_right_logical3A_71 = arith.shrui %get3A_62, %shift_right_logical3A_70 : vector<16xi32>
      %swap3A_72 = arith.constant 0 : i32
      %swap3A_73 = arith.index_cast %swap3A_72 : i32 to index
      %swap3A_74 = arith.constant 0 : index
      %swap3A_75 = tpu.vector_load %arg11[%swap3A_73, %swap3A_74] {strides = array<i32>} : memref<1x128xi32, #tpu.memory_space<vmem>>, vector<1x16xi32>,
      %swap3A_76 = vector.shape_cast %swap3A_75 : vector<1x16xi32> to vector<16xi32>
      %swap3A_77 = vector.shape_cast %shift_right_logical3A_71 : vector<16xi32> to vector<1x16xi32>
      tpu.vector_store %arg11[%swap3A_73, %swap3A_74], %swap3A_77 {strides = array<i32>} : memref<1x128xi32, #tpu.memory_space<vmem>>, vector<1x16xi32>,
      %get3A_78 = arith.index_cast %mul3A_59 : i32 to index
      %get3A_79 = arith.constant 16 : index
      %get3A_80 = tpu.vector_load %arg13[%get3A_78, %get3A_79] {strides = array<i32>} : memref<80x128xi32, #tpu.memory_space<vmem>>, vector<1x16xi32>,
      %get3A_81 = vector.shape_cast %get3A_80 : vector<1x16xi32> to vector<16xi32>
      %and3A_82 = arith.constant 32767 : i32
      %and3A_83 = vector.broadcast %and3A_82 : i32 to vector<16xi32>
      %and3A_84 = arith.andi %get3A_81, %and3A_83 : vector<16xi32>
      %swap3A_85 = arith.constant 0 : i32
      %swap3A_86 = arith.index_cast %swap3A_85 : i32 to index
      %swap3A_87 = arith.constant 16 : index
      %swap3A_88 = tpu.vector_load %arg9[%swap3A_86, %swap3A_87] {strides = array<i32>} : memref<1x128xi32, #tpu.memory_space<vmem>>, vector<1x16xi32>,
      %swap3A_89 = vector.shape_cast %swap3A_88 : vector<1x16xi32> to vector<16xi32>
      %swap3A_90 = vector.shape_cast %and3A_84 : vector<16xi32> to vector<1x16xi32>
      tpu.vector_store %arg9[%swap3A_86, %swap3A_87], %swap3A_90 {strides = array<i32>} : memref<1x128xi32, #tpu.memory_space<vmem>>, vector<1x16xi32>,
      %shift_right_logical3A_91 = arith.constant 15 : i32
      %shift_right_logical3A_92 = vector.broadcast %shift_right_logical3A_91 : i32 to vector<16xi32>
      %shift_right_logical3A_93 = arith.shrui %get3A_81, %shift_right_logical3A_92 : vector<16xi32>
      %swap3A_94 = arith.constant 0 : i32
      %swap3A_95 = arith.index_cast %swap3A_94 : i32 to index
      %swap3A_96 = arith.constant 16 : index
      %swap3A_97 = tpu.vector_load %arg11[%swap3A_95, %swap3A_96] {strides = array<i32>} : memref<1x128xi32, #tpu.memory_space<vmem>>, vector<1x16xi32>,
      %swap3A_98 = vector.shape_cast %swap3A_97 : vector<1x16xi32> to vector<16xi32>
      %swap3A_99 = vector.shape_cast %shift_right_logical3A_93 : vector<16xi32> to vector<1x16xi32>
      tpu.vector_store %arg11[%swap3A_95, %swap3A_96], %swap3A_99 {strides = array<i32>} : memref<1x128xi32, #tpu.memory_space<vmem>>, vector<1x16xi32>,
      %get3A_100 = arith.index_cast %mul3A_59 : i32 to index
      %get3A_101 = arith.constant 32 : index
      %get3A_102 = tpu.vector_load %arg13[%get3A_100, %get3A_101] {strides = array<i32>} : memref<80x128xi32, #tpu.memory_space<vmem>>, vector<1x16xi32>,
      %get3A_103 = vector.shape_cast %get3A_102 : vector<1x16xi32> to vector<16xi32>
      %and3A_104 = arith.constant 32767 : i32
      %and3A_105 = vector.broadcast %and3A_104 : i32 to vector<16xi32>
      %and3A_106 = arith.andi %get3A_103, %and3A_105 : vector<16xi32>
      %swap3A_107 = arith.constant 0 : i32
      %swap3A_108 = arith.index_cast %swap3A_107 : i32 to index
      %swap3A_109 = arith.constant 32 : index
      %swap3A_110 = tpu.vector_load %arg9[%swap3A_108, %swap3A_109] {strides = array<i32>} : memref<1x128xi32, #tpu.memory_space<vmem>>, vector<1x16xi32>,
      %swap3A_111 = vector.shape_cast %swap3A_110 : vector<1x16xi32> to vector<16xi32>
      %swap3A_112 = vector.shape_cast %and3A_106 : vector<16xi32> to vector<1x16xi32>
      tpu.vector_store %arg9[%swap3A_108, %swap3A_109], %swap3A_112 {strides = array<i32>} : memref<1x128xi32, #tpu.memory_space<vmem>>, vector<1x16xi32>,
      %shift_right_logical3A_113 = arith.constant 15 : i32
      %shift_right_logical3A_114 = vector.broadcast %shift_right_logical3A_113 : i32 to vector<16xi32>
      %shift_right_logical3A_115 = arith.shrui %get3A_103, %shift_right_logical3A_114 : vector<16xi32>
      %swap3A_116 = arith.constant 0 : i32
      %swap3A_117 = arith.index_cast %swap3A_116 : i32 to index
      %swap3A_118 = arith.constant 32 : index
      %swap3A_119 = tpu.vector_load %arg11[%swap3A_117, %swap3A_118] {strides = array<i32>} : memref<1x128xi32, #tpu.memory_space<vmem>>, vector<1x16xi32>,
      %swap3A_120 = vector.shape_cast %swap3A_119 : vector<1x16xi32> to vector<16xi32>
      %swap3A_121 = vector.shape_cast %shift_right_logical3A_115 : vector<16xi32> to vector<1x16xi32>
      tpu.vector_store %arg11[%swap3A_117, %swap3A_118], %swap3A_121 {strides = array<i32>} : memref<1x128xi32, #tpu.memory_space<vmem>>, vector<1x16xi32>,
      %get3A_122 = arith.index_cast %mul3A_59 : i32 to index
      %get3A_123 = arith.constant 48 : index
      %get3A_124 = tpu.vector_load %arg13[%get3A_122, %get3A_123] {strides = array<i32>} : memref<80x128xi32, #tpu.memory_space<vmem>>, vector<1x16xi32>,
      %get3A_125 = vector.shape_cast %get3A_124 : vector<1x16xi32> to vector<16xi32>
      %and3A_126 = arith.constant 32767 : i32
      %and3A_127 = vector.broadcast %and3A_126 : i32 to vector<16xi32>
      %and3A_128 = arith.andi %get3A_125, %and3A_127 : vector<16xi32>
      %swap3A_129 = arith.constant 0 : i32
      %swap3A_130 = arith.index_cast %swap3A_129 : i32 to index
      %swap3A_131 = arith.constant 48 : index
      %swap3A_132 = tpu.vector_load %arg9[%swap3A_130, %swap3A_131] {strides = array<i32>} : memref<1x128xi32, #tpu.memory_space<vmem>>, vector<1x16xi32>,
      %swap3A_133 = vector.shape_cast %swap3A_132 : vector<1x16xi32> to vector<16xi32>
      %swap3A_134 = vector.shape_cast %and3A_128 : vector<16xi32> to vector<1x16xi32>
      tpu.vector_store %arg9[%swap3A_130, %swap3A_131], %swap3A_134 {strides = array<i32>} : memref<1x128xi32, #tpu.memory_space<vmem>>, vector<1x16xi32>,
      %shift_right_logical3A_135 = arith.constant 15 : i32
      %shift_right_logical3A_136 = vector.broadcast %shift_right_logical3A_135 : i32 to vector<16xi32>
      %shift_right_logical3A_137 = arith.shrui %get3A_125, %shift_right_logical3A_136 : vector<16xi32>
      %swap3A_138 = arith.constant 0 : i32
      %swap3A_139 = arith.index_cast %swap3A_138 : i32 to index
      %swap3A_140 = arith.constant 48 : index
      %swap3A_141 = tpu.vector_load %arg11[%swap3A_139, %swap3A_140] {strides = array<i32>} : memref<1x128xi32, #tpu.memory_space<vmem>>, vector<1x16xi32>,
      %swap3A_142 = vector.shape_cast %swap3A_141 : vector<1x16xi32> to vector<16xi32>
      %swap3A_143 = vector.shape_cast %shift_right_logical3A_137 : vector<16xi32> to vector<1x16xi32>
      tpu.vector_store %arg11[%swap3A_139, %swap3A_140], %swap3A_143 {strides = array<i32>} : memref<1x128xi32, #tpu.memory_space<vmem>>, vector<1x16xi32>,
      %get3A_144 = arith.index_cast %mul3A_59 : i32 to index
      %get3A_145 = arith.constant 64 : index
      %get3A_146 = tpu.vector_load %arg13[%get3A_144, %get3A_145] {strides = array<i32>} : memref<80x128xi32, #tpu.memory_space<vmem>>, vector<1x16xi32>,
      %get3A_147 = vector.shape_cast %get3A_146 : vector<1x16xi32> to vector<16xi32>
      %and3A_148 = arith.constant 32767 : i32
      %and3A_149 = vector.broadcast %and3A_148 : i32 to vector<16xi32>
      %and3A_150 = arith.andi %get3A_147, %and3A_149 : vector<16xi32>
      %swap3A_151 = arith.constant 0 : i32
      %swap3A_152 = arith.index_cast %swap3A_151 : i32 to index
      %swap3A_153 = arith.constant 64 : index
      %swap3A_154 = tpu.vector_load %arg9[%swap3A_152, %swap3A_153] {strides = array<i32>} : memref<1x128xi32, #tpu.memory_space<vmem>>, vector<1x16xi32>,
      %swap3A_155 = vector.shape_cast %swap3A_154 : vector<1x16xi32> to vector<16xi32>
      %swap3A_156 = vector.shape_cast %and3A_150 : vector<16xi32> to vector<1x16xi32>
      tpu.vector_store %arg9[%swap3A_152, %swap3A_153], %swap3A_156 {strides = array<i32>} : memref<1x128xi32, #tpu.memory_space<vmem>>, vector<1x16xi32>,
      %shift_right_logical3A_157 = arith.constant 15 : i32
      %shift_right_logical3A_158 = vector.broadcast %shift_right_logical3A_157 : i32 to vector<16xi32>
      %shift_right_logical3A_159 = arith.shrui %get3A_147, %shift_right_logical3A_158 : vector<16xi32>
      %swap3A_160 = arith.constant 0 : i32
      %swap3A_161 = arith.index_cast %swap3A_160 : i32 to index
      %swap3A_162 = arith.constant 64 : index
      %swap3A_163 = tpu.vector_load %arg11[%swap3A_161, %swap3A_162] {strides = array<i32>} : memref<1x128xi32, #tpu.memory_space<vmem>>, vector<1x16xi32>,
      %swap3A_164 = vector.shape_cast %swap3A_163 : vector<1x16xi32> to vector<16xi32>
      %swap3A_165 = vector.shape_cast %shift_right_logical3A_159 : vector<16xi32> to vector<1x16xi32>
      tpu.vector_store %arg11[%swap3A_161, %swap3A_162], %swap3A_165 {strides = array<i32>} : memref<1x128xi32, #tpu.memory_space<vmem>>, vector<1x16xi32>,
      %get3A_166 = arith.index_cast %mul3A_59 : i32 to index
      %get3A_167 = arith.constant 80 : index
      %get3A_168 = tpu.vector_load %arg13[%get3A_166, %get3A_167] {strides = array<i32>} : memref<80x128xi32, #tpu.memory_space<vmem>>, vector<1x16xi32>,
      %get3A_169 = vector.shape_cast %get3A_168 : vector<1x16xi32> to vector<16xi32>
      %and3A_170 = arith.constant 32767 : i32
      %and3A_171 = vector.broadcast %and3A_170 : i32 to vector<16xi32>
      %and3A_172 = arith.andi %get3A_169, %and3A_171 : vector<16xi32>
      %swap3A_173 = arith.constant 0 : i32
      %swap3A_174 = arith.index_cast %swap3A_173 : i32 to index
      %swap3A_175 = arith.constant 80 : index
      %swap3A_176 = tpu.vector_load %arg9[%swap3A_174, %swap3A_175] {strides = array<i32>} : memref<1x128xi32, #tpu.memory_space<vmem>>, vector<1x16xi32>,
      %swap3A_177 = vector.shape_cast %swap3A_176 : vector<1x16xi32> to vector<16xi32>
      %swap3A_178 = vector.shape_cast %and3A_172 : vector<16xi32> to vector<1x16xi32>
      tpu.vector_store %arg9[%swap3A_174, %swap3A_175], %swap3A_178 {strides = array<i32>} : memref<1x128xi32, #tpu.memory_space<vmem>>, vector<1x16xi32>,
      %shift_right_logical3A_179 = arith.constant 15 : i32
      %shift_right_logical3A_180 = vector.broadcast %shift_right_logical3A_179 : i32 to vector<16xi32>
      %shift_right_logical3A_181 = arith.shrui %get3A_169, %shift_right_logical3A_180 : vector<16xi32>
      %swap3A_182 = arith.constant 0 : i32
      %swap3A_183 = arith.index_cast %swap3A_182 : i32 to index
      %swap3A_184 = arith.constant 80 : index
      %swap3A_185 = tpu.vector_load %arg11[%swap3A_183, %swap3A_184] {strides = array<i32>} : memref<1x128xi32, #tpu.memory_space<vmem>>, vector<1x16xi32>,
      %swap3A_186 = vector.shape_cast %swap3A_185 : vector<1x16xi32> to vector<16xi32>
      %swap3A_187 = vector.shape_cast %shift_right_logical3A_181 : vector<16xi32> to vector<1x16xi32>
      tpu.vector_store %arg11[%swap3A_183, %swap3A_184], %swap3A_187 {strides = array<i32>} : memref<1x128xi32, #tpu.memory_space<vmem>>, vector<1x16xi32>,
      %get3A_188 = arith.index_cast %mul3A_59 : i32 to index
      %get3A_189 = arith.constant 96 : index
      %get3A_190 = tpu.vector_load %arg13[%get3A_188, %get3A_189] {strides = array<i32>} : memref<80x128xi32, #tpu.memory_space<vmem>>, vector<1x16xi32>,
      %get3A_191 = vector.shape_cast %get3A_190 : vector<1x16xi32> to vector<16xi32>
      %and3A_192 = arith.constant 32767 : i32
      %and3A_193 = vector.broadcast %and3A_192 : i32 to vector<16xi32>
      %and3A_194 = arith.andi %get3A_191, %and3A_193 : vector<16xi32>
      %swap3A_195 = arith.constant 0 : i32
      %swap3A_196 = arith.index_cast %swap3A_195 : i32 to index
      %swap3A_197 = arith.constant 96 : index
      %swap3A_198 = tpu.vector_load %arg9[%swap3A_196, %swap3A_197] {strides = array<i32>} : memref<1x128xi32, #tpu.memory_space<vmem>>, vector<1x16xi32>,
      %swap3A_199 = vector.shape_cast %swap3A_198 : vector<1x16xi32> to vector<16xi32>
      %swap3A_200 = vector.shape_cast %and3A_194 : vector<16xi32> to vector<1x16xi32>
      tpu.vector_store %arg9[%swap3A_196, %swap3A_197], %swap3A_200 {strides = array<i32>} : memref<1x128xi32, #tpu.memory_space<vmem>>, vector<1x16xi32>,
      %shift_right_logical3A_201 = arith.constant 15 : i32
      %shift_right_logical3A_202 = vector.broadcast %shift_right_logical3A_201 : i32 to vector<16xi32>
      %shift_right_logical3A_203 = arith.shrui %get3A_191, %shift_right_logical3A_202 : vector<16xi32>
      %swap3A_204 = arith.constant 0 : i32
      %swap3A_205 = arith.index_cast %swap3A_204 : i32 to index
      %swap3A_206 = arith.constant 96 : index
      %swap3A_207 = tpu.vector_load %arg11[%swap3A_205, %swap3A_206] {strides = array<i32>} : memref<1x128xi32, #tpu.memory_space<vmem>>, vector<1x16xi32>,
      %swap3A_208 = vector.shape_cast %swap3A_207 : vector<1x16xi32> to vector<16xi32>
      %swap3A_209 = vector.shape_cast %shift_right_logical3A_203 : vector<16xi32> to vector<1x16xi32>
      tpu.vector_store %arg11[%swap3A_205, %swap3A_206], %swap3A_209 {strides = array<i32>} : memref<1x128xi32, #tpu.memory_space<vmem>>, vector<1x16xi32>,
      %get3A_210 = arith.index_cast %mul3A_59 : i32 to index
      %get3A_211 = arith.constant 112 : index
      %get3A_212 = tpu.vector_load %arg13[%get3A_210, %get3A_211] {strides = array<i32>} : memref<80x128xi32, #tpu.memory_space<vmem>>, vector<1x16xi32>,
      %get3A_213 = vector.shape_cast %get3A_212 : vector<1x16xi32> to vector<16xi32>
      %and3A_214 = arith.constant 32767 : i32
      %and3A_215 = vector.broadcast %and3A_214 : i32 to vector<16xi32>
      %and3A_216 = arith.andi %get3A_213, %and3A_215 : vector<16xi32>
      %swap3A_217 = arith.constant 0 : i32
      %swap3A_218 = arith.index_cast %swap3A_217 : i32 to index
      %swap3A_219 = arith.constant 112 : index
      %swap3A_220 = tpu.vector_load %arg9[%swap3A_218, %swap3A_219] {strides = array<i32>} : memref<1x128xi32, #tpu.memory_space<vmem>>, vector<1x16xi32>,
      %swap3A_221 = vector.shape_cast %swap3A_220 : vector<1x16xi32> to vector<16xi32>
      %swap3A_222 = vector.shape_cast %and3A_216 : vector<16xi32> to vector<1x16xi32>
      tpu.vector_store %arg9[%swap3A_218, %swap3A_219], %swap3A_222 {strides = array<i32>} : memref<1x128xi32, #tpu.memory_space<vmem>>, vector<1x16xi32>,
      %shift_right_logical3A_223 = arith.constant 15 : i32
      %shift_right_logical3A_224 = vector.broadcast %shift_right_logical3A_223 : i32 to vector<16xi32>
      %shift_right_logical3A_225 = arith.shrui %get3A_213, %shift_right_logical3A_224 : vector<16xi32>
      %swap3A_226 = arith.constant 0 : i32
      %swap3A_227 = arith.index_cast %swap3A_226 : i32 to index
      %swap3A_228 = arith.constant 112 : index
      %swap3A_229 = tpu.vector_load %arg11[%swap3A_227, %swap3A_228] {strides = array<i32>} : memref<1x128xi32, #tpu.memory_space<vmem>>, vector<1x16xi32>,
      %swap3A_230 = vector.shape_cast %swap3A_229 : vector<1x16xi32> to vector<16xi32>
      %swap3A_231 = vector.shape_cast %shift_right_logical3A_225 : vector<16xi32> to vector<1x16xi32>
      tpu.vector_store %arg11[%swap3A_227, %swap3A_228], %swap3A_231 {strides = array<i32>} : memref<1x128xi32, #tpu.memory_space<vmem>>, vector<1x16xi32>,
      %mul3A_232 = arith.constant 2 : i32
      %mul3A_233 = arith.muli %mul3A_232, %scan3A_57 : i32
      %add3A_234 = arith.constant 1 : i32
      %add3A_235 = arith.addi %mul3A_233, %add3A_234 : i32
      %get3A_236 = arith.index_cast %add3A_235 : i32 to index
      %get3A_237 = arith.constant 0 : index
      %get3A_238 = tpu.vector_load %arg13[%get3A_236, %get3A_237] {strides = array<i32>} : memref<80x128xi32, #tpu.memory_space<vmem>>, vector<1x16xi32>,
      %get3A_239 = vector.shape_cast %get3A_238 : vector<1x16xi32> to vector<16xi32>
      %and3A_240 = arith.constant 32767 : i32
      %and3A_241 = vector.broadcast %and3A_240 : i32 to vector<16xi32>
      %and3A_242 = arith.andi %get3A_239, %and3A_241 : vector<16xi32>
      %swap3A_243 = arith.constant 0 : i32
      %swap3A_244 = arith.index_cast %swap3A_243 : i32 to index
      %swap3A_245 = arith.constant 0 : index
      %swap3A_246 = tpu.vector_load %arg10[%swap3A_244, %swap3A_245] {strides = array<i32>} : memref<1x128xi32, #tpu.memory_space<vmem>>, vector<1x16xi32>,
      %swap3A_247 = vector.shape_cast %swap3A_246 : vector<1x16xi32> to vector<16xi32>
      %swap3A_248 = vector.shape_cast %and3A_242 : vector<16xi32> to vector<1x16xi32>
      tpu.vector_store %arg10[%swap3A_244, %swap3A_245], %swap3A_248 {strides = array<i32>} : memref<1x128xi32, #tpu.memory_space<vmem>>, vector<1x16xi32>,
      %shift_right_logical3A_249 = arith.constant 15 : i32
      %shift_right_logical3A_250 = vector.broadcast %shift_right_logical3A_249 : i32 to vector<16xi32>
      %shift_right_logical3A_251 = arith.shrui %get3A_239, %shift_right_logical3A_250 : vector<16xi32>
      %swap3A_252 = arith.constant 0 : i32
      %swap3A_253 = arith.index_cast %swap3A_252 : i32 to index
      %swap3A_254 = arith.constant 0 : index
      %swap3A_255 = tpu.vector_load %arg12[%swap3A_253, %swap3A_254] {strides = array<i32>} : memref<1x128xi32, #tpu.memory_space<vmem>>, vector<1x16xi32>,
      %swap3A_256 = vector.shape_cast %swap3A_255 : vector<1x16xi32> to vector<16xi32>
      %swap3A_257 = vector.shape_cast %shift_right_logical3A_251 : vector<16xi32> to vector<1x16xi32>
      tpu.vector_store %arg12[%swap3A_253, %swap3A_254], %swap3A_257 {strides = array<i32>} : memref<1x128xi32, #tpu.memory_space<vmem>>, vector<1x16xi32>,
      %get3A_258 = arith.index_cast %add3A_235 : i32 to index
      %get3A_259 = arith.constant 16 : index
      %get3A_260 = tpu.vector_load %arg13[%get3A_258, %get3A_259] {strides = array<i32>} : memref<80x128xi32, #tpu.memory_space<vmem>>, vector<1x16xi32>,
      %get3A_261 = vector.shape_cast %get3A_260 : vector<1x16xi32> to vector<16xi32>
      %and3A_262 = arith.constant 32767 : i32
      %and3A_263 = vector.broadcast %and3A_262 : i32 to vector<16xi32>
      %and3A_264 = arith.andi %get3A_261, %and3A_263 : vector<16xi32>
      %swap3A_265 = arith.constant 0 : i32
      %swap3A_266 = arith.index_cast %swap3A_265 : i32 to index
      %swap3A_267 = arith.constant 16 : index
      %swap3A_268 = tpu.vector_load %arg10[%swap3A_266, %swap3A_267] {strides = array<i32>} : memref<1x128xi32, #tpu.memory_space<vmem>>, vector<1x16xi32>,
      %swap3A_269 = vector.shape_cast %swap3A_268 : vector<1x16xi32> to vector<16xi32>
      %swap3A_270 = vector.shape_cast %and3A_264 : vector<16xi32> to vector<1x16xi32>
      tpu.vector_store %arg10[%swap3A_266, %swap3A_267], %swap3A_270 {strides = array<i32>} : memref<1x128xi32, #tpu.memory_space<vmem>>, vector<1x16xi32>,
      %shift_right_logical3A_271 = arith.constant 15 : i32
      %shift_right_logical3A_272 = vector.broadcast %shift_right_logical3A_271 : i32 to vector<16xi32>
      %shift_right_logical3A_273 = arith.shrui %get3A_261, %shift_right_logical3A_272 : vector<16xi32>
      %swap3A_274 = arith.constant 0 : i32
      %swap3A_275 = arith.index_cast %swap3A_274 : i32 to index
      %swap3A_276 = arith.constant 16 : index
      %swap3A_277 = tpu.vector_load %arg12[%swap3A_275, %swap3A_276] {strides = array<i32>} : memref<1x128xi32, #tpu.memory_space<vmem>>, vector<1x16xi32>,
      %swap3A_278 = vector.shape_cast %swap3A_277 : vector<1x16xi32> to vector<16xi32>
      %swap3A_279 = vector.shape_cast %shift_right_logical3A_273 : vector<16xi32> to vector<1x16xi32>
      tpu.vector_store %arg12[%swap3A_275, %swap3A_276], %swap3A_279 {strides = array<i32>} : memref<1x128xi32, #tpu.memory_space<vmem>>, vector<1x16xi32>,
      %get3A_280 = arith.index_cast %add3A_235 : i32 to index
      %get3A_281 = arith.constant 32 : index
      %get3A_282 = tpu.vector_load %arg13[%get3A_280, %get3A_281] {strides = array<i32>} : memref<80x128xi32, #tpu.memory_space<vmem>>, vector<1x16xi32>,
      %get3A_283 = vector.shape_cast %get3A_282 : vector<1x16xi32> to vector<16xi32>
      %and3A_284 = arith.constant 32767 : i32
      %and3A_285 = vector.broadcast %and3A_284 : i32 to vector<16xi32>
      %and3A_286 = arith.andi %get3A_283, %and3A_285 : vector<16xi32>
      %swap3A_287 = arith.constant 0 : i32
      %swap3A_288 = arith.index_cast %swap3A_287 : i32 to index
      %swap3A_289 = arith.constant 32 : index
      %swap3A_290 = tpu.vector_load %arg10[%swap3A_288, %swap3A_289] {strides = array<i32>} : memref<1x128xi32, #tpu.memory_space<vmem>>, vector<1x16xi32>,
      %swap3A_291 = vector.shape_cast %swap3A_290 : vector<1x16xi32> to vector<16xi32>
      %swap3A_292 = vector.shape_cast %and3A_286 : vector<16xi32> to vector<1x16xi32>
      tpu.vector_store %arg10[%swap3A_288, %swap3A_289], %swap3A_292 {strides = array<i32>} : memref<1x128xi32, #tpu.memory_space<vmem>>, vector<1x16xi32>,
      %shift_right_logical3A_293 = arith.constant 15 : i32
      %shift_right_logical3A_294 = vector.broadcast %shift_right_logical3A_293 : i32 to vector<16xi32>
      %shift_right_logical3A_295 = arith.shrui %get3A_283, %shift_right_logical3A_294 : vector<16xi32>
      %swap3A_296 = arith.constant 0 : i32
      %swap3A_297 = arith.index_cast %swap3A_296 : i32 to index
      %swap3A_298 = arith.constant 32 : index
      %swap3A_299 = tpu.vector_load %arg12[%swap3A_297, %swap3A_298] {strides = array<i32>} : memref<1x128xi32, #tpu.memory_space<vmem>>, vector<1x16xi32>,
      %swap3A_300 = vector.shape_cast %swap3A_299 : vector<1x16xi32> to vector<16xi32>
      %swap3A_301 = vector.shape_cast %shift_right_logical3A_295 : vector<16xi32> to vector<1x16xi32>
      tpu.vector_store %arg12[%swap3A_297, %swap3A_298], %swap3A_301 {strides = array<i32>} : memref<1x128xi32, #tpu.memory_space<vmem>>, vector<1x16xi32>,
      %get3A_302 = arith.index_cast %add3A_235 : i32 to index
      %get3A_303 = arith.constant 48 : index
      %get3A_304 = tpu.vector_load %arg13[%get3A_302, %get3A_303] {strides = array<i32>} : memref<80x128xi32, #tpu.memory_space<vmem>>, vector<1x16xi32>,
      %get3A_305 = vector.shape_cast %get3A_304 : vector<1x16xi32> to vector<16xi32>
      %and3A_306 = arith.constant 32767 : i32
      %and3A_307 = vector.broadcast %and3A_306 : i32 to vector<16xi32>
      %and3A_308 = arith.andi %get3A_305, %and3A_307 : vector<16xi32>
      %swap3A_309 = arith.constant 0 : i32
      %swap3A_310 = arith.index_cast %swap3A_309 : i32 to index
      %swap3A_311 = arith.constant 48 : index
      %swap3A_312 = tpu.vector_load %arg10[%swap3A_310, %swap3A_311] {strides = array<i32>} : memref<1x128xi32, #tpu.memory_space<vmem>>, vector<1x16xi32>,
      %swap3A_313 = vector.shape_cast %swap3A_312 : vector<1x16xi32> to vector<16xi32>
      %swap3A_314 = vector.shape_cast %and3A_308 : vector<16xi32> to vector<1x16xi32>
      tpu.vector_store %arg10[%swap3A_310, %swap3A_311], %swap3A_314 {strides = array<i32>} : memref<1x128xi32, #tpu.memory_space<vmem>>, vector<1x16xi32>,
      %shift_right_logical3A_315 = arith.constant 15 : i32
      %shift_right_logical3A_316 = vector.broadcast %shift_right_logical3A_315 : i32 to vector<16xi32>
      %shift_right_logical3A_317 = arith.shrui %get3A_305, %shift_right_logical3A_316 : vector<16xi32>
      %swap3A_318 = arith.constant 0 : i32
      %swap3A_319 = arith.index_cast %swap3A_318 : i32 to index
      %swap3A_320 = arith.constant 48 : index
      %swap3A_321 = tpu.vector_load %arg12[%swap3A_319, %swap3A_320] {strides = array<i32>} : memref<1x128xi32, #tpu.memory_space<vmem>>, vector<1x16xi32>,
      %swap3A_322 = vector.shape_cast %swap3A_321 : vector<1x16xi32> to vector<16xi32>
      %swap3A_323 = vector.shape_cast %shift_right_logical3A_317 : vector<16xi32> to vector<1x16xi32>
      tpu.vector_store %arg12[%swap3A_319, %swap3A_320], %swap3A_323 {strides = array<i32>} : memref<1x128xi32, #tpu.memory_space<vmem>>, vector<1x16xi32>,
      %get3A_324 = arith.index_cast %add3A_235 : i32 to index
      %get3A_325 = arith.constant 64 : index
      %get3A_326 = tpu.vector_load %arg13[%get3A_324, %get3A_325] {strides = array<i32>} : memref<80x128xi32, #tpu.memory_space<vmem>>, vector<1x16xi32>,
      %get3A_327 = vector.shape_cast %get3A_326 : vector<1x16xi32> to vector<16xi32>
      %and3A_328 = arith.constant 32767 : i32
      %and3A_329 = vector.broadcast %and3A_328 : i32 to vector<16xi32>
      %and3A_330 = arith.andi %get3A_327, %and3A_329 : vector<16xi32>
      %swap3A_331 = arith.constant 0 : i32
      %swap3A_332 = arith.index_cast %swap3A_331 : i32 to index
      %swap3A_333 = arith.constant 64 : index
      %swap3A_334 = tpu.vector_load %arg10[%swap3A_332, %swap3A_333] {strides = array<i32>} : memref<1x128xi32, #tpu.memory_space<vmem>>, vector<1x16xi32>,
      %swap3A_335 = vector.shape_cast %swap3A_334 : vector<1x16xi32> to vector<16xi32>
      %swap3A_336 = vector.shape_cast %and3A_330 : vector<16xi32> to vector<1x16xi32>
      tpu.vector_store %arg10[%swap3A_332, %swap3A_333], %swap3A_336 {strides = array<i32>} : memref<1x128xi32, #tpu.memory_space<vmem>>, vector<1x16xi32>,
      %shift_right_logical3A_337 = arith.constant 15 : i32
      %shift_right_logical3A_338 = vector.broadcast %shift_right_logical3A_337 : i32 to vector<16xi32>
      %shift_right_logical3A_339 = arith.shrui %get3A_327, %shift_right_logical3A_338 : vector<16xi32>
      %swap3A_340 = arith.constant 0 : i32
      %swap3A_341 = arith.index_cast %swap3A_340 : i32 to index
      %swap3A_342 = arith.constant 64 : index
      %swap3A_343 = tpu.vector_load %arg12[%swap3A_341, %swap3A_342] {strides = array<i32>} : memref<1x128xi32, #tpu.memory_space<vmem>>, vector<1x16xi32>,
      %swap3A_344 = vector.shape_cast %swap3A_343 : vector<1x16xi32> to vector<16xi32>
      %swap3A_345 = vector.shape_cast %shift_right_logical3A_339 : vector<16xi32> to vector<1x16xi32>
      tpu.vector_store %arg12[%swap3A_341, %swap3A_342], %swap3A_345 {strides = array<i32>} : memref<1x128xi32, #tpu.memory_space<vmem>>, vector<1x16xi32>,
      %get3A_346 = arith.index_cast %add3A_235 : i32 to index
      %get3A_347 = arith.constant 80 : index
      %get3A_348 = tpu.vector_load %arg13[%get3A_346, %get3A_347] {strides = array<i32>} : memref<80x128xi32, #tpu.memory_space<vmem>>, vector<1x16xi32>,
      %get3A_349 = vector.shape_cast %get3A_348 : vector<1x16xi32> to vector<16xi32>
      %and3A_350 = arith.constant 32767 : i32
      %and3A_351 = vector.broadcast %and3A_350 : i32 to vector<16xi32>
      %and3A_352 = arith.andi %get3A_349, %and3A_351 : vector<16xi32>
      %swap3A_353 = arith.constant 0 : i32
      %swap3A_354 = arith.index_cast %swap3A_353 : i32 to index
      %swap3A_355 = arith.constant 80 : index
      %swap3A_356 = tpu.vector_load %arg10[%swap3A_354, %swap3A_355] {strides = array<i32>} : memref<1x128xi32, #tpu.memory_space<vmem>>, vector<1x16xi32>,
      %swap3A_357 = vector.shape_cast %swap3A_356 : vector<1x16xi32> to vector<16xi32>
      %swap3A_358 = vector.shape_cast %and3A_352 : vector<16xi32> to vector<1x16xi32>
      tpu.vector_store %arg10[%swap3A_354, %swap3A_355], %swap3A_358 {strides = array<i32>} : memref<1x128xi32, #tpu.memory_space<vmem>>, vector<1x16xi32>,
      %shift_right_logical3A_359 = arith.constant 15 : i32
      %shift_right_logical3A_360 = vector.broadcast %shift_right_logical3A_359 : i32 to vector<16xi32>
      %shift_right_logical3A_361 = arith.shrui %get3A_349, %shift_right_logical3A_360 : vector<16xi32>
      %swap3A_362 = arith.constant 0 : i32
      %swap3A_363 = arith.index_cast %swap3A_362 : i32 to index
      %swap3A_364 = arith.constant 80 : index
      %swap3A_365 = tpu.vector_load %arg12[%swap3A_363, %swap3A_364] {strides = array<i32>} : memref<1x128xi32, #tpu.memory_space<vmem>>, vector<1x16xi32>,
      %swap3A_366 = vector.shape_cast %swap3A_365 : vector<1x16xi32> to vector<16xi32>
      %swap3A_367 = vector.shape_cast %shift_right_logical3A_361 : vector<16xi32> to vector<1x16xi32>
      tpu.vector_store %arg12[%swap3A_363, %swap3A_364], %swap3A_367 {strides = array<i32>} : memref<1x128xi32, #tpu.memory_space<vmem>>, vector<1x16xi32>,
      %get3A_368 = arith.index_cast %add3A_235 : i32 to index
      %get3A_369 = arith.constant 96 : index
      %get3A_370 = tpu.vector_load %arg13[%get3A_368, %get3A_369] {strides = array<i32>} : memref<80x128xi32, #tpu.memory_space<vmem>>, vector<1x16xi32>,
      %get3A_371 = vector.shape_cast %get3A_370 : vector<1x16xi32> to vector<16xi32>
      %and3A_372 = arith.constant 32767 : i32
      %and3A_373 = vector.broadcast %and3A_372 : i32 to vector<16xi32>
      %and3A_374 = arith.andi %get3A_371, %and3A_373 : vector<16xi32>
      %swap3A_375 = arith.constant 0 : i32
      %swap3A_376 = arith.index_cast %swap3A_375 : i32 to index
      %swap3A_377 = arith.constant 96 : index
      %swap3A_378 = tpu.vector_load %arg10[%swap3A_376, %swap3A_377] {strides = array<i32>} : memref<1x128xi32, #tpu.memory_space<vmem>>, vector<1x16xi32>,
      %swap3A_379 = vector.shape_cast %swap3A_378 : vector<1x16xi32> to vector<16xi32>
      %swap3A_380 = vector.shape_cast %and3A_374 : vector<16xi32> to vector<1x16xi32>
      tpu.vector_store %arg10[%swap3A_376, %swap3A_377], %swap3A_380 {strides = array<i32>} : memref<1x128xi32, #tpu.memory_space<vmem>>, vector<1x16xi32>,
      %shift_right_logical3A_381 = arith.constant 15 : i32
      %shift_right_logical3A_382 = vector.broadcast %shift_right_logical3A_381 : i32 to vector<16xi32>
      %shift_right_logical3A_383 = arith.shrui %get3A_371, %shift_right_logical3A_382 : vector<16xi32>
      %swap3A_384 = arith.constant 0 : i32
      %swap3A_385 = arith.index_cast %swap3A_384 : i32 to index
      %swap3A_386 = arith.constant 96 : index
      %swap3A_387 = tpu.vector_load %arg12[%swap3A_385, %swap3A_386] {strides = array<i32>} : memref<1x128xi32, #tpu.memory_space<vmem>>, vector<1x16xi32>,
      %swap3A_388 = vector.shape_cast %swap3A_387 : vector<1x16xi32> to vector<16xi32>
      %swap3A_389 = vector.shape_cast %shift_right_logical3A_383 : vector<16xi32> to vector<1x16xi32>
      tpu.vector_store %arg12[%swap3A_385, %swap3A_386], %swap3A_389 {strides = array<i32>} : memref<1x128xi32, #tpu.memory_space<vmem>>, vector<1x16xi32>,
      %get3A_390 = arith.index_cast %add3A_235 : i32 to index
      %get3A_391 = arith.constant 112 : index
      %get3A_392 = tpu.vector_load %arg13[%get3A_390, %get3A_391] {strides = array<i32>} : memref<80x128xi32, #tpu.memory_space<vmem>>, vector<1x16xi32>,
      %get3A_393 = vector.shape_cast %get3A_392 : vector<1x16xi32> to vector<16xi32>
      %and3A_394 = arith.constant 32767 : i32
      %and3A_395 = vector.broadcast %and3A_394 : i32 to vector<16xi32>
      %and3A_396 = arith.andi %get3A_393, %and3A_395 : vector<16xi32>
      %swap3A_397 = arith.constant 0 : i32
      %swap3A_398 = arith.index_cast %swap3A_397 : i32 to index
      %swap3A_399 = arith.constant 112 : index
      %swap3A_400 = tpu.vector_load %arg10[%swap3A_398, %swap3A_399] {strides = array<i32>} : memref<1x128xi32, #tpu.memory_space<vmem>>, vector<1x16xi32>,
      %swap3A_401 = vector.shape_cast %swap3A_400 : vector<1x16xi32> to vector<16xi32>
      %swap3A_402 = vector.shape_cast %and3A_396 : vector<16xi32> to vector<1x16xi32>
      tpu.vector_store %arg10[%swap3A_398, %swap3A_399], %swap3A_402 {strides = array<i32>} : memref<1x128xi32, #tpu.memory_space<vmem>>, vector<1x16xi32>,
      %shift_right_logical3A_403 = arith.constant 15 : i32
      %shift_right_logical3A_404 = vector.broadcast %shift_right_logical3A_403 : i32 to vector<16xi32>
      %shift_right_logical3A_405 = arith.shrui %get3A_393, %shift_right_logical3A_404 : vector<16xi32>
      %swap3A_406 = arith.constant 0 : i32
      %swap3A_407 = arith.index_cast %swap3A_406 : i32 to index
      %swap3A_408 = arith.constant 112 : index
      %swap3A_409 = tpu.vector_load %arg12[%swap3A_407, %swap3A_408] {strides = array<i32>} : memref<1x128xi32, #tpu.memory_space<vmem>>, vector<1x16xi32>,
      %swap3A_410 = vector.shape_cast %swap3A_409 : vector<1x16xi32> to vector<16xi32>
      %swap3A_411 = vector.shape_cast %shift_right_logical3A_405 : vector<16xi32> to vector<1x16xi32>
      tpu.vector_store %arg12[%swap3A_407, %swap3A_408], %swap3A_411 {strides = array<i32>} : memref<1x128xi32, #tpu.memory_space<vmem>>, vector<1x16xi32>,
      %dma_start3A = arith.constant 0 : i32
      %dma_start3A_412 = arith.constant 0 : i32
      %dma_start3A_413 = tpu.memref_slice %arg9[%dma_start3A, %dma_start3A_412] : memref<1x128xi32, #tpu.memory_space<vmem>> -> memref<1x128xi32, #tpu.memory_space<vmem>>
      %dma_start3A_414 = tpu.memref_squeeze %dma_start3A_413 : memref<1x128xi32, #tpu.memory_space<vmem>> -> memref<128xi32, #tpu.memory_space<vmem>>
      %dma_start3A_415 = arith.constant 0 : i32
      %dma_start3A_416 = arith.constant 0 : i32
      %dma_start3A_417 = tpu.memref_slice %arg2[%dma_start3A_415, %dma_start3A_416] : memref<20480x128xf32, #tpu.memory_space<hbm>> -> memref<20480x128xf32, #tpu.memory_space<hbm>>
      tpu.enqueue_indirect_dma source(%dma_start3A_417 : memref<20480x128xf32, #tpu.memory_space<hbm>>) target(%arg7 : memref<128x128xf32, #tpu.memory_space<vmem>>) offsets(%dma_start3A_414 : memref<128xi32, #tpu.memory_space<vmem>>) semaphore(%arg15 : memref<!tpu.dma_semaphore, #tpu.memory_space<semaphore_mem>>)
      %dma_start3A_418 = arith.constant 0 : i32
      %dma_start3A_419 = arith.constant 0 : i32
      %dma_start3A_420 = tpu.memref_slice %arg10[%dma_start3A_418, %dma_start3A_419] : memref<1x128xi32, #tpu.memory_space<vmem>> -> memref<1x128xi32, #tpu.memory_space<vmem>>
      %dma_start3A_421 = tpu.memref_squeeze %dma_start3A_420 : memref<1x128xi32, #tpu.memory_space<vmem>> -> memref<128xi32, #tpu.memory_space<vmem>>
      %dma_start3A_422 = arith.constant 0 : i32
      %dma_start3A_423 = arith.constant 0 : i32
      %dma_start3A_424 = tpu.memref_slice %arg2[%dma_start3A_422, %dma_start3A_423] : memref<20480x128xf32, #tpu.memory_space<hbm>> -> memref<20480x128xf32, #tpu.memory_space<hbm>>
      tpu.enqueue_indirect_dma source(%dma_start3A_424 : memref<20480x128xf32, #tpu.memory_space<hbm>>) target(%arg8 : memref<128x128xf32, #tpu.memory_space<vmem>>) offsets(%dma_start3A_421 : memref<128xi32, #tpu.memory_space<vmem>>) semaphore(%arg16 : memref<!tpu.dma_semaphore, #tpu.memory_space<semaphore_mem>>)
      %dma_wait3A = arith.constant 0 : i32
      %dma_wait3A_425 = arith.constant 0 : i32
      %dma_wait3A_426 = tpu.memref_slice %arg9[%dma_wait3A, %dma_wait3A_425] : memref<1x128xi32, #tpu.memory_space<vmem>> -> memref<1x128xi32, #tpu.memory_space<vmem>>
      %dma_wait3A_427 = tpu.memref_squeeze %dma_wait3A_426 : memref<1x128xi32, #tpu.memory_space<vmem>> -> memref<128xi32, #tpu.memory_space<vmem>>
      %dma_wait3A_428 = arith.constant 0 : i32
      %dma_wait3A_429 = arith.constant 0 : i32
      %dma_wait3A_430 = tpu.memref_slice %arg2[%dma_wait3A_428, %dma_wait3A_429] : memref<20480x128xf32, #tpu.memory_space<hbm>> -> memref<20480x128xf32, #tpu.memory_space<hbm>>
      tpu.wait_indirect_dma semaphore(%arg15 : memref<!tpu.dma_semaphore, #tpu.memory_space<semaphore_mem>>) src(%dma_wait3A_430 : memref<20480x128xf32, #tpu.memory_space<hbm>>) dst(%arg7 : memref<128x128xf32, #tpu.memory_space<vmem>>)
      %run_scoped3A = arith.constant 0 : i32
      "tpu.region"() ({
        %run_scoped3A_439 = tpu.sem_alloc : memref<!tpu.dma_semaphore, #tpu.memory_space<semaphore_mem>>
        %dma_start3A_440 = arith.constant 0 : i32
        %dma_start3A_441 = tpu.memref_slice %arg11[%run_scoped3A, %dma_start3A_440] : memref<1x128xi32, #tpu.memory_space<vmem>> -> memref<1x128xi32, #tpu.memory_space<vmem>>
        %dma_start3A_442 = tpu.memref_squeeze %dma_start3A_441 : memref<1x128xi32, #tpu.memory_space<vmem>> -> memref<128xi32, #tpu.memory_space<vmem>>
        %dma_start3A_443 = arith.constant 0 : i32
        %dma_start3A_444 = arith.constant 0 : i32
        %dma_start3A_445 = tpu.memref_slice %arg14[%dma_start3A_443, %dma_start3A_444] : memref<10240x128xf32, #tpu.memory_space<vmem_shared>> -> memref<10240x128xf32, #tpu.memory_space<vmem_shared>>
        tpu.enqueue_indirect_dma source(%arg7 : memref<128x128xf32, #tpu.memory_space<vmem>>) target(%dma_start3A_445 : memref<10240x128xf32, #tpu.memory_space<vmem_shared>>) offsets(%dma_start3A_442 : memref<128xi32, #tpu.memory_space<vmem>>) semaphore(%run_scoped3A_439 : memref<!tpu.dma_semaphore, #tpu.memory_space<semaphore_mem>>) {add = true}
        %dma_wait3A_446 = arith.constant 0 : i32
        %dma_wait3A_447 = tpu.memref_slice %arg11[%run_scoped3A, %dma_wait3A_446] : memref<1x128xi32, #tpu.memory_space<vmem>> -> memref<1x128xi32, #tpu.memory_space<vmem>>
        %dma_wait3A_448 = tpu.memref_squeeze %dma_wait3A_447 : memref<1x128xi32, #tpu.memory_space<vmem>> -> memref<128xi32, #tpu.memory_space<vmem>>
        %dma_wait3A_449 = arith.constant 0 : i32
        %dma_wait3A_450 = arith.constant 0 : i32
        %dma_wait3A_451 = tpu.memref_slice %arg14[%dma_wait3A_449, %dma_wait3A_450] : memref<10240x128xf32, #tpu.memory_space<vmem_shared>> -> memref<10240x128xf32, #tpu.memory_space<vmem_shared>>
        tpu.wait_indirect_dma semaphore(%run_scoped3A_439 : memref<!tpu.dma_semaphore, #tpu.memory_space<semaphore_mem>>) src(%arg7 : memref<128x128xf32, #tpu.memory_space<vmem>>) dst(%dma_wait3A_451 : memref<10240x128xf32, #tpu.memory_space<vmem_shared>>)
        tpu.yield
      }) : () -> ()
      %dma_wait3A_431 = arith.constant 0 : i32
      %dma_wait3A_432 = arith.constant 0 : i32
      %dma_wait3A_433 = tpu.memref_slice %arg10[%dma_wait3A_431, %dma_wait3A_432] : memref<1x128xi32, #tpu.memory_space<vmem>> -> memref<1x128xi32, #tpu.memory_space<vmem>>
      %dma_wait3A_434 = tpu.memref_squeeze %dma_wait3A_433 : memref<1x128xi32, #tpu.memory_space<vmem>> -> memref<128xi32, #tpu.memory_space<vmem>>
      %dma_wait3A_435 = arith.constant 0 : i32
      %dma_wait3A_436 = arith.constant 0 : i32
      %dma_wait3A_437 = tpu.memref_slice %arg2[%dma_wait3A_435, %dma_wait3A_436] : memref<20480x128xf32, #tpu.memory_space<hbm>> -> memref<20480x128xf32, #tpu.memory_space<hbm>>
      tpu.wait_indirect_dma semaphore(%arg16 : memref<!tpu.dma_semaphore, #tpu.memory_space<semaphore_mem>>) src(%dma_wait3A_437 : memref<20480x128xf32, #tpu.memory_space<hbm>>) dst(%arg8 : memref<128x128xf32, #tpu.memory_space<vmem>>)
      %run_scoped3A_438 = arith.constant 0 : i32
      "tpu.region"() ({
        %run_scoped3A_439 = tpu.sem_alloc : memref<!tpu.dma_semaphore, #tpu.memory_space<semaphore_mem>>
        %dma_start3A_440 = arith.constant 0 : i32
        %dma_start3A_441 = tpu.memref_slice %arg12[%run_scoped3A_438, %dma_start3A_440] : memref<1x128xi32, #tpu.memory_space<vmem>> -> memref<1x128xi32, #tpu.memory_space<vmem>>
        %dma_start3A_442 = tpu.memref_squeeze %dma_start3A_441 : memref<1x128xi32, #tpu.memory_space<vmem>> -> memref<128xi32, #tpu.memory_space<vmem>>
        %dma_start3A_443 = arith.constant 0 : i32
        %dma_start3A_444 = arith.constant 0 : i32
        %dma_start3A_445 = tpu.memref_slice %arg14[%dma_start3A_443, %dma_start3A_444] : memref<10240x128xf32, #tpu.memory_space<vmem_shared>> -> memref<10240x128xf32, #tpu.memory_space<vmem_shared>>
        tpu.enqueue_indirect_dma source(%arg8 : memref<128x128xf32, #tpu.memory_space<vmem>>) target(%dma_start3A_445 : memref<10240x128xf32, #tpu.memory_space<vmem_shared>>) offsets(%dma_start3A_442 : memref<128xi32, #tpu.memory_space<vmem>>) semaphore(%run_scoped3A_439 : memref<!tpu.dma_semaphore, #tpu.memory_space<semaphore_mem>>) {add = true}
        %dma_wait3A_446 = arith.constant 0 : i32
        %dma_wait3A_447 = tpu.memref_slice %arg12[%run_scoped3A_438, %dma_wait3A_446] : memref<1x128xi32, #tpu.memory_space<vmem>> -> memref<1x128xi32, #tpu.memory_space<vmem>>
        %dma_wait3A_448 = tpu.memref_squeeze %dma_wait3A_447 : memref<1x128xi32, #tpu.memory_space<vmem>> -> memref<128xi32, #tpu.memory_space<vmem>>
        %dma_wait3A_449 = arith.constant 0 : i32
        %dma_wait3A_450 = arith.constant 0 : i32
        %dma_wait3A_451 = tpu.memref_slice %arg14[%dma_wait3A_449, %dma_wait3A_450] : memref<10240x128xf32, #tpu.memory_space<vmem_shared>> -> memref<10240x128xf32, #tpu.memory_space<vmem_shared>>
        tpu.wait_indirect_dma semaphore(%run_scoped3A_439 : memref<!tpu.dma_semaphore, #tpu.memory_space<semaphore_mem>>) src(%arg8 : memref<128x128xf32, #tpu.memory_space<vmem>>) dst(%dma_wait3A_451 : memref<10240x128xf32, #tpu.memory_space<vmem_shared>>)
        tpu.yield
      }) : () -> ()
    }
    %scan3A_19 = arith.constant 40 : i32
    %barrier3A_20 = arith.constant 0 : index
    tpu.barrier barrier_id(%barrier3A_20)
    %scan3A_21 = arith.constant 0 : i32
    %scan3A_22 = arith.constant 0 : i32
    %scan3A_23 = arith.constant 5 : i32
    %scan3A_24 = arith.addi %scan3A_22, %scan3A_23 : i32
    %scan3A_25 = arith.constant 1 : i32
    scf.for %scan3A_57 = %scan3A_22 to %scan3A_24 step %scan3A_25  : i32 {
      %mul3A_58 = arith.constant 640 : i32
      %mul3A_59 = arith.muli %arg1, %mul3A_58 : i32
      %mul3A_60 = arith.constant 128 : i32
      %mul3A_61 = arith.muli %scan3A_57, %mul3A_60 : i32
      %add3A_62 = arith.addi %mul3A_59, %mul3A_61 : i32
      "tpu.region"() ({
        %run_scoped3A = tpu.sem_alloc : memref<!tpu.dma_semaphore, #tpu.memory_space<semaphore_mem>>
        %dma_start3A = arith.constant 0 : i32
        %dma_start3A_64 = tpu.memref_slice %arg14[%add3A_62, %dma_start3A] : memref<10240x128xf32, #tpu.memory_space<vmem_shared>> -> memref<128x128xf32, #tpu.memory_space<vmem_shared>>
        %dma_start3A_65 = arith.constant 0 : i32
        %dma_start3A_66 = tpu.memref_slice %arg14[%add3A_62, %dma_start3A_65] : memref<10240x128xf32, #tpu.memory_space<vmem_shared>> -> memref<128x128xf32, #tpu.memory_space<vmem_shared>>
        tpu.enqueue_dma source(%dma_start3A_66 : memref<128x128xf32, #tpu.memory_space<vmem_shared>>) target(%arg7 : memref<128x128xf32, #tpu.memory_space<vmem>>) target_semaphore(%run_scoped3A : memref<!tpu.dma_semaphore, #tpu.memory_space<semaphore_mem>>)
        %dma_wait3A = arith.constant 0 : i32
        %dma_wait3A_67 = tpu.memref_slice %arg14[%add3A_62, %dma_wait3A] : memref<10240x128xf32, #tpu.memory_space<vmem_shared>> -> memref<128x128xf32, #tpu.memory_space<vmem_shared>>
        %dma_wait3A_68 = arith.constant 0 : i32
        %dma_wait3A_69 = tpu.memref_slice %arg14[%add3A_62, %dma_wait3A_68] : memref<10240x128xf32, #tpu.memory_space<vmem_shared>> -> memref<128x128xf32, #tpu.memory_space<vmem_shared>>
        tpu.wait_dma2 semaphore(%run_scoped3A : memref<!tpu.dma_semaphore, #tpu.memory_space<semaphore_mem>>) src(%dma_wait3A_69 : memref<128x128xf32, #tpu.memory_space<vmem_shared>>) dst(%arg7 : memref<128x128xf32, #tpu.memory_space<vmem>>)
        tpu.yield
      }) : () -> ()
      %add3A_63 = arith.addi %mul3A_2, %add3A_62 : i32
      "tpu.region"() ({
        %run_scoped3A = tpu.sem_alloc : memref<!tpu.dma_semaphore, #tpu.memory_space<semaphore_mem>>
        %dma_start3A = arith.constant 0 : i32
        %dma_start3A_64 = tpu.memref_slice %arg6[%add3A_63, %dma_start3A] : memref<40960x128xf32, #tpu.memory_space<hbm>> -> memref<128x128xf32, #tpu.memory_space<hbm>>
        %dma_start3A_65 = arith.constant 0 : i32
        %dma_start3A_66 = tpu.memref_slice %arg6[%add3A_63, %dma_start3A_65] : memref<40960x128xf32, #tpu.memory_space<hbm>> -> memref<128x128xf32, #tpu.memory_space<hbm>>
        tpu.enqueue_dma source(%arg7 : memref<128x128xf32, #tpu.memory_space<vmem>>) target(%dma_start3A_66 : memref<128x128xf32, #tpu.memory_space<hbm>>) target_semaphore(%run_scoped3A : memref<!tpu.dma_semaphore, #tpu.memory_space<semaphore_mem>>)
        %dma_wait3A = arith.constant 0 : i32
        %dma_wait3A_67 = tpu.memref_slice %arg6[%add3A_63, %dma_wait3A] : memref<40960x128xf32, #tpu.memory_space<hbm>> -> memref<128x128xf32, #tpu.memory_space<hbm>>
        %dma_wait3A_68 = arith.constant 0 : i32
        %dma_wait3A_69 = tpu.memref_slice %arg6[%add3A_63, %dma_wait3A_68] : memref<40960x128xf32, #tpu.memory_space<hbm>> -> memref<128x128xf32, #tpu.memory_space<hbm>>
        tpu.wait_dma2 semaphore(%run_scoped3A : memref<!tpu.dma_semaphore, #tpu.memory_space<semaphore_mem>>) src(%arg7 : memref<128x128xf32, #tpu.memory_space<vmem>>) dst(%dma_wait3A_69 : memref<128x128xf32, #tpu.memory_space<hbm>>)
        tpu.yield
      }) : () -> ()
    }
    %scan3A_26 = arith.constant 5 : i32
    %add3A_27 = arith.constant 2 : i32
    %add3A_28 = arith.addi %add3A_27, %arg0 : i32
    %mul3A_29 = arith.constant 10240 : i32
    %mul3A_30 = arith.muli %add3A_28, %mul3A_29 : i32
    "tpu.region"() ({
      %run_scoped3A = tpu.sem_alloc : memref<!tpu.dma_semaphore, #tpu.memory_space<semaphore_mem>>
      %dma_start3A = arith.constant 0 : i32
      %dma_start3A_57 = arith.constant 0 : i32
      %dma_start3A_58 = tpu.memref_slice %arg5[%add3A, %dma_start3A, %dma_start3A_57] : memref<32x80x128xi32, #tpu.memory_space<hbm>> -> memref<1x80x128xi32, #tpu.memory_space<hbm>>
      %dma_start3A_59 = tpu.memref_squeeze %dma_start3A_58 : memref<1x80x128xi32, #tpu.memory_space<hbm>> -> memref<80x128xi32, #tpu.memory_space<hbm>>
      %dma_start3A_60 = arith.constant 0 : i32
      %dma_start3A_61 = arith.constant 0 : i32
      %dma_start3A_62 = tpu.memref_slice %arg5[%add3A, %dma_start3A_60, %dma_start3A_61] : memref<32x80x128xi32, #tpu.memory_space<hbm>> -> memref<1x80x128xi32, #tpu.memory_space<hbm>>
      %dma_start3A_63 = tpu.memref_squeeze %dma_start3A_62 : memref<1x80x128xi32, #tpu.memory_space<hbm>> -> memref<80x128xi32, #tpu.memory_space<hbm>>
      tpu.enqueue_dma source(%dma_start3A_63 : memref<80x128xi32, #tpu.memory_space<hbm>>) target(%arg13 : memref<80x128xi32, #tpu.memory_space<vmem>>) target_semaphore(%run_scoped3A : memref<!tpu.dma_semaphore, #tpu.memory_space<semaphore_mem>>)
      %dma_wait3A = arith.constant 0 : i32
      %dma_wait3A_64 = arith.constant 0 : i32
      %dma_wait3A_65 = tpu.memref_slice %arg5[%add3A, %dma_wait3A, %dma_wait3A_64] : memref<32x80x128xi32, #tpu.memory_space<hbm>> -> memref<1x80x128xi32, #tpu.memory_space<hbm>>
      %dma_wait3A_66 = tpu.memref_squeeze %dma_wait3A_65 : memref<1x80x128xi32, #tpu.memory_space<hbm>> -> memref<80x128xi32, #tpu.memory_space<hbm>>
      %dma_wait3A_67 = arith.constant 0 : i32
      %dma_wait3A_68 = arith.constant 0 : i32
      %dma_wait3A_69 = tpu.memref_slice %arg5[%add3A, %dma_wait3A_67, %dma_wait3A_68] : memref<32x80x128xi32, #tpu.memory_space<hbm>> -> memref<1x80x128xi32, #tpu.memory_space<hbm>>
      %dma_wait3A_70 = tpu.memref_squeeze %dma_wait3A_69 : memref<1x80x128xi32, #tpu.memory_space<hbm>> -> memref<80x128xi32, #tpu.memory_space<hbm>>
      tpu.wait_dma2 semaphore(%run_scoped3A : memref<!tpu.dma_semaphore, #tpu.memory_space<semaphore_mem>>) src(%dma_wait3A_70 : memref<80x128xi32, #tpu.memory_space<hbm>>) dst(%arg13 : memref<80x128xi32, #tpu.memory_space<vmem>>)
      tpu.yield
    }) : () -> ()
    %scan3A_31 = arith.constant 0 : i32
    %scan3A_32 = arith.constant 0 : i32
    %scan3A_33 = arith.constant 1024 : i32
    %scan3A_34 = arith.addi %scan3A_32, %scan3A_33 : i32
    %scan3A_35 = arith.constant 1 : i32
    scf.for %scan3A_57 = %scan3A_32 to %scan3A_34 step %scan3A_35  : i32 {
      %broadcast_in_dim3A = arith.constant 0.000000e+00 : f32
      %broadcast_in_dim3A_58 = vector.broadcast %broadcast_in_dim3A : f32 to vector<16xf32>
      %jit3A = arith.constant 8 : i32
      %div3A = arith.divsi %scan3A_57, %jit3A : i32
      %sign3A = arith.constant 0 : i32
      %sign3A_59 = arith.cmpi sgt, %scan3A_57, %sign3A : i32
      %sign3A_60 = arith.extui %sign3A_59 : i1 to i32
      %sign3A_61 = arith.constant 0 : i32
      %sign3A_62 = arith.cmpi slt, %scan3A_57, %sign3A_61 : i32
      %sign3A_63 = arith.extui %sign3A_62 : i1 to i32
      %sign3A_64 = arith.subi %sign3A_60, %sign3A_63 : i32
      %sign3A_65 = arith.constant 0 : i32
      %sign3A_66 = arith.cmpi sgt, %jit3A, %sign3A_65 : i32
      %sign3A_67 = arith.extui %sign3A_66 : i1 to i32
      %sign3A_68 = arith.constant 0 : i32
      %sign3A_69 = arith.cmpi slt, %jit3A, %sign3A_68 : i32
      %sign3A_70 = arith.extui %sign3A_69 : i1 to i32
      %sign3A_71 = arith.subi %sign3A_67, %sign3A_70 : i32
      %ne3A = arith.cmpi ne, %sign3A_64, %sign3A_71 : i32
      %rem3A = arith.remsi %scan3A_57, %jit3A : i32
      %ne3A_72 = arith.constant 0 : i32
      %ne3A_73 = arith.cmpi ne, %rem3A, %ne3A_72 : i32
      %and3A = arith.andi %ne3A, %ne3A_73 : i1
      %sub3A = arith.constant 1 : i32
      %sub3A_74 = arith.subi %div3A, %sub3A : i32
      %select_n3A = arith.select %and3A, %sub3A_74, %div3A : i32
      %jit3A_75 = arith.constant 8 : i32
      %eq3A = arith.constant 0 : i32
      %eq3A_76 = arith.cmpi eq, %jit3A_75, %eq3A : i32
      %jit3A_77 = arith.constant 1 : i32
      %select_n3A_78 = arith.select %eq3A_76, %jit3A_77, %jit3A_75 : i32
      %rem3A_79 = arith.remsi %scan3A_57, %select_n3A_78 : i32
      %ne3A_80 = arith.constant 0 : i32
      %ne3A_81 = arith.cmpi ne, %rem3A_79, %ne3A_80 : i32
      %lt3A = arith.constant 0 : i32
      %lt3A_82 = arith.cmpi slt, %rem3A_79, %lt3A : i32
      %lt3A_83 = arith.constant 0 : i32
      %lt3A_84 = arith.cmpi slt, %select_n3A_78, %lt3A_83 : i32
      %ne3A_85 = arith.xori %lt3A_82, %lt3A_84 : i1
      %and3A_86 = arith.andi %ne3A_85, %ne3A_81 : i1
      %add3A_87 = arith.addi %rem3A_79, %select_n3A_78 : i32
      %select_n3A_88 = arith.select %and3A_86, %add3A_87, %rem3A_79 : i32
      %mul3A_89 = arith.constant 16 : i32
      %mul3A_90 = arith.muli %select_n3A_88, %mul3A_89 : i32
      %swap3A = arith.index_cast %select_n3A : i32 to index
      %swap3A_91 = arith.index_cast %mul3A_90 : i32 to index
      %swap3A_92 = tpu.vector_load %arg7[%swap3A, %swap3A_91] {strides = array<i32>} : memref<128x128xf32, #tpu.memory_space<vmem>>, vector<1x16xf32>,
      %swap3A_93 = vector.shape_cast %swap3A_92 : vector<1x16xf32> to vector<16xf32>
      %swap3A_94 = vector.shape_cast %broadcast_in_dim3A_58 : vector<16xf32> to vector<1x16xf32>
      tpu.vector_store %arg7[%swap3A, %swap3A_91], %swap3A_94 {strides = array<i32>} : memref<128x128xf32, #tpu.memory_space<vmem>>, vector<1x16xf32>,
    }
    %scan3A_36 = arith.constant 1024 : i32
    %scan3A_37 = arith.constant 0 : i32
    %scan3A_38 = arith.constant 0 : i32
    %scan3A_39 = arith.constant 5 : i32
    %scan3A_40 = arith.addi %scan3A_38, %scan3A_39 : i32
    %scan3A_41 = arith.constant 1 : i32
    scf.for %scan3A_57 = %scan3A_38 to %scan3A_40 step %scan3A_41  : i32 {
      %mul3A_58 = arith.constant 640 : i32
      %mul3A_59 = arith.muli %arg1, %mul3A_58 : i32
      %mul3A_60 = arith.constant 128 : i32
      %mul3A_61 = arith.muli %scan3A_57, %mul3A_60 : i32
      %add3A_62 = arith.addi %mul3A_59, %mul3A_61 : i32
      "tpu.region"() ({
        %run_scoped3A = tpu.sem_alloc : memref<!tpu.dma_semaphore, #tpu.memory_space<semaphore_mem>>
        %dma_start3A = arith.constant 0 : i32
        %dma_start3A_63 = tpu.memref_slice %arg14[%add3A_62, %dma_start3A] : memref<10240x128xf32, #tpu.memory_space<vmem_shared>> -> memref<128x128xf32, #tpu.memory_space<vmem_shared>>
        %dma_start3A_64 = arith.constant 0 : i32
        %dma_start3A_65 = tpu.memref_slice %arg14[%add3A_62, %dma_start3A_64] : memref<10240x128xf32, #tpu.memory_space<vmem_shared>> -> memref<128x128xf32, #tpu.memory_space<vmem_shared>>
        tpu.enqueue_dma source(%arg7 : memref<128x128xf32, #tpu.memory_space<vmem>>) target(%dma_start3A_65 : memref<128x128xf32, #tpu.memory_space<vmem_shared>>) target_semaphore(%run_scoped3A : memref<!tpu.dma_semaphore, #tpu.memory_space<semaphore_mem>>)
        %dma_wait3A = arith.constant 0 : i32
        %dma_wait3A_66 = tpu.memref_slice %arg14[%add3A_62, %dma_wait3A] : memref<10240x128xf32, #tpu.memory_space<vmem_shared>> -> memref<128x128xf32, #tpu.memory_space<vmem_shared>>
        %dma_wait3A_67 = arith.constant 0 : i32
        %dma_wait3A_68 = tpu.memref_slice %arg14[%add3A_62, %dma_wait3A_67] : memref<10240x128xf32, #tpu.memory_space<vmem_shared>> -> memref<128x128xf32, #tpu.memory_space<vmem_shared>>
        tpu.wait_dma2 semaphore(%run_scoped3A : memref<!tpu.dma_semaphore, #tpu.memory_space<semaphore_mem>>) src(%arg7 : memref<128x128xf32, #tpu.memory_space<vmem>>) dst(%dma_wait3A_68 : memref<128x128xf32, #tpu.memory_space<vmem_shared>>)
        tpu.yield
      }) : () -> ()
    }
    %scan3A_42 = arith.constant 5 : i32
    %barrier3A_43 = arith.constant 0 : index
    tpu.barrier barrier_id(%barrier3A_43)
    %scan3A_44 = arith.constant 0 : i32
    %scan3A_45 = arith.constant 0 : i32
    %scan3A_46 = arith.constant 40 : i32
    %scan3A_47 = arith.addi %scan3A_45, %scan3A_46 : i32
    %scan3A_48 = arith.constant 1 : i32
    scf.for %scan3A_57 = %scan3A_45 to %scan3A_47 step %scan3A_48  : i32 {
      %mul3A_58 = arith.constant 2 : i32
      %mul3A_59 = arith.muli %mul3A_58, %scan3A_57 : i32
      %get3A = arith.index_cast %mul3A_59 : i32 to index
      %get3A_60 = arith.constant 0 : index
      %get3A_61 = tpu.vector_load %arg13[%get3A, %get3A_60] {strides = array<i32>} : memref<80x128xi32, #tpu.memory_space<vmem>>, vector<1x16xi32>,
      %get3A_62 = vector.shape_cast %get3A_61 : vector<1x16xi32> to vector<16xi32>
      %and3A = arith.constant 32767 : i32
      %and3A_63 = vector.broadcast %and3A : i32 to vector<16xi32>
      %and3A_64 = arith.andi %get3A_62, %and3A_63 : vector<16xi32>
      %swap3A = arith.constant 0 : i32
      %swap3A_65 = arith.index_cast %swap3A : i32 to index
      %swap3A_66 = arith.constant 0 : index
      %swap3A_67 = tpu.vector_load %arg9[%swap3A_65, %swap3A_66] {strides = array<i32>} : memref<1x128xi32, #tpu.memory_space<vmem>>, vector<1x16xi32>,
      %swap3A_68 = vector.shape_cast %swap3A_67 : vector<1x16xi32> to vector<16xi32>
      %swap3A_69 = vector.shape_cast %and3A_64 : vector<16xi32> to vector<1x16xi32>
      tpu.vector_store %arg9[%swap3A_65, %swap3A_66], %swap3A_69 {strides = array<i32>} : memref<1x128xi32, #tpu.memory_space<vmem>>, vector<1x16xi32>,
      %shift_right_logical3A = arith.constant 15 : i32
      %shift_right_logical3A_70 = vector.broadcast %shift_right_logical3A : i32 to vector<16xi32>
      %shift_right_logical3A_71 = arith.shrui %get3A_62, %shift_right_logical3A_70 : vector<16xi32>
      %swap3A_72 = arith.constant 0 : i32
      %swap3A_73 = arith.index_cast %swap3A_72 : i32 to index
      %swap3A_74 = arith.constant 0 : index
      %swap3A_75 = tpu.vector_load %arg11[%swap3A_73, %swap3A_74] {strides = array<i32>} : memref<1x128xi32, #tpu.memory_space<vmem>>, vector<1x16xi32>,
      %swap3A_76 = vector.shape_cast %swap3A_75 : vector<1x16xi32> to vector<16xi32>
      %swap3A_77 = vector.shape_cast %shift_right_logical3A_71 : vector<16xi32> to vector<1x16xi32>
      tpu.vector_store %arg11[%swap3A_73, %swap3A_74], %swap3A_77 {strides = array<i32>} : memref<1x128xi32, #tpu.memory_space<vmem>>, vector<1x16xi32>,
      %get3A_78 = arith.index_cast %mul3A_59 : i32 to index
      %get3A_79 = arith.constant 16 : index
      %get3A_80 = tpu.vector_load %arg13[%get3A_78, %get3A_79] {strides = array<i32>} : memref<80x128xi32, #tpu.memory_space<vmem>>, vector<1x16xi32>,
      %get3A_81 = vector.shape_cast %get3A_80 : vector<1x16xi32> to vector<16xi32>
      %and3A_82 = arith.constant 32767 : i32
      %and3A_83 = vector.broadcast %and3A_82 : i32 to vector<16xi32>
      %and3A_84 = arith.andi %get3A_81, %and3A_83 : vector<16xi32>
      %swap3A_85 = arith.constant 0 : i32
      %swap3A_86 = arith.index_cast %swap3A_85 : i32 to index
      %swap3A_87 = arith.constant 16 : index
      %swap3A_88 = tpu.vector_load %arg9[%swap3A_86, %swap3A_87] {strides = array<i32>} : memref<1x128xi32, #tpu.memory_space<vmem>>, vector<1x16xi32>,
      %swap3A_89 = vector.shape_cast %swap3A_88 : vector<1x16xi32> to vector<16xi32>
      %swap3A_90 = vector.shape_cast %and3A_84 : vector<16xi32> to vector<1x16xi32>
      tpu.vector_store %arg9[%swap3A_86, %swap3A_87], %swap3A_90 {strides = array<i32>} : memref<1x128xi32, #tpu.memory_space<vmem>>, vector<1x16xi32>,
      %shift_right_logical3A_91 = arith.constant 15 : i32
      %shift_right_logical3A_92 = vector.broadcast %shift_right_logical3A_91 : i32 to vector<16xi32>
      %shift_right_logical3A_93 = arith.shrui %get3A_81, %shift_right_logical3A_92 : vector<16xi32>
      %swap3A_94 = arith.constant 0 : i32
      %swap3A_95 = arith.index_cast %swap3A_94 : i32 to index
      %swap3A_96 = arith.constant 16 : index
      %swap3A_97 = tpu.vector_load %arg11[%swap3A_95, %swap3A_96] {strides = array<i32>} : memref<1x128xi32, #tpu.memory_space<vmem>>, vector<1x16xi32>,
      %swap3A_98 = vector.shape_cast %swap3A_97 : vector<1x16xi32> to vector<16xi32>
      %swap3A_99 = vector.shape_cast %shift_right_logical3A_93 : vector<16xi32> to vector<1x16xi32>
      tpu.vector_store %arg11[%swap3A_95, %swap3A_96], %swap3A_99 {strides = array<i32>} : memref<1x128xi32, #tpu.memory_space<vmem>>, vector<1x16xi32>,
      %get3A_100 = arith.index_cast %mul3A_59 : i32 to index
      %get3A_101 = arith.constant 32 : index
      %get3A_102 = tpu.vector_load %arg13[%get3A_100, %get3A_101] {strides = array<i32>} : memref<80x128xi32, #tpu.memory_space<vmem>>, vector<1x16xi32>,
      %get3A_103 = vector.shape_cast %get3A_102 : vector<1x16xi32> to vector<16xi32>
      %and3A_104 = arith.constant 32767 : i32
      %and3A_105 = vector.broadcast %and3A_104 : i32 to vector<16xi32>
      %and3A_106 = arith.andi %get3A_103, %and3A_105 : vector<16xi32>
      %swap3A_107 = arith.constant 0 : i32
      %swap3A_108 = arith.index_cast %swap3A_107 : i32 to index
      %swap3A_109 = arith.constant 32 : index
      %swap3A_110 = tpu.vector_load %arg9[%swap3A_108, %swap3A_109] {strides = array<i32>} : memref<1x128xi32, #tpu.memory_space<vmem>>, vector<1x16xi32>,
      %swap3A_111 = vector.shape_cast %swap3A_110 : vector<1x16xi32> to vector<16xi32>
      %swap3A_112 = vector.shape_cast %and3A_106 : vector<16xi32> to vector<1x16xi32>
      tpu.vector_store %arg9[%swap3A_108, %swap3A_109], %swap3A_112 {strides = array<i32>} : memref<1x128xi32, #tpu.memory_space<vmem>>, vector<1x16xi32>,
      %shift_right_logical3A_113 = arith.constant 15 : i32
      %shift_right_logical3A_114 = vector.broadcast %shift_right_logical3A_113 : i32 to vector<16xi32>
      %shift_right_logical3A_115 = arith.shrui %get3A_103, %shift_right_logical3A_114 : vector<16xi32>
      %swap3A_116 = arith.constant 0 : i32
      %swap3A_117 = arith.index_cast %swap3A_116 : i32 to index
      %swap3A_118 = arith.constant 32 : index
      %swap3A_119 = tpu.vector_load %arg11[%swap3A_117, %swap3A_118] {strides = array<i32>} : memref<1x128xi32, #tpu.memory_space<vmem>>, vector<1x16xi32>,
      %swap3A_120 = vector.shape_cast %swap3A_119 : vector<1x16xi32> to vector<16xi32>
      %swap3A_121 = vector.shape_cast %shift_right_logical3A_115 : vector<16xi32> to vector<1x16xi32>
      tpu.vector_store %arg11[%swap3A_117, %swap3A_118], %swap3A_121 {strides = array<i32>} : memref<1x128xi32, #tpu.memory_space<vmem>>, vector<1x16xi32>,
      %get3A_122 = arith.index_cast %mul3A_59 : i32 to index
      %get3A_123 = arith.constant 48 : index
      %get3A_124 = tpu.vector_load %arg13[%get3A_122, %get3A_123] {strides = array<i32>} : memref<80x128xi32, #tpu.memory_space<vmem>>, vector<1x16xi32>,
      %get3A_125 = vector.shape_cast %get3A_124 : vector<1x16xi32> to vector<16xi32>
      %and3A_126 = arith.constant 32767 : i32
      %and3A_127 = vector.broadcast %and3A_126 : i32 to vector<16xi32>
      %and3A_128 = arith.andi %get3A_125, %and3A_127 : vector<16xi32>
      %swap3A_129 = arith.constant 0 : i32
      %swap3A_130 = arith.index_cast %swap3A_129 : i32 to index
      %swap3A_131 = arith.constant 48 : index
      %swap3A_132 = tpu.vector_load %arg9[%swap3A_130, %swap3A_131] {strides = array<i32>} : memref<1x128xi32, #tpu.memory_space<vmem>>, vector<1x16xi32>,
      %swap3A_133 = vector.shape_cast %swap3A_132 : vector<1x16xi32> to vector<16xi32>
      %swap3A_134 = vector.shape_cast %and3A_128 : vector<16xi32> to vector<1x16xi32>
      tpu.vector_store %arg9[%swap3A_130, %swap3A_131], %swap3A_134 {strides = array<i32>} : memref<1x128xi32, #tpu.memory_space<vmem>>, vector<1x16xi32>,
      %shift_right_logical3A_135 = arith.constant 15 : i32
      %shift_right_logical3A_136 = vector.broadcast %shift_right_logical3A_135 : i32 to vector<16xi32>
      %shift_right_logical3A_137 = arith.shrui %get3A_125, %shift_right_logical3A_136 : vector<16xi32>
      %swap3A_138 = arith.constant 0 : i32
      %swap3A_139 = arith.index_cast %swap3A_138 : i32 to index
      %swap3A_140 = arith.constant 48 : index
      %swap3A_141 = tpu.vector_load %arg11[%swap3A_139, %swap3A_140] {strides = array<i32>} : memref<1x128xi32, #tpu.memory_space<vmem>>, vector<1x16xi32>,
      %swap3A_142 = vector.shape_cast %swap3A_141 : vector<1x16xi32> to vector<16xi32>
      %swap3A_143 = vector.shape_cast %shift_right_logical3A_137 : vector<16xi32> to vector<1x16xi32>
      tpu.vector_store %arg11[%swap3A_139, %swap3A_140], %swap3A_143 {strides = array<i32>} : memref<1x128xi32, #tpu.memory_space<vmem>>, vector<1x16xi32>,
      %get3A_144 = arith.index_cast %mul3A_59 : i32 to index
      %get3A_145 = arith.constant 64 : index
      %get3A_146 = tpu.vector_load %arg13[%get3A_144, %get3A_145] {strides = array<i32>} : memref<80x128xi32, #tpu.memory_space<vmem>>, vector<1x16xi32>,
      %get3A_147 = vector.shape_cast %get3A_146 : vector<1x16xi32> to vector<16xi32>
      %and3A_148 = arith.constant 32767 : i32
      %and3A_149 = vector.broadcast %and3A_148 : i32 to vector<16xi32>
      %and3A_150 = arith.andi %get3A_147, %and3A_149 : vector<16xi32>
      %swap3A_151 = arith.constant 0 : i32
      %swap3A_152 = arith.index_cast %swap3A_151 : i32 to index
      %swap3A_153 = arith.constant 64 : index
      %swap3A_154 = tpu.vector_load %arg9[%swap3A_152, %swap3A_153] {strides = array<i32>} : memref<1x128xi32, #tpu.memory_space<vmem>>, vector<1x16xi32>,
      %swap3A_155 = vector.shape_cast %swap3A_154 : vector<1x16xi32> to vector<16xi32>
      %swap3A_156 = vector.shape_cast %and3A_150 : vector<16xi32> to vector<1x16xi32>
      tpu.vector_store %arg9[%swap3A_152, %swap3A_153], %swap3A_156 {strides = array<i32>} : memref<1x128xi32, #tpu.memory_space<vmem>>, vector<1x16xi32>,
      %shift_right_logical3A_157 = arith.constant 15 : i32
      %shift_right_logical3A_158 = vector.broadcast %shift_right_logical3A_157 : i32 to vector<16xi32>
      %shift_right_logical3A_159 = arith.shrui %get3A_147, %shift_right_logical3A_158 : vector<16xi32>
      %swap3A_160 = arith.constant 0 : i32
      %swap3A_161 = arith.index_cast %swap3A_160 : i32 to index
      %swap3A_162 = arith.constant 64 : index
      %swap3A_163 = tpu.vector_load %arg11[%swap3A_161, %swap3A_162] {strides = array<i32>} : memref<1x128xi32, #tpu.memory_space<vmem>>, vector<1x16xi32>,
      %swap3A_164 = vector.shape_cast %swap3A_163 : vector<1x16xi32> to vector<16xi32>
      %swap3A_165 = vector.shape_cast %shift_right_logical3A_159 : vector<16xi32> to vector<1x16xi32>
      tpu.vector_store %arg11[%swap3A_161, %swap3A_162], %swap3A_165 {strides = array<i32>} : memref<1x128xi32, #tpu.memory_space<vmem>>, vector<1x16xi32>,
      %get3A_166 = arith.index_cast %mul3A_59 : i32 to index
      %get3A_167 = arith.constant 80 : index
      %get3A_168 = tpu.vector_load %arg13[%get3A_166, %get3A_167] {strides = array<i32>} : memref<80x128xi32, #tpu.memory_space<vmem>>, vector<1x16xi32>,
      %get3A_169 = vector.shape_cast %get3A_168 : vector<1x16xi32> to vector<16xi32>
      %and3A_170 = arith.constant 32767 : i32
      %and3A_171 = vector.broadcast %and3A_170 : i32 to vector<16xi32>
      %and3A_172 = arith.andi %get3A_169, %and3A_171 : vector<16xi32>
      %swap3A_173 = arith.constant 0 : i32
      %swap3A_174 = arith.index_cast %swap3A_173 : i32 to index
      %swap3A_175 = arith.constant 80 : index
      %swap3A_176 = tpu.vector_load %arg9[%swap3A_174, %swap3A_175] {strides = array<i32>} : memref<1x128xi32, #tpu.memory_space<vmem>>, vector<1x16xi32>,
      %swap3A_177 = vector.shape_cast %swap3A_176 : vector<1x16xi32> to vector<16xi32>
      %swap3A_178 = vector.shape_cast %and3A_172 : vector<16xi32> to vector<1x16xi32>
      tpu.vector_store %arg9[%swap3A_174, %swap3A_175], %swap3A_178 {strides = array<i32>} : memref<1x128xi32, #tpu.memory_space<vmem>>, vector<1x16xi32>,
      %shift_right_logical3A_179 = arith.constant 15 : i32
      %shift_right_logical3A_180 = vector.broadcast %shift_right_logical3A_179 : i32 to vector<16xi32>
      %shift_right_logical3A_181 = arith.shrui %get3A_169, %shift_right_logical3A_180 : vector<16xi32>
      %swap3A_182 = arith.constant 0 : i32
      %swap3A_183 = arith.index_cast %swap3A_182 : i32 to index
      %swap3A_184 = arith.constant 80 : index
      %swap3A_185 = tpu.vector_load %arg11[%swap3A_183, %swap3A_184] {strides = array<i32>} : memref<1x128xi32, #tpu.memory_space<vmem>>, vector<1x16xi32>,
      %swap3A_186 = vector.shape_cast %swap3A_185 : vector<1x16xi32> to vector<16xi32>
      %swap3A_187 = vector.shape_cast %shift_right_logical3A_181 : vector<16xi32> to vector<1x16xi32>
      tpu.vector_store %arg11[%swap3A_183, %swap3A_184], %swap3A_187 {strides = array<i32>} : memref<1x128xi32, #tpu.memory_space<vmem>>, vector<1x16xi32>,
      %get3A_188 = arith.index_cast %mul3A_59 : i32 to index
      %get3A_189 = arith.constant 96 : index
      %get3A_190 = tpu.vector_load %arg13[%get3A_188, %get3A_189] {strides = array<i32>} : memref<80x128xi32, #tpu.memory_space<vmem>>, vector<1x16xi32>,
      %get3A_191 = vector.shape_cast %get3A_190 : vector<1x16xi32> to vector<16xi32>
      %and3A_192 = arith.constant 32767 : i32
      %and3A_193 = vector.broadcast %and3A_192 : i32 to vector<16xi32>
      %and3A_194 = arith.andi %get3A_191, %and3A_193 : vector<16xi32>
      %swap3A_195 = arith.constant 0 : i32
      %swap3A_196 = arith.index_cast %swap3A_195 : i32 to index
      %swap3A_197 = arith.constant 96 : index
      %swap3A_198 = tpu.vector_load %arg9[%swap3A_196, %swap3A_197] {strides = array<i32>} : memref<1x128xi32, #tpu.memory_space<vmem>>, vector<1x16xi32>,
      %swap3A_199 = vector.shape_cast %swap3A_198 : vector<1x16xi32> to vector<16xi32>
      %swap3A_200 = vector.shape_cast %and3A_194 : vector<16xi32> to vector<1x16xi32>
      tpu.vector_store %arg9[%swap3A_196, %swap3A_197], %swap3A_200 {strides = array<i32>} : memref<1x128xi32, #tpu.memory_space<vmem>>, vector<1x16xi32>,
      %shift_right_logical3A_201 = arith.constant 15 : i32
      %shift_right_logical3A_202 = vector.broadcast %shift_right_logical3A_201 : i32 to vector<16xi32>
      %shift_right_logical3A_203 = arith.shrui %get3A_191, %shift_right_logical3A_202 : vector<16xi32>
      %swap3A_204 = arith.constant 0 : i32
      %swap3A_205 = arith.index_cast %swap3A_204 : i32 to index
      %swap3A_206 = arith.constant 96 : index
      %swap3A_207 = tpu.vector_load %arg11[%swap3A_205, %swap3A_206] {strides = array<i32>} : memref<1x128xi32, #tpu.memory_space<vmem>>, vector<1x16xi32>,
      %swap3A_208 = vector.shape_cast %swap3A_207 : vector<1x16xi32> to vector<16xi32>
      %swap3A_209 = vector.shape_cast %shift_right_logical3A_203 : vector<16xi32> to vector<1x16xi32>
      tpu.vector_store %arg11[%swap3A_205, %swap3A_206], %swap3A_209 {strides = array<i32>} : memref<1x128xi32, #tpu.memory_space<vmem>>, vector<1x16xi32>,
      %get3A_210 = arith.index_cast %mul3A_59 : i32 to index
      %get3A_211 = arith.constant 112 : index
      %get3A_212 = tpu.vector_load %arg13[%get3A_210, %get3A_211] {strides = array<i32>} : memref<80x128xi32, #tpu.memory_space<vmem>>, vector<1x16xi32>,
      %get3A_213 = vector.shape_cast %get3A_212 : vector<1x16xi32> to vector<16xi32>
      %and3A_214 = arith.constant 32767 : i32
      %and3A_215 = vector.broadcast %and3A_214 : i32 to vector<16xi32>
      %and3A_216 = arith.andi %get3A_213, %and3A_215 : vector<16xi32>
      %swap3A_217 = arith.constant 0 : i32
      %swap3A_218 = arith.index_cast %swap3A_217 : i32 to index
      %swap3A_219 = arith.constant 112 : index
      %swap3A_220 = tpu.vector_load %arg9[%swap3A_218, %swap3A_219] {strides = array<i32>} : memref<1x128xi32, #tpu.memory_space<vmem>>, vector<1x16xi32>,
      %swap3A_221 = vector.shape_cast %swap3A_220 : vector<1x16xi32> to vector<16xi32>
      %swap3A_222 = vector.shape_cast %and3A_216 : vector<16xi32> to vector<1x16xi32>
      tpu.vector_store %arg9[%swap3A_218, %swap3A_219], %swap3A_222 {strides = array<i32>} : memref<1x128xi32, #tpu.memory_space<vmem>>, vector<1x16xi32>,
      %shift_right_logical3A_223 = arith.constant 15 : i32
      %shift_right_logical3A_224 = vector.broadcast %shift_right_logical3A_223 : i32 to vector<16xi32>
      %shift_right_logical3A_225 = arith.shrui %get3A_213, %shift_right_logical3A_224 : vector<16xi32>
      %swap3A_226 = arith.constant 0 : i32
      %swap3A_227 = arith.index_cast %swap3A_226 : i32 to index
      %swap3A_228 = arith.constant 112 : index
      %swap3A_229 = tpu.vector_load %arg11[%swap3A_227, %swap3A_228] {strides = array<i32>} : memref<1x128xi32, #tpu.memory_space<vmem>>, vector<1x16xi32>,
      %swap3A_230 = vector.shape_cast %swap3A_229 : vector<1x16xi32> to vector<16xi32>
      %swap3A_231 = vector.shape_cast %shift_right_logical3A_225 : vector<16xi32> to vector<1x16xi32>
      tpu.vector_store %arg11[%swap3A_227, %swap3A_228], %swap3A_231 {strides = array<i32>} : memref<1x128xi32, #tpu.memory_space<vmem>>, vector<1x16xi32>,
      %mul3A_232 = arith.constant 2 : i32
      %mul3A_233 = arith.muli %mul3A_232, %scan3A_57 : i32
      %add3A_234 = arith.constant 1 : i32
      %add3A_235 = arith.addi %mul3A_233, %add3A_234 : i32
      %get3A_236 = arith.index_cast %add3A_235 : i32 to index
      %get3A_237 = arith.constant 0 : index
      %get3A_238 = tpu.vector_load %arg13[%get3A_236, %get3A_237] {strides = array<i32>} : memref<80x128xi32, #tpu.memory_space<vmem>>, vector<1x16xi32>,
      %get3A_239 = vector.shape_cast %get3A_238 : vector<1x16xi32> to vector<16xi32>
      %and3A_240 = arith.constant 32767 : i32
      %and3A_241 = vector.broadcast %and3A_240 : i32 to vector<16xi32>
      %and3A_242 = arith.andi %get3A_239, %and3A_241 : vector<16xi32>
      %swap3A_243 = arith.constant 0 : i32
      %swap3A_244 = arith.index_cast %swap3A_243 : i32 to index
      %swap3A_245 = arith.constant 0 : index
      %swap3A_246 = tpu.vector_load %arg10[%swap3A_244, %swap3A_245] {strides = array<i32>} : memref<1x128xi32, #tpu.memory_space<vmem>>, vector<1x16xi32>,
      %swap3A_247 = vector.shape_cast %swap3A_246 : vector<1x16xi32> to vector<16xi32>
      %swap3A_248 = vector.shape_cast %and3A_242 : vector<16xi32> to vector<1x16xi32>
      tpu.vector_store %arg10[%swap3A_244, %swap3A_245], %swap3A_248 {strides = array<i32>} : memref<1x128xi32, #tpu.memory_space<vmem>>, vector<1x16xi32>,
      %shift_right_logical3A_249 = arith.constant 15 : i32
      %shift_right_logical3A_250 = vector.broadcast %shift_right_logical3A_249 : i32 to vector<16xi32>
      %shift_right_logical3A_251 = arith.shrui %get3A_239, %shift_right_logical3A_250 : vector<16xi32>
      %swap3A_252 = arith.constant 0 : i32
      %swap3A_253 = arith.index_cast %swap3A_252 : i32 to index
      %swap3A_254 = arith.constant 0 : index
      %swap3A_255 = tpu.vector_load %arg12[%swap3A_253, %swap3A_254] {strides = array<i32>} : memref<1x128xi32, #tpu.memory_space<vmem>>, vector<1x16xi32>,
      %swap3A_256 = vector.shape_cast %swap3A_255 : vector<1x16xi32> to vector<16xi32>
      %swap3A_257 = vector.shape_cast %shift_right_logical3A_251 : vector<16xi32> to vector<1x16xi32>
      tpu.vector_store %arg12[%swap3A_253, %swap3A_254], %swap3A_257 {strides = array<i32>} : memref<1x128xi32, #tpu.memory_space<vmem>>, vector<1x16xi32>,
      %get3A_258 = arith.index_cast %add3A_235 : i32 to index
      %get3A_259 = arith.constant 16 : index
      %get3A_260 = tpu.vector_load %arg13[%get3A_258, %get3A_259] {strides = array<i32>} : memref<80x128xi32, #tpu.memory_space<vmem>>, vector<1x16xi32>,
      %get3A_261 = vector.shape_cast %get3A_260 : vector<1x16xi32> to vector<16xi32>
      %and3A_262 = arith.constant 32767 : i32
      %and3A_263 = vector.broadcast %and3A_262 : i32 to vector<16xi32>
      %and3A_264 = arith.andi %get3A_261, %and3A_263 : vector<16xi32>
      %swap3A_265 = arith.constant 0 : i32
      %swap3A_266 = arith.index_cast %swap3A_265 : i32 to index
      %swap3A_267 = arith.constant 16 : index
      %swap3A_268 = tpu.vector_load %arg10[%swap3A_266, %swap3A_267] {strides = array<i32>} : memref<1x128xi32, #tpu.memory_space<vmem>>, vector<1x16xi32>,
      %swap3A_269 = vector.shape_cast %swap3A_268 : vector<1x16xi32> to vector<16xi32>
      %swap3A_270 = vector.shape_cast %and3A_264 : vector<16xi32> to vector<1x16xi32>
      tpu.vector_store %arg10[%swap3A_266, %swap3A_267], %swap3A_270 {strides = array<i32>} : memref<1x128xi32, #tpu.memory_space<vmem>>, vector<1x16xi32>,
      %shift_right_logical3A_271 = arith.constant 15 : i32
      %shift_right_logical3A_272 = vector.broadcast %shift_right_logical3A_271 : i32 to vector<16xi32>
      %shift_right_logical3A_273 = arith.shrui %get3A_261, %shift_right_logical3A_272 : vector<16xi32>
      %swap3A_274 = arith.constant 0 : i32
      %swap3A_275 = arith.index_cast %swap3A_274 : i32 to index
      %swap3A_276 = arith.constant 16 : index
      %swap3A_277 = tpu.vector_load %arg12[%swap3A_275, %swap3A_276] {strides = array<i32>} : memref<1x128xi32, #tpu.memory_space<vmem>>, vector<1x16xi32>,
      %swap3A_278 = vector.shape_cast %swap3A_277 : vector<1x16xi32> to vector<16xi32>
      %swap3A_279 = vector.shape_cast %shift_right_logical3A_273 : vector<16xi32> to vector<1x16xi32>
      tpu.vector_store %arg12[%swap3A_275, %swap3A_276], %swap3A_279 {strides = array<i32>} : memref<1x128xi32, #tpu.memory_space<vmem>>, vector<1x16xi32>,
      %get3A_280 = arith.index_cast %add3A_235 : i32 to index
      %get3A_281 = arith.constant 32 : index
      %get3A_282 = tpu.vector_load %arg13[%get3A_280, %get3A_281] {strides = array<i32>} : memref<80x128xi32, #tpu.memory_space<vmem>>, vector<1x16xi32>,
      %get3A_283 = vector.shape_cast %get3A_282 : vector<1x16xi32> to vector<16xi32>
      %and3A_284 = arith.constant 32767 : i32
      %and3A_285 = vector.broadcast %and3A_284 : i32 to vector<16xi32>
      %and3A_286 = arith.andi %get3A_283, %and3A_285 : vector<16xi32>
      %swap3A_287 = arith.constant 0 : i32
      %swap3A_288 = arith.index_cast %swap3A_287 : i32 to index
      %swap3A_289 = arith.constant 32 : index
      %swap3A_290 = tpu.vector_load %arg10[%swap3A_288, %swap3A_289] {strides = array<i32>} : memref<1x128xi32, #tpu.memory_space<vmem>>, vector<1x16xi32>,
      %swap3A_291 = vector.shape_cast %swap3A_290 : vector<1x16xi32> to vector<16xi32>
      %swap3A_292 = vector.shape_cast %and3A_286 : vector<16xi32> to vector<1x16xi32>
      tpu.vector_store %arg10[%swap3A_288, %swap3A_289], %swap3A_292 {strides = array<i32>} : memref<1x128xi32, #tpu.memory_space<vmem>>, vector<1x16xi32>,
      %shift_right_logical3A_293 = arith.constant 15 : i32
      %shift_right_logical3A_294 = vector.broadcast %shift_right_logical3A_293 : i32 to vector<16xi32>
      %shift_right_logical3A_295 = arith.shrui %get3A_283, %shift_right_logical3A_294 : vector<16xi32>
      %swap3A_296 = arith.constant 0 : i32
      %swap3A_297 = arith.index_cast %swap3A_296 : i32 to index
      %swap3A_298 = arith.constant 32 : index
      %swap3A_299 = tpu.vector_load %arg12[%swap3A_297, %swap3A_298] {strides = array<i32>} : memref<1x128xi32, #tpu.memory_space<vmem>>, vector<1x16xi32>,
      %swap3A_300 = vector.shape_cast %swap3A_299 : vector<1x16xi32> to vector<16xi32>
      %swap3A_301 = vector.shape_cast %shift_right_logical3A_295 : vector<16xi32> to vector<1x16xi32>
      tpu.vector_store %arg12[%swap3A_297, %swap3A_298], %swap3A_301 {strides = array<i32>} : memref<1x128xi32, #tpu.memory_space<vmem>>, vector<1x16xi32>,
      %get3A_302 = arith.index_cast %add3A_235 : i32 to index
      %get3A_303 = arith.constant 48 : index
      %get3A_304 = tpu.vector_load %arg13[%get3A_302, %get3A_303] {strides = array<i32>} : memref<80x128xi32, #tpu.memory_space<vmem>>, vector<1x16xi32>,
      %get3A_305 = vector.shape_cast %get3A_304 : vector<1x16xi32> to vector<16xi32>
      %and3A_306 = arith.constant 32767 : i32
      %and3A_307 = vector.broadcast %and3A_306 : i32 to vector<16xi32>
      %and3A_308 = arith.andi %get3A_305, %and3A_307 : vector<16xi32>
      %swap3A_309 = arith.constant 0 : i32
      %swap3A_310 = arith.index_cast %swap3A_309 : i32 to index
      %swap3A_311 = arith.constant 48 : index
      %swap3A_312 = tpu.vector_load %arg10[%swap3A_310, %swap3A_311] {strides = array<i32>} : memref<1x128xi32, #tpu.memory_space<vmem>>, vector<1x16xi32>,
      %swap3A_313 = vector.shape_cast %swap3A_312 : vector<1x16xi32> to vector<16xi32>
      %swap3A_314 = vector.shape_cast %and3A_308 : vector<16xi32> to vector<1x16xi32>
      tpu.vector_store %arg10[%swap3A_310, %swap3A_311], %swap3A_314 {strides = array<i32>} : memref<1x128xi32, #tpu.memory_space<vmem>>, vector<1x16xi32>,
      %shift_right_logical3A_315 = arith.constant 15 : i32
      %shift_right_logical3A_316 = vector.broadcast %shift_right_logical3A_315 : i32 to vector<16xi32>
      %shift_right_logical3A_317 = arith.shrui %get3A_305, %shift_right_logical3A_316 : vector<16xi32>
      %swap3A_318 = arith.constant 0 : i32
      %swap3A_319 = arith.index_cast %swap3A_318 : i32 to index
      %swap3A_320 = arith.constant 48 : index
      %swap3A_321 = tpu.vector_load %arg12[%swap3A_319, %swap3A_320] {strides = array<i32>} : memref<1x128xi32, #tpu.memory_space<vmem>>, vector<1x16xi32>,
      %swap3A_322 = vector.shape_cast %swap3A_321 : vector<1x16xi32> to vector<16xi32>
      %swap3A_323 = vector.shape_cast %shift_right_logical3A_317 : vector<16xi32> to vector<1x16xi32>
      tpu.vector_store %arg12[%swap3A_319, %swap3A_320], %swap3A_323 {strides = array<i32>} : memref<1x128xi32, #tpu.memory_space<vmem>>, vector<1x16xi32>,
      %get3A_324 = arith.index_cast %add3A_235 : i32 to index
      %get3A_325 = arith.constant 64 : index
      %get3A_326 = tpu.vector_load %arg13[%get3A_324, %get3A_325] {strides = array<i32>} : memref<80x128xi32, #tpu.memory_space<vmem>>, vector<1x16xi32>,
      %get3A_327 = vector.shape_cast %get3A_326 : vector<1x16xi32> to vector<16xi32>
      %and3A_328 = arith.constant 32767 : i32
      %and3A_329 = vector.broadcast %and3A_328 : i32 to vector<16xi32>
      %and3A_330 = arith.andi %get3A_327, %and3A_329 : vector<16xi32>
      %swap3A_331 = arith.constant 0 : i32
      %swap3A_332 = arith.index_cast %swap3A_331 : i32 to index
      %swap3A_333 = arith.constant 64 : index
      %swap3A_334 = tpu.vector_load %arg10[%swap3A_332, %swap3A_333] {strides = array<i32>} : memref<1x128xi32, #tpu.memory_space<vmem>>, vector<1x16xi32>,
      %swap3A_335 = vector.shape_cast %swap3A_334 : vector<1x16xi32> to vector<16xi32>
      %swap3A_336 = vector.shape_cast %and3A_330 : vector<16xi32> to vector<1x16xi32>
      tpu.vector_store %arg10[%swap3A_332, %swap3A_333], %swap3A_336 {strides = array<i32>} : memref<1x128xi32, #tpu.memory_space<vmem>>, vector<1x16xi32>,
      %shift_right_logical3A_337 = arith.constant 15 : i32
      %shift_right_logical3A_338 = vector.broadcast %shift_right_logical3A_337 : i32 to vector<16xi32>
      %shift_right_logical3A_339 = arith.shrui %get3A_327, %shift_right_logical3A_338 : vector<16xi32>
      %swap3A_340 = arith.constant 0 : i32
      %swap3A_341 = arith.index_cast %swap3A_340 : i32 to index
      %swap3A_342 = arith.constant 64 : index
      %swap3A_343 = tpu.vector_load %arg12[%swap3A_341, %swap3A_342] {strides = array<i32>} : memref<1x128xi32, #tpu.memory_space<vmem>>, vector<1x16xi32>,
      %swap3A_344 = vector.shape_cast %swap3A_343 : vector<1x16xi32> to vector<16xi32>
      %swap3A_345 = vector.shape_cast %shift_right_logical3A_339 : vector<16xi32> to vector<1x16xi32>
      tpu.vector_store %arg12[%swap3A_341, %swap3A_342], %swap3A_345 {strides = array<i32>} : memref<1x128xi32, #tpu.memory_space<vmem>>, vector<1x16xi32>,
      %get3A_346 = arith.index_cast %add3A_235 : i32 to index
      %get3A_347 = arith.constant 80 : index
      %get3A_348 = tpu.vector_load %arg13[%get3A_346, %get3A_347] {strides = array<i32>} : memref<80x128xi32, #tpu.memory_space<vmem>>, vector<1x16xi32>,
      %get3A_349 = vector.shape_cast %get3A_348 : vector<1x16xi32> to vector<16xi32>
      %and3A_350 = arith.constant 32767 : i32
      %and3A_351 = vector.broadcast %and3A_350 : i32 to vector<16xi32>
      %and3A_352 = arith.andi %get3A_349, %and3A_351 : vector<16xi32>
      %swap3A_353 = arith.constant 0 : i32
      %swap3A_354 = arith.index_cast %swap3A_353 : i32 to index
      %swap3A_355 = arith.constant 80 : index
      %swap3A_356 = tpu.vector_load %arg10[%swap3A_354, %swap3A_355] {strides = array<i32>} : memref<1x128xi32, #tpu.memory_space<vmem>>, vector<1x16xi32>,
      %swap3A_357 = vector.shape_cast %swap3A_356 : vector<1x16xi32> to vector<16xi32>
      %swap3A_358 = vector.shape_cast %and3A_352 : vector<16xi32> to vector<1x16xi32>
      tpu.vector_store %arg10[%swap3A_354, %swap3A_355], %swap3A_358 {strides = array<i32>} : memref<1x128xi32, #tpu.memory_space<vmem>>, vector<1x16xi32>,
      %shift_right_logical3A_359 = arith.constant 15 : i32
      %shift_right_logical3A_360 = vector.broadcast %shift_right_logical3A_359 : i32 to vector<16xi32>
      %shift_right_logical3A_361 = arith.shrui %get3A_349, %shift_right_logical3A_360 : vector<16xi32>
      %swap3A_362 = arith.constant 0 : i32
      %swap3A_363 = arith.index_cast %swap3A_362 : i32 to index
      %swap3A_364 = arith.constant 80 : index
      %swap3A_365 = tpu.vector_load %arg12[%swap3A_363, %swap3A_364] {strides = array<i32>} : memref<1x128xi32, #tpu.memory_space<vmem>>, vector<1x16xi32>,
      %swap3A_366 = vector.shape_cast %swap3A_365 : vector<1x16xi32> to vector<16xi32>
      %swap3A_367 = vector.shape_cast %shift_right_logical3A_361 : vector<16xi32> to vector<1x16xi32>
      tpu.vector_store %arg12[%swap3A_363, %swap3A_364], %swap3A_367 {strides = array<i32>} : memref<1x128xi32, #tpu.memory_space<vmem>>, vector<1x16xi32>,
      %get3A_368 = arith.index_cast %add3A_235 : i32 to index
      %get3A_369 = arith.constant 96 : index
      %get3A_370 = tpu.vector_load %arg13[%get3A_368, %get3A_369] {strides = array<i32>} : memref<80x128xi32, #tpu.memory_space<vmem>>, vector<1x16xi32>,
      %get3A_371 = vector.shape_cast %get3A_370 : vector<1x16xi32> to vector<16xi32>
      %and3A_372 = arith.constant 32767 : i32
      %and3A_373 = vector.broadcast %and3A_372 : i32 to vector<16xi32>
      %and3A_374 = arith.andi %get3A_371, %and3A_373 : vector<16xi32>
      %swap3A_375 = arith.constant 0 : i32
      %swap3A_376 = arith.index_cast %swap3A_375 : i32 to index
      %swap3A_377 = arith.constant 96 : index
      %swap3A_378 = tpu.vector_load %arg10[%swap3A_376, %swap3A_377] {strides = array<i32>} : memref<1x128xi32, #tpu.memory_space<vmem>>, vector<1x16xi32>,
      %swap3A_379 = vector.shape_cast %swap3A_378 : vector<1x16xi32> to vector<16xi32>
      %swap3A_380 = vector.shape_cast %and3A_374 : vector<16xi32> to vector<1x16xi32>
      tpu.vector_store %arg10[%swap3A_376, %swap3A_377], %swap3A_380 {strides = array<i32>} : memref<1x128xi32, #tpu.memory_space<vmem>>, vector<1x16xi32>,
      %shift_right_logical3A_381 = arith.constant 15 : i32
      %shift_right_logical3A_382 = vector.broadcast %shift_right_logical3A_381 : i32 to vector<16xi32>
      %shift_right_logical3A_383 = arith.shrui %get3A_371, %shift_right_logical3A_382 : vector<16xi32>
      %swap3A_384 = arith.constant 0 : i32
      %swap3A_385 = arith.index_cast %swap3A_384 : i32 to index
      %swap3A_386 = arith.constant 96 : index
      %swap3A_387 = tpu.vector_load %arg12[%swap3A_385, %swap3A_386] {strides = array<i32>} : memref<1x128xi32, #tpu.memory_space<vmem>>, vector<1x16xi32>,
      %swap3A_388 = vector.shape_cast %swap3A_387 : vector<1x16xi32> to vector<16xi32>
      %swap3A_389 = vector.shape_cast %shift_right_logical3A_383 : vector<16xi32> to vector<1x16xi32>
      tpu.vector_store %arg12[%swap3A_385, %swap3A_386], %swap3A_389 {strides = array<i32>} : memref<1x128xi32, #tpu.memory_space<vmem>>, vector<1x16xi32>,
      %get3A_390 = arith.index_cast %add3A_235 : i32 to index
      %get3A_391 = arith.constant 112 : index
      %get3A_392 = tpu.vector_load %arg13[%get3A_390, %get3A_391] {strides = array<i32>} : memref<80x128xi32, #tpu.memory_space<vmem>>, vector<1x16xi32>,
      %get3A_393 = vector.shape_cast %get3A_392 : vector<1x16xi32> to vector<16xi32>
      %and3A_394 = arith.constant 32767 : i32
      %and3A_395 = vector.broadcast %and3A_394 : i32 to vector<16xi32>
      %and3A_396 = arith.andi %get3A_393, %and3A_395 : vector<16xi32>
      %swap3A_397 = arith.constant 0 : i32
      %swap3A_398 = arith.index_cast %swap3A_397 : i32 to index
      %swap3A_399 = arith.constant 112 : index
      %swap3A_400 = tpu.vector_load %arg10[%swap3A_398, %swap3A_399] {strides = array<i32>} : memref<1x128xi32, #tpu.memory_space<vmem>>, vector<1x16xi32>,
      %swap3A_401 = vector.shape_cast %swap3A_400 : vector<1x16xi32> to vector<16xi32>
      %swap3A_402 = vector.shape_cast %and3A_396 : vector<16xi32> to vector<1x16xi32>
      tpu.vector_store %arg10[%swap3A_398, %swap3A_399], %swap3A_402 {strides = array<i32>} : memref<1x128xi32, #tpu.memory_space<vmem>>, vector<1x16xi32>,
      %shift_right_logical3A_403 = arith.constant 15 : i32
      %shift_right_logical3A_404 = vector.broadcast %shift_right_logical3A_403 : i32 to vector<16xi32>
      %shift_right_logical3A_405 = arith.shrui %get3A_393, %shift_right_logical3A_404 : vector<16xi32>
      %swap3A_406 = arith.constant 0 : i32
      %swap3A_407 = arith.index_cast %swap3A_406 : i32 to index
      %swap3A_408 = arith.constant 112 : index
      %swap3A_409 = tpu.vector_load %arg12[%swap3A_407, %swap3A_408] {strides = array<i32>} : memref<1x128xi32, #tpu.memory_space<vmem>>, vector<1x16xi32>,
      %swap3A_410 = vector.shape_cast %swap3A_409 : vector<1x16xi32> to vector<16xi32>
      %swap3A_411 = vector.shape_cast %shift_right_logical3A_405 : vector<16xi32> to vector<1x16xi32>
      tpu.vector_store %arg12[%swap3A_407, %swap3A_408], %swap3A_411 {strides = array<i32>} : memref<1x128xi32, #tpu.memory_space<vmem>>, vector<1x16xi32>,
      %dma_start3A = arith.constant 0 : i32
      %dma_start3A_412 = arith.constant 0 : i32
      %dma_start3A_413 = tpu.memref_slice %arg9[%dma_start3A, %dma_start3A_412] : memref<1x128xi32, #tpu.memory_space<vmem>> -> memref<1x128xi32, #tpu.memory_space<vmem>>
      %dma_start3A_414 = tpu.memref_squeeze %dma_start3A_413 : memref<1x128xi32, #tpu.memory_space<vmem>> -> memref<128xi32, #tpu.memory_space<vmem>>
      %dma_start3A_415 = arith.constant 0 : i32
      %dma_start3A_416 = arith.constant 0 : i32
      %dma_start3A_417 = tpu.memref_slice %arg3[%dma_start3A_415, %dma_start3A_416] : memref<20480x128xf32, #tpu.memory_space<hbm>> -> memref<20480x128xf32, #tpu.memory_space<hbm>>
      tpu.enqueue_indirect_dma source(%dma_start3A_417 : memref<20480x128xf32, #tpu.memory_space<hbm>>) target(%arg7 : memref<128x128xf32, #tpu.memory_space<vmem>>) offsets(%dma_start3A_414 : memref<128xi32, #tpu.memory_space<vmem>>) semaphore(%arg15 : memref<!tpu.dma_semaphore, #tpu.memory_space<semaphore_mem>>)
      %dma_start3A_418 = arith.constant 0 : i32
      %dma_start3A_419 = arith.constant 0 : i32
      %dma_start3A_420 = tpu.memref_slice %arg10[%dma_start3A_418, %dma_start3A_419] : memref<1x128xi32, #tpu.memory_space<vmem>> -> memref<1x128xi32, #tpu.memory_space<vmem>>
      %dma_start3A_421 = tpu.memref_squeeze %dma_start3A_420 : memref<1x128xi32, #tpu.memory_space<vmem>> -> memref<128xi32, #tpu.memory_space<vmem>>
      %dma_start3A_422 = arith.constant 0 : i32
      %dma_start3A_423 = arith.constant 0 : i32
      %dma_start3A_424 = tpu.memref_slice %arg3[%dma_start3A_422, %dma_start3A_423] : memref<20480x128xf32, #tpu.memory_space<hbm>> -> memref<20480x128xf32, #tpu.memory_space<hbm>>
      tpu.enqueue_indirect_dma source(%dma_start3A_424 : memref<20480x128xf32, #tpu.memory_space<hbm>>) target(%arg8 : memref<128x128xf32, #tpu.memory_space<vmem>>) offsets(%dma_start3A_421 : memref<128xi32, #tpu.memory_space<vmem>>) semaphore(%arg16 : memref<!tpu.dma_semaphore, #tpu.memory_space<semaphore_mem>>)
      %dma_wait3A = arith.constant 0 : i32
      %dma_wait3A_425 = arith.constant 0 : i32
      %dma_wait3A_426 = tpu.memref_slice %arg9[%dma_wait3A, %dma_wait3A_425] : memref<1x128xi32, #tpu.memory_space<vmem>> -> memref<1x128xi32, #tpu.memory_space<vmem>>
      %dma_wait3A_427 = tpu.memref_squeeze %dma_wait3A_426 : memref<1x128xi32, #tpu.memory_space<vmem>> -> memref<128xi32, #tpu.memory_space<vmem>>
      %dma_wait3A_428 = arith.constant 0 : i32
      %dma_wait3A_429 = arith.constant 0 : i32
      %dma_wait3A_430 = tpu.memref_slice %arg3[%dma_wait3A_428, %dma_wait3A_429] : memref<20480x128xf32, #tpu.memory_space<hbm>> -> memref<20480x128xf32, #tpu.memory_space<hbm>>
      tpu.wait_indirect_dma semaphore(%arg15 : memref<!tpu.dma_semaphore, #tpu.memory_space<semaphore_mem>>) src(%dma_wait3A_430 : memref<20480x128xf32, #tpu.memory_space<hbm>>) dst(%arg7 : memref<128x128xf32, #tpu.memory_space<vmem>>)
      %run_scoped3A = arith.constant 0 : i32
      "tpu.region"() ({
        %run_scoped3A_439 = tpu.sem_alloc : memref<!tpu.dma_semaphore, #tpu.memory_space<semaphore_mem>>
        %dma_start3A_440 = arith.constant 0 : i32
        %dma_start3A_441 = tpu.memref_slice %arg11[%run_scoped3A, %dma_start3A_440] : memref<1x128xi32, #tpu.memory_space<vmem>> -> memref<1x128xi32, #tpu.memory_space<vmem>>
        %dma_start3A_442 = tpu.memref_squeeze %dma_start3A_441 : memref<1x128xi32, #tpu.memory_space<vmem>> -> memref<128xi32, #tpu.memory_space<vmem>>
        %dma_start3A_443 = arith.constant 0 : i32
        %dma_start3A_444 = arith.constant 0 : i32
        %dma_start3A_445 = tpu.memref_slice %arg14[%dma_start3A_443, %dma_start3A_444] : memref<10240x128xf32, #tpu.memory_space<vmem_shared>> -> memref<10240x128xf32, #tpu.memory_space<vmem_shared>>
        tpu.enqueue_indirect_dma source(%arg7 : memref<128x128xf32, #tpu.memory_space<vmem>>) target(%dma_start3A_445 : memref<10240x128xf32, #tpu.memory_space<vmem_shared>>) offsets(%dma_start3A_442 : memref<128xi32, #tpu.memory_space<vmem>>) semaphore(%run_scoped3A_439 : memref<!tpu.dma_semaphore, #tpu.memory_space<semaphore_mem>>) {add = true}
        %dma_wait3A_446 = arith.constant 0 : i32
        %dma_wait3A_447 = tpu.memref_slice %arg11[%run_scoped3A, %dma_wait3A_446] : memref<1x128xi32, #tpu.memory_space<vmem>> -> memref<1x128xi32, #tpu.memory_space<vmem>>
        %dma_wait3A_448 = tpu.memref_squeeze %dma_wait3A_447 : memref<1x128xi32, #tpu.memory_space<vmem>> -> memref<128xi32, #tpu.memory_space<vmem>>
        %dma_wait3A_449 = arith.constant 0 : i32
        %dma_wait3A_450 = arith.constant 0 : i32
        %dma_wait3A_451 = tpu.memref_slice %arg14[%dma_wait3A_449, %dma_wait3A_450] : memref<10240x128xf32, #tpu.memory_space<vmem_shared>> -> memref<10240x128xf32, #tpu.memory_space<vmem_shared>>
        tpu.wait_indirect_dma semaphore(%run_scoped3A_439 : memref<!tpu.dma_semaphore, #tpu.memory_space<semaphore_mem>>) src(%arg7 : memref<128x128xf32, #tpu.memory_space<vmem>>) dst(%dma_wait3A_451 : memref<10240x128xf32, #tpu.memory_space<vmem_shared>>)
        tpu.yield
      }) : () -> ()
      %dma_wait3A_431 = arith.constant 0 : i32
      %dma_wait3A_432 = arith.constant 0 : i32
      %dma_wait3A_433 = tpu.memref_slice %arg10[%dma_wait3A_431, %dma_wait3A_432] : memref<1x128xi32, #tpu.memory_space<vmem>> -> memref<1x128xi32, #tpu.memory_space<vmem>>
      %dma_wait3A_434 = tpu.memref_squeeze %dma_wait3A_433 : memref<1x128xi32, #tpu.memory_space<vmem>> -> memref<128xi32, #tpu.memory_space<vmem>>
      %dma_wait3A_435 = arith.constant 0 : i32
      %dma_wait3A_436 = arith.constant 0 : i32
      %dma_wait3A_437 = tpu.memref_slice %arg3[%dma_wait3A_435, %dma_wait3A_436] : memref<20480x128xf32, #tpu.memory_space<hbm>> -> memref<20480x128xf32, #tpu.memory_space<hbm>>
      tpu.wait_indirect_dma semaphore(%arg16 : memref<!tpu.dma_semaphore, #tpu.memory_space<semaphore_mem>>) src(%dma_wait3A_437 : memref<20480x128xf32, #tpu.memory_space<hbm>>) dst(%arg8 : memref<128x128xf32, #tpu.memory_space<vmem>>)
      %run_scoped3A_438 = arith.constant 0 : i32
      "tpu.region"() ({
        %run_scoped3A_439 = tpu.sem_alloc : memref<!tpu.dma_semaphore, #tpu.memory_space<semaphore_mem>>
        %dma_start3A_440 = arith.constant 0 : i32
        %dma_start3A_441 = tpu.memref_slice %arg12[%run_scoped3A_438, %dma_start3A_440] : memref<1x128xi32, #tpu.memory_space<vmem>> -> memref<1x128xi32, #tpu.memory_space<vmem>>
        %dma_start3A_442 = tpu.memref_squeeze %dma_start3A_441 : memref<1x128xi32, #tpu.memory_space<vmem>> -> memref<128xi32, #tpu.memory_space<vmem>>
        %dma_start3A_443 = arith.constant 0 : i32
        %dma_start3A_444 = arith.constant 0 : i32
        %dma_start3A_445 = tpu.memref_slice %arg14[%dma_start3A_443, %dma_start3A_444] : memref<10240x128xf32, #tpu.memory_space<vmem_shared>> -> memref<10240x128xf32, #tpu.memory_space<vmem_shared>>
        tpu.enqueue_indirect_dma source(%arg8 : memref<128x128xf32, #tpu.memory_space<vmem>>) target(%dma_start3A_445 : memref<10240x128xf32, #tpu.memory_space<vmem_shared>>) offsets(%dma_start3A_442 : memref<128xi32, #tpu.memory_space<vmem>>) semaphore(%run_scoped3A_439 : memref<!tpu.dma_semaphore, #tpu.memory_space<semaphore_mem>>) {add = true}
        %dma_wait3A_446 = arith.constant 0 : i32
        %dma_wait3A_447 = tpu.memref_slice %arg12[%run_scoped3A_438, %dma_wait3A_446] : memref<1x128xi32, #tpu.memory_space<vmem>> -> memref<1x128xi32, #tpu.memory_space<vmem>>
        %dma_wait3A_448 = tpu.memref_squeeze %dma_wait3A_447 : memref<1x128xi32, #tpu.memory_space<vmem>> -> memref<128xi32, #tpu.memory_space<vmem>>
        %dma_wait3A_449 = arith.constant 0 : i32
        %dma_wait3A_450 = arith.constant 0 : i32
        %dma_wait3A_451 = tpu.memref_slice %arg14[%dma_wait3A_449, %dma_wait3A_450] : memref<10240x128xf32, #tpu.memory_space<vmem_shared>> -> memref<10240x128xf32, #tpu.memory_space<vmem_shared>>
        tpu.wait_indirect_dma semaphore(%run_scoped3A_439 : memref<!tpu.dma_semaphore, #tpu.memory_space<semaphore_mem>>) src(%arg8 : memref<128x128xf32, #tpu.memory_space<vmem>>) dst(%dma_wait3A_451 : memref<10240x128xf32, #tpu.memory_space<vmem_shared>>)
        tpu.yield
      }) : () -> ()
    }
    %scan3A_49 = arith.constant 40 : i32
    %barrier3A_50 = arith.constant 0 : index
    tpu.barrier barrier_id(%barrier3A_50)
    %scan3A_51 = arith.constant 0 : i32
    %scan3A_52 = arith.constant 0 : i32
    %scan3A_53 = arith.constant 5 : i32
    %scan3A_54 = arith.addi %scan3A_52, %scan3A_53 : i32
    %scan3A_55 = arith.constant 1 : i32
    scf.for %scan3A_57 = %scan3A_52 to %scan3A_54 step %scan3A_55  : i32 {
      %mul3A_58 = arith.constant 640 : i32
      %mul3A_59 = arith.muli %arg1, %mul3A_58 : i32
      %mul3A_60 = arith.constant 128 : i32
      %mul3A_61 = arith.muli %scan3A_57, %mul3A_60 : i32
      %add3A_62 = arith.addi %mul3A_59, %mul3A_61 : i32
      "tpu.region"() ({
        %run_scoped3A = tpu.sem_alloc : memref<!tpu.dma_semaphore, #tpu.memory_space<semaphore_mem>>
        %dma_start3A = arith.constant 0 : i32
        %dma_start3A_64 = tpu.memref_slice %arg14[%add3A_62, %dma_start3A] : memref<10240x128xf32, #tpu.memory_space<vmem_shared>> -> memref<128x128xf32, #tpu.memory_space<vmem_shared>>
        %dma_start3A_65 = arith.constant 0 : i32
        %dma_start3A_66 = tpu.memref_slice %arg14[%add3A_62, %dma_start3A_65] : memref<10240x128xf32, #tpu.memory_space<vmem_shared>> -> memref<128x128xf32, #tpu.memory_space<vmem_shared>>
        tpu.enqueue_dma source(%dma_start3A_66 : memref<128x128xf32, #tpu.memory_space<vmem_shared>>) target(%arg7 : memref<128x128xf32, #tpu.memory_space<vmem>>) target_semaphore(%run_scoped3A : memref<!tpu.dma_semaphore, #tpu.memory_space<semaphore_mem>>)
        %dma_wait3A = arith.constant 0 : i32
        %dma_wait3A_67 = tpu.memref_slice %arg14[%add3A_62, %dma_wait3A] : memref<10240x128xf32, #tpu.memory_space<vmem_shared>> -> memref<128x128xf32, #tpu.memory_space<vmem_shared>>
        %dma_wait3A_68 = arith.constant 0 : i32
        %dma_wait3A_69 = tpu.memref_slice %arg14[%add3A_62, %dma_wait3A_68] : memref<10240x128xf32, #tpu.memory_space<vmem_shared>> -> memref<128x128xf32, #tpu.memory_space<vmem_shared>>
        tpu.wait_dma2 semaphore(%run_scoped3A : memref<!tpu.dma_semaphore, #tpu.memory_space<semaphore_mem>>) src(%dma_wait3A_69 : memref<128x128xf32, #tpu.memory_space<vmem_shared>>) dst(%arg7 : memref<128x128xf32, #tpu.memory_space<vmem>>)
        tpu.yield
      }) : () -> ()
      %add3A_63 = arith.addi %mul3A_30, %add3A_62 : i32
      "tpu.region"() ({
        %run_scoped3A = tpu.sem_alloc : memref<!tpu.dma_semaphore, #tpu.memory_space<semaphore_mem>>
        %dma_start3A = arith.constant 0 : i32
        %dma_start3A_64 = tpu.memref_slice %arg6[%add3A_63, %dma_start3A] : memref<40960x128xf32, #tpu.memory_space<hbm>> -> memref<128x128xf32, #tpu.memory_space<hbm>>
        %dma_start3A_65 = arith.constant 0 : i32
        %dma_start3A_66 = tpu.memref_slice %arg6[%add3A_63, %dma_start3A_65] : memref<40960x128xf32, #tpu.memory_space<hbm>> -> memref<128x128xf32, #tpu.memory_space<hbm>>
        tpu.enqueue_dma source(%arg7 : memref<128x128xf32, #tpu.memory_space<vmem>>) target(%dma_start3A_66 : memref<128x128xf32, #tpu.memory_space<hbm>>) target_semaphore(%run_scoped3A : memref<!tpu.dma_semaphore, #tpu.memory_space<semaphore_mem>>)
        %dma_wait3A = arith.constant 0 : i32
        %dma_wait3A_67 = tpu.memref_slice %arg6[%add3A_63, %dma_wait3A] : memref<40960x128xf32, #tpu.memory_space<hbm>> -> memref<128x128xf32, #tpu.memory_space<hbm>>
        %dma_wait3A_68 = arith.constant 0 : i32
        %dma_wait3A_69 = tpu.memref_slice %arg6[%add3A_63, %dma_wait3A_68] : memref<40960x128xf32, #tpu.memory_space<hbm>> -> memref<128x128xf32, #tpu.memory_space<hbm>>
        tpu.wait_dma2 semaphore(%run_scoped3A : memref<!tpu.dma_semaphore, #tpu.memory_space<semaphore_mem>>) src(%arg7 : memref<128x128xf32, #tpu.memory_space<vmem>>) dst(%dma_wait3A_69 : memref<128x128xf32, #tpu.memory_space<hbm>>)
        tpu.yield
      }) : () -> ()
    }
    %scan3A_56 = arith.constant 5 : i32
    return
  }
}

module attributes {stable_mosaic.version = 14 : i64} {
  func.func @_mm_body(%arg0: i32, %arg1: i32, %arg2: memref<512x256xf32, #tpu.memory_space<vmem>>, %arg3: memref<256x128xf32, #tpu.memory_space<vmem>>, %arg4: memref<512x128xf32, #tpu.memory_space<vmem>>) attributes {dimension_semantics = [#tpu.dimension_semantics<arbitrary>, #tpu.dimension_semantics<arbitrary>], iteration_bounds = array<i64: 2, 20>, scalar_prefetch = 0 : i64, scratch_operands = 0 : i64, tpu.core_type = #tpu.core_type<tc>, window_params = [{transform_indices = @transform_0, window_bounds = array<i64: 512, 256>}, {transform_indices = @transform_1, window_bounds = array<i64: 256, 128>}, {transform_indices = @transform_2, window_bounds = array<i64: 512, 128>}]} {
    %get3A = arith.constant 0 : index
    %get3A_0 = arith.constant 0 : index
    %get3A_1 = vector.load %arg2[%get3A, %get3A_0] : memref<512x256xf32, #tpu.memory_space<vmem>>, vector<512x256xf32>
    %get3A_2 = arith.constant 0 : index
    %get3A_3 = arith.constant 0 : index
    %get3A_4 = vector.load %arg3[%get3A_2, %get3A_3] : memref<256x128xf32, #tpu.memory_space<vmem>>, vector<256x128xf32>
    %dot_general3A = arith.constant dense<0.000000e+00> : vector<512x128xf32>
    %dot_general3A_5 = tpu.matmul %get3A_1, %get3A_4, %dot_general3A {dimension_numbers = #tpu.dot_dimension_numbers<[1], [0], [0], [1], [0, 0, 1, 1], [], []>, transpose_lhs_hint = false} : vector<512x256xf32>, vector<256x128xf32>, vector<512x128xf32> -> vector<512x128xf32>
    %swap3A = arith.constant 0 : index
    %swap3A_6 = arith.constant 0 : index
    %swap3A_7 = vector.load %arg4[%swap3A, %swap3A_6] : memref<512x128xf32, #tpu.memory_space<vmem>>, vector<512x128xf32>
    tpu.vector_store %arg4[%swap3A, %swap3A_6], %dot_general3A_5 {strides = array<i32>} : memref<512x128xf32, #tpu.memory_space<vmem>>, vector<512x128xf32>,
    return
  }
  func.func @transform_0(%arg0: i32, %arg1: i32) -> (i32, i32) {
    %c0_i32 = arith.constant 0 : i32
    %c0_i32_0 = arith.constant 0 : i32
    return %arg1, %c0_i32 : i32, i32
  }
  func.func @transform_1(%arg0: i32, %arg1: i32) -> (i32, i32) {
    %c0_i32 = arith.constant 0 : i32
    %c0_i32_0 = arith.constant 0 : i32
    return %c0_i32, %arg0 : i32, i32
  }
  func.func @transform_2(%arg0: i32, %arg1: i32) -> (i32, i32) {
    %mul3A = arith.constant 20 : i32
    %mul3A_0 = arith.muli %arg0, %mul3A : i32
    %add3A = arith.addi %mul3A_0, %arg1 : i32
    %c0_i32 = arith.constant 0 : i32
    %c0_i32_1 = arith.constant 0 : i32
    return %add3A, %c0_i32 : i32, i32
  }
}

module attributes {stable_mosaic.version = 14 : i64} {
  func.func @_act_body(%arg0: i32, %arg1: memref<512x128xf32, #tpu.memory_space<vmem>>, %arg2: memref<512x128xf32, #tpu.memory_space<vmem>>, %arg3: memref<512x128xf32, #tpu.memory_space<vmem>>, %arg4: memref<512x256xf32, #tpu.memory_space<vmem>>, %arg5: memref<256x256xf32, #tpu.memory_space<vmem>>, %arg6: memref<1x256xf32, #tpu.memory_space<vmem>>, %arg7: memref<512x256xf32, #tpu.memory_space<vmem>>) attributes {dimension_semantics = [#tpu.dimension_semantics<arbitrary>], iteration_bounds = array<i64: 20>, scalar_prefetch = 0 : i64, scratch_operands = 0 : i64, tpu.core_type = #tpu.core_type<tc>, window_params = [{transform_indices = @transform_0, window_bounds = array<i64: 512, 128>}, {transform_indices = @transform_1, window_bounds = array<i64: 512, 128>}, {transform_indices = @transform_2, window_bounds = array<i64: 512, 128>}, {transform_indices = @transform_3, window_bounds = array<i64: 512, 256>}, {pipeline_mode = #tpu.pipeline_mode<synchronous>, transform_indices = @transform_4, window_bounds = array<i64: 256, 256>}, {pipeline_mode = #tpu.pipeline_mode<synchronous>, transform_indices = @transform_5, window_bounds = array<i64: 1, 256>}, {transform_indices = @transform_6, window_bounds = array<i64: 512, 256>}]} {
    %get3A = arith.constant 0 : index
    %get3A_0 = arith.constant 0 : index
    %get3A_1 = vector.load %arg3[%get3A, %get3A_0] : memref<512x128xf32, #tpu.memory_space<vmem>>, vector<512x128xf32>
    %max3A = arith.constant 1.000000e+00 : f32
    %max3A_2 = vector.broadcast %max3A : f32 to vector<512x128xf32>
    %max3A_3 = arith.maximumf %get3A_1, %max3A_2 : vector<512x128xf32>
    %div3A = arith.constant 1.000000e+00 : f32
    %div3A_4 = vector.broadcast %div3A : f32 to vector<512x128xf32>
    %div3A_5 = arith.divf %div3A_4, %max3A_3 : vector<512x128xf32>
    %get3A_6 = arith.constant 0 : index
    %get3A_7 = arith.constant 0 : index
    %get3A_8 = vector.load %arg1[%get3A_6, %get3A_7] : memref<512x128xf32, #tpu.memory_space<vmem>>, vector<512x128xf32>
    %mul3A = arith.mulf %get3A_8, %div3A_5 : vector<512x128xf32>
    %get3A_9 = arith.constant 0 : index
    %get3A_10 = arith.constant 0 : index
    %get3A_11 = vector.load %arg2[%get3A_9, %get3A_10] : memref<512x128xf32, #tpu.memory_space<vmem>>, vector<512x128xf32>
    %mul3A_12 = arith.mulf %get3A_11, %div3A_5 : vector<512x128xf32>
    %concatenate3A = tpu.concatenate %mul3A, %mul3A_12 in 1 : vector<512x128xf32>, vector<512x128xf32> -> vector<512x256xf32>
    %get3A_13 = arith.constant 0 : index
    %get3A_14 = arith.constant 0 : index
    %get3A_15 = vector.load %arg6[%get3A_13, %get3A_14] : memref<1x256xf32, #tpu.memory_space<vmem>>, vector<1x256xf32>
    %add3A = vector.broadcast %get3A_15 : vector<1x256xf32> to vector<512x256xf32>
    %add3A_16 = arith.addf %concatenate3A, %add3A : vector<512x256xf32>
    %get3A_17 = arith.constant 0 : index
    %get3A_18 = arith.constant 0 : index
    %get3A_19 = vector.load %arg4[%get3A_17, %get3A_18] : memref<512x256xf32, #tpu.memory_space<vmem>>, vector<512x256xf32>
    %get3A_20 = arith.constant 0 : index
    %get3A_21 = arith.constant 0 : index
    %get3A_22 = vector.load %arg5[%get3A_20, %get3A_21] : memref<256x256xf32, #tpu.memory_space<vmem>>, vector<256x256xf32>
    %dot_general3A = arith.constant dense<0.000000e+00> : vector<512x256xf32>
    %dot_general3A_23 = tpu.matmul %get3A_19, %get3A_22, %dot_general3A {dimension_numbers = #tpu.dot_dimension_numbers<[1], [0], [0], [1], [0, 0, 1, 1], [], []>, transpose_lhs_hint = false} : vector<512x256xf32>, vector<256x256xf32>, vector<512x256xf32> -> vector<512x256xf32>
    %add3A_24 = arith.addf %add3A_16, %dot_general3A_23 : vector<512x256xf32>
    %max3A_25 = arith.constant 0.000000e+00 : f32
    %max3A_26 = vector.broadcast %max3A_25 : f32 to vector<512x256xf32>
    %max3A_27 = arith.maximumf %add3A_24, %max3A_26 : vector<512x256xf32>
    %swap3A = arith.constant 0 : index
    %swap3A_28 = arith.constant 0 : index
    %swap3A_29 = vector.load %arg7[%swap3A, %swap3A_28] : memref<512x256xf32, #tpu.memory_space<vmem>>, vector<512x256xf32>
    tpu.vector_store %arg7[%swap3A, %swap3A_28], %max3A_27 {strides = array<i32>} : memref<512x256xf32, #tpu.memory_space<vmem>>, vector<512x256xf32>,
    return
  }
  func.func @transform_0(%arg0: i32) -> (i32, i32) {
    %add3A = arith.constant 0 : i32
    %add3A_0 = arith.addi %arg0, %add3A : i32
    %c0_i32 = arith.constant 0 : i32
    %c0_i32_1 = arith.constant 0 : i32
    return %add3A_0, %c0_i32 : i32, i32
  }
  func.func @transform_1(%arg0: i32) -> (i32, i32) {
    %add3A = arith.constant 20 : i32
    %add3A_0 = arith.addi %arg0, %add3A : i32
    %c0_i32 = arith.constant 0 : i32
    %c0_i32_1 = arith.constant 0 : i32
    return %add3A_0, %c0_i32 : i32, i32
  }
  func.func @transform_2(%arg0: i32) -> (i32, i32) {
    %add3A = arith.constant 0 : i32
    %add3A_0 = arith.addi %arg0, %add3A : i32
    %c0_i32 = arith.constant 0 : i32
    %c0_i32_1 = arith.constant 0 : i32
    return %add3A_0, %c0_i32 : i32, i32
  }
  func.func @transform_3(%arg0: i32) -> (i32, i32) {
    %c0_i32 = arith.constant 0 : i32
    %c0_i32_0 = arith.constant 0 : i32
    return %arg0, %c0_i32 : i32, i32
  }
  func.func @transform_4(%arg0: i32) -> (i32, i32) {
    %c0_i32 = arith.constant 0 : i32
    %c0_i32_0 = arith.constant 0 : i32
    %c0_i32_1 = arith.constant 0 : i32
    return %c0_i32, %c0_i32_0 : i32, i32
  }
  func.func @transform_5(%arg0: i32) -> (i32, i32) {
    %c0_i32 = arith.constant 0 : i32
    %c0_i32_0 = arith.constant 0 : i32
    %c0_i32_1 = arith.constant 0 : i32
    return %c0_i32, %c0_i32_0 : i32, i32
  }
  func.func @transform_6(%arg0: i32) -> (i32, i32) {
    %c0_i32 = arith.constant 0 : i32
    %c0_i32_0 = arith.constant 0 : i32
    return %arg0, %c0_i32 : i32, i32
  }
}

module attributes {stable_mosaic.version = 14 : i64} {
  func.func @_act_body(%arg0: i32, %arg1: memref<512x128xf32, #tpu.memory_space<vmem>>, %arg2: memref<512x128xf32, #tpu.memory_space<vmem>>, %arg3: memref<512x128xf32, #tpu.memory_space<vmem>>, %arg4: memref<512x256xf32, #tpu.memory_space<vmem>>, %arg5: memref<256x256xf32, #tpu.memory_space<vmem>>, %arg6: memref<1x256xf32, #tpu.memory_space<vmem>>, %arg7: memref<512x256xf32, #tpu.memory_space<vmem>>) attributes {dimension_semantics = [#tpu.dimension_semantics<arbitrary>], iteration_bounds = array<i64: 20>, scalar_prefetch = 0 : i64, scratch_operands = 0 : i64, tpu.core_type = #tpu.core_type<tc>, window_params = [{transform_indices = @transform_0, window_bounds = array<i64: 512, 128>}, {transform_indices = @transform_1, window_bounds = array<i64: 512, 128>}, {transform_indices = @transform_2, window_bounds = array<i64: 512, 128>}, {transform_indices = @transform_3, window_bounds = array<i64: 512, 256>}, {pipeline_mode = #tpu.pipeline_mode<synchronous>, transform_indices = @transform_4, window_bounds = array<i64: 256, 256>}, {pipeline_mode = #tpu.pipeline_mode<synchronous>, transform_indices = @transform_5, window_bounds = array<i64: 1, 256>}, {transform_indices = @transform_6, window_bounds = array<i64: 512, 256>}]} {
    %get3A = arith.constant 0 : index
    %get3A_0 = arith.constant 0 : index
    %get3A_1 = vector.load %arg3[%get3A, %get3A_0] : memref<512x128xf32, #tpu.memory_space<vmem>>, vector<512x128xf32>
    %max3A = arith.constant 1.000000e+00 : f32
    %max3A_2 = vector.broadcast %max3A : f32 to vector<512x128xf32>
    %max3A_3 = arith.maximumf %get3A_1, %max3A_2 : vector<512x128xf32>
    %div3A = arith.constant 1.000000e+00 : f32
    %div3A_4 = vector.broadcast %div3A : f32 to vector<512x128xf32>
    %div3A_5 = arith.divf %div3A_4, %max3A_3 : vector<512x128xf32>
    %get3A_6 = arith.constant 0 : index
    %get3A_7 = arith.constant 0 : index
    %get3A_8 = vector.load %arg1[%get3A_6, %get3A_7] : memref<512x128xf32, #tpu.memory_space<vmem>>, vector<512x128xf32>
    %mul3A = arith.mulf %get3A_8, %div3A_5 : vector<512x128xf32>
    %get3A_9 = arith.constant 0 : index
    %get3A_10 = arith.constant 0 : index
    %get3A_11 = vector.load %arg2[%get3A_9, %get3A_10] : memref<512x128xf32, #tpu.memory_space<vmem>>, vector<512x128xf32>
    %mul3A_12 = arith.mulf %get3A_11, %div3A_5 : vector<512x128xf32>
    %concatenate3A = tpu.concatenate %mul3A, %mul3A_12 in 1 : vector<512x128xf32>, vector<512x128xf32> -> vector<512x256xf32>
    %get3A_13 = arith.constant 0 : index
    %get3A_14 = arith.constant 0 : index
    %get3A_15 = vector.load %arg6[%get3A_13, %get3A_14] : memref<1x256xf32, #tpu.memory_space<vmem>>, vector<1x256xf32>
    %add3A = vector.broadcast %get3A_15 : vector<1x256xf32> to vector<512x256xf32>
    %add3A_16 = arith.addf %concatenate3A, %add3A : vector<512x256xf32>
    %get3A_17 = arith.constant 0 : index
    %get3A_18 = arith.constant 0 : index
    %get3A_19 = vector.load %arg4[%get3A_17, %get3A_18] : memref<512x256xf32, #tpu.memory_space<vmem>>, vector<512x256xf32>
    %get3A_20 = arith.constant 0 : index
    %get3A_21 = arith.constant 0 : index
    %get3A_22 = vector.load %arg5[%get3A_20, %get3A_21] : memref<256x256xf32, #tpu.memory_space<vmem>>, vector<256x256xf32>
    %dot_general3A = arith.constant dense<0.000000e+00> : vector<512x256xf32>
    %dot_general3A_23 = tpu.matmul %get3A_19, %get3A_22, %dot_general3A {dimension_numbers = #tpu.dot_dimension_numbers<[1], [0], [0], [1], [0, 0, 1, 1], [], []>, transpose_lhs_hint = false} : vector<512x256xf32>, vector<256x256xf32>, vector<512x256xf32> -> vector<512x256xf32>
    %add3A_24 = arith.addf %add3A_16, %dot_general3A_23 : vector<512x256xf32>
    %max3A_25 = arith.constant 0.000000e+00 : f32
    %max3A_26 = vector.broadcast %max3A_25 : f32 to vector<512x256xf32>
    %max3A_27 = arith.maximumf %add3A_24, %max3A_26 : vector<512x256xf32>
    %swap3A = arith.constant 0 : index
    %swap3A_28 = arith.constant 0 : index
    %swap3A_29 = vector.load %arg7[%swap3A, %swap3A_28] : memref<512x256xf32, #tpu.memory_space<vmem>>, vector<512x256xf32>
    tpu.vector_store %arg7[%swap3A, %swap3A_28], %max3A_27 {strides = array<i32>} : memref<512x256xf32, #tpu.memory_space<vmem>>, vector<512x256xf32>,
    return
  }
  func.func @transform_0(%arg0: i32) -> (i32, i32) {
    %add3A = arith.constant 40 : i32
    %add3A_0 = arith.addi %arg0, %add3A : i32
    %c0_i32 = arith.constant 0 : i32
    %c0_i32_1 = arith.constant 0 : i32
    return %add3A_0, %c0_i32 : i32, i32
  }
  func.func @transform_1(%arg0: i32) -> (i32, i32) {
    %add3A = arith.constant 60 : i32
    %add3A_0 = arith.addi %arg0, %add3A : i32
    %c0_i32 = arith.constant 0 : i32
    %c0_i32_1 = arith.constant 0 : i32
    return %add3A_0, %c0_i32 : i32, i32
  }
  func.func @transform_2(%arg0: i32) -> (i32, i32) {
    %add3A = arith.constant 20 : i32
    %add3A_0 = arith.addi %arg0, %add3A : i32
    %c0_i32 = arith.constant 0 : i32
    %c0_i32_1 = arith.constant 0 : i32
    return %add3A_0, %c0_i32 : i32, i32
  }
  func.func @transform_3(%arg0: i32) -> (i32, i32) {
    %c0_i32 = arith.constant 0 : i32
    %c0_i32_0 = arith.constant 0 : i32
    return %arg0, %c0_i32 : i32, i32
  }
  func.func @transform_4(%arg0: i32) -> (i32, i32) {
    %c0_i32 = arith.constant 0 : i32
    %c0_i32_0 = arith.constant 0 : i32
    %c0_i32_1 = arith.constant 0 : i32
    return %c0_i32, %c0_i32_0 : i32, i32
  }
  func.func @transform_5(%arg0: i32) -> (i32, i32) {
    %c0_i32 = arith.constant 0 : i32
    %c0_i32_0 = arith.constant 0 : i32
    %c0_i32_1 = arith.constant 0 : i32
    return %c0_i32, %c0_i32_0 : i32, i32
  }
  func.func @transform_6(%arg0: i32) -> (i32, i32) {
    %c0_i32 = arith.constant 0 : i32
    %c0_i32_0 = arith.constant 0 : i32
    return %arg0, %c0_i32 : i32, i32
  }
}

module attributes {stable_mosaic.version = 14 : i64} {
  func.func @_act_body(%arg0: i32, %arg1: memref<512x128xf32, #tpu.memory_space<vmem>>, %arg2: memref<512x128xf32, #tpu.memory_space<vmem>>, %arg3: memref<512x128xf32, #tpu.memory_space<vmem>>, %arg4: memref<512x256xf32, #tpu.memory_space<vmem>>, %arg5: memref<256x256xf32, #tpu.memory_space<vmem>>, %arg6: memref<1x256xf32, #tpu.memory_space<vmem>>, %arg7: memref<512x256xf32, #tpu.memory_space<vmem>>) attributes {dimension_semantics = [#tpu.dimension_semantics<arbitrary>], iteration_bounds = array<i64: 20>, scalar_prefetch = 0 : i64, scratch_operands = 0 : i64, tpu.core_type = #tpu.core_type<tc>, window_params = [{transform_indices = @transform_0, window_bounds = array<i64: 512, 128>}, {transform_indices = @transform_1, window_bounds = array<i64: 512, 128>}, {transform_indices = @transform_2, window_bounds = array<i64: 512, 128>}, {transform_indices = @transform_3, window_bounds = array<i64: 512, 256>}, {pipeline_mode = #tpu.pipeline_mode<synchronous>, transform_indices = @transform_4, window_bounds = array<i64: 256, 256>}, {pipeline_mode = #tpu.pipeline_mode<synchronous>, transform_indices = @transform_5, window_bounds = array<i64: 1, 256>}, {transform_indices = @transform_6, window_bounds = array<i64: 512, 256>}]} {
    %get3A = arith.constant 0 : index
    %get3A_0 = arith.constant 0 : index
    %get3A_1 = vector.load %arg3[%get3A, %get3A_0] : memref<512x128xf32, #tpu.memory_space<vmem>>, vector<512x128xf32>
    %max3A = arith.constant 1.000000e+00 : f32
    %max3A_2 = vector.broadcast %max3A : f32 to vector<512x128xf32>
    %max3A_3 = arith.maximumf %get3A_1, %max3A_2 : vector<512x128xf32>
    %div3A = arith.constant 1.000000e+00 : f32
    %div3A_4 = vector.broadcast %div3A : f32 to vector<512x128xf32>
    %div3A_5 = arith.divf %div3A_4, %max3A_3 : vector<512x128xf32>
    %get3A_6 = arith.constant 0 : index
    %get3A_7 = arith.constant 0 : index
    %get3A_8 = vector.load %arg1[%get3A_6, %get3A_7] : memref<512x128xf32, #tpu.memory_space<vmem>>, vector<512x128xf32>
    %mul3A = arith.mulf %get3A_8, %div3A_5 : vector<512x128xf32>
    %get3A_9 = arith.constant 0 : index
    %get3A_10 = arith.constant 0 : index
    %get3A_11 = vector.load %arg2[%get3A_9, %get3A_10] : memref<512x128xf32, #tpu.memory_space<vmem>>, vector<512x128xf32>
    %mul3A_12 = arith.mulf %get3A_11, %div3A_5 : vector<512x128xf32>
    %concatenate3A = tpu.concatenate %mul3A, %mul3A_12 in 1 : vector<512x128xf32>, vector<512x128xf32> -> vector<512x256xf32>
    %get3A_13 = arith.constant 0 : index
    %get3A_14 = arith.constant 0 : index
    %get3A_15 = vector.load %arg6[%get3A_13, %get3A_14] : memref<1x256xf32, #tpu.memory_space<vmem>>, vector<1x256xf32>
    %add3A = vector.broadcast %get3A_15 : vector<1x256xf32> to vector<512x256xf32>
    %add3A_16 = arith.addf %concatenate3A, %add3A : vector<512x256xf32>
    %get3A_17 = arith.constant 0 : index
    %get3A_18 = arith.constant 0 : index
    %get3A_19 = vector.load %arg4[%get3A_17, %get3A_18] : memref<512x256xf32, #tpu.memory_space<vmem>>, vector<512x256xf32>
    %get3A_20 = arith.constant 0 : index
    %get3A_21 = arith.constant 0 : index
    %get3A_22 = vector.load %arg5[%get3A_20, %get3A_21] : memref<256x256xf32, #tpu.memory_space<vmem>>, vector<256x256xf32>
    %dot_general3A = arith.constant dense<0.000000e+00> : vector<512x256xf32>
    %dot_general3A_23 = tpu.matmul %get3A_19, %get3A_22, %dot_general3A {dimension_numbers = #tpu.dot_dimension_numbers<[1], [0], [0], [1], [0, 0, 1, 1], [], []>, transpose_lhs_hint = false} : vector<512x256xf32>, vector<256x256xf32>, vector<512x256xf32> -> vector<512x256xf32>
    %add3A_24 = arith.addf %add3A_16, %dot_general3A_23 : vector<512x256xf32>
    %swap3A = arith.constant 0 : index
    %swap3A_25 = arith.constant 0 : index
    %swap3A_26 = vector.load %arg7[%swap3A, %swap3A_25] : memref<512x256xf32, #tpu.memory_space<vmem>>, vector<512x256xf32>
    tpu.vector_store %arg7[%swap3A, %swap3A_25], %add3A_24 {strides = array<i32>} : memref<512x256xf32, #tpu.memory_space<vmem>>, vector<512x256xf32>,
    return
  }
  func.func @transform_0(%arg0: i32) -> (i32, i32) {
    %add3A = arith.constant 0 : i32
    %add3A_0 = arith.addi %arg0, %add3A : i32
    %c0_i32 = arith.constant 0 : i32
    %c0_i32_1 = arith.constant 0 : i32
    return %add3A_0, %c0_i32 : i32, i32
  }
  func.func @transform_1(%arg0: i32) -> (i32, i32) {
    %add3A = arith.constant 20 : i32
    %add3A_0 = arith.addi %arg0, %add3A : i32
    %c0_i32 = arith.constant 0 : i32
    %c0_i32_1 = arith.constant 0 : i32
    return %add3A_0, %c0_i32 : i32, i32
  }
  func.func @transform_2(%arg0: i32) -> (i32, i32) {
    %add3A = arith.constant 0 : i32
    %add3A_0 = arith.addi %arg0, %add3A : i32
    %c0_i32 = arith.constant 0 : i32
    %c0_i32_1 = arith.constant 0 : i32
    return %add3A_0, %c0_i32 : i32, i32
  }
  func.func @transform_3(%arg0: i32) -> (i32, i32) {
    %c0_i32 = arith.constant 0 : i32
    %c0_i32_0 = arith.constant 0 : i32
    return %arg0, %c0_i32 : i32, i32
  }
  func.func @transform_4(%arg0: i32) -> (i32, i32) {
    %c0_i32 = arith.constant 0 : i32
    %c0_i32_0 = arith.constant 0 : i32
    %c0_i32_1 = arith.constant 0 : i32
    return %c0_i32, %c0_i32_0 : i32, i32
  }
  func.func @transform_5(%arg0: i32) -> (i32, i32) {
    %c0_i32 = arith.constant 0 : i32
    %c0_i32_0 = arith.constant 0 : i32
    %c0_i32_1 = arith.constant 0 : i32
    return %c0_i32, %c0_i32_0 : i32, i32
  }
  func.func @transform_6(%arg0: i32) -> (i32, i32) {
    %c0_i32 = arith.constant 0 : i32
    %c0_i32_0 = arith.constant 0 : i32
    return %arg0, %c0_i32 : i32, i32
  }
}

module attributes {stable_mosaic.version = 14 : i64} {
  func.func @_act_body(%arg0: i32, %arg1: memref<512x128xf32, #tpu.memory_space<vmem>>, %arg2: memref<512x128xf32, #tpu.memory_space<vmem>>, %arg3: memref<512x128xf32, #tpu.memory_space<vmem>>, %arg4: memref<512x256xf32, #tpu.memory_space<vmem>>, %arg5: memref<256x256xf32, #tpu.memory_space<vmem>>, %arg6: memref<1x256xf32, #tpu.memory_space<vmem>>, %arg7: memref<512x256xf32, #tpu.memory_space<vmem>>) attributes {dimension_semantics = [#tpu.dimension_semantics<arbitrary>], iteration_bounds = array<i64: 20>, scalar_prefetch = 0 : i64, scratch_operands = 0 : i64, tpu.core_type = #tpu.core_type<tc>, window_params = [{transform_indices = @transform_0, window_bounds = array<i64: 512, 128>}, {transform_indices = @transform_1, window_bounds = array<i64: 512, 128>}, {transform_indices = @transform_2, window_bounds = array<i64: 512, 128>}, {transform_indices = @transform_3, window_bounds = array<i64: 512, 256>}, {pipeline_mode = #tpu.pipeline_mode<synchronous>, transform_indices = @transform_4, window_bounds = array<i64: 256, 256>}, {pipeline_mode = #tpu.pipeline_mode<synchronous>, transform_indices = @transform_5, window_bounds = array<i64: 1, 256>}, {transform_indices = @transform_6, window_bounds = array<i64: 512, 256>}]} {
    %get3A = arith.constant 0 : index
    %get3A_0 = arith.constant 0 : index
    %get3A_1 = vector.load %arg3[%get3A, %get3A_0] : memref<512x128xf32, #tpu.memory_space<vmem>>, vector<512x128xf32>
    %max3A = arith.constant 1.000000e+00 : f32
    %max3A_2 = vector.broadcast %max3A : f32 to vector<512x128xf32>
    %max3A_3 = arith.maximumf %get3A_1, %max3A_2 : vector<512x128xf32>
    %div3A = arith.constant 1.000000e+00 : f32
    %div3A_4 = vector.broadcast %div3A : f32 to vector<512x128xf32>
    %div3A_5 = arith.divf %div3A_4, %max3A_3 : vector<512x128xf32>
    %get3A_6 = arith.constant 0 : index
    %get3A_7 = arith.constant 0 : index
    %get3A_8 = vector.load %arg1[%get3A_6, %get3A_7] : memref<512x128xf32, #tpu.memory_space<vmem>>, vector<512x128xf32>
    %mul3A = arith.mulf %get3A_8, %div3A_5 : vector<512x128xf32>
    %get3A_9 = arith.constant 0 : index
    %get3A_10 = arith.constant 0 : index
    %get3A_11 = vector.load %arg2[%get3A_9, %get3A_10] : memref<512x128xf32, #tpu.memory_space<vmem>>, vector<512x128xf32>
    %mul3A_12 = arith.mulf %get3A_11, %div3A_5 : vector<512x128xf32>
    %concatenate3A = tpu.concatenate %mul3A, %mul3A_12 in 1 : vector<512x128xf32>, vector<512x128xf32> -> vector<512x256xf32>
    %get3A_13 = arith.constant 0 : index
    %get3A_14 = arith.constant 0 : index
    %get3A_15 = vector.load %arg6[%get3A_13, %get3A_14] : memref<1x256xf32, #tpu.memory_space<vmem>>, vector<1x256xf32>
    %add3A = vector.broadcast %get3A_15 : vector<1x256xf32> to vector<512x256xf32>
    %add3A_16 = arith.addf %concatenate3A, %add3A : vector<512x256xf32>
    %get3A_17 = arith.constant 0 : index
    %get3A_18 = arith.constant 0 : index
    %get3A_19 = vector.load %arg4[%get3A_17, %get3A_18] : memref<512x256xf32, #tpu.memory_space<vmem>>, vector<512x256xf32>
    %get3A_20 = arith.constant 0 : index
    %get3A_21 = arith.constant 0 : index
    %get3A_22 = vector.load %arg5[%get3A_20, %get3A_21] : memref<256x256xf32, #tpu.memory_space<vmem>>, vector<256x256xf32>
    %dot_general3A = arith.constant dense<0.000000e+00> : vector<512x256xf32>
    %dot_general3A_23 = tpu.matmul %get3A_19, %get3A_22, %dot_general3A {dimension_numbers = #tpu.dot_dimension_numbers<[1], [0], [0], [1], [0, 0, 1, 1], [], []>, transpose_lhs_hint = false} : vector<512x256xf32>, vector<256x256xf32>, vector<512x256xf32> -> vector<512x256xf32>
    %add3A_24 = arith.addf %add3A_16, %dot_general3A_23 : vector<512x256xf32>
    %swap3A = arith.constant 0 : index
    %swap3A_25 = arith.constant 0 : index
    %swap3A_26 = vector.load %arg7[%swap3A, %swap3A_25] : memref<512x256xf32, #tpu.memory_space<vmem>>, vector<512x256xf32>
    tpu.vector_store %arg7[%swap3A, %swap3A_25], %add3A_24 {strides = array<i32>} : memref<512x256xf32, #tpu.memory_space<vmem>>, vector<512x256xf32>,
    return
  }
  func.func @transform_0(%arg0: i32) -> (i32, i32) {
    %add3A = arith.constant 40 : i32
    %add3A_0 = arith.addi %arg0, %add3A : i32
    %c0_i32 = arith.constant 0 : i32
    %c0_i32_1 = arith.constant 0 : i32
    return %add3A_0, %c0_i32 : i32, i32
  }
  func.func @transform_1(%arg0: i32) -> (i32, i32) {
    %add3A = arith.constant 60 : i32
    %add3A_0 = arith.addi %arg0, %add3A : i32
    %c0_i32 = arith.constant 0 : i32
    %c0_i32_1 = arith.constant 0 : i32
    return %add3A_0, %c0_i32 : i32, i32
  }
  func.func @transform_2(%arg0: i32) -> (i32, i32) {
    %add3A = arith.constant 20 : i32
    %add3A_0 = arith.addi %arg0, %add3A : i32
    %c0_i32 = arith.constant 0 : i32
    %c0_i32_1 = arith.constant 0 : i32
    return %add3A_0, %c0_i32 : i32, i32
  }
  func.func @transform_3(%arg0: i32) -> (i32, i32) {
    %c0_i32 = arith.constant 0 : i32
    %c0_i32_0 = arith.constant 0 : i32
    return %arg0, %c0_i32 : i32, i32
  }
  func.func @transform_4(%arg0: i32) -> (i32, i32) {
    %c0_i32 = arith.constant 0 : i32
    %c0_i32_0 = arith.constant 0 : i32
    %c0_i32_1 = arith.constant 0 : i32
    return %c0_i32, %c0_i32_0 : i32, i32
  }
  func.func @transform_5(%arg0: i32) -> (i32, i32) {
    %c0_i32 = arith.constant 0 : i32
    %c0_i32_0 = arith.constant 0 : i32
    %c0_i32_1 = arith.constant 0 : i32
    return %c0_i32, %c0_i32_0 : i32, i32
  }
  func.func @transform_6(%arg0: i32) -> (i32, i32) {
    %c0_i32 = arith.constant 0 : i32
    %c0_i32_0 = arith.constant 0 : i32
    return %arg0, %c0_i32 : i32, i32
  }
}

</mosaic_0001>

<sc_bundles>
// kernel: kernel.12.cloned.1.call-start
scs
__scs_entry_jumppad:
0x0: {  	(pc) =	sbr.rel $0x88, $3  }
0x1: {  	(tag) =	ssettag $0x0;
	lr =	simm.s32 $0x1  }
0x2: {  	[smem:$0x3F91] =	sst lr;
	_ =	strace $0xD0000000  }
0x3: {  	_ = 	snop  }
0x4: {  	_ = 	snop  }
0x5: {  	_ = 	snop  }
0x6: {  	_ = 	snop  }
0x7: {  	_ = 	snop  }
__scs_overlays_trampoline_lowered:
0x8: {  	[smem:$0x3FA0] =	sst s0  }
0x9: {  	[smem:$0x3FA1] =	sst s1  }
0xa: {  	[smem:$0x3FA2] =	sst s2  }
0xb: {  	[smem:$0x3FA3] =	sst s3  }
0xc: {  	[smem:$0x3FA4] =	sst s4  }
0xd: {  	[smem:$0x3FA5] =	sst s5  }
0xe: {  	[smem:$0x3FA6] =	sst s6  }
0xf: {  	[smem:$0x3FA7] =	sst s7  }
0x10: {  	[smem:$0x3FA8] =	sst s8  }
0x11: {  	[smem:$0x3FA9] =	sst s9;
	s0 =	simm.s32 @!p0 $0x0  }
0x12: {  	s1 =	sld [smem:$0x3F8F];
	s0 =	simm.s32 @p0 $0x1  }
0x13: {  	[smem:$0x3FAA] =	sst s0;
	s0 =	simm.s32 @!p1 $0x0  }
0x14: {  	s2 =	sld [smem:$0x3F8E];
	s0 =	simm.s32 @p1 $0x1  }
0x15: {  	[smem:$0x3FAB] =	sst s0;
	s0 =	simm.s32 @!p2 $0x0  }
0x16: {  	s3 =	sld [smem:$0x3FDB];
	s0 =	simm.s32 @p2 $0x1  }
0x17: {  	s4 =	simm.s32 $0x1BF5;
	[smem:$0x3FAD] =	sst s0  }
0x18: {  	s0 =	sld [smem:$0x3F90];
	_ =	swait.ge [sflag:s4], $0x0  }
0x19: {  	s7 =	sld [smem:$0x3F91]  }
0x1a: {  	s8 =	sadd.s32 $0xFFFFE003, lr  }
0x1b: {  	s9 =	sadd.s32 $0xFFFFFEF7, lr;
	s5 =	simm.s32 $0xFFFFFFFF;
	p2 =	slt.u32 s8, $0xFFFFF086  }
0x1c: {  	p1 =	slt.u32 s9, $0xF7A;
	s5 =	simm.s32 @!p2 $0x0  }
0x1d: {  	s5 =	simm.s32 @p1 $0x1;
	p0 =	seq.s32 s7, s2  }
0x1e: {  	s7 =	smul.u32 @!p0 $0xF7A, s2;
	p2 =	seq.s32 @!p0 s5, $0x0  }
0x1f: {  	s9 =	smul.u32 $0xF7A, s1;
	s8 =	simm.s32 @!p0 $0x1BF5;
	p2 =	por !p2, p0  }
0x20: {  	[sflag:s8] =	ssyncset.s32 @!p0 $0xFFFFF086;
	s6 =	sadd.s32 @!p0 s3, s7;
	s7 =	simm.s32 @!p0 $0x108  }
0x21: {  	s3 =	sadd.s32 s3, s9;
	s6 =	sadd.s32 @!p0 $0x88, s6;
	s7 =	simm.s32 @p2 $0x1082  }
0x22: {  	[simem:s7], [sflag:s8] =	dma.local @!p0 [hbm:s6], $0xF7A  }
0x23: {  	s9 =	sor.u32 $0xD0000000, s2;
	s6 =	simm.s32 $0x108;
	_ =	swait.ge @!p0 [sflag:s8], $0x0  }
0x24: {  	s3 =	sadd.s32 $0x88, s3;
	s6 =	simm.s32 @!p1 $0x1082;
	[sflag:s4] =	ssyncset.s32 $0xFFFFF086  }
0x25: {  	[simem:s6], [sflag:s4] =	dma.local [hbm:s3], $0xF7A  }
0x26: {  	[smem:$0x3F91] =	sst s1;
	(tag) =	ssettag s2;
	_ =	strace s9  }
0x27: {  	s1 =	sld [smem:$0x3FA1]  }
0x28: {  	s2 =	sld [smem:$0x3FA2]  }
0x29: {  	s4 =	sld [smem:$0x3FA4]  }
0x2a: {  	p0 =	seq.s32 s5, $0x0;
	s5 =	sld [smem:$0x3FA5]  }
0x2b: {  	s6 =	sld [smem:$0x3FA6]  }
0x2c: {  	s7 =	sld [smem:$0x3FA7]  }
0x2d: {  	s3 =	simm.s32 $0x108;
	s8 =	sld [smem:$0x3FA8]  }
0x2e: {  	s3 =	simm.s32 @!p0 $0x1082;
	s9 =	sld [smem:$0x3FA9]  }
0x2f: {  	lr =	sadd.s32 s0, s3;
	s0 =	sld [smem:$0x3FA0]  }
0x30: {  	s3 =	sld [smem:$0x3FA3]  }
0x31: {  	[smem:$0x3FAC] =	sst s10  }
0x32: {  	s10 =	sld [smem:$0x3FAA];
	_ =	sdelay $0x3  }
0x33: {  	p0 =	seq.s32 s10, $0x1;
	s10 =	sld [smem:$0x3FAC];
	_ =	sdelay $0x3  }
0x34: {  	[smem:$0x3FAC] =	sst s10  }
0x35: {  	s10 =	sld [smem:$0x3FAB];
	_ =	sdelay $0x3  }
0x36: {  	p1 =	seq.s32 s10, $0x1;
	s10 =	sld [smem:$0x3FAC];
	_ =	sdelay $0x3  }
0x37: {  	[smem:$0x3FAC] =	sst s10  }
0x38: {  	s10 =	sld [smem:$0x3FAD]  }
0x39: {  	_ = 	snop;
	(pc) =	sbr.ind lr, $3  }
0x3a: {  	_ = 	snop  }
0x3b: {  	_ = 	snop  }
0x3c: {  	p2 =	seq.s32 s10, $0x1;
	s10 =	sld [smem:$0x3FAC]  }
0x3d: {  	_ =	shalt  }
0x3e: {  	_ =	shalt  }
0x3f: {  	_ =	shalt  }
0x40: {  	_ =	shalt  }
0x41: {  	_ =	shalt  }
0x42: {  	_ =	shalt  }
0x43: {  	_ =	shalt  }
0x44: {  	_ =	shalt  }
0x45: {  	_ =	shalt  }
0x46: {  	_ =	shalt  }
0x47: {  	_ =	shalt  }
0x48: {  	_ =	shalt  }
0x49: {  	_ =	shalt  }
0x4a: {  	_ =	shalt  }
0x4b: {  	_ =	shalt  }
0x4c: {  	_ =	shalt  }
0x4d: {  	_ =	shalt  }
0x4e: {  	_ =	shalt  }
0x4f: {  	_ =	shalt  }
0x50: {  	_ =	shalt  }
0x51: {  	_ =	shalt  }
0x52: {  	_ =	shalt  }
0x53: {  	_ =	shalt  }
0x54: {  	_ =	shalt  }
0x55: {  	_ =	shalt  }
0x56: {  	_ =	shalt  }
0x57: {  	_ =	shalt  }
0x58: {  	_ =	shalt  }
0x59: {  	_ =	shalt  }
0x5a: {  	_ =	shalt  }
0x5b: {  	_ =	shalt  }
0x5c: {  	_ =	shalt  }
0x5d: {  	_ =	shalt  }
0x5e: {  	_ =	shalt  }
0x5f: {  	_ =	shalt  }
0x60: {  	_ =	shalt  }
0x61: {  	_ =	shalt  }
0x62: {  	_ =	shalt  }
0x63: {  	_ =	shalt  }
0x64: {  	_ =	shalt  }
0x65: {  	_ =	shalt  }
0x66: {  	_ =	shalt  }
0x67: {  	_ =	shalt  }
0x68: {  	_ =	shalt  }
0x69: {  	_ =	shalt  }
0x6a: {  	_ =	shalt  }
0x6b: {  	_ =	shalt  }
0x6c: {  	_ =	shalt  }
0x6d: {  	_ =	shalt  }
0x6e: {  	_ =	shalt  }
0x6f: {  	_ =	shalt  }
0x70: {  	_ =	shalt  }
0x71: {  	_ =	shalt  }
0x72: {  	_ =	shalt  }
0x73: {  	_ =	shalt  }
0x74: {  	_ =	shalt  }
0x75: {  	_ =	shalt  }
0x76: {  	_ =	shalt  }
0x77: {  	_ =	shalt  }
0x78: {  	_ =	shalt  }
0x79: {  	_ =	shalt  }
0x7a: {  	_ =	shalt  }
0x7b: {  	_ =	shalt  }
0x7c: {  	_ =	shalt  }
0x7d: {  	_ =	shalt  }
0x7e: {  	_ =	shalt  }
0x7f: {  	_ =	shalt  }
0x80: {  	_ =	shalt  }
0x81: {  	_ =	shalt  }
0x82: {  	_ =	shalt  }
0x83: {  	_ =	shalt  }
0x84: {  	_ =	shalt  }
0x85: {  	_ =	shalt  }
0x86: {  	_ =	shalt  }
0x87: {  	_ =	shalt  }
.Lfunc_end0:
.L_simem_size_0:
called_computation_lowered:
.L_overlay_start_0:
0x88: {  	s2 =	sld [smem:$0x3FD9]  }
0x89: {  	s3 =	sld [smem:$0x3FFE];
	_ =	sdelay $0x1  }
0x8a: {  	s1 =	srdreg.scid  }
0x8b: {  	s0 =	sand.u32 $0x1, s1  }
0x8c: {  	s14 =	sshll.u32 s0, $0xA;
	s2 =	sadd.s32 s3, s2  }
0x8d: {  	s2 =	sadd.s32 s2, s14  }
0x8e: {  	[smem:$0x3FB8] =	sst s2  }
0x8f: {  	_ = 	snop  }
0x90: {  	s2 =	sld [smem:$0x3FD0];
	_ =	sdelay $0x2  }
0x91: {  	s15 =	simm.s32 $0xA;
	s4 =	simm.s32 $0x10  }
0x92: {  	[smem:s4], [sflag:s15] =	dma.local [hbm:s2], $0x1  }
0x93: {  	_ =	swait.eq [sflag:s15], $0x1  }
0x94: {  	[sflag:s15] =	ssyncset.done $0x0  }
0x95: {  	s16 =	sld [smem:$0x10];
	[sflag:s15] =	ssyncadd.s32 $0xFFFFFFFF  }
0x96: {  	s17 =	sld [smem:$0x11];
	(tm) =	ssettm $0x1  }
0x97: {  	s18 =	sld [smem:$0x3FFB];
	_ =	sdelay $0x3  }
0x98: {  	_ =	strace s18  }
0x99: {  	s4 =	sld [smem:$0x3FFC];
	_ =	sdelay $0x3  }
0x9a: {  	_ =	strace s4  }
0x9b: {  	s4 =	sld [smem:$0x3FFD];
	_ =	sdelay $0x3  }
0x9c: {  	_ =	strace s4  }
0x9d: {  	_ =	strace $0x8FFFFFFF  }
0x9e: {  	s19 =	sld [smem:$0x3FDB];
	_ =	sdelay $0x1  }
0x9f: {  	s5 =	simm.s32 $_scs_section_size  }
0xa0: {  	s6 =	simm.s32 $_size__tile_overlayer_lowered;
	s7 =	simm.s32 $_tile_overlayer_lowered  }
0xa1: {  	s22 =	simm.s32 $0x1BFF;
	s21 =	sshll.u32 s7, $0x1;
	s4 =	sadd.s32 s5, s19  }
0xa2: {  	s8 =	simm.s32 $0x0;
	s20 =	sshll.u32 s6, $0x1;
	s6 =	sadd.s32 s21, s4  }
0xa3: {  	[timem:s8], [sflag:s22] =	dma.local [hbm:s6], s20  }
0xa4: {  	_ =	swait.ge [sflag:s22], s20  }
0xa5: {  	s5 =	ssub.s32 $0x0, s20;
	[sflag:s22] =	ssyncset.done $0x0  }
0xa6: {  	[sflag:s22] =	ssyncadd.s32 s5;
	_ =	sdelay $0x1  }
0xa7: {  	s23 =	simm.s32 $0x1B8B  }
0xa8: {  	_ =	swait.ge [sflag:s23], $0x1  }
0xa9: {  	[sflag:s23] =	ssyncset.done $0x0  }
0xaa: {  	s25 =	simm.s32 $0x1B8E;
	s24 =	sld [smem:$0x3FFE];
	[sflag:s23] =	ssyncadd.s32 $0xFFFFFFFF  }
0xab: {  	s26 =	simm.s32 $execute0_lowered;
	[smem:$0x3FD2] =	sst s25  }
0xac: {  	s6 =	sshll.u32 s26, $0x1;
	_ =	strace $0x80000046;
	[dreg:$0x1] =	wrdreg $0xFFFFFFFF  }
0xad: {  	s28 =	simm.s32 $_size_execute0_lowered;
	s4 =	sadd.s32 s4, s6;
	[dreg:$0x0] =	wrdreg $0x0  }
0xae: {  	s6 =	sshll.u32 s28, $0x1;
	[dreg:$0x2] =	wrdreg s4  }
0xaf: {  	[dreg:$0x3] =	wrdreg s6  }
0xb0: {  	[dreg:$0x4] =	wrdreg $0xC0  }
0xb1: {  	_ =	task [dreg:s8], $0x5FFFF  }
0xb2: {  	[dreg:$0x1] =	wrdreg $0xFFFFFFFF  }
0xb3: {  	[dreg:$0x0] =	wrdreg $0x60  }
0xb4: {  	[dreg:$0x2] =	wrdreg s24  }
0xb5: {  	[dreg:$0x3] =	wrdreg s17  }
0xb6: {  	[dreg:$0x4] =	wrdreg s16  }
0xb7: {  	[dreg:$0x5] =	wrdreg $0xAA000  }
0xb8: {  	[dreg:$0x6] =	wrdreg $0x9  }
0xb9: {  	_ =	task.clear_ibuf [dreg:s8], $0x7FFFF;
	_ =	strace $0x90000046  }
0xba: {  	s29 =	simm.s32 $0x9;
	_ =	strace $0x80000048  }
0xbb: {  	_ =	swait.ge [sflag:s29], $0x1  }
0xbc: {  	[sflag:s29] =	ssyncadd.s32 $0xFFFFFFFF  }
0xbd: {  	_ =	strace $0x90000048  }
0xbe: {  	_ =	sfence  }
0xbf: {  	s30 =	sld [smem:$0x0];
	_ =	sdelay $0x2  }
0xc0: {  	s31 =	sshll.u32 s1, $0xD;
	s1 =	sshrl.u32 s1, $0x2  }
0xc1: {  	s3 =	sand.u32 $0x4000, s31;
	s1 =	sadd.s32 s1, s30  }
0xc2: {  	s0 =	sor.u32 s3, s0;
	s1 =	sshll.u32 s1, $0x11  }
0xc3: {  	s0 =	sor.u32 s1, s0  }
0xc4: {  	s0 =	sadd.s32 $0x8F2B, s0  }
0xc5: {  	[sflag:s0] =	ssyncadd.remote.s32 $0x1  }
0xc6: {  	_ =	sfence.sel $0xFFFF  }
0xc7: {  	[dreg:$0x0] =	wrdreg $0xFFFFFFFF;
	(pc) =	sbr.abs _section_cstart, $3  }
0xc8: {  	[dreg:$0x1] =	wrdreg $0xFFFFFFFF  }
0xc9: {  	_ =	task.clear_ibuf [dreg:s8], $0x2FFFF;
	_ =	strace $0x9FFFFFFF  }
0xca: {  	(tm) =	ssettm $0x7FFFFFFF  }
0xcb: {  	_ =	shalt  }
tec
execute0_lowered:
.L_overlay_start_1:
0x0: {  	(tag) =	ssettag $0x1  }
0x1: {  	s0 =	rddreg [dreg:$0x0]  }
0x2: {  	s1 =	rddreg [dreg:$0x1];
	s2 =	srdreg.scid  }
0x3: {  	s19 =	rddreg [dreg:$0x2];
	s18 =	stileid.u32;
	s3 =	sand.u32 $0x1, s2  }
0x4: {  	s2 =	simm.s32 $0x0;
	s6 =	smul.u32 $0x280, s18;
	s7 =	sadd.s32 $0xB9400, s0  }
0x5: {  	s4 =	sshll.u32 s3, $0x4;
	s5 =	smul.u32 $0x2800, s3;
	s3 =	ssub.s32 $0x2, s3  }
0x6: {  	[smem:$0x7FF] =	sst s2;
	s4 =	sor.u32 s18, s4;
	s8 =	sshrl.u32 s3, $0x1  }
0x7: {  	s11 =	sadd.s32 $0x100, s6;
	s14 =	sadd.s32 $0x180, s6;
	s17 =	sadd.s32 $0x200, s6  }
0x8: {  	s4 =	smul.u32 $0x500, s4;
	s9 =	sadd.s32 s5, s6;
	s3 =	ssub.s32 s3, s8  }
0x9: {  	s26 =	sadd.s32 $0x5000, s5;
	s13 =	sadd.s32 s5, s11;
	s15 =	sadd.s32 s5, s14  }
0xa: {  	s9 =	sshll.u32 s9, $0x4;
	s13 =	sshll.u32 s13, $0x4;
	s15 =	sshll.u32 s15, $0x4  }
0xb: {  	s24 =	sadd.s32 s11, s26;
	s25 =	sadd.s32 s14, s26;
	s10 =	sadd.s32 s7, s9  }
0xc: {  	s8 =	sadd.s32 s17, s26;
	s20 =	sadd.s32 s7, s13;
	[dreg:$0x5] =	wrdreg s10  }
0xd: {  	s21 =	sadd.s32 s7, s15;
	s1 =	sadd.s32 s1, s4;
	[dreg:$0x7] =	wrdreg s20  }
0xe: {  	s10 =	sadd.s32 $0x80, s6;
	[dreg:$0x8] =	wrdreg s21;
	s6 =	sadd.s32 s6, s26  }
0xf: {  	s21 =	sadd.s32 $0x159400, s0;
	s12 =	sadd.s32 s5, s10;
	s5 =	sadd.s32 s5, s17  }
0x10: {  	s6 =	sshll.u32 s6, $0x4;
	s22 =	sadd.s32 s10, s26;
	s12 =	sshll.u32 s12, $0x4  }
0x11: {  	s5 =	sshll.u32 s5, $0x4;
	s6 =	sadd.s32 s7, s6;
	s23 =	sshll.u32 s22, $0x4  }
0x12: {  	s22 =	sadd.s32 s21, s9;
	s9 =	sadd.s32 s4, s0;
	[dreg:$0x9] =	wrdreg s6  }
0x13: {  	s16 =	sadd.s32 s7, s12;
	s6 =	sadd.s32 s7, s23;
	[dreg:$0xf] =	wrdreg s22  }
0x14: {  	s20 =	sadd.s32 s7, s5;
	s23 =	sadd.s32 s21, s12;
	[dreg:$0x6] =	wrdreg s16  }
0x15: {  	s5 =	sadd.s32 s21, s5;
	s22 =	sadd.s32 $0x55400, s0;
	[dreg:$0xa] =	wrdreg s6  }
0x16: {  	s6 =	sshll.u32 s24, $0x4;
	s16 =	sshll.u32 s25, $0x4;
	[dreg:$0xe] =	wrdreg s20  }
0x17: {  	[dreg:$0x10] =	wrdreg s23;
	s24 =	sadd.s32 s21, s13;
	s25 =	smul.u32 $0x50000, s18  }
0x18: {  	[dreg:$0x13] =	wrdreg s5;
	s13 =	sadd.s32 $0xA5400, s9;
	s18 =	sshll.u32 s11, $0x7  }
0x19: {  	s20 =	sshll.u32 s14, $0x7;
	s5 =	simm.s32 $0x8200;
	s11 =	simm.s32 $0x1  }
0x1a: {  	s14 =	simm.s32 $0x2;
	s6 =	sadd.s32 s7, s6;
	[dreg:$0x11] =	wrdreg s24  }
0x1b: {  	s26 =	sadd.s32 s7, s16;
	s16 =	sshll.u32 s8, $0x4;
	[dreg:$0xb] =	wrdreg s6  }
0x1c: {  	s24 =	sshll.u32 s17, $0x7;
	s8 =	simm.s32 $0x8000;
	[dreg:$0xc] =	wrdreg s26  }
0x1d: {  	s17 =	simm.s32 $0x0;
	s6 =	sadd.s32 s7, s16;
	s16 =	rddreg [dreg:$0x3]  }
0x1e: {  	s26 =	sadd.s32 s21, s15;
	s12 =	sshrl.u32 s25, $0x2;
	s21 =	sadd.s32 $0x5400, s0  }
0x1f: {  	s25 =	sadd.s32 $0xAF400, s9;
	s15 =	sshll.u32 s10, $0x7;
	s7 =	simm.s32 $0x80  }
0x20: {  	s9 =	simm.s32 $0x8080;
	s10 =	simm.s32 $0x4000;
	[dreg:$0xd] =	wrdreg s6  }
0x21: {  	[dreg:$0x12] =	wrdreg s26;
	s23 =	sadd.s32 s12, s16;
	s26 =	smax.u32 s3, $0x1  }
0x22: {  	s28 =	sadd.s32 s15, s16;
	s29 =	sadd.s32 s18, s16;
	s30 =	sadd.s32 s20, s16  }
0x23: {  	s31 =	sadd.s32 s24, s16;
	s12 =	sadd.s32 $0x800, s19;
	s6 =	simm.s32 $0x3  }
0x24: {  	s15 =	simm.s32 $0x8180;
	_ =	strace $0x80000047;
	[dreg:$0x14] =	wrdreg s1  }
0x25: {  	[dreg:$0x15] =	wrdreg s13;
	s0 =	sadd.s32 $0x4000, s23;
	s1 =	sadd.s32 $0x8000, s23  }
0x26: {  	v0 =	vimm.f32 $0.0e+00;
	s3 =	sadd.s32 $0xC000, s23;
	s4 =	sadd.s32 $0x10000, s23;
	s13 =	simm.s32 $0x8100  }
.LBB2_1:
0x27: {  	s18 =	rddreg [dreg:$0x15]  }
0x28: {  	[tilespmem:s5], [sflag:$0x3] =	stream.linear.gather [hbm4b:s18+s2], $0x2800, $0x38;
	[tilespmem:$0x1EA00] =	vst v63  }
0x29: {  	s24 =	sand.u32 $0xFE00, s2;
	s19 =	sand.u32 $0x70, s2;
	_ =	swait.ge [sflag:s6], $0x2800  }
0x2a: {  	s20 =	sshrl.u32 s24, $0x2;
	s18 =	simm.s32 $0x40;
	[sflag:s6] =	ssyncset.done $0x0  }
0x2b: {  	s20 =	sor.u32 s19, s20;
	s19 =	simm.s32 $0x0;
	[sflag:s6] =	ssyncadd.s32 $0xFFFFD800  }
.LBB2_2:
0x2c: {  	p0 =	sne.s32 s18, $0xFFC0  }
0x2d: {  	[tilespmem:s20+$0x0] =	vst v0;
	s19 =	sadd.s32 $0x10, s19;
	s20 =	smov.u32 s18;
	s18 =	sadd.s32 $0x40, s18  }
.Ltmp0:
0x2e: {  	(pc) =	sbr.rel @p0 .LBB2_2-.Ltmp0, $4  }
0x2f: {  	_ = 	snop  }
0x30: {  	s20 =	sand.u32 $0xFE00, s20  }
0x31: {  	s24 =	sand.u32 $0x70, s19;
	s20 =	sshrl.u32 s20, $0x2  }
0x32: {  	s20 =	sor.u32 s24, s20  }
0x33: {  	[tilespmem:s20+$0x0] =	vst v0;
	s18 =	simm.s32 $0x0  }
0x34: {  	[spmem:s23] =	stream.linear.scatter [tilespmem:s18], [sflag:$0x3], $0x4000, $0x38;
	[tilespmem:$0x1EA00] =	vst v63  }
0x35: {  	_ =	swait.ge [sflag:s6], $0x4000  }
0x36: {  	[sflag:s6] =	ssyncset.done $0x0  }
0x37: {  	[sflag:s6] =	ssyncadd.s32 $0xFFFFC000  }
0x38: {  	[spmem:s0] =	stream.linear.scatter [tilespmem:s18], [sflag:$0x3], $0x4000, $0x38;
	[tilespmem:$0x1EA00] =	vst v63  }
0x39: {  	_ =	swait.ge [sflag:s6], $0x4000  }
0x3a: {  	[sflag:s6] =	ssyncset.done $0x0  }
0x3b: {  	[sflag:s6] =	ssyncadd.s32 $0xFFFFC000  }
0x3c: {  	[spmem:s1] =	stream.linear.scatter [tilespmem:s18], [sflag:$0x3], $0x4000, $0x38;
	[tilespmem:$0x1EA00] =	vst v63  }
0x3d: {  	_ =	swait.ge [sflag:s6], $0x4000  }
0x3e: {  	[sflag:s6] =	ssyncset.done $0x0  }
0x3f: {  	[sflag:s6] =	ssyncadd.s32 $0xFFFFC000  }
0x40: {  	[spmem:s3] =	stream.linear.scatter [tilespmem:s18], [sflag:$0x3], $0x4000, $0x38;
	[tilespmem:$0x1EA00] =	vst v63  }
0x41: {  	_ =	swait.ge [sflag:s6], $0x4000  }
0x42: {  	[sflag:s6] =	ssyncset.done $0x0  }
0x43: {  	[sflag:s6] =	ssyncadd.s32 $0xFFFFC000  }
0x44: {  	[spmem:s4] =	stream.linear.scatter [tilespmem:s18], [sflag:$0x3], $0x4000, $0x38;
	[tilespmem:$0x1EA00] =	vst v63  }
0x45: {  	_ =	swait.ge [sflag:s6], $0x4000  }
0x46: {  	[sflag:s6] =	ssyncset.done $0x0  }
0x47: {  	[sflag:s6] =	ssyncadd.s32 $0xFFFFC000  }
0x48: {  	s24 =	simm.s32 $0x0;
	[bflag:$0x0] =	sbarrier.arrive $0xFFFF  }
0x49: {  	v1 =	vld [tilespmem:s24+$0x8200];
	_ =	sdelay $0x4  }
0x4a: {  	v2 =	vand.u32 $0x7FFF, v1  }
0x4b: {  	v1 =	vshrl.u32 v1, $0xF;
	[tilespmem:$0x8000] =	vst v2  }
0x4c: {  	[tilespmem:$0x8100] =	vst v1  }
0x4d: {  	v1 =	vld [tilespmem:s24+$0x8210];
	_ =	sdelay $0x4  }
0x4e: {  	v2 =	vand.u32 $0x7FFF, v1  }
0x4f: {  	v1 =	vshrl.u32 v1, $0xF;
	[tilespmem:$0x8010] =	vst v2  }
0x50: {  	[tilespmem:$0x8110] =	vst v1  }
0x51: {  	v1 =	vld [tilespmem:s24+$0x8220];
	_ =	sdelay $0x4  }
0x52: {  	v2 =	vand.u32 $0x7FFF, v1  }
0x53: {  	v1 =	vshrl.u32 v1, $0xF;
	[tilespmem:$0x8020] =	vst v2  }
0x54: {  	[tilespmem:$0x8120] =	vst v1  }
0x55: {  	v1 =	vld [tilespmem:s24+$0x8230];
	_ =	sdelay $0x4  }
0x56: {  	v2 =	vand.u32 $0x7FFF, v1  }
0x57: {  	v1 =	vshrl.u32 v1, $0xF;
	[tilespmem:$0x8030] =	vst v2  }
0x58: {  	[tilespmem:$0x8130] =	vst v1  }
0x59: {  	v1 =	vld [tilespmem:s24+$0x8240];
	_ =	sdelay $0x4  }
0x5a: {  	v2 =	vand.u32 $0x7FFF, v1  }
0x5b: {  	v1 =	vshrl.u32 v1, $0xF;
	[tilespmem:$0x8040] =	vst v2  }
0x5c: {  	[tilespmem:$0x8140] =	vst v1  }
0x5d: {  	v1 =	vld [tilespmem:s24+$0x8250];
	_ =	sdelay $0x4  }
0x5e: {  	v2 =	vand.u32 $0x7FFF, v1  }
0x5f: {  	v1 =	vshrl.u32 v1, $0xF;
	[tilespmem:$0x8050] =	vst v2  }
0x60: {  	[tilespmem:$0x8150] =	vst v1  }
0x61: {  	v1 =	vld [tilespmem:s24+$0x8260];
	_ =	sdelay $0x4  }
0x62: {  	v2 =	vand.u32 $0x7FFF, v1  }
0x63: {  	v1 =	vshrl.u32 v1, $0xF;
	[tilespmem:$0x8060] =	vst v2  }
0x64: {  	[tilespmem:$0x8160] =	vst v1  }
0x65: {  	v1 =	vld [tilespmem:s24+$0x8270];
	_ =	sdelay $0x4  }
0x66: {  	v2 =	vand.u32 $0x7FFF, v1  }
0x67: {  	v1 =	vshrl.u32 v1, $0xF;
	[tilespmem:$0x8070] =	vst v2  }
0x68: {  	[tilespmem:$0x8170] =	vst v1  }
0x69: {  	v1 =	vld [tilespmem:s24+$0x8280];
	_ =	sdelay $0x4  }
0x6a: {  	v2 =	vand.u32 $0x7FFF, v1  }
0x6b: {  	v1 =	vshrl.u32 v1, $0xF;
	[tilespmem:$0x8080] =	vst v2  }
0x6c: {  	[tilespmem:$0x8180] =	vst v1  }
0x6d: {  	v1 =	vld [tilespmem:s24+$0x8290];
	_ =	sdelay $0x4  }
0x6e: {  	v2 =	vand.u32 $0x7FFF, v1  }
0x6f: {  	v1 =	vshrl.u32 v1, $0xF;
	[tilespmem:$0x8090] =	vst v2  }
0x70: {  	[tilespmem:$0x8190] =	vst v1  }
0x71: {  	v1 =	vld [tilespmem:s24+$0x82A0];
	_ =	sdelay $0x4  }
0x72: {  	v2 =	vand.u32 $0x7FFF, v1  }
0x73: {  	v1 =	vshrl.u32 v1, $0xF;
	[tilespmem:$0x80A0] =	vst v2  }
0x74: {  	[tilespmem:$0x81A0] =	vst v1  }
0x75: {  	v1 =	vld [tilespmem:s24+$0x82B0];
	_ =	sdelay $0x4  }
0x76: {  	v2 =	vand.u32 $0x7FFF, v1  }
0x77: {  	v1 =	vshrl.u32 v1, $0xF;
	[tilespmem:$0x80B0] =	vst v2  }
0x78: {  	[tilespmem:$0x81B0] =	vst v1  }
0x79: {  	v1 =	vld [tilespmem:s24+$0x82C0];
	_ =	sdelay $0x4  }
0x7a: {  	v2 =	vand.u32 $0x7FFF, v1  }
0x7b: {  	v1 =	vshrl.u32 v1, $0xF;
	[tilespmem:$0x80C0] =	vst v2  }
0x7c: {  	[tilespmem:$0x81C0] =	vst v1  }
0x7d: {  	v1 =	vld [tilespmem:s24+$0x82D0];
	_ =	sdelay $0x4  }
0x7e: {  	v2 =	vand.u32 $0x7FFF, v1  }
0x7f: {  	v1 =	vshrl.u32 v1, $0xF;
	[tilespmem:$0x80D0] =	vst v2  }
0x80: {  	[tilespmem:$0x81D0] =	vst v1  }
0x81: {  	v1 =	vld [tilespmem:s24+$0x82E0];
	_ =	sdelay $0x4  }
0x82: {  	v2 =	vand.u32 $0x7FFF, v1  }
0x83: {  	v1 =	vshrl.u32 v1, $0xF;
	[tilespmem:$0x80E0] =	vst v2  }
0x84: {  	[tilespmem:$0x81E0] =	vst v1  }
0x85: {  	v1 =	vld [tilespmem:s24+$0x82F0];
	_ =	sdelay $0x4  }
0x86: {  	v2 =	vand.u32 $0x7FFF, v1  }
0x87: {  	v1 =	vshrl.u32 v1, $0xF;
	[tilespmem:$0x80F0] =	vst v2  }
0x88: {  	s18 =	simm.s32 $0x400;
	[tilespmem:$0x81F0] =	vst v1  }
.LBB2_4:
0x89: {  	[tilespmem:s2], [sflag:$0x1] =	stream.indirect.gather [hbm4b:s21+s7], $0x80, s8, s7, $0xb8;
	[tilespmem:$0x1EA00] =	vst v63  }
0x8a: {  	p0 =	sne.s32 s18, $0x9C00;
	s19 =	smov.u32 s18;
	s18 =	sadd.s32 $0x400, s18  }
0x8b: {  	[tilespmem:s10], [sflag:$0x2] =	stream.indirect.gather [hbm4b:s21+s7], $0x80, s9, s7, $0xb8;
	[tilespmem:$0x1EA00] =	vst v63  }
0x8c: {  	_ =	swait.ge [sflag:s11], $0x4000  }
0x8d: {  	[sflag:s11] =	ssyncset.done $0x0  }
0x8e: {  	[sflag:s11] =	ssyncadd.s32 $0xFFFFC000  }
0x8f: {  	[spmem:s16] =	stream.indirect.scatter.add.f32 [tilespmem:s2], [sflag:$0x3], $0x80, s13, s7, $0xb8;
	[tilespmem:$0x1EA00] =	vst v63  }
0x90: {  	_ =	swait.ge [sflag:s6], $0x4000  }
0x91: {  	[sflag:s6] =	ssyncset.done $0x0  }
0x92: {  	[sflag:s6] =	ssyncadd.s32 $0xFFFFC000  }
0x93: {  	_ =	swait.ge [sflag:s14], $0x4000  }
0x94: {  	[sflag:s14] =	ssyncset.done $0x0  }
0x95: {  	[sflag:s14] =	ssyncadd.s32 $0xFFFFC000  }
0x96: {  	[spmem:s16] =	stream.indirect.scatter.add.f32 [tilespmem:s10], [sflag:$0x3], $0x80, s15, s7, $0xb8;
	[tilespmem:$0x1EA00] =	vst v63  }
0x97: {  	_ =	swait.ge [sflag:s6], $0x4000  }
0x98: {  	[sflag:s6] =	ssyncset.done $0x0  }
0x99: {  	s19 =	sshra.s32 s19, $0x2;
	[sflag:s6] =	ssyncadd.s32 $0xFFFFC000  }
0x9a: {  	v1 =	vld [tilespmem:s19+$0x8200];
	_ =	sdelay $0x4  }
0x9b: {  	v2 =	vand.u32 $0x7FFF, v1;
	v1 =	vshrl.u32 v1, $0xF  }
0x9c: {  	[tilespmem:$0x8000] =	vst v2  }
0x9d: {  	[tilespmem:$0x8100] =	vst v1  }
0x9e: {  	v1 =	vld [tilespmem:s19+$0x8210];
	_ =	sdelay $0x4  }
0x9f: {  	v2 =	vand.u32 $0x7FFF, v1;
	v1 =	vshrl.u32 v1, $0xF  }
0xa0: {  	[tilespmem:$0x8010] =	vst v2  }
0xa1: {  	[tilespmem:$0x8110] =	vst v1  }
0xa2: {  	v1 =	vld [tilespmem:s19+$0x8220];
	_ =	sdelay $0x4  }
0xa3: {  	v2 =	vand.u32 $0x7FFF, v1;
	v1 =	vshrl.u32 v1, $0xF  }
0xa4: {  	[tilespmem:$0x8020] =	vst v2  }
0xa5: {  	[tilespmem:$0x8120] =	vst v1  }
0xa6: {  	v1 =	vld [tilespmem:s19+$0x8230];
	_ =	sdelay $0x4  }
0xa7: {  	v2 =	vand.u32 $0x7FFF, v1;
	v1 =	vshrl.u32 v1, $0xF  }
0xa8: {  	[tilespmem:$0x8030] =	vst v2  }
0xa9: {  	[tilespmem:$0x8130] =	vst v1  }
0xaa: {  	v1 =	vld [tilespmem:s19+$0x8240];
	_ =	sdelay $0x4  }
0xab: {  	v2 =	vand.u32 $0x7FFF, v1;
	v1 =	vshrl.u32 v1, $0xF  }
0xac: {  	[tilespmem:$0x8040] =	vst v2  }
0xad: {  	[tilespmem:$0x8140] =	vst v1  }
0xae: {  	v1 =	vld [tilespmem:s19+$0x8250];
	_ =	sdelay $0x4  }
0xaf: {  	v2 =	vand.u32 $0x7FFF, v1;
	v1 =	vshrl.u32 v1, $0xF  }
0xb0: {  	[tilespmem:$0x8050] =	vst v2  }
0xb1: {  	[tilespmem:$0x8150] =	vst v1  }
0xb2: {  	v1 =	vld [tilespmem:s19+$0x8260];
	_ =	sdelay $0x4  }
0xb3: {  	v2 =	vand.u32 $0x7FFF, v1;
	v1 =	vshrl.u32 v1, $0xF  }
0xb4: {  	[tilespmem:$0x8060] =	vst v2  }
0xb5: {  	[tilespmem:$0x8160] =	vst v1  }
0xb6: {  	v1 =	vld [tilespmem:s19+$0x8270];
	_ =	sdelay $0x4  }
0xb7: {  	v2 =	vand.u32 $0x7FFF, v1;
	v1 =	vshrl.u32 v1, $0xF  }
0xb8: {  	[tilespmem:$0x8070] =	vst v2  }
0xb9: {  	[tilespmem:$0x8170] =	vst v1  }
0xba: {  	v1 =	vld [tilespmem:s19+$0x8280];
	_ =	sdelay $0x4  }
0xbb: {  	v2 =	vand.u32 $0x7FFF, v1;
	v1 =	vshrl.u32 v1, $0xF  }
0xbc: {  	[tilespmem:$0x8080] =	vst v2  }
0xbd: {  	[tilespmem:$0x8180] =	vst v1  }
0xbe: {  	v1 =	vld [tilespmem:s19+$0x8290];
	_ =	sdelay $0x4  }
0xbf: {  	v2 =	vand.u32 $0x7FFF, v1;
	v1 =	vshrl.u32 v1, $0xF  }
0xc0: {  	[tilespmem:$0x8090] =	vst v2  }
0xc1: {  	[tilespmem:$0x8190] =	vst v1  }
0xc2: {  	v1 =	vld [tilespmem:s19+$0x82A0];
	_ =	sdelay $0x4  }
0xc3: {  	v2 =	vand.u32 $0x7FFF, v1;
	v1 =	vshrl.u32 v1, $0xF  }
0xc4: {  	[tilespmem:$0x80A0] =	vst v2  }
0xc5: {  	[tilespmem:$0x81A0] =	vst v1  }
0xc6: {  	v1 =	vld [tilespmem:s19+$0x82B0];
	_ =	sdelay $0x4  }
0xc7: {  	v2 =	vand.u32 $0x7FFF, v1;
	v1 =	vshrl.u32 v1, $0xF  }
0xc8: {  	[tilespmem:$0x80B0] =	vst v2  }
0xc9: {  	[tilespmem:$0x81B0] =	vst v1  }
0xca: {  	v1 =	vld [tilespmem:s19+$0x82C0];
	_ =	sdelay $0x4  }
0xcb: {  	v2 =	vand.u32 $0x7FFF, v1;
	v1 =	vshrl.u32 v1, $0xF  }
0xcc: {  	[tilespmem:$0x80C0] =	vst v2  }
0xcd: {  	[tilespmem:$0x81C0] =	vst v1  }
0xce: {  	v1 =	vld [tilespmem:s19+$0x82D0];
	_ =	sdelay $0x4  }
0xcf: {  	v2 =	vand.u32 $0x7FFF, v1;
	v1 =	vshrl.u32 v1, $0xF  }
0xd0: {  	[tilespmem:$0x80D0] =	vst v2  }
0xd1: {  	[tilespmem:$0x81D0] =	vst v1  }
0xd2: {  	v1 =	vld [tilespmem:s19+$0x82E0];
	_ =	sdelay $0x4  }
0xd3: {  	v2 =	vand.u32 $0x7FFF, v1;
	v1 =	vshrl.u32 v1, $0xF  }
0xd4: {  	[tilespmem:$0x80E0] =	vst v2  }
0xd5: {  	[tilespmem:$0x81E0] =	vst v1  }
0xd6: {  	v1 =	vld [tilespmem:s19+$0x82F0];
	_ =	sdelay $0x2  }
.Ltmp1:
0xd7: {  	(pc) =	sbr.rel @p0 .LBB2_4-.Ltmp1, $4  }
0xd8: {  	_ = 	snop  }
0xd9: {  	v2 =	vand.u32 $0x7FFF, v1;
	v1 =	vshrl.u32 v1, $0xF  }
0xda: {  	[tilespmem:$0x80F0] =	vst v2  }
0xdb: {  	[tilespmem:$0x81F0] =	vst v1  }
0xdc: {  	[tilespmem:s2], [sflag:$0x1] =	stream.indirect.gather [hbm4b:s21+s7], $0x80, s8, s7, $0xb8;
	[tilespmem:$0x1EA00] =	vst v63  }
0xdd: {  	_ = 	snop  }
0xde: {  	[tilespmem:s10], [sflag:$0x2] =	stream.indirect.gather [hbm4b:s21+s7], $0x80, s9, s7, $0xb8;
	[tilespmem:$0x1EA00] =	vst v63  }
0xdf: {  	_ =	swait.ge [sflag:s11], $0x4000  }
0xe0: {  	[sflag:s11] =	ssyncset.done $0x0  }
0xe1: {  	[sflag:s11] =	ssyncadd.s32 $0xFFFFC000  }
0xe2: {  	[spmem:s16] =	stream.indirect.scatter.add.f32 [tilespmem:s2], [sflag:$0x3], $0x80, s13, s7, $0xb8;
	[tilespmem:$0x1EA00] =	vst v63  }
0xe3: {  	_ =	swait.ge [sflag:s6], $0x4000  }
0xe4: {  	[sflag:s6] =	ssyncset.done $0x0  }
0xe5: {  	[sflag:s6] =	ssyncadd.s32 $0xFFFFC000  }
0xe6: {  	_ =	swait.ge [sflag:s14], $0x4000  }
0xe7: {  	[sflag:s14] =	ssyncset.done $0x0  }
0xe8: {  	[sflag:s14] =	ssyncadd.s32 $0xFFFFC000  }
0xe9: {  	[spmem:s16] =	stream.indirect.scatter.add.f32 [tilespmem:s10], [sflag:$0x3], $0x80, s15, s7, $0xb8;
	[tilespmem:$0x1EA00] =	vst v63  }
0xea: {  	_ =	swait.ge [sflag:s6], $0x4000  }
0xeb: {  	[sflag:s6] =	ssyncset.done $0x0  }
0xec: {  	[sflag:s6] =	ssyncadd.s32 $0xFFFFC000  }
0xed: {  	s18 =	simm.s32 $0x0;
	[bflag:$0x0] =	sbarrier.arrive $0xFFFF  }
0xee: {  	[tilespmem:s18], [sflag:$0x3] =	stream.linear.gather [spmem:s23], $0x4000, $0x38;
	[tilespmem:$0x1EA00] =	vst v63  }
0xef: {  	_ =	swait.ge [sflag:s6], $0x4000  }
0xf0: {  	[sflag:s6] =	ssyncset.done $0x0  }
0xf1: {  	s19 =	rddreg [dreg:$0x5];
	[sflag:s6] =	ssyncadd.s32 $0xFFFFC000  }
0xf2: {  	[hbm4b:s19+s18] =	stream.linear.scatter [tilespmem:s18], [sflag:$0x3], $0x4000, $0x38;
	[tilespmem:$0x1EA00] =	vst v63  }
0xf3: {  	_ =	swait.ge [sflag:s6], $0x4000  }
0xf4: {  	[sflag:s6] =	ssyncset.done $0x0  }
0xf5: {  	[sflag:s6] =	ssyncadd.s32 $0xFFFFC000  }
0xf6: {  	[tilespmem:s18], [sflag:$0x3] =	stream.linear.gather [spmem:s28], $0x4000, $0x38;
	[tilespmem:$0x1EA00] =	vst v63  }
0xf7: {  	_ =	swait.ge [sflag:s6], $0x4000  }
0xf8: {  	[sflag:s6] =	ssyncset.done $0x0  }
0xf9: {  	s24 =	rddreg [dreg:$0x6];
	[sflag:s6] =	ssyncadd.s32 $0xFFFFC000  }
0xfa: {  	[hbm4b:s24+s18] =	stream.linear.scatter [tilespmem:s18], [sflag:$0x3], $0x4000, $0x38;
	[tilespmem:$0x1EA00] =	vst v63  }
0xfb: {  	_ =	swait.ge [sflag:s6], $0x4000  }
0xfc: {  	[sflag:s6] =	ssyncset.done $0x0  }
0xfd: {  	[sflag:s6] =	ssyncadd.s32 $0xFFFFC000  }
0xfe: {  	[tilespmem:s18], [sflag:$0x3] =	stream.linear.gather [spmem:s29], $0x4000, $0x38;
	[tilespmem:$0x1EA00] =	vst v63  }
0xff: {  	_ =	swait.ge [sflag:s6], $0x4000  }
0x100: {  	[sflag:s6] =	ssyncset.done $0x0  }
0x101: {  	s20 =	rddreg [dreg:$0x7];
	[sflag:s6] =	ssyncadd.s32 $0xFFFFC000  }
0x102: {  	[hbm4b:s20+s18] =	stream.linear.scatter [tilespmem:s18], [sflag:$0x3], $0x4000, $0x38;
	[tilespmem:$0x1EA00] =	vst v63  }
0x103: {  	_ =	swait.ge [sflag:s6], $0x4000  }
0x104: {  	[sflag:s6] =	ssyncset.done $0x0  }
0x105: {  	[sflag:s6] =	ssyncadd.s32 $0xFFFFC000  }
0x106: {  	[tilespmem:s18], [sflag:$0x3] =	stream.linear.gather [spmem:s30], $0x4000, $0x38;
	[tilespmem:$0x1EA00] =	vst v63  }
0x107: {  	_ =	swait.ge [sflag:s6], $0x4000  }
0x108: {  	[sflag:s6] =	ssyncset.done $0x0  }
0x109: {  	s24 =	rddreg [dreg:$0x8];
	[sflag:s6] =	ssyncadd.s32 $0xFFFFC000  }
0x10a: {  	[hbm4b:s24+s18] =	stream.linear.scatter [tilespmem:s18], [sflag:$0x3], $0x4000, $0x38;
	[tilespmem:$0x1EA00] =	vst v63  }
0x10b: {  	_ =	swait.ge [sflag:s6], $0x4000  }
0x10c: {  	[sflag:s6] =	ssyncset.done $0x0  }
0x10d: {  	[sflag:s6] =	ssyncadd.s32 $0xFFFFC000  }
0x10e: {  	[tilespmem:s18], [sflag:$0x3] =	stream.linear.gather [spmem:s31], $0x4000, $0x38;
	[tilespmem:$0x1EA00] =	vst v63  }
0x10f: {  	_ =	swait.ge [sflag:s6], $0x4000  }
0x110: {  	[sflag:s6] =	ssyncset.done $0x0  }
0x111: {  	s20 =	rddreg [dreg:$0xe];
	[sflag:s6] =	ssyncadd.s32 $0xFFFFC000  }
0x112: {  	[hbm4b:s20+s18] =	stream.linear.scatter [tilespmem:s18], [sflag:$0x3], $0x4000, $0x38;
	[tilespmem:$0x1EA00] =	vst v63  }
0x113: {  	_ =	swait.ge [sflag:s6], $0x4000  }
0x114: {  	[sflag:s6] =	ssyncset.done $0x0  }
0x115: {  	[sflag:s6] =	ssyncadd.s32 $0xFFFFC000  }
0x116: {  	[tilespmem:s5], [sflag:$0x3] =	stream.linear.gather [hbm4b:s25+s18], $0x2800, $0x38;
	[tilespmem:$0x1EA00] =	vst v63  }
0x117: {  	s24 =	sand.u32 $0xFE00, s18;
	_ =	swait.ge [sflag:s6], $0x2800  }
0x118: {  	s19 =	sshrl.u32 s24, $0x2;
	s20 =	sand.u32 $0x70, s18;
	[sflag:s6] =	ssyncset.done $0x0  }
0x119: {  	s20 =	sor.u32 s20, s19;
	s19 =	simm.s32 $0x40;
	[sflag:s6] =	ssyncadd.s32 $0xFFFFD800  }
.LBB2_6:
0x11a: {  	p0 =	sne.s32 s19, $0xFFC0  }
0x11b: {  	[tilespmem:s20+$0x0] =	vst v0;
	s18 =	sadd.s32 $0x10, s18;
	s20 =	smov.u32 s19;
	s19 =	sadd.s32 $0x40, s19  }
.Ltmp2:
0x11c: {  	(pc) =	sbr.rel @p0 .LBB2_6-.Ltmp2, $4  }
0x11d: {  	_ = 	snop  }
0x11e: {  	s20 =	sand.u32 $0xFE00, s20  }
0x11f: {  	s24 =	sand.u32 $0x70, s18;
	s20 =	sshrl.u32 s20, $0x2  }
0x120: {  	s20 =	sor.u32 s24, s20  }
0x121: {  	[tilespmem:s20+$0x0] =	vst v0;
	s18 =	simm.s32 $0x0  }
0x122: {  	[spmem:s23] =	stream.linear.scatter [tilespmem:s18], [sflag:$0x3], $0x4000, $0x38;
	[tilespmem:$0x1EA00] =	vst v63  }
0x123: {  	_ =	swait.ge [sflag:s6], $0x4000  }
0x124: {  	[sflag:s6] =	ssyncset.done $0x0  }
0x125: {  	[sflag:s6] =	ssyncadd.s32 $0xFFFFC000  }
0x126: {  	[spmem:s0] =	stream.linear.scatter [tilespmem:s18], [sflag:$0x3], $0x4000, $0x38;
	[tilespmem:$0x1EA00] =	vst v63  }
0x127: {  	_ =	swait.ge [sflag:s6], $0x4000  }
0x128: {  	[sflag:s6] =	ssyncset.done $0x0  }
0x129: {  	[sflag:s6] =	ssyncadd.s32 $0xFFFFC000  }
0x12a: {  	[spmem:s1] =	stream.linear.scatter [tilespmem:s18], [sflag:$0x3], $0x4000, $0x38;
	[tilespmem:$0x1EA00] =	vst v63  }
0x12b: {  	_ =	swait.ge [sflag:s6], $0x4000  }
0x12c: {  	[sflag:s6] =	ssyncset.done $0x0  }
0x12d: {  	[sflag:s6] =	ssyncadd.s32 $0xFFFFC000  }
0x12e: {  	[spmem:s3] =	stream.linear.scatter [tilespmem:s18], [sflag:$0x3], $0x4000, $0x38;
	[tilespmem:$0x1EA00] =	vst v63  }
0x12f: {  	_ =	swait.ge [sflag:s6], $0x4000  }
0x130: {  	[sflag:s6] =	ssyncset.done $0x0  }
0x131: {  	[sflag:s6] =	ssyncadd.s32 $0xFFFFC000  }
0x132: {  	[spmem:s4] =	stream.linear.scatter [tilespmem:s18], [sflag:$0x3], $0x4000, $0x38;
	[tilespmem:$0x1EA00] =	vst v63  }
0x133: {  	_ =	swait.ge [sflag:s6], $0x4000  }
0x134: {  	[sflag:s6] =	ssyncset.done $0x0  }
0x135: {  	[sflag:s6] =	ssyncadd.s32 $0xFFFFC000  }
0x136: {  	s24 =	simm.s32 $0x0;
	[bflag:$0x0] =	sbarrier.arrive $0xFFFF  }
0x137: {  	v1 =	vld [tilespmem:s24+$0x8200];
	_ =	sdelay $0x4  }
0x138: {  	v2 =	vand.u32 $0x7FFF, v1  }
0x139: {  	v1 =	vshrl.u32 v1, $0xF;
	[tilespmem:$0x8000] =	vst v2  }
0x13a: {  	[tilespmem:$0x8100] =	vst v1  }
0x13b: {  	v1 =	vld [tilespmem:s24+$0x8210];
	_ =	sdelay $0x4  }
0x13c: {  	v2 =	vand.u32 $0x7FFF, v1  }
0x13d: {  	v1 =	vshrl.u32 v1, $0xF;
	[tilespmem:$0x8010] =	vst v2  }
0x13e: {  	[tilespmem:$0x8110] =	vst v1  }
0x13f: {  	v1 =	vld [tilespmem:s24+$0x8220];
	_ =	sdelay $0x4  }
0x140: {  	v2 =	vand.u32 $0x7FFF, v1  }
0x141: {  	v1 =	vshrl.u32 v1, $0xF;
	[tilespmem:$0x8020] =	vst v2  }
0x142: {  	[tilespmem:$0x8120] =	vst v1  }
0x143: {  	v1 =	vld [tilespmem:s24+$0x8230];
	_ =	sdelay $0x4  }
0x144: {  	v2 =	vand.u32 $0x7FFF, v1  }
0x145: {  	v1 =	vshrl.u32 v1, $0xF;
	[tilespmem:$0x8030] =	vst v2  }
0x146: {  	[tilespmem:$0x8130] =	vst v1  }
0x147: {  	v1 =	vld [tilespmem:s24+$0x8240];
	_ =	sdelay $0x4  }
0x148: {  	v2 =	vand.u32 $0x7FFF, v1  }
0x149: {  	v1 =	vshrl.u32 v1, $0xF;
	[tilespmem:$0x8040] =	vst v2  }
0x14a: {  	[tilespmem:$0x8140] =	vst v1  }
0x14b: {  	v1 =	vld [tilespmem:s24+$0x8250];
	_ =	sdelay $0x4  }
0x14c: {  	v2 =	vand.u32 $0x7FFF, v1  }
0x14d: {  	v1 =	vshrl.u32 v1, $0xF;
	[tilespmem:$0x8050] =	vst v2  }
0x14e: {  	[tilespmem:$0x8150] =	vst v1  }
0x14f: {  	v1 =	vld [tilespmem:s24+$0x8260];
	_ =	sdelay $0x4  }
0x150: {  	v2 =	vand.u32 $0x7FFF, v1  }
0x151: {  	v1 =	vshrl.u32 v1, $0xF;
	[tilespmem:$0x8060] =	vst v2  }
0x152: {  	[tilespmem:$0x8160] =	vst v1  }
0x153: {  	v1 =	vld [tilespmem:s24+$0x8270];
	_ =	sdelay $0x4  }
0x154: {  	v2 =	vand.u32 $0x7FFF, v1  }
0x155: {  	v1 =	vshrl.u32 v1, $0xF;
	[tilespmem:$0x8070] =	vst v2  }
0x156: {  	[tilespmem:$0x8170] =	vst v1  }
0x157: {  	v1 =	vld [tilespmem:s24+$0x8280];
	_ =	sdelay $0x4  }
0x158: {  	v2 =	vand.u32 $0x7FFF, v1  }
0x159: {  	v1 =	vshrl.u32 v1, $0xF;
	[tilespmem:$0x8080] =	vst v2  }
0x15a: {  	[tilespmem:$0x8180] =	vst v1  }
0x15b: {  	v1 =	vld [tilespmem:s24+$0x8290];
	_ =	sdelay $0x4  }
0x15c: {  	v2 =	vand.u32 $0x7FFF, v1  }
0x15d: {  	v1 =	vshrl.u32 v1, $0xF;
	[tilespmem:$0x8090] =	vst v2  }
0x15e: {  	[tilespmem:$0x8190] =	vst v1  }
0x15f: {  	v1 =	vld [tilespmem:s24+$0x82A0];
	_ =	sdelay $0x4  }
0x160: {  	v2 =	vand.u32 $0x7FFF, v1  }
0x161: {  	v1 =	vshrl.u32 v1, $0xF;
	[tilespmem:$0x80A0] =	vst v2  }
0x162: {  	[tilespmem:$0x81A0] =	vst v1  }
0x163: {  	v1 =	vld [tilespmem:s24+$0x82B0];
	_ =	sdelay $0x4  }
0x164: {  	v2 =	vand.u32 $0x7FFF, v1  }
0x165: {  	v1 =	vshrl.u32 v1, $0xF;
	[tilespmem:$0x80B0] =	vst v2  }
0x166: {  	[tilespmem:$0x81B0] =	vst v1  }
0x167: {  	v1 =	vld [tilespmem:s24+$0x82C0];
	_ =	sdelay $0x4  }
0x168: {  	v2 =	vand.u32 $0x7FFF, v1  }
0x169: {  	v1 =	vshrl.u32 v1, $0xF;
	[tilespmem:$0x80C0] =	vst v2  }
0x16a: {  	[tilespmem:$0x81C0] =	vst v1  }
0x16b: {  	v1 =	vld [tilespmem:s24+$0x82D0];
	_ =	sdelay $0x4  }
0x16c: {  	v2 =	vand.u32 $0x7FFF, v1  }
0x16d: {  	v1 =	vshrl.u32 v1, $0xF;
	[tilespmem:$0x80D0] =	vst v2  }
0x16e: {  	[tilespmem:$0x81D0] =	vst v1  }
0x16f: {  	v1 =	vld [tilespmem:s24+$0x82E0];
	_ =	sdelay $0x4  }
0x170: {  	v2 =	vand.u32 $0x7FFF, v1  }
0x171: {  	v1 =	vshrl.u32 v1, $0xF;
	[tilespmem:$0x80E0] =	vst v2  }
0x172: {  	[tilespmem:$0x81E0] =	vst v1  }
0x173: {  	v1 =	vld [tilespmem:s24+$0x82F0];
	_ =	sdelay $0x4  }
0x174: {  	v2 =	vand.u32 $0x7FFF, v1  }
0x175: {  	v1 =	vshrl.u32 v1, $0xF;
	[tilespmem:$0x80F0] =	vst v2  }
0x176: {  	s18 =	simm.s32 $0x400;
	[tilespmem:$0x81F0] =	vst v1  }
.LBB2_8:
0x177: {  	[tilespmem:s2], [sflag:$0x1] =	stream.indirect.gather [hbm4b:s22+s7], $0x80, s8, s7, $0xb8;
	[tilespmem:$0x1EA00] =	vst v63  }
0x178: {  	p0 =	sne.s32 s18, $0x9C00;
	s19 =	smov.u32 s18;
	s18 =	sadd.s32 $0x400, s18  }
0x179: {  	[tilespmem:s10], [sflag:$0x2] =	stream.indirect.gather [hbm4b:s22+s7], $0x80, s9, s7, $0xb8;
	[tilespmem:$0x1EA00] =	vst v63  }
0x17a: {  	_ =	swait.ge [sflag:s11], $0x4000  }
0x17b: {  	[sflag:s11] =	ssyncset.done $0x0  }
0x17c: {  	[sflag:s11] =	ssyncadd.s32 $0xFFFFC000  }
0x17d: {  	[spmem:s16] =	stream.indirect.scatter.add.f32 [tilespmem:s2], [sflag:$0x3], $0x80, s13, s7, $0xb8;
	[tilespmem:$0x1EA00] =	vst v63  }
0x17e: {  	_ =	swait.ge [sflag:s6], $0x4000  }
0x17f: {  	[sflag:s6] =	ssyncset.done $0x0  }
0x180: {  	[sflag:s6] =	ssyncadd.s32 $0xFFFFC000  }
0x181: {  	_ =	swait.ge [sflag:s14], $0x4000  }
0x182: {  	[sflag:s14] =	ssyncset.done $0x0  }
0x183: {  	[sflag:s14] =	ssyncadd.s32 $0xFFFFC000  }
0x184: {  	[spmem:s16] =	stream.indirect.scatter.add.f32 [tilespmem:s10], [sflag:$0x3], $0x80, s15, s7, $0xb8;
	[tilespmem:$0x1EA00] =	vst v63  }
0x185: {  	_ =	swait.ge [sflag:s6], $0x4000  }
0x186: {  	[sflag:s6] =	ssyncset.done $0x0  }
0x187: {  	s19 =	sshra.s32 s19, $0x2;
	[sflag:s6] =	ssyncadd.s32 $0xFFFFC000  }
0x188: {  	v1 =	vld [tilespmem:s19+$0x8200];
	_ =	sdelay $0x4  }
0x189: {  	v2 =	vand.u32 $0x7FFF, v1;
	v1 =	vshrl.u32 v1, $0xF  }
0x18a: {  	[tilespmem:$0x8000] =	vst v2  }
0x18b: {  	[tilespmem:$0x8100] =	vst v1  }
0x18c: {  	v1 =	vld [tilespmem:s19+$0x8210];
	_ =	sdelay $0x4  }
0x18d: {  	v2 =	vand.u32 $0x7FFF, v1;
	v1 =	vshrl.u32 v1, $0xF  }
0x18e: {  	[tilespmem:$0x8010] =	vst v2  }
0x18f: {  	[tilespmem:$0x8110] =	vst v1  }
0x190: {  	v1 =	vld [tilespmem:s19+$0x8220];
	_ =	sdelay $0x4  }
0x191: {  	v2 =	vand.u32 $0x7FFF, v1;
	v1 =	vshrl.u32 v1, $0xF  }
0x192: {  	[tilespmem:$0x8020] =	vst v2  }
0x193: {  	[tilespmem:$0x8120] =	vst v1  }
0x194: {  	v1 =	vld [tilespmem:s19+$0x8230];
	_ =	sdelay $0x4  }
0x195: {  	v2 =	vand.u32 $0x7FFF, v1;
	v1 =	vshrl.u32 v1, $0xF  }
0x196: {  	[tilespmem:$0x8030] =	vst v2  }
0x197: {  	[tilespmem:$0x8130] =	vst v1  }
0x198: {  	v1 =	vld [tilespmem:s19+$0x8240];
	_ =	sdelay $0x4  }
0x199: {  	v2 =	vand.u32 $0x7FFF, v1;
	v1 =	vshrl.u32 v1, $0xF  }
0x19a: {  	[tilespmem:$0x8040] =	vst v2  }
0x19b: {  	[tilespmem:$0x8140] =	vst v1  }
0x19c: {  	v1 =	vld [tilespmem:s19+$0x8250];
	_ =	sdelay $0x4  }
0x19d: {  	v2 =	vand.u32 $0x7FFF, v1;
	v1 =	vshrl.u32 v1, $0xF  }
0x19e: {  	[tilespmem:$0x8050] =	vst v2  }
0x19f: {  	[tilespmem:$0x8150] =	vst v1  }
0x1a0: {  	v1 =	vld [tilespmem:s19+$0x8260];
	_ =	sdelay $0x4  }
0x1a1: {  	v2 =	vand.u32 $0x7FFF, v1;
	v1 =	vshrl.u32 v1, $0xF  }
0x1a2: {  	[tilespmem:$0x8060] =	vst v2  }
0x1a3: {  	[tilespmem:$0x8160] =	vst v1  }
0x1a4: {  	v1 =	vld [tilespmem:s19+$0x8270];
	_ =	sdelay $0x4  }
0x1a5: {  	v2 =	vand.u32 $0x7FFF, v1;
	v1 =	vshrl.u32 v1, $0xF  }
0x1a6: {  	[tilespmem:$0x8070] =	vst v2  }
0x1a7: {  	[tilespmem:$0x8170] =	vst v1  }
0x1a8: {  	v1 =	vld [tilespmem:s19+$0x8280];
	_ =	sdelay $0x4  }
0x1a9: {  	v2 =	vand.u32 $0x7FFF, v1;
	v1 =	vshrl.u32 v1, $0xF  }
0x1aa: {  	[tilespmem:$0x8080] =	vst v2  }
0x1ab: {  	[tilespmem:$0x8180] =	vst v1  }
0x1ac: {  	v1 =	vld [tilespmem:s19+$0x8290];
	_ =	sdelay $0x4  }
0x1ad: {  	v2 =	vand.u32 $0x7FFF, v1;
	v1 =	vshrl.u32 v1, $0xF  }
0x1ae: {  	[tilespmem:$0x8090] =	vst v2  }
0x1af: {  	[tilespmem:$0x8190] =	vst v1  }
0x1b0: {  	v1 =	vld [tilespmem:s19+$0x82A0];
	_ =	sdelay $0x4  }
0x1b1: {  	v2 =	vand.u32 $0x7FFF, v1;
	v1 =	vshrl.u32 v1, $0xF  }
0x1b2: {  	[tilespmem:$0x80A0] =	vst v2  }
0x1b3: {  	[tilespmem:$0x81A0] =	vst v1  }
0x1b4: {  	v1 =	vld [tilespmem:s19+$0x82B0];
	_ =	sdelay $0x4  }
0x1b5: {  	v2 =	vand.u32 $0x7FFF, v1;
	v1 =	vshrl.u32 v1, $0xF  }
0x1b6: {  	[tilespmem:$0x80B0] =	vst v2  }
0x1b7: {  	[tilespmem:$0x81B0] =	vst v1  }
0x1b8: {  	v1 =	vld [tilespmem:s19+$0x82C0];
	_ =	sdelay $0x4  }
0x1b9: {  	v2 =	vand.u32 $0x7FFF, v1;
	v1 =	vshrl.u32 v1, $0xF  }
0x1ba: {  	[tilespmem:$0x80C0] =	vst v2  }
0x1bb: {  	[tilespmem:$0x81C0] =	vst v1  }
0x1bc: {  	v1 =	vld [tilespmem:s19+$0x82D0];
	_ =	sdelay $0x4  }
0x1bd: {  	v2 =	vand.u32 $0x7FFF, v1;
	v1 =	vshrl.u32 v1, $0xF  }
0x1be: {  	[tilespmem:$0x80D0] =	vst v2  }
0x1bf: {  	[tilespmem:$0x81D0] =	vst v1  }
0x1c0: {  	v1 =	vld [tilespmem:s19+$0x82E0];
	_ =	sdelay $0x4  }
0x1c1: {  	v2 =	vand.u32 $0x7FFF, v1;
	v1 =	vshrl.u32 v1, $0xF  }
0x1c2: {  	[tilespmem:$0x80E0] =	vst v2  }
0x1c3: {  	[tilespmem:$0x81E0] =	vst v1  }
0x1c4: {  	v1 =	vld [tilespmem:s19+$0x82F0];
	_ =	sdelay $0x2  }
.Ltmp3:
0x1c5: {  	(pc) =	sbr.rel @p0 .LBB2_8-.Ltmp3, $4  }
0x1c6: {  	_ = 	snop  }
0x1c7: {  	v2 =	vand.u32 $0x7FFF, v1;
	v1 =	vshrl.u32 v1, $0xF  }
0x1c8: {  	[tilespmem:$0x80F0] =	vst v2  }
0x1c9: {  	[tilespmem:$0x81F0] =	vst v1  }
0x1ca: {  	[tilespmem:s2], [sflag:$0x1] =	stream.indirect.gather [hbm4b:s22+s7], $0x80, s8, s7, $0xb8;
	[tilespmem:$0x1EA00] =	vst v63  }
0x1cb: {  	_ = 	snop  }
0x1cc: {  	[tilespmem:s10], [sflag:$0x2] =	stream.indirect.gather [hbm4b:s22+s7], $0x80, s9, s7, $0xb8;
	[tilespmem:$0x1EA00] =	vst v63  }
0x1cd: {  	_ =	swait.ge [sflag:s11], $0x4000  }
0x1ce: {  	[sflag:s11] =	ssyncset.done $0x0  }
0x1cf: {  	[sflag:s11] =	ssyncadd.s32 $0xFFFFC000  }
0x1d0: {  	[spmem:s16] =	stream.indirect.scatter.add.f32 [tilespmem:s2], [sflag:$0x3], $0x80, s13, s7, $0xb8;
	[tilespmem:$0x1EA00] =	vst v63  }
0x1d1: {  	_ =	swait.ge [sflag:s6], $0x4000  }
0x1d2: {  	[sflag:s6] =	ssyncset.done $0x0  }
0x1d3: {  	[sflag:s6] =	ssyncadd.s32 $0xFFFFC000  }
0x1d4: {  	_ =	swait.ge [sflag:s14], $0x4000  }
0x1d5: {  	[sflag:s14] =	ssyncset.done $0x0  }
0x1d6: {  	[sflag:s14] =	ssyncadd.s32 $0xFFFFC000  }
0x1d7: {  	[spmem:s16] =	stream.indirect.scatter.add.f32 [tilespmem:s10], [sflag:$0x3], $0x80, s15, s7, $0xb8;
	[tilespmem:$0x1EA00] =	vst v63  }
0x1d8: {  	_ =	swait.ge [sflag:s6], $0x4000  }
0x1d9: {  	[sflag:s6] =	ssyncset.done $0x0  }
0x1da: {  	[sflag:s6] =	ssyncadd.s32 $0xFFFFC000  }
0x1db: {  	s18 =	simm.s32 $0x0;
	[bflag:$0x0] =	sbarrier.arrive $0xFFFF  }
0x1dc: {  	[tilespmem:s18], [sflag:$0x3] =	stream.linear.gather [spmem:s23], $0x4000, $0x38;
	[tilespmem:$0x1EA00] =	vst v63  }
0x1dd: {  	_ =	swait.ge [sflag:s6], $0x4000  }
0x1de: {  	[sflag:s6] =	ssyncset.done $0x0  }
0x1df: {  	s19 =	rddreg [dreg:$0x9];
	[sflag:s6] =	ssyncadd.s32 $0xFFFFC000  }
0x1e0: {  	[hbm4b:s19+s18] =	stream.linear.scatter [tilespmem:s18], [sflag:$0x3], $0x4000, $0x38;
	[tilespmem:$0x1EA00] =	vst v63  }
0x1e1: {  	_ =	swait.ge [sflag:s6], $0x4000  }
0x1e2: {  	[sflag:s6] =	ssyncset.done $0x0  }
0x1e3: {  	[sflag:s6] =	ssyncadd.s32 $0xFFFFC000  }
0x1e4: {  	[tilespmem:s18], [sflag:$0x3] =	stream.linear.gather [spmem:s28], $0x4000, $0x38;
	[tilespmem:$0x1EA00] =	vst v63  }
0x1e5: {  	_ =	swait.ge [sflag:s6], $0x4000  }
0x1e6: {  	[sflag:s6] =	ssyncset.done $0x0  }
0x1e7: {  	s24 =	rddreg [dreg:$0xa];
	[sflag:s6] =	ssyncadd.s32 $0xFFFFC000  }
0x1e8: {  	[hbm4b:s24+s18] =	stream.linear.scatter [tilespmem:s18], [sflag:$0x3], $0x4000, $0x38;
	[tilespmem:$0x1EA00] =	vst v63  }
0x1e9: {  	_ =	swait.ge [sflag:s6], $0x4000  }
0x1ea: {  	[sflag:s6] =	ssyncset.done $0x0  }
0x1eb: {  	[sflag:s6] =	ssyncadd.s32 $0xFFFFC000  }
0x1ec: {  	[tilespmem:s18], [sflag:$0x3] =	stream.linear.gather [spmem:s29], $0x4000, $0x38;
	[tilespmem:$0x1EA00] =	vst v63  }
0x1ed: {  	_ =	swait.ge [sflag:s6], $0x4000  }
0x1ee: {  	[sflag:s6] =	ssyncset.done $0x0  }
0x1ef: {  	s20 =	rddreg [dreg:$0xb];
	[sflag:s6] =	ssyncadd.s32 $0xFFFFC000  }
0x1f0: {  	[hbm4b:s20+s18] =	stream.linear.scatter [tilespmem:s18], [sflag:$0x3], $0x4000, $0x38;
	[tilespmem:$0x1EA00] =	vst v63  }
0x1f1: {  	_ =	swait.ge [sflag:s6], $0x4000  }
0x1f2: {  	[sflag:s6] =	ssyncset.done $0x0  }
0x1f3: {  	[sflag:s6] =	ssyncadd.s32 $0xFFFFC000  }
0x1f4: {  	[tilespmem:s18], [sflag:$0x3] =	stream.linear.gather [spmem:s30], $0x4000, $0x38;
	[tilespmem:$0x1EA00] =	vst v63  }
0x1f5: {  	_ =	swait.ge [sflag:s6], $0x4000  }
0x1f6: {  	[sflag:s6] =	ssyncset.done $0x0  }
0x1f7: {  	s24 =	rddreg [dreg:$0xc];
	[sflag:s6] =	ssyncadd.s32 $0xFFFFC000  }
0x1f8: {  	[hbm4b:s24+s18] =	stream.linear.scatter [tilespmem:s18], [sflag:$0x3], $0x4000, $0x38;
	[tilespmem:$0x1EA00] =	vst v63  }
0x1f9: {  	_ =	swait.ge [sflag:s6], $0x4000  }
0x1fa: {  	[sflag:s6] =	ssyncset.done $0x0  }
0x1fb: {  	[sflag:s6] =	ssyncadd.s32 $0xFFFFC000  }
0x1fc: {  	[tilespmem:s18], [sflag:$0x3] =	stream.linear.gather [spmem:s31], $0x4000, $0x38;
	[tilespmem:$0x1EA00] =	vst v63  }
0x1fd: {  	_ =	swait.ge [sflag:s6], $0x4000  }
0x1fe: {  	[sflag:s6] =	ssyncset.done $0x0  }
0x1ff: {  	s20 =	rddreg [dreg:$0xd];
	[sflag:s6] =	ssyncadd.s32 $0xFFFFC000  }
0x200: {  	[hbm4b:s20+s18] =	stream.linear.scatter [tilespmem:s18], [sflag:$0x3], $0x4000, $0x38;
	[tilespmem:$0x1EA00] =	vst v63  }
0x201: {  	_ =	swait.ge [sflag:s6], $0x4000  }
0x202: {  	[sflag:s6] =	ssyncset.done $0x0  }
0x203: {  	s24 =	rddreg [dreg:$0x14];
	[sflag:s6] =	ssyncadd.s32 $0xFFFFC000  }
0x204: {  	[tilespmem:s5], [sflag:$0x3] =	stream.linear.gather [hbm4b:s24+s18], $0x2800, $0x38;
	[tilespmem:$0x1EA00] =	vst v63  }
0x205: {  	_ =	swait.ge [sflag:s6], $0x2800  }
0x206: {  	[sflag:s6] =	ssyncset.done $0x0  }
0x207: {  	[sflag:s6] =	ssyncadd.s32 $0xFFFFD800  }
0x208: {  	s20 =	rddreg [dreg:$0x2]  }
0x209: {  	[tilespmem:s18], [sflag:$0x3] =	stream.linear.gather [hbm4b:s20+s18], $0x4000, $0x38;
	[tilespmem:$0x1EA00] =	vst v63  }
0x20a: {  	_ =	swait.ge [sflag:s6], $0x4000  }
0x20b: {  	[sflag:s6] =	ssyncset.done $0x0  }
0x20c: {  	[sflag:s6] =	ssyncadd.s32 $0xFFFFC000  }
0x20d: {  	[spmem:s23] =	stream.linear.scatter [tilespmem:s18], [sflag:$0x3], $0x4000, $0x38;
	[tilespmem:$0x1EA00] =	vst v63  }
0x20e: {  	_ =	swait.ge [sflag:s6], $0x4000  }
0x20f: {  	[sflag:s6] =	ssyncset.done $0x0  }
0x210: {  	[sflag:s6] =	ssyncadd.s32 $0xFFFFC000  }
0x211: {  	[spmem:s0] =	stream.linear.scatter [tilespmem:s18], [sflag:$0x3], $0x4000, $0x38;
	[tilespmem:$0x1EA00] =	vst v63  }
0x212: {  	_ =	swait.ge [sflag:s6], $0x4000  }
0x213: {  	[sflag:s6] =	ssyncset.done $0x0  }
0x214: {  	[sflag:s6] =	ssyncadd.s32 $0xFFFFC000  }
0x215: {  	[spmem:s1] =	stream.linear.scatter [tilespmem:s18], [sflag:$0x3], $0x4000, $0x38;
	[tilespmem:$0x1EA00] =	vst v63  }
0x216: {  	_ =	swait.ge [sflag:s6], $0x4000  }
0x217: {  	[sflag:s6] =	ssyncset.done $0x0  }
0x218: {  	[sflag:s6] =	ssyncadd.s32 $0xFFFFC000  }
0x219: {  	[spmem:s3] =	stream.linear.scatter [tilespmem:s18], [sflag:$0x3], $0x4000, $0x38;
	[tilespmem:$0x1EA00] =	vst v63  }
0x21a: {  	_ =	swait.ge [sflag:s6], $0x4000  }
0x21b: {  	[sflag:s6] =	ssyncset.done $0x0  }
0x21c: {  	[sflag:s6] =	ssyncadd.s32 $0xFFFFC000  }
0x21d: {  	[spmem:s4] =	stream.linear.scatter [tilespmem:s18], [sflag:$0x3], $0x4000, $0x38;
	[tilespmem:$0x1EA00] =	vst v63  }
0x21e: {  	_ =	swait.ge [sflag:s6], $0x4000  }
0x21f: {  	[sflag:s6] =	ssyncset.done $0x0  }
0x220: {  	[sflag:s6] =	ssyncadd.s32 $0xFFFFC000  }
0x221: {  	[tilespmem:s18], [sflag:$0x3] =	stream.linear.gather [hbm4b:s12+s18], $0x4000, $0x38;
	[tilespmem:$0x1EA00] =	vst v63  }
0x222: {  	_ =	swait.ge [sflag:s6], $0x4000  }
0x223: {  	[sflag:s6] =	ssyncset.done $0x0  }
0x224: {  	[sflag:s6] =	ssyncadd.s32 $0xFFFFC000  }
0x225: {  	s24 =	simm.s32 $0x0;
	[bflag:$0x0] =	sbarrier.arrive $0xFFFF  }
0x226: {  	v1 =	vld [tilespmem:s24+$0x8200];
	_ =	sdelay $0x4  }
0x227: {  	v2 =	vand.u32 $0x7FFF, v1  }
0x228: {  	v1 =	vshrl.u32 v1, $0xF;
	[tilespmem:$0x8000] =	vst v2  }
0x229: {  	[tilespmem:$0x8100] =	vst v1  }
0x22a: {  	v1 =	vld [tilespmem:s24+$0x8210];
	_ =	sdelay $0x4  }
0x22b: {  	v2 =	vand.u32 $0x7FFF, v1  }
0x22c: {  	v1 =	vshrl.u32 v1, $0xF;
	[tilespmem:$0x8010] =	vst v2  }
0x22d: {  	[tilespmem:$0x8110] =	vst v1  }
0x22e: {  	v1 =	vld [tilespmem:s24+$0x8220];
	_ =	sdelay $0x4  }
0x22f: {  	v2 =	vand.u32 $0x7FFF, v1  }
0x230: {  	v1 =	vshrl.u32 v1, $0xF;
	[tilespmem:$0x8020] =	vst v2  }
0x231: {  	[tilespmem:$0x8120] =	vst v1  }
0x232: {  	v1 =	vld [tilespmem:s24+$0x8230];
	_ =	sdelay $0x4  }
0x233: {  	v2 =	vand.u32 $0x7FFF, v1  }
0x234: {  	v1 =	vshrl.u32 v1, $0xF;
	[tilespmem:$0x8030] =	vst v2  }
0x235: {  	[tilespmem:$0x8130] =	vst v1  }
0x236: {  	v1 =	vld [tilespmem:s24+$0x8240];
	_ =	sdelay $0x4  }
0x237: {  	v2 =	vand.u32 $0x7FFF, v1  }
0x238: {  	v1 =	vshrl.u32 v1, $0xF;
	[tilespmem:$0x8040] =	vst v2  }
0x239: {  	[tilespmem:$0x8140] =	vst v1  }
0x23a: {  	v1 =	vld [tilespmem:s24+$0x8250];
	_ =	sdelay $0x4  }
0x23b: {  	v2 =	vand.u32 $0x7FFF, v1  }
0x23c: {  	v1 =	vshrl.u32 v1, $0xF;
	[tilespmem:$0x8050] =	vst v2  }
0x23d: {  	[tilespmem:$0x8150] =	vst v1  }
0x23e: {  	v1 =	vld [tilespmem:s24+$0x8260];
	_ =	sdelay $0x4  }
0x23f: {  	v2 =	vand.u32 $0x7FFF, v1  }
0x240: {  	v1 =	vshrl.u32 v1, $0xF;
	[tilespmem:$0x8060] =	vst v2  }
0x241: {  	[tilespmem:$0x8160] =	vst v1  }
0x242: {  	s18 =	simm.s32 $0x200;
	v1 =	vld [tilespmem:s24+$0x8270]  }
.LBB2_10:
0x243: {  	_ =	sdelay $0x1  }
0x244: {  	p0 =	sne.s32 s18, $0x9E00;
	s19 =	smov.u32 s18;
	s18 =	sadd.s32 $0x200, s18  }
0x245: {  	_ = 	snop  }
0x246: {  	v2 =	vand.u32 $0x7FFF, v1;
	v1 =	vshrl.u32 v1, $0xF  }
0x247: {  	[tilespmem:$0x8070] =	vst v2  }
0x248: {  	[tilespmem:$0x8170] =	vst v1  }
0x249: {  	[spmem:s16] =	stream.indirect.scatter.add.f32 [tilespmem:s2], [sflag:$0x3], $0x80, s8, s7, $0xb8;
	[tilespmem:$0x1EA00] =	vst v63  }
0x24a: {  	_ =	swait.ge [sflag:s6], $0x4000  }
0x24b: {  	[sflag:s6] =	ssyncset.done $0x0  }
0x24c: {  	s19 =	sshra.s32 s19, $0x2;
	[sflag:s6] =	ssyncadd.s32 $0xFFFFC000  }
0x24d: {  	v1 =	vld [tilespmem:s19+$0x8200];
	_ =	sdelay $0x4  }
0x24e: {  	v2 =	vand.u32 $0x7FFF, v1;
	v1 =	vshrl.u32 v1, $0xF  }
0x24f: {  	[tilespmem:$0x8000] =	vst v2  }
0x250: {  	[tilespmem:$0x8100] =	vst v1  }
0x251: {  	v1 =	vld [tilespmem:s19+$0x8210];
	_ =	sdelay $0x4  }
0x252: {  	v2 =	vand.u32 $0x7FFF, v1;
	v1 =	vshrl.u32 v1, $0xF  }
0x253: {  	[tilespmem:$0x8010] =	vst v2  }
0x254: {  	[tilespmem:$0x8110] =	vst v1  }
0x255: {  	v1 =	vld [tilespmem:s19+$0x8220];
	_ =	sdelay $0x4  }
0x256: {  	v2 =	vand.u32 $0x7FFF, v1;
	v1 =	vshrl.u32 v1, $0xF  }
0x257: {  	[tilespmem:$0x8020] =	vst v2  }
0x258: {  	[tilespmem:$0x8120] =	vst v1  }
0x259: {  	v1 =	vld [tilespmem:s19+$0x8230];
	_ =	sdelay $0x4  }
0x25a: {  	v2 =	vand.u32 $0x7FFF, v1;
	v1 =	vshrl.u32 v1, $0xF  }
0x25b: {  	[tilespmem:$0x8030] =	vst v2  }
0x25c: {  	[tilespmem:$0x8130] =	vst v1  }
0x25d: {  	v1 =	vld [tilespmem:s19+$0x8240];
	_ =	sdelay $0x4  }
0x25e: {  	v2 =	vand.u32 $0x7FFF, v1;
	v1 =	vshrl.u32 v1, $0xF  }
0x25f: {  	[tilespmem:$0x8040] =	vst v2  }
0x260: {  	[tilespmem:$0x8140] =	vst v1  }
0x261: {  	v1 =	vld [tilespmem:s19+$0x8250];
	_ =	sdelay $0x4  }
0x262: {  	v2 =	vand.u32 $0x7FFF, v1;
	v1 =	vshrl.u32 v1, $0xF  }
0x263: {  	[tilespmem:$0x8050] =	vst v2  }
0x264: {  	[tilespmem:$0x8150] =	vst v1  }
0x265: {  	v1 =	vld [tilespmem:s19+$0x8260];
	_ =	sdelay $0x3  }
.Ltmp4:
0x266: {  	(pc) =	sbr.rel @p0 .LBB2_10-.Ltmp4, $4  }
0x267: {  	v2 =	vand.u32 $0x7FFF, v1;
	v1 =	vshrl.u32 v1, $0xF  }
0x268: {  	[tilespmem:$0x8060] =	vst v2  }
0x269: {  	[tilespmem:$0x8160] =	vst v1  }
0x26a: {  	v1 =	vld [tilespmem:s19+$0x8270]  }
0x26b: {  	_ =	sdelay $0x3  }
0x26c: {  	v2 =	vand.u32 $0x7FFF, v1  }
0x26d: {  	v1 =	vshrl.u32 v1, $0xF;
	[tilespmem:$0x8070] =	vst v2  }
0x26e: {  	[tilespmem:$0x8170] =	vst v1  }
0x26f: {  	[spmem:s16] =	stream.indirect.scatter.add.f32 [tilespmem:s2], [sflag:$0x3], $0x80, s8, s7, $0xb8;
	[tilespmem:$0x1EA00] =	vst v63  }
0x270: {  	_ =	swait.ge [sflag:s6], $0x4000  }
0x271: {  	[sflag:s6] =	ssyncset.done $0x0  }
0x272: {  	[sflag:s6] =	ssyncadd.s32 $0xFFFFC000  }
0x273: {  	[bflag:$0x0] =	sbarrier.arrive $0xFFFF  }
0x274: {  	[tilespmem:s2], [sflag:$0x3] =	stream.linear.gather [spmem:s23], $0x4000, $0x38;
	[tilespmem:$0x1EA00] =	vst v63  }
0x275: {  	_ =	swait.ge [sflag:s6], $0x4000  }
0x276: {  	[sflag:s6] =	ssyncset.done $0x0  }
0x277: {  	s18 =	rddreg [dreg:$0xf];
	[sflag:s6] =	ssyncadd.s32 $0xFFFFC000  }
0x278: {  	[hbm4b:s18+s2] =	stream.linear.scatter [tilespmem:s2], [sflag:$0x3], $0x4000, $0x38;
	[tilespmem:$0x1EA00] =	vst v63  }
0x279: {  	_ =	swait.ge [sflag:s6], $0x4000  }
0x27a: {  	[sflag:s6] =	ssyncset.done $0x0  }
0x27b: {  	[sflag:s6] =	ssyncadd.s32 $0xFFFFC000  }
0x27c: {  	[tilespmem:s2], [sflag:$0x3] =	stream.linear.gather [spmem:s28], $0x4000, $0x38;
	[tilespmem:$0x1EA00] =	vst v63  }
0x27d: {  	_ =	swait.ge [sflag:s6], $0x4000  }
0x27e: {  	[sflag:s6] =	ssyncset.done $0x0  }
0x27f: {  	s24 =	rddreg [dreg:$0x10];
	[sflag:s6] =	ssyncadd.s32 $0xFFFFC000  }
0x280: {  	[hbm4b:s24+s2] =	stream.linear.scatter [tilespmem:s2], [sflag:$0x3], $0x4000, $0x38;
	[tilespmem:$0x1EA00] =	vst v63  }
0x281: {  	_ =	swait.ge [sflag:s6], $0x4000  }
0x282: {  	[sflag:s6] =	ssyncset.done $0x0  }
0x283: {  	[sflag:s6] =	ssyncadd.s32 $0xFFFFC000  }
0x284: {  	[tilespmem:s2], [sflag:$0x3] =	stream.linear.gather [spmem:s29], $0x4000, $0x38;
	[tilespmem:$0x1EA00] =	vst v63  }
0x285: {  	_ =	swait.ge [sflag:s6], $0x4000  }
0x286: {  	[sflag:s6] =	ssyncset.done $0x0  }
0x287: {  	s19 =	rddreg [dreg:$0x11];
	[sflag:s6] =	ssyncadd.s32 $0xFFFFC000  }
0x288: {  	[hbm4b:s19+s2] =	stream.linear.scatter [tilespmem:s2], [sflag:$0x3], $0x4000, $0x38;
	[tilespmem:$0x1EA00] =	vst v63  }
0x289: {  	_ =	swait.ge [sflag:s6], $0x4000  }
0x28a: {  	[sflag:s6] =	ssyncset.done $0x0  }
0x28b: {  	[sflag:s6] =	ssyncadd.s32 $0xFFFFC000  }
0x28c: {  	[tilespmem:s2], [sflag:$0x3] =	stream.linear.gather [spmem:s30], $0x4000, $0x38;
	[tilespmem:$0x1EA00] =	vst v63  }
0x28d: {  	_ =	swait.ge [sflag:s6], $0x4000  }
0x28e: {  	[sflag:s6] =	ssyncset.done $0x0  }
0x28f: {  	s20 =	rddreg [dreg:$0x12];
	[sflag:s6] =	ssyncadd.s32 $0xFFFFC000  }
0x290: {  	[hbm4b:s20+s2] =	stream.linear.scatter [tilespmem:s2], [sflag:$0x3], $0x4000, $0x38;
	[tilespmem:$0x1EA00] =	vst v63  }
0x291: {  	_ =	swait.ge [sflag:s6], $0x4000  }
0x292: {  	[sflag:s6] =	ssyncset.done $0x0  }
0x293: {  	[sflag:s6] =	ssyncadd.s32 $0xFFFFC000  }
0x294: {  	[tilespmem:s2], [sflag:$0x3] =	stream.linear.gather [spmem:s31], $0x4000, $0x38;
	[tilespmem:$0x1EA00] =	vst v63  }
0x295: {  	s17 =	sadd.s32 $0x1, s17;
	_ =	swait.ge [sflag:s6], $0x4000  }
0x296: {  	p0 =	sne.s32 s17, s26;
	[sflag:s6] =	ssyncset.done $0x0  }
.Ltmp5:
0x297: {  	s24 =	rddreg [dreg:$0x13];
	[sflag:s6] =	ssyncadd.s32 $0xFFFFC000;
	(pc) =	sbr.rel @p0 .LBB2_1-.Ltmp5, $4  }
0x298: {  	[hbm4b:s24+s2] =	stream.linear.scatter [tilespmem:s2], [sflag:$0x3], $0x4000, $0x38;
	[tilespmem:$0x1EA00] =	vst v63  }
0x299: {  	_ =	swait.ge [sflag:s6], $0x4000  }
0x29a: {  	[sflag:s6] =	ssyncset.done $0x0  }
0x29b: {  	[sflag:s6] =	ssyncadd.s32 $0xFFFFC000  }
0x29c: {  	_ =	sfence.sel $0x180000  }
0x29d: {  	[bflag:$0x0] =	sbarrier.arrive $0xFFFF  }
0x29e: {  	_ =	strace $0x90000047  }
0x29f: {  	s0 =	stileid.u32;
	[bflag:$0x2] =	sbarrier.arrive $0xFFFF  }
0x2a0: {  	p0 =	sne.s32 s0, $0x0;
	s0 =	rddreg [dreg:$0x4]  }
0x2a1: {  	s0 =	sadd.s32 @!p0 $0x100000, s0  }
0x2a2: {  	[sflag:s0] =	ssyncadd.tile.s32 @!p0 $0x1;
	_ =	shalt  }
.Lfunc_end2:
_tile_overlayer_lowered:
.L_overlay_start_2:
0x2a3: {  	(tag) =	ssettag $0x2  }
0x2a4: {  	s0 =	rddreg [dreg:$0x0];
	s2 =	stileid.u32  }
0x2a5: {  	s1 =	rddreg [dreg:$0x1];
	p0 =	sne.s32 s2, $0x0  }
0x2a6: {  	s3 =	rddreg [dreg:$0x2];
	[bflag:$0x3] =	sbarrier.arrive $0xFFFF;
	s2 =	simm.s32 @!p0 $0x1C03  }
0x2a7: {  	[timem:s3], [sflag:s2] =	dma.local @!p0 [hbm:s0], s1  }
0x2a8: {  	s0 =	simm.s32 @!p0 $0x3  }
0x2a9: {  	_ =	swait.ge @!p0 [sflag:s0], s1  }
0x2aa: {  	s1 =	ssub.s32 @!p0 $0x0, s1;
	[sflag:s0] =	ssyncset.done @!p0 $0x0  }
0x2ab: {  	[sflag:s0] =	ssyncadd.s32 @!p0 s1  }
0x2ac: {  	[bflag:$0x3] =	sbarrier.arrive $0xFFFF  }
0x2ad: {  	_ =	shalt  }

// kernel: kernel.15.cloned.1.call-start
scs
__scs_entry_jumppad:
0x0: {  	(pc) =	sbr.rel $0x88, $3  }
0x1: {  	(tag) =	ssettag $0x0;
	lr =	simm.s32 $0x1  }
0x2: {  	[smem:$0x3F91] =	sst lr;
	_ =	strace $0xD0000000  }
0x3: {  	_ = 	snop  }
0x4: {  	_ = 	snop  }
0x5: {  	_ = 	snop  }
0x6: {  	_ = 	snop  }
0x7: {  	_ = 	snop  }
__scs_overlays_trampoline_lowered:
0x8: {  	[smem:$0x3FA0] =	sst s0  }
0x9: {  	[smem:$0x3FA1] =	sst s1  }
0xa: {  	[smem:$0x3FA2] =	sst s2  }
0xb: {  	[smem:$0x3FA3] =	sst s3  }
0xc: {  	[smem:$0x3FA4] =	sst s4  }
0xd: {  	[smem:$0x3FA5] =	sst s5  }
0xe: {  	[smem:$0x3FA6] =	sst s6  }
0xf: {  	[smem:$0x3FA7] =	sst s7  }
0x10: {  	[smem:$0x3FA8] =	sst s8  }
0x11: {  	[smem:$0x3FA9] =	sst s9;
	s0 =	simm.s32 @!p0 $0x0  }
0x12: {  	s1 =	sld [smem:$0x3F8F];
	s0 =	simm.s32 @p0 $0x1  }
0x13: {  	[smem:$0x3FAA] =	sst s0;
	s0 =	simm.s32 @!p1 $0x0  }
0x14: {  	s2 =	sld [smem:$0x3F8E];
	s0 =	simm.s32 @p1 $0x1  }
0x15: {  	[smem:$0x3FAB] =	sst s0;
	s0 =	simm.s32 @!p2 $0x0  }
0x16: {  	s3 =	sld [smem:$0x3FDB];
	s0 =	simm.s32 @p2 $0x1  }
0x17: {  	s4 =	simm.s32 $0x1BF5;
	[smem:$0x3FAD] =	sst s0  }
0x18: {  	s0 =	sld [smem:$0x3F90];
	_ =	swait.ge [sflag:s4], $0x0  }
0x19: {  	s7 =	sld [smem:$0x3F91]  }
0x1a: {  	s8 =	sadd.s32 $0xFFFFE003, lr  }
0x1b: {  	s9 =	sadd.s32 $0xFFFFFEF7, lr;
	s5 =	simm.s32 $0xFFFFFFFF;
	p2 =	slt.u32 s8, $0xFFFFF086  }
0x1c: {  	p1 =	slt.u32 s9, $0xF7A;
	s5 =	simm.s32 @!p2 $0x0  }
0x1d: {  	s5 =	simm.s32 @p1 $0x1;
	p0 =	seq.s32 s7, s2  }
0x1e: {  	s7 =	smul.u32 @!p0 $0xF7A, s2;
	p2 =	seq.s32 @!p0 s5, $0x0  }
0x1f: {  	s9 =	smul.u32 $0xF7A, s1;
	s8 =	simm.s32 @!p0 $0x1BF5;
	p2 =	por !p2, p0  }
0x20: {  	[sflag:s8] =	ssyncset.s32 @!p0 $0xFFFFF086;
	s6 =	sadd.s32 @!p0 s3, s7;
	s7 =	simm.s32 @!p0 $0x108  }
0x21: {  	s3 =	sadd.s32 s3, s9;
	s6 =	sadd.s32 @!p0 $0x88, s6;
	s7 =	simm.s32 @p2 $0x1082  }
0x22: {  	[simem:s7], [sflag:s8] =	dma.local @!p0 [hbm:s6], $0xF7A  }
0x23: {  	s9 =	sor.u32 $0xD0000000, s2;
	s6 =	simm.s32 $0x108;
	_ =	swait.ge @!p0 [sflag:s8], $0x0  }
0x24: {  	s3 =	sadd.s32 $0x88, s3;
	s6 =	simm.s32 @!p1 $0x1082;
	[sflag:s4] =	ssyncset.s32 $0xFFFFF086  }
0x25: {  	[simem:s6], [sflag:s4] =	dma.local [hbm:s3], $0xF7A  }
0x26: {  	[smem:$0x3F91] =	sst s1;
	(tag) =	ssettag s2;
	_ =	strace s9  }
0x27: {  	s1 =	sld [smem:$0x3FA1]  }
0x28: {  	s2 =	sld [smem:$0x3FA2]  }
0x29: {  	s4 =	sld [smem:$0x3FA4]  }
0x2a: {  	p0 =	seq.s32 s5, $0x0;
	s5 =	sld [smem:$0x3FA5]  }
0x2b: {  	s6 =	sld [smem:$0x3FA6]  }
0x2c: {  	s7 =	sld [smem:$0x3FA7]  }
0x2d: {  	s3 =	simm.s32 $0x108;
	s8 =	sld [smem:$0x3FA8]  }
0x2e: {  	s3 =	simm.s32 @!p0 $0x1082;
	s9 =	sld [smem:$0x3FA9]  }
0x2f: {  	lr =	sadd.s32 s0, s3;
	s0 =	sld [smem:$0x3FA0]  }
0x30: {  	s3 =	sld [smem:$0x3FA3]  }
0x31: {  	[smem:$0x3FAC] =	sst s10  }
0x32: {  	s10 =	sld [smem:$0x3FAA];
	_ =	sdelay $0x3  }
0x33: {  	p0 =	seq.s32 s10, $0x1;
	s10 =	sld [smem:$0x3FAC];
	_ =	sdelay $0x3  }
0x34: {  	[smem:$0x3FAC] =	sst s10  }
0x35: {  	s10 =	sld [smem:$0x3FAB];
	_ =	sdelay $0x3  }
0x36: {  	p1 =	seq.s32 s10, $0x1;
	s10 =	sld [smem:$0x3FAC];
	_ =	sdelay $0x3  }
0x37: {  	[smem:$0x3FAC] =	sst s10  }
0x38: {  	s10 =	sld [smem:$0x3FAD]  }
0x39: {  	_ = 	snop;
	(pc) =	sbr.ind lr, $3  }
0x3a: {  	_ = 	snop  }
0x3b: {  	_ = 	snop  }
0x3c: {  	p2 =	seq.s32 s10, $0x1;
	s10 =	sld [smem:$0x3FAC]  }
0x3d: {  	_ =	shalt  }
0x3e: {  	_ =	shalt  }
0x3f: {  	_ =	shalt  }
0x40: {  	_ =	shalt  }
0x41: {  	_ =	shalt  }
0x42: {  	_ =	shalt  }
0x43: {  	_ =	shalt  }
0x44: {  	_ =	shalt  }
0x45: {  	_ =	shalt  }
0x46: {  	_ =	shalt  }
0x47: {  	_ =	shalt  }
0x48: {  	_ =	shalt  }
0x49: {  	_ =	shalt  }
0x4a: {  	_ =	shalt  }
0x4b: {  	_ =	shalt  }
0x4c: {  	_ =	shalt  }
0x4d: {  	_ =	shalt  }
0x4e: {  	_ =	shalt  }
0x4f: {  	_ =	shalt  }
0x50: {  	_ =	shalt  }
0x51: {  	_ =	shalt  }
0x52: {  	_ =	shalt  }
0x53: {  	_ =	shalt  }
0x54: {  	_ =	shalt  }
0x55: {  	_ =	shalt  }
0x56: {  	_ =	shalt  }
0x57: {  	_ =	shalt  }
0x58: {  	_ =	shalt  }
0x59: {  	_ =	shalt  }
0x5a: {  	_ =	shalt  }
0x5b: {  	_ =	shalt  }
0x5c: {  	_ =	shalt  }
0x5d: {  	_ =	shalt  }
0x5e: {  	_ =	shalt  }
0x5f: {  	_ =	shalt  }
0x60: {  	_ =	shalt  }
0x61: {  	_ =	shalt  }
0x62: {  	_ =	shalt  }
0x63: {  	_ =	shalt  }
0x64: {  	_ =	shalt  }
0x65: {  	_ =	shalt  }
0x66: {  	_ =	shalt  }
0x67: {  	_ =	shalt  }
0x68: {  	_ =	shalt  }
0x69: {  	_ =	shalt  }
0x6a: {  	_ =	shalt  }
0x6b: {  	_ =	shalt  }
0x6c: {  	_ =	shalt  }
0x6d: {  	_ =	shalt  }
0x6e: {  	_ =	shalt  }
0x6f: {  	_ =	shalt  }
0x70: {  	_ =	shalt  }
0x71: {  	_ =	shalt  }
0x72: {  	_ =	shalt  }
0x73: {  	_ =	shalt  }
0x74: {  	_ =	shalt  }
0x75: {  	_ =	shalt  }
0x76: {  	_ =	shalt  }
0x77: {  	_ =	shalt  }
0x78: {  	_ =	shalt  }
0x79: {  	_ =	shalt  }
0x7a: {  	_ =	shalt  }
0x7b: {  	_ =	shalt  }
0x7c: {  	_ =	shalt  }
0x7d: {  	_ =	shalt  }
0x7e: {  	_ =	shalt  }
0x7f: {  	_ =	shalt  }
0x80: {  	_ =	shalt  }
0x81: {  	_ =	shalt  }
0x82: {  	_ =	shalt  }
0x83: {  	_ =	shalt  }
0x84: {  	_ =	shalt  }
0x85: {  	_ =	shalt  }
0x86: {  	_ =	shalt  }
0x87: {  	_ =	shalt  }
.Lfunc_end0:
.L_simem_size_0:
called_computation.1_lowered:
.L_overlay_start_0:
0x88: {  	s2 =	sld [smem:$0x3FD9]  }
0x89: {  	s3 =	sld [smem:$0x3FFE];
	_ =	sdelay $0x1  }
0x8a: {  	s1 =	srdreg.scid  }
0x8b: {  	s0 =	sand.u32 $0x1, s1  }
0x8c: {  	s16 =	sshll.u32 s0, $0xA;
	s2 =	sadd.s32 s3, s2  }
0x8d: {  	s2 =	sadd.s32 s2, s16  }
0x8e: {  	[smem:$0x3FB8] =	sst s2  }
0x8f: {  	_ = 	snop  }
0x90: {  	(tm) =	ssettm $0x1  }
0x91: {  	s17 =	sld [smem:$0x3FFB];
	_ =	sdelay $0x3  }
0x92: {  	_ =	strace s17  }
0x93: {  	s2 =	sld [smem:$0x3FFC];
	_ =	sdelay $0x3  }
0x94: {  	_ =	strace s2  }
0x95: {  	s2 =	sld [smem:$0x3FFD];
	_ =	sdelay $0x3  }
0x96: {  	_ =	strace s2  }
0x97: {  	_ =	strace $0x8FFFFFFF  }
0x98: {  	s18 =	sld [smem:$0x3FDB];
	_ =	sdelay $0x1  }
0x99: {  	s19 =	simm.s32 $_scs_section_size  }
0x9a: {  	s4 =	simm.s32 $_size__tile_overlayer_lowered;
	s5 =	simm.s32 $_tile_overlayer_lowered  }
0x9b: {  	s22 =	simm.s32 $0x1BFF;
	s21 =	sshll.u32 s5, $0x1;
	s2 =	sadd.s32 s19, s18  }
0x9c: {  	s6 =	simm.s32 $0x0;
	s20 =	sshll.u32 s4, $0x1;
	s4 =	sadd.s32 s21, s2  }
0x9d: {  	[timem:s6], [sflag:s22] =	dma.local [hbm:s4], s20  }
0x9e: {  	_ =	swait.ge [sflag:s22], s20  }
0x9f: {  	s3 =	ssub.s32 $0x0, s20;
	[sflag:s22] =	ssyncset.done $0x0  }
0xa0: {  	[sflag:s22] =	ssyncadd.s32 s3;
	_ =	sdelay $0x1  }
0xa1: {  	s23 =	simm.s32 $0x1B8B  }
0xa2: {  	_ =	swait.ge [sflag:s23], $0x1  }
0xa3: {  	[sflag:s23] =	ssyncset.done $0x0  }
0xa4: {  	s25 =	simm.s32 $0x1B8E;
	s24 =	sld [smem:$0x3FFE];
	[sflag:s23] =	ssyncadd.s32 $0xFFFFFFFF  }
0xa5: {  	s26 =	simm.s32 $execute0_lowered;
	[smem:$0x3FD2] =	sst s25  }
0xa6: {  	s4 =	sshll.u32 s26, $0x1;
	_ =	strace $0x80000049;
	[dreg:$0x1] =	wrdreg $0xFFFFFFFF  }
0xa7: {  	s28 =	simm.s32 $_size_execute0_lowered;
	s2 =	sadd.s32 s2, s4;
	[dreg:$0x0] =	wrdreg $0x0  }
0xa8: {  	s4 =	sshll.u32 s28, $0x1;
	[dreg:$0x2] =	wrdreg s2  }
0xa9: {  	[dreg:$0x3] =	wrdreg s4  }
0xaa: {  	[dreg:$0x4] =	wrdreg $0xC0  }
0xab: {  	_ =	task [dreg:s6], $0x5FFFF  }
0xac: {  	[dreg:$0x1] =	wrdreg $0xFFFFFFFF  }
0xad: {  	[dreg:$0x0] =	wrdreg $0x60  }
0xae: {  	[dreg:$0x2] =	wrdreg s24  }
0xaf: {  	[dreg:$0x3] =	wrdreg $0xAA000  }
0xb0: {  	[dreg:$0x4] =	wrdreg $0x9  }
0xb1: {  	_ =	task.clear_ibuf [dreg:s6], $0x5FFFF;
	_ =	strace $0x90000049  }
0xb2: {  	s29 =	simm.s32 $0x9;
	_ =	strace $0x8000004B  }
0xb3: {  	_ =	swait.ge [sflag:s29], $0x1  }
0xb4: {  	[sflag:s29] =	ssyncadd.s32 $0xFFFFFFFF  }
0xb5: {  	_ =	strace $0x9000004B  }
0xb6: {  	_ =	sfence  }
0xb7: {  	s30 =	sld [smem:$0x0];
	_ =	sdelay $0x2  }
0xb8: {  	s31 =	sshll.u32 s1, $0xD;
	s1 =	sshrl.u32 s1, $0x2  }
0xb9: {  	s3 =	sand.u32 $0x4000, s31;
	s1 =	sadd.s32 s1, s30  }
0xba: {  	s0 =	sor.u32 s3, s0;
	s1 =	sshll.u32 s1, $0x11  }
0xbb: {  	s0 =	sor.u32 s1, s0  }
0xbc: {  	s0 =	sadd.s32 $0x8F2B, s0  }
0xbd: {  	[sflag:s0] =	ssyncadd.remote.s32 $0x1  }
0xbe: {  	_ =	sfence.sel $0xFFFF  }
0xbf: {  	[dreg:$0x0] =	wrdreg $0xFFFFFFFF;
	(pc) =	sbr.abs _section_cstart, $3  }
0xc0: {  	[dreg:$0x1] =	wrdreg $0xFFFFFFFF  }
0xc1: {  	_ =	task.clear_ibuf [dreg:s6], $0x2FFFF;
	_ =	strace $0x9FFFFFFF  }
0xc2: {  	(tm) =	ssettm $0x7FFFFFFF  }
0xc3: {  	_ =	shalt  }
tec
execute0_lowered:
.L_overlay_start_1:
0x0: {  	(tag) =	ssettag $0x1  }
0x1: {  	s0 =	srdreg.scid;
	s1 =	rddreg [dreg:$0x0]  }
0x2: {  	s2 =	rddreg [dreg:$0x1];
	s10 =	stileid.u32  }
0x3: {  	s3 =	simm.s32 $0x0;
	s29 =	simm.s32 $0x8200;
	s30 =	simm.s32 $0x3  }
0x4: {  	s31 =	simm.s32 $0x80;
	s0 =	sand.u32 $0x1, s0;
	s7 =	smul.u32 $0x50000, s10  }
0x5: {  	[smem:$0x7FF] =	sst s3;
	s5 =	sadd.s32 $0x55400, s1;
	s11 =	smul.u32 $0x280, s10  }
0x6: {  	s4 =	sshll.u32 s0, $0x4;
	_ =	strace $0x8000004A;
	s8 =	ssub.s32 $0x2, s0  }
0x7: {  	s0 =	smul.u32 $0x2800, s0;
	s4 =	sor.u32 s10, s4;
	s9 =	sshrl.u32 s8, $0x1  }
0x8: {  	s7 =	sshrl.u32 s7, $0x2;
	s23 =	sadd.s32 $0x80, s11;
	s13 =	sadd.s32 $0x100, s11  }
0x9: {  	s14 =	sadd.s32 $0x180, s11;
	s17 =	sadd.s32 $0x200, s11;
	s6 =	smul.u32 $0x500, s4  }
0xa: {  	s4 =	sadd.s32 $0x5400, s1;
	s8 =	ssub.s32 s8, s9;
	s7 =	sadd.s32 s7, s2  }
0xb: {  	s19 =	sadd.s32 $0x5000, s0;
	s22 =	sadd.s32 s0, s11;
	s24 =	sshll.u32 s23, $0x7  }
0xc: {  	s12 =	sadd.s32 s0, s23;
	s15 =	sadd.s32 s0, s13;
	s16 =	sadd.s32 s0, s14  }
0xd: {  	s0 =	sadd.s32 s0, s17;
	s8 =	smax.u32 s8, $0x1;
	s10 =	sadd.s32 $0x4000, s7  }
0xe: {  	s12 =	sshll.u32 s12, $0x4;
	s25 =	sshll.u32 s15, $0x4;
	s26 =	sshll.u32 s16, $0x4  }
0xf: {  	s11 =	sadd.s32 s11, s19;
	s0 =	sshll.u32 s0, $0x4;
	s9 =	sadd.s32 s17, s19  }
0x10: {  	s28 =	sadd.s32 $0x10000, s7;
	s6 =	sadd.s32 s6, s1;
	s1 =	sadd.s32 $0xB9400, s1  }
0x11: {  	[dreg:$0x5] =	wrdreg s8;
	s8 =	sadd.s32 s23, s19;
	s11 =	sshll.u32 s11, $0x4  }
0x12: {  	s23 =	sadd.s32 s14, s19;
	s9 =	sshll.u32 s9, $0x4;
	s18 =	sadd.s32 $0xA5400, s6  }
0x13: {  	s6 =	sadd.s32 $0xAF400, s6;
	s12 =	sadd.s32 s1, s12;
	[dreg:$0x3] =	wrdreg s18  }
0x14: {  	s16 =	sadd.s32 s1, s26;
	s8 =	sshll.u32 s8, $0x4;
	[dreg:$0x4] =	wrdreg s6  }
0x15: {  	s0 =	sadd.s32 s1, s0;
	s20 =	sadd.s32 s1, s11;
	[dreg:$0x7] =	wrdreg s12  }
0x16: {  	s26 =	sshll.u32 s17, $0x7;
	s11 =	simm.s32 $0x2;
	[dreg:$0x9] =	wrdreg s16  }
0x17: {  	s6 =	sshll.u32 s22, $0x4;
	s12 =	sadd.s32 s1, s25;
	[dreg:$0xa] =	wrdreg s0  }
0x18: {  	[dreg:$0xb] =	wrdreg s20;
	s21 =	sadd.s32 s1, s8;
	s22 =	sadd.s32 s13, s19  }
0x19: {  	s8 =	sshll.u32 s23, $0x4;
	s20 =	sadd.s32 s1, s9;
	s25 =	sshll.u32 s14, $0x7  }
0x1a: {  	s9 =	simm.s32 $0x8100;
	s6 =	sadd.s32 s1, s6;
	[dreg:$0x8] =	wrdreg s12  }
0x1b: {  	[dreg:$0xc] =	wrdreg s21;
	s0 =	sshll.u32 s22, $0x4;
	s19 =	sadd.s32 s1, s8  }
0x1c: {  	s21 =	sadd.s32 $0x8000, s7;
	s22 =	sadd.s32 s24, s2;
	s24 =	sshll.u32 s13, $0x7  }
0x1d: {  	s8 =	simm.s32 $0x1;
	s12 =	simm.s32 $0x8180;
	s13 =	simm.s32 $0x0  }
0x1e: {  	[dreg:$0x6] =	wrdreg s6;
	s18 =	sadd.s32 s1, s0;
	s23 =	sadd.s32 s24, s2  }
0x1f: {  	s24 =	sadd.s32 s25, s2;
	s25 =	sadd.s32 s26, s2;
	s26 =	sadd.s32 $0xC000, s7  }
0x20: {  	v0 =	vimm.f32 $0.0e+00;
	s0 =	simm.s32 $0x8000;
	s1 =	simm.s32 $0x8080;
	s6 =	simm.s32 $0x4000  }
.LBB2_1:
0x21: {  	s14 =	rddreg [dreg:$0x3]  }
0x22: {  	[tilespmem:s29], [sflag:$0x3] =	stream.linear.gather [hbm4b:s14+s3], $0x2800, $0x38;
	[tilespmem:$0x1EA00] =	vst v63  }
0x23: {  	s17 =	sand.u32 $0xFE00, s3;
	s15 =	sand.u32 $0x70, s3;
	_ =	swait.ge [sflag:s30], $0x2800  }
0x24: {  	s16 =	sshrl.u32 s17, $0x2;
	s14 =	simm.s32 $0x40;
	[sflag:s30] =	ssyncset.done $0x0  }
0x25: {  	s16 =	sor.u32 s15, s16;
	s15 =	simm.s32 $0x0;
	[sflag:s30] =	ssyncadd.s32 $0xFFFFD800  }
.LBB2_2:
0x26: {  	p0 =	sne.s32 s14, $0xFFC0  }
0x27: {  	[tilespmem:s16+$0x0] =	vst v0;
	s15 =	sadd.s32 $0x10, s15;
	s16 =	smov.u32 s14;
	s14 =	sadd.s32 $0x40, s14  }
.Ltmp0:
0x28: {  	(pc) =	sbr.rel @p0 .LBB2_2-.Ltmp0, $4  }
0x29: {  	_ = 	snop  }
0x2a: {  	s16 =	sand.u32 $0xFE00, s16  }
0x2b: {  	s17 =	sand.u32 $0x70, s15;
	s16 =	sshrl.u32 s16, $0x2  }
0x2c: {  	s16 =	sor.u32 s17, s16  }
0x2d: {  	[tilespmem:s16+$0x0] =	vst v0;
	s14 =	simm.s32 $0x0  }
0x2e: {  	[spmem:s7] =	stream.linear.scatter [tilespmem:s14], [sflag:$0x3], $0x4000, $0x38;
	[tilespmem:$0x1EA00] =	vst v63  }
0x2f: {  	_ =	swait.ge [sflag:s30], $0x4000  }
0x30: {  	[sflag:s30] =	ssyncset.done $0x0  }
0x31: {  	[sflag:s30] =	ssyncadd.s32 $0xFFFFC000  }
0x32: {  	[spmem:s10] =	stream.linear.scatter [tilespmem:s14], [sflag:$0x3], $0x4000, $0x38;
	[tilespmem:$0x1EA00] =	vst v63  }
0x33: {  	_ =	swait.ge [sflag:s30], $0x4000  }
0x34: {  	[sflag:s30] =	ssyncset.done $0x0  }
0x35: {  	[sflag:s30] =	ssyncadd.s32 $0xFFFFC000  }
0x36: {  	[spmem:s21] =	stream.linear.scatter [tilespmem:s14], [sflag:$0x3], $0x4000, $0x38;
	[tilespmem:$0x1EA00] =	vst v63  }
0x37: {  	_ =	swait.ge [sflag:s30], $0x4000  }
0x38: {  	[sflag:s30] =	ssyncset.done $0x0  }
0x39: {  	[sflag:s30] =	ssyncadd.s32 $0xFFFFC000  }
0x3a: {  	[spmem:s26] =	stream.linear.scatter [tilespmem:s14], [sflag:$0x3], $0x4000, $0x38;
	[tilespmem:$0x1EA00] =	vst v63  }
0x3b: {  	_ =	swait.ge [sflag:s30], $0x4000  }
0x3c: {  	[sflag:s30] =	ssyncset.done $0x0  }
0x3d: {  	[sflag:s30] =	ssyncadd.s32 $0xFFFFC000  }
0x3e: {  	[spmem:s28] =	stream.linear.scatter [tilespmem:s14], [sflag:$0x3], $0x4000, $0x38;
	[tilespmem:$0x1EA00] =	vst v63  }
0x3f: {  	_ =	swait.ge [sflag:s30], $0x4000  }
0x40: {  	[sflag:s30] =	ssyncset.done $0x0  }
0x41: {  	[sflag:s30] =	ssyncadd.s32 $0xFFFFC000  }
0x42: {  	s17 =	simm.s32 $0x0;
	[bflag:$0x0] =	sbarrier.arrive $0xFFFF  }
0x43: {  	v1 =	vld [tilespmem:s17+$0x8200];
	_ =	sdelay $0x4  }
0x44: {  	v2 =	vand.u32 $0x7FFF, v1  }
0x45: {  	v1 =	vshrl.u32 v1, $0xF;
	[tilespmem:$0x8000] =	vst v2  }
0x46: {  	[tilespmem:$0x8100] =	vst v1  }
0x47: {  	v1 =	vld [tilespmem:s17+$0x8210];
	_ =	sdelay $0x4  }
0x48: {  	v2 =	vand.u32 $0x7FFF, v1  }
0x49: {  	v1 =	vshrl.u32 v1, $0xF;
	[tilespmem:$0x8010] =	vst v2  }
0x4a: {  	[tilespmem:$0x8110] =	vst v1  }
0x4b: {  	v1 =	vld [tilespmem:s17+$0x8220];
	_ =	sdelay $0x4  }
0x4c: {  	v2 =	vand.u32 $0x7FFF, v1  }
0x4d: {  	v1 =	vshrl.u32 v1, $0xF;
	[tilespmem:$0x8020] =	vst v2  }
0x4e: {  	[tilespmem:$0x8120] =	vst v1  }
0x4f: {  	v1 =	vld [tilespmem:s17+$0x8230];
	_ =	sdelay $0x4  }
0x50: {  	v2 =	vand.u32 $0x7FFF, v1  }
0x51: {  	v1 =	vshrl.u32 v1, $0xF;
	[tilespmem:$0x8030] =	vst v2  }
0x52: {  	[tilespmem:$0x8130] =	vst v1  }
0x53: {  	v1 =	vld [tilespmem:s17+$0x8240];
	_ =	sdelay $0x4  }
0x54: {  	v2 =	vand.u32 $0x7FFF, v1  }
0x55: {  	v1 =	vshrl.u32 v1, $0xF;
	[tilespmem:$0x8040] =	vst v2  }
0x56: {  	[tilespmem:$0x8140] =	vst v1  }
0x57: {  	v1 =	vld [tilespmem:s17+$0x8250];
	_ =	sdelay $0x4  }
0x58: {  	v2 =	vand.u32 $0x7FFF, v1  }
0x59: {  	v1 =	vshrl.u32 v1, $0xF;
	[tilespmem:$0x8050] =	vst v2  }
0x5a: {  	[tilespmem:$0x8150] =	vst v1  }
0x5b: {  	v1 =	vld [tilespmem:s17+$0x8260];
	_ =	sdelay $0x4  }
0x5c: {  	v2 =	vand.u32 $0x7FFF, v1  }
0x5d: {  	v1 =	vshrl.u32 v1, $0xF;
	[tilespmem:$0x8060] =	vst v2  }
0x5e: {  	[tilespmem:$0x8160] =	vst v1  }
0x5f: {  	v1 =	vld [tilespmem:s17+$0x8270];
	_ =	sdelay $0x4  }
0x60: {  	v2 =	vand.u32 $0x7FFF, v1  }
0x61: {  	v1 =	vshrl.u32 v1, $0xF;
	[tilespmem:$0x8070] =	vst v2  }
0x62: {  	[tilespmem:$0x8170] =	vst v1  }
0x63: {  	v1 =	vld [tilespmem:s17+$0x8280];
	_ =	sdelay $0x4  }
0x64: {  	v2 =	vand.u32 $0x7FFF, v1  }
0x65: {  	v1 =	vshrl.u32 v1, $0xF;
	[tilespmem:$0x8080] =	vst v2  }
0x66: {  	[tilespmem:$0x8180] =	vst v1  }
0x67: {  	v1 =	vld [tilespmem:s17+$0x8290];
	_ =	sdelay $0x4  }
0x68: {  	v2 =	vand.u32 $0x7FFF, v1  }
0x69: {  	v1 =	vshrl.u32 v1, $0xF;
	[tilespmem:$0x8090] =	vst v2  }
0x6a: {  	[tilespmem:$0x8190] =	vst v1  }
0x6b: {  	v1 =	vld [tilespmem:s17+$0x82A0];
	_ =	sdelay $0x4  }
0x6c: {  	v2 =	vand.u32 $0x7FFF, v1  }
0x6d: {  	v1 =	vshrl.u32 v1, $0xF;
	[tilespmem:$0x80A0] =	vst v2  }
0x6e: {  	[tilespmem:$0x81A0] =	vst v1  }
0x6f: {  	v1 =	vld [tilespmem:s17+$0x82B0];
	_ =	sdelay $0x4  }
0x70: {  	v2 =	vand.u32 $0x7FFF, v1  }
0x71: {  	v1 =	vshrl.u32 v1, $0xF;
	[tilespmem:$0x80B0] =	vst v2  }
0x72: {  	[tilespmem:$0x81B0] =	vst v1  }
0x73: {  	v1 =	vld [tilespmem:s17+$0x82C0];
	_ =	sdelay $0x4  }
0x74: {  	v2 =	vand.u32 $0x7FFF, v1  }
0x75: {  	v1 =	vshrl.u32 v1, $0xF;
	[tilespmem:$0x80C0] =	vst v2  }
0x76: {  	[tilespmem:$0x81C0] =	vst v1  }
0x77: {  	v1 =	vld [tilespmem:s17+$0x82D0];
	_ =	sdelay $0x4  }
0x78: {  	v2 =	vand.u32 $0x7FFF, v1  }
0x79: {  	v1 =	vshrl.u32 v1, $0xF;
	[tilespmem:$0x80D0] =	vst v2  }
0x7a: {  	[tilespmem:$0x81D0] =	vst v1  }
0x7b: {  	v1 =	vld [tilespmem:s17+$0x82E0];
	_ =	sdelay $0x4  }
0x7c: {  	v2 =	vand.u32 $0x7FFF, v1  }
0x7d: {  	v1 =	vshrl.u32 v1, $0xF;
	[tilespmem:$0x80E0] =	vst v2  }
0x7e: {  	[tilespmem:$0x81E0] =	vst v1  }
0x7f: {  	v1 =	vld [tilespmem:s17+$0x82F0];
	_ =	sdelay $0x4  }
0x80: {  	v2 =	vand.u32 $0x7FFF, v1  }
0x81: {  	v1 =	vshrl.u32 v1, $0xF;
	[tilespmem:$0x80F0] =	vst v2  }
0x82: {  	s14 =	simm.s32 $0x400;
	[tilespmem:$0x81F0] =	vst v1  }
.LBB2_4:
0x83: {  	[tilespmem:s3], [sflag:$0x1] =	stream.indirect.gather [hbm4b:s4+s31], $0x80, s0, s31, $0xb8;
	[tilespmem:$0x1EA00] =	vst v63  }
0x84: {  	p0 =	sne.s32 s14, $0x9C00;
	s15 =	smov.u32 s14;
	s14 =	sadd.s32 $0x400, s14  }
0x85: {  	[tilespmem:s6], [sflag:$0x2] =	stream.indirect.gather [hbm4b:s4+s31], $0x80, s1, s31, $0xb8;
	[tilespmem:$0x1EA00] =	vst v63  }
0x86: {  	_ =	swait.ge [sflag:s8], $0x4000  }
0x87: {  	[sflag:s8] =	ssyncset.done $0x0  }
0x88: {  	[sflag:s8] =	ssyncadd.s32 $0xFFFFC000  }
0x89: {  	[spmem:s2] =	stream.indirect.scatter.add.f32 [tilespmem:s3], [sflag:$0x3], $0x80, s9, s31, $0xb8;
	[tilespmem:$0x1EA00] =	vst v63  }
0x8a: {  	_ =	swait.ge [sflag:s30], $0x4000  }
0x8b: {  	[sflag:s30] =	ssyncset.done $0x0  }
0x8c: {  	[sflag:s30] =	ssyncadd.s32 $0xFFFFC000  }
0x8d: {  	_ =	swait.ge [sflag:s11], $0x4000  }
0x8e: {  	[sflag:s11] =	ssyncset.done $0x0  }
0x8f: {  	[sflag:s11] =	ssyncadd.s32 $0xFFFFC000  }
0x90: {  	[spmem:s2] =	stream.indirect.scatter.add.f32 [tilespmem:s6], [sflag:$0x3], $0x80, s12, s31, $0xb8;
	[tilespmem:$0x1EA00] =	vst v63  }
0x91: {  	_ =	swait.ge [sflag:s30], $0x4000  }
0x92: {  	[sflag:s30] =	ssyncset.done $0x0  }
0x93: {  	s15 =	sshra.s32 s15, $0x2;
	[sflag:s30] =	ssyncadd.s32 $0xFFFFC000  }
0x94: {  	v1 =	vld [tilespmem:s15+$0x8200];
	_ =	sdelay $0x4  }
0x95: {  	v2 =	vand.u32 $0x7FFF, v1;
	v1 =	vshrl.u32 v1, $0xF  }
0x96: {  	[tilespmem:$0x8000] =	vst v2  }
0x97: {  	[tilespmem:$0x8100] =	vst v1  }
0x98: {  	v1 =	vld [tilespmem:s15+$0x8210];
	_ =	sdelay $0x4  }
0x99: {  	v2 =	vand.u32 $0x7FFF, v1;
	v1 =	vshrl.u32 v1, $0xF  }
0x9a: {  	[tilespmem:$0x8010] =	vst v2  }
0x9b: {  	[tilespmem:$0x8110] =	vst v1  }
0x9c: {  	v1 =	vld [tilespmem:s15+$0x8220];
	_ =	sdelay $0x4  }
0x9d: {  	v2 =	vand.u32 $0x7FFF, v1;
	v1 =	vshrl.u32 v1, $0xF  }
0x9e: {  	[tilespmem:$0x8020] =	vst v2  }
0x9f: {  	[tilespmem:$0x8120] =	vst v1  }
0xa0: {  	v1 =	vld [tilespmem:s15+$0x8230];
	_ =	sdelay $0x4  }
0xa1: {  	v2 =	vand.u32 $0x7FFF, v1;
	v1 =	vshrl.u32 v1, $0xF  }
0xa2: {  	[tilespmem:$0x8030] =	vst v2  }
0xa3: {  	[tilespmem:$0x8130] =	vst v1  }
0xa4: {  	v1 =	vld [tilespmem:s15+$0x8240];
	_ =	sdelay $0x4  }
0xa5: {  	v2 =	vand.u32 $0x7FFF, v1;
	v1 =	vshrl.u32 v1, $0xF  }
0xa6: {  	[tilespmem:$0x8040] =	vst v2  }
0xa7: {  	[tilespmem:$0x8140] =	vst v1  }
0xa8: {  	v1 =	vld [tilespmem:s15+$0x8250];
	_ =	sdelay $0x4  }
0xa9: {  	v2 =	vand.u32 $0x7FFF, v1;
	v1 =	vshrl.u32 v1, $0xF  }
0xaa: {  	[tilespmem:$0x8050] =	vst v2  }
0xab: {  	[tilespmem:$0x8150] =	vst v1  }
0xac: {  	v1 =	vld [tilespmem:s15+$0x8260];
	_ =	sdelay $0x4  }
0xad: {  	v2 =	vand.u32 $0x7FFF, v1;
	v1 =	vshrl.u32 v1, $0xF  }
0xae: {  	[tilespmem:$0x8060] =	vst v2  }
0xaf: {  	[tilespmem:$0x8160] =	vst v1  }
0xb0: {  	v1 =	vld [tilespmem:s15+$0x8270];
	_ =	sdelay $0x4  }
0xb1: {  	v2 =	vand.u32 $0x7FFF, v1;
	v1 =	vshrl.u32 v1, $0xF  }
0xb2: {  	[tilespmem:$0x8070] =	vst v2  }
0xb3: {  	[tilespmem:$0x8170] =	vst v1  }
0xb4: {  	v1 =	vld [tilespmem:s15+$0x8280];
	_ =	sdelay $0x4  }
0xb5: {  	v2 =	vand.u32 $0x7FFF, v1;
	v1 =	vshrl.u32 v1, $0xF  }
0xb6: {  	[tilespmem:$0x8080] =	vst v2  }
0xb7: {  	[tilespmem:$0x8180] =	vst v1  }
0xb8: {  	v1 =	vld [tilespmem:s15+$0x8290];
	_ =	sdelay $0x4  }
0xb9: {  	v2 =	vand.u32 $0x7FFF, v1;
	v1 =	vshrl.u32 v1, $0xF  }
0xba: {  	[tilespmem:$0x8090] =	vst v2  }
0xbb: {  	[tilespmem:$0x8190] =	vst v1  }
0xbc: {  	v1 =	vld [tilespmem:s15+$0x82A0];
	_ =	sdelay $0x4  }
0xbd: {  	v2 =	vand.u32 $0x7FFF, v1;
	v1 =	vshrl.u32 v1, $0xF  }
0xbe: {  	[tilespmem:$0x80A0] =	vst v2  }
0xbf: {  	[tilespmem:$0x81A0] =	vst v1  }
0xc0: {  	v1 =	vld [tilespmem:s15+$0x82B0];
	_ =	sdelay $0x4  }
0xc1: {  	v2 =	vand.u32 $0x7FFF, v1;
	v1 =	vshrl.u32 v1, $0xF  }
0xc2: {  	[tilespmem:$0x80B0] =	vst v2  }
0xc3: {  	[tilespmem:$0x81B0] =	vst v1  }
0xc4: {  	v1 =	vld [tilespmem:s15+$0x82C0];
	_ =	sdelay $0x4  }
0xc5: {  	v2 =	vand.u32 $0x7FFF, v1;
	v1 =	vshrl.u32 v1, $0xF  }
0xc6: {  	[tilespmem:$0x80C0] =	vst v2  }
0xc7: {  	[tilespmem:$0x81C0] =	vst v1  }
0xc8: {  	v1 =	vld [tilespmem:s15+$0x82D0];
	_ =	sdelay $0x4  }
0xc9: {  	v2 =	vand.u32 $0x7FFF, v1;
	v1 =	vshrl.u32 v1, $0xF  }
0xca: {  	[tilespmem:$0x80D0] =	vst v2  }
0xcb: {  	[tilespmem:$0x81D0] =	vst v1  }
0xcc: {  	v1 =	vld [tilespmem:s15+$0x82E0];
	_ =	sdelay $0x4  }
0xcd: {  	v2 =	vand.u32 $0x7FFF, v1;
	v1 =	vshrl.u32 v1, $0xF  }
0xce: {  	[tilespmem:$0x80E0] =	vst v2  }
0xcf: {  	[tilespmem:$0x81E0] =	vst v1  }
0xd0: {  	v1 =	vld [tilespmem:s15+$0x82F0];
	_ =	sdelay $0x2  }
.Ltmp1:
0xd1: {  	(pc) =	sbr.rel @p0 .LBB2_4-.Ltmp1, $4  }
0xd2: {  	_ = 	snop  }
0xd3: {  	v2 =	vand.u32 $0x7FFF, v1;
	v1 =	vshrl.u32 v1, $0xF  }
0xd4: {  	[tilespmem:$0x80F0] =	vst v2  }
0xd5: {  	[tilespmem:$0x81F0] =	vst v1  }
0xd6: {  	[tilespmem:s3], [sflag:$0x1] =	stream.indirect.gather [hbm4b:s4+s31], $0x80, s0, s31, $0xb8;
	[tilespmem:$0x1EA00] =	vst v63  }
0xd7: {  	_ = 	snop  }
0xd8: {  	[tilespmem:s6], [sflag:$0x2] =	stream.indirect.gather [hbm4b:s4+s31], $0x80, s1, s31, $0xb8;
	[tilespmem:$0x1EA00] =	vst v63  }
0xd9: {  	_ =	swait.ge [sflag:s8], $0x4000  }
0xda: {  	[sflag:s8] =	ssyncset.done $0x0  }
0xdb: {  	[sflag:s8] =	ssyncadd.s32 $0xFFFFC000  }
0xdc: {  	[spmem:s2] =	stream.indirect.scatter.add.f32 [tilespmem:s3], [sflag:$0x3], $0x80, s9, s31, $0xb8;
	[tilespmem:$0x1EA00] =	vst v63  }
0xdd: {  	_ =	swait.ge [sflag:s30], $0x4000  }
0xde: {  	[sflag:s30] =	ssyncset.done $0x0  }
0xdf: {  	[sflag:s30] =	ssyncadd.s32 $0xFFFFC000  }
0xe0: {  	_ =	swait.ge [sflag:s11], $0x4000  }
0xe1: {  	[sflag:s11] =	ssyncset.done $0x0  }
0xe2: {  	[sflag:s11] =	ssyncadd.s32 $0xFFFFC000  }
0xe3: {  	[spmem:s2] =	stream.indirect.scatter.add.f32 [tilespmem:s6], [sflag:$0x3], $0x80, s12, s31, $0xb8;
	[tilespmem:$0x1EA00] =	vst v63  }
0xe4: {  	_ =	swait.ge [sflag:s30], $0x4000  }
0xe5: {  	[sflag:s30] =	ssyncset.done $0x0  }
0xe6: {  	[sflag:s30] =	ssyncadd.s32 $0xFFFFC000  }
0xe7: {  	s14 =	simm.s32 $0x0;
	[bflag:$0x0] =	sbarrier.arrive $0xFFFF  }
0xe8: {  	[tilespmem:s14], [sflag:$0x3] =	stream.linear.gather [spmem:s7], $0x4000, $0x38;
	[tilespmem:$0x1EA00] =	vst v63  }
0xe9: {  	_ =	swait.ge [sflag:s30], $0x4000  }
0xea: {  	[sflag:s30] =	ssyncset.done $0x0  }
0xeb: {  	s15 =	rddreg [dreg:$0x6];
	[sflag:s30] =	ssyncadd.s32 $0xFFFFC000  }
0xec: {  	[hbm4b:s15+s14] =	stream.linear.scatter [tilespmem:s14], [sflag:$0x3], $0x4000, $0x38;
	[tilespmem:$0x1EA00] =	vst v63  }
0xed: {  	_ =	swait.ge [sflag:s30], $0x4000  }
0xee: {  	[sflag:s30] =	ssyncset.done $0x0  }
0xef: {  	[sflag:s30] =	ssyncadd.s32 $0xFFFFC000  }
0xf0: {  	[tilespmem:s14], [sflag:$0x3] =	stream.linear.gather [spmem:s22], $0x4000, $0x38;
	[tilespmem:$0x1EA00] =	vst v63  }
0xf1: {  	_ =	swait.ge [sflag:s30], $0x4000  }
0xf2: {  	[sflag:s30] =	ssyncset.done $0x0  }
0xf3: {  	s16 =	rddreg [dreg:$0x7];
	[sflag:s30] =	ssyncadd.s32 $0xFFFFC000  }
0xf4: {  	[hbm4b:s16+s14] =	stream.linear.scatter [tilespmem:s14], [sflag:$0x3], $0x4000, $0x38;
	[tilespmem:$0x1EA00] =	vst v63  }
0xf5: {  	_ =	swait.ge [sflag:s30], $0x4000  }
0xf6: {  	[sflag:s30] =	ssyncset.done $0x0  }
0xf7: {  	[sflag:s30] =	ssyncadd.s32 $0xFFFFC000  }
0xf8: {  	[tilespmem:s14], [sflag:$0x3] =	stream.linear.gather [spmem:s23], $0x4000, $0x38;
	[tilespmem:$0x1EA00] =	vst v63  }
0xf9: {  	_ =	swait.ge [sflag:s30], $0x4000  }
0xfa: {  	[sflag:s30] =	ssyncset.done $0x0  }
0xfb: {  	s17 =	rddreg [dreg:$0x8];
	[sflag:s30] =	ssyncadd.s32 $0xFFFFC000  }
0xfc: {  	[hbm4b:s17+s14] =	stream.linear.scatter [tilespmem:s14], [sflag:$0x3], $0x4000, $0x38;
	[tilespmem:$0x1EA00] =	vst v63  }
0xfd: {  	_ =	swait.ge [sflag:s30], $0x4000  }
0xfe: {  	[sflag:s30] =	ssyncset.done $0x0  }
0xff: {  	[sflag:s30] =	ssyncadd.s32 $0xFFFFC000  }
0x100: {  	[tilespmem:s14], [sflag:$0x3] =	stream.linear.gather [spmem:s24], $0x4000, $0x38;
	[tilespmem:$0x1EA00] =	vst v63  }
0x101: {  	_ =	swait.ge [sflag:s30], $0x4000  }
0x102: {  	[sflag:s30] =	ssyncset.done $0x0  }
0x103: {  	s16 =	rddreg [dreg:$0x9];
	[sflag:s30] =	ssyncadd.s32 $0xFFFFC000  }
0x104: {  	[hbm4b:s16+s14] =	stream.linear.scatter [tilespmem:s14], [sflag:$0x3], $0x4000, $0x38;
	[tilespmem:$0x1EA00] =	vst v63  }
0x105: {  	_ =	swait.ge [sflag:s30], $0x4000  }
0x106: {  	[sflag:s30] =	ssyncset.done $0x0  }
0x107: {  	[sflag:s30] =	ssyncadd.s32 $0xFFFFC000  }
0x108: {  	[tilespmem:s14], [sflag:$0x3] =	stream.linear.gather [spmem:s25], $0x4000, $0x38;
	[tilespmem:$0x1EA00] =	vst v63  }
0x109: {  	_ =	swait.ge [sflag:s30], $0x4000  }
0x10a: {  	[sflag:s30] =	ssyncset.done $0x0  }
0x10b: {  	s17 =	rddreg [dreg:$0xa];
	[sflag:s30] =	ssyncadd.s32 $0xFFFFC000  }
0x10c: {  	[hbm4b:s17+s14] =	stream.linear.scatter [tilespmem:s14], [sflag:$0x3], $0x4000, $0x38;
	[tilespmem:$0x1EA00] =	vst v63  }
0x10d: {  	_ =	swait.ge [sflag:s30], $0x4000  }
0x10e: {  	[sflag:s30] =	ssyncset.done $0x0  }
0x10f: {  	s16 =	rddreg [dreg:$0x4];
	[sflag:s30] =	ssyncadd.s32 $0xFFFFC000  }
0x110: {  	[tilespmem:s29], [sflag:$0x3] =	stream.linear.gather [hbm4b:s16+s14], $0x2800, $0x38;
	[tilespmem:$0x1EA00] =	vst v63  }
0x111: {  	s17 =	sand.u32 $0xFE00, s14;
	_ =	swait.ge [sflag:s30], $0x2800  }
0x112: {  	s15 =	sshrl.u32 s17, $0x2;
	s16 =	sand.u32 $0x70, s14;
	[sflag:s30] =	ssyncset.done $0x0  }
0x113: {  	s16 =	sor.u32 s16, s15;
	s15 =	simm.s32 $0x40;
	[sflag:s30] =	ssyncadd.s32 $0xFFFFD800  }
.LBB2_6:
0x114: {  	p0 =	sne.s32 s15, $0xFFC0  }
0x115: {  	[tilespmem:s16+$0x0] =	vst v0;
	s14 =	sadd.s32 $0x10, s14;
	s16 =	smov.u32 s15;
	s15 =	sadd.s32 $0x40, s15  }
.Ltmp2:
0x116: {  	(pc) =	sbr.rel @p0 .LBB2_6-.Ltmp2, $4  }
0x117: {  	_ = 	snop  }
0x118: {  	s16 =	sand.u32 $0xFE00, s16  }
0x119: {  	s17 =	sand.u32 $0x70, s14;
	s16 =	sshrl.u32 s16, $0x2  }
0x11a: {  	s16 =	sor.u32 s17, s16  }
0x11b: {  	[tilespmem:s16+$0x0] =	vst v0;
	s14 =	simm.s32 $0x0  }
0x11c: {  	[spmem:s7] =	stream.linear.scatter [tilespmem:s14], [sflag:$0x3], $0x4000, $0x38;
	[tilespmem:$0x1EA00] =	vst v63  }
0x11d: {  	_ =	swait.ge [sflag:s30], $0x4000  }
0x11e: {  	[sflag:s30] =	ssyncset.done $0x0  }
0x11f: {  	[sflag:s30] =	ssyncadd.s32 $0xFFFFC000  }
0x120: {  	[spmem:s10] =	stream.linear.scatter [tilespmem:s14], [sflag:$0x3], $0x4000, $0x38;
	[tilespmem:$0x1EA00] =	vst v63  }
0x121: {  	_ =	swait.ge [sflag:s30], $0x4000  }
0x122: {  	[sflag:s30] =	ssyncset.done $0x0  }
0x123: {  	[sflag:s30] =	ssyncadd.s32 $0xFFFFC000  }
0x124: {  	[spmem:s21] =	stream.linear.scatter [tilespmem:s14], [sflag:$0x3], $0x4000, $0x38;
	[tilespmem:$0x1EA00] =	vst v63  }
0x125: {  	_ =	swait.ge [sflag:s30], $0x4000  }
0x126: {  	[sflag:s30] =	ssyncset.done $0x0  }
0x127: {  	[sflag:s30] =	ssyncadd.s32 $0xFFFFC000  }
0x128: {  	[spmem:s26] =	stream.linear.scatter [tilespmem:s14], [sflag:$0x3], $0x4000, $0x38;
	[tilespmem:$0x1EA00] =	vst v63  }
0x129: {  	_ =	swait.ge [sflag:s30], $0x4000  }
0x12a: {  	[sflag:s30] =	ssyncset.done $0x0  }
0x12b: {  	[sflag:s30] =	ssyncadd.s32 $0xFFFFC000  }
0x12c: {  	[spmem:s28] =	stream.linear.scatter [tilespmem:s14], [sflag:$0x3], $0x4000, $0x38;
	[tilespmem:$0x1EA00] =	vst v63  }
0x12d: {  	_ =	swait.ge [sflag:s30], $0x4000  }
0x12e: {  	[sflag:s30] =	ssyncset.done $0x0  }
0x12f: {  	[sflag:s30] =	ssyncadd.s32 $0xFFFFC000  }
0x130: {  	s17 =	simm.s32 $0x0;
	[bflag:$0x0] =	sbarrier.arrive $0xFFFF  }
0x131: {  	v1 =	vld [tilespmem:s17+$0x8200];
	_ =	sdelay $0x4  }
0x132: {  	v2 =	vand.u32 $0x7FFF, v1  }
0x133: {  	v1 =	vshrl.u32 v1, $0xF;
	[tilespmem:$0x8000] =	vst v2  }
0x134: {  	[tilespmem:$0x8100] =	vst v1  }
0x135: {  	v1 =	vld [tilespmem:s17+$0x8210];
	_ =	sdelay $0x4  }
0x136: {  	v2 =	vand.u32 $0x7FFF, v1  }
0x137: {  	v1 =	vshrl.u32 v1, $0xF;
	[tilespmem:$0x8010] =	vst v2  }
0x138: {  	[tilespmem:$0x8110] =	vst v1  }
0x139: {  	v1 =	vld [tilespmem:s17+$0x8220];
	_ =	sdelay $0x4  }
0x13a: {  	v2 =	vand.u32 $0x7FFF, v1  }
0x13b: {  	v1 =	vshrl.u32 v1, $0xF;
	[tilespmem:$0x8020] =	vst v2  }
0x13c: {  	[tilespmem:$0x8120] =	vst v1  }
0x13d: {  	v1 =	vld [tilespmem:s17+$0x8230];
	_ =	sdelay $0x4  }
0x13e: {  	v2 =	vand.u32 $0x7FFF, v1  }
0x13f: {  	v1 =	vshrl.u32 v1, $0xF;
	[tilespmem:$0x8030] =	vst v2  }
0x140: {  	[tilespmem:$0x8130] =	vst v1  }
0x141: {  	v1 =	vld [tilespmem:s17+$0x8240];
	_ =	sdelay $0x4  }
0x142: {  	v2 =	vand.u32 $0x7FFF, v1  }
0x143: {  	v1 =	vshrl.u32 v1, $0xF;
	[tilespmem:$0x8040] =	vst v2  }
0x144: {  	[tilespmem:$0x8140] =	vst v1  }
0x145: {  	v1 =	vld [tilespmem:s17+$0x8250];
	_ =	sdelay $0x4  }
0x146: {  	v2 =	vand.u32 $0x7FFF, v1  }
0x147: {  	v1 =	vshrl.u32 v1, $0xF;
	[tilespmem:$0x8050] =	vst v2  }
0x148: {  	[tilespmem:$0x8150] =	vst v1  }
0x149: {  	v1 =	vld [tilespmem:s17+$0x8260];
	_ =	sdelay $0x4  }
0x14a: {  	v2 =	vand.u32 $0x7FFF, v1  }
0x14b: {  	v1 =	vshrl.u32 v1, $0xF;
	[tilespmem:$0x8060] =	vst v2  }
0x14c: {  	[tilespmem:$0x8160] =	vst v1  }
0x14d: {  	v1 =	vld [tilespmem:s17+$0x8270];
	_ =	sdelay $0x4  }
0x14e: {  	v2 =	vand.u32 $0x7FFF, v1  }
0x14f: {  	v1 =	vshrl.u32 v1, $0xF;
	[tilespmem:$0x8070] =	vst v2  }
0x150: {  	[tilespmem:$0x8170] =	vst v1  }
0x151: {  	v1 =	vld [tilespmem:s17+$0x8280];
	_ =	sdelay $0x4  }
0x152: {  	v2 =	vand.u32 $0x7FFF, v1  }
0x153: {  	v1 =	vshrl.u32 v1, $0xF;
	[tilespmem:$0x8080] =	vst v2  }
0x154: {  	[tilespmem:$0x8180] =	vst v1  }
0x155: {  	v1 =	vld [tilespmem:s17+$0x8290];
	_ =	sdelay $0x4  }
0x156: {  	v2 =	vand.u32 $0x7FFF, v1  }
0x157: {  	v1 =	vshrl.u32 v1, $0xF;
	[tilespmem:$0x8090] =	vst v2  }
0x158: {  	[tilespmem:$0x8190] =	vst v1  }
0x159: {  	v1 =	vld [tilespmem:s17+$0x82A0];
	_ =	sdelay $0x4  }
0x15a: {  	v2 =	vand.u32 $0x7FFF, v1  }
0x15b: {  	v1 =	vshrl.u32 v1, $0xF;
	[tilespmem:$0x80A0] =	vst v2  }
0x15c: {  	[tilespmem:$0x81A0] =	vst v1  }
0x15d: {  	v1 =	vld [tilespmem:s17+$0x82B0];
	_ =	sdelay $0x4  }
0x15e: {  	v2 =	vand.u32 $0x7FFF, v1  }
0x15f: {  	v1 =	vshrl.u32 v1, $0xF;
	[tilespmem:$0x80B0] =	vst v2  }
0x160: {  	[tilespmem:$0x81B0] =	vst v1  }
0x161: {  	v1 =	vld [tilespmem:s17+$0x82C0];
	_ =	sdelay $0x4  }
0x162: {  	v2 =	vand.u32 $0x7FFF, v1  }
0x163: {  	v1 =	vshrl.u32 v1, $0xF;
	[tilespmem:$0x80C0] =	vst v2  }
0x164: {  	[tilespmem:$0x81C0] =	vst v1  }
0x165: {  	v1 =	vld [tilespmem:s17+$0x82D0];
	_ =	sdelay $0x4  }
0x166: {  	v2 =	vand.u32 $0x7FFF, v1  }
0x167: {  	v1 =	vshrl.u32 v1, $0xF;
	[tilespmem:$0x80D0] =	vst v2  }
0x168: {  	[tilespmem:$0x81D0] =	vst v1  }
0x169: {  	v1 =	vld [tilespmem:s17+$0x82E0];
	_ =	sdelay $0x4  }
0x16a: {  	v2 =	vand.u32 $0x7FFF, v1  }
0x16b: {  	v1 =	vshrl.u32 v1, $0xF;
	[tilespmem:$0x80E0] =	vst v2  }
0x16c: {  	[tilespmem:$0x81E0] =	vst v1  }
0x16d: {  	v1 =	vld [tilespmem:s17+$0x82F0];
	_ =	sdelay $0x4  }
0x16e: {  	v2 =	vand.u32 $0x7FFF, v1  }
0x16f: {  	v1 =	vshrl.u32 v1, $0xF;
	[tilespmem:$0x80F0] =	vst v2  }
0x170: {  	s14 =	simm.s32 $0x400;
	[tilespmem:$0x81F0] =	vst v1  }
.LBB2_8:
0x171: {  	[tilespmem:s3], [sflag:$0x1] =	stream.indirect.gather [hbm4b:s5+s31], $0x80, s0, s31, $0xb8;
	[tilespmem:$0x1EA00] =	vst v63  }
0x172: {  	p0 =	sne.s32 s14, $0x9C00;
	s15 =	smov.u32 s14;
	s14 =	sadd.s32 $0x400, s14  }
0x173: {  	[tilespmem:s6], [sflag:$0x2] =	stream.indirect.gather [hbm4b:s5+s31], $0x80, s1, s31, $0xb8;
	[tilespmem:$0x1EA00] =	vst v63  }
0x174: {  	_ =	swait.ge [sflag:s8], $0x4000  }
0x175: {  	[sflag:s8] =	ssyncset.done $0x0  }
0x176: {  	[sflag:s8] =	ssyncadd.s32 $0xFFFFC000  }
0x177: {  	[spmem:s2] =	stream.indirect.scatter.add.f32 [tilespmem:s3], [sflag:$0x3], $0x80, s9, s31, $0xb8;
	[tilespmem:$0x1EA00] =	vst v63  }
0x178: {  	_ =	swait.ge [sflag:s30], $0x4000  }
0x179: {  	[sflag:s30] =	ssyncset.done $0x0  }
0x17a: {  	[sflag:s30] =	ssyncadd.s32 $0xFFFFC000  }
0x17b: {  	_ =	swait.ge [sflag:s11], $0x4000  }
0x17c: {  	[sflag:s11] =	ssyncset.done $0x0  }
0x17d: {  	[sflag:s11] =	ssyncadd.s32 $0xFFFFC000  }
0x17e: {  	[spmem:s2] =	stream.indirect.scatter.add.f32 [tilespmem:s6], [sflag:$0x3], $0x80, s12, s31, $0xb8;
	[tilespmem:$0x1EA00] =	vst v63  }
0x17f: {  	_ =	swait.ge [sflag:s30], $0x4000  }
0x180: {  	[sflag:s30] =	ssyncset.done $0x0  }
0x181: {  	s15 =	sshra.s32 s15, $0x2;
	[sflag:s30] =	ssyncadd.s32 $0xFFFFC000  }
0x182: {  	v1 =	vld [tilespmem:s15+$0x8200];
	_ =	sdelay $0x4  }
0x183: {  	v2 =	vand.u32 $0x7FFF, v1;
	v1 =	vshrl.u32 v1, $0xF  }
0x184: {  	[tilespmem:$0x8000] =	vst v2  }
0x185: {  	[tilespmem:$0x8100] =	vst v1  }
0x186: {  	v1 =	vld [tilespmem:s15+$0x8210];
	_ =	sdelay $0x4  }
0x187: {  	v2 =	vand.u32 $0x7FFF, v1;
	v1 =	vshrl.u32 v1, $0xF  }
0x188: {  	[tilespmem:$0x8010] =	vst v2  }
0x189: {  	[tilespmem:$0x8110] =	vst v1  }
0x18a: {  	v1 =	vld [tilespmem:s15+$0x8220];
	_ =	sdelay $0x4  }
0x18b: {  	v2 =	vand.u32 $0x7FFF, v1;
	v1 =	vshrl.u32 v1, $0xF  }
0x18c: {  	[tilespmem:$0x8020] =	vst v2  }
0x18d: {  	[tilespmem:$0x8120] =	vst v1  }
0x18e: {  	v1 =	vld [tilespmem:s15+$0x8230];
	_ =	sdelay $0x4  }
0x18f: {  	v2 =	vand.u32 $0x7FFF, v1;
	v1 =	vshrl.u32 v1, $0xF  }
0x190: {  	[tilespmem:$0x8030] =	vst v2  }
0x191: {  	[tilespmem:$0x8130] =	vst v1  }
0x192: {  	v1 =	vld [tilespmem:s15+$0x8240];
	_ =	sdelay $0x4  }
0x193: {  	v2 =	vand.u32 $0x7FFF, v1;
	v1 =	vshrl.u32 v1, $0xF  }
0x194: {  	[tilespmem:$0x8040] =	vst v2  }
0x195: {  	[tilespmem:$0x8140] =	vst v1  }
0x196: {  	v1 =	vld [tilespmem:s15+$0x8250];
	_ =	sdelay $0x4  }
0x197: {  	v2 =	vand.u32 $0x7FFF, v1;
	v1 =	vshrl.u32 v1, $0xF  }
0x198: {  	[tilespmem:$0x8050] =	vst v2  }
0x199: {  	[tilespmem:$0x8150] =	vst v1  }
0x19a: {  	v1 =	vld [tilespmem:s15+$0x8260];
	_ =	sdelay $0x4  }
0x19b: {  	v2 =	vand.u32 $0x7FFF, v1;
	v1 =	vshrl.u32 v1, $0xF  }
0x19c: {  	[tilespmem:$0x8060] =	vst v2  }
0x19d: {  	[tilespmem:$0x8160] =	vst v1  }
0x19e: {  	v1 =	vld [tilespmem:s15+$0x8270];
	_ =	sdelay $0x4  }
0x19f: {  	v2 =	vand.u32 $0x7FFF, v1;
	v1 =	vshrl.u32 v1, $0xF  }
0x1a0: {  	[tilespmem:$0x8070] =	vst v2  }
0x1a1: {  	[tilespmem:$0x8170] =	vst v1  }
0x1a2: {  	v1 =	vld [tilespmem:s15+$0x8280];
	_ =	sdelay $0x4  }
0x1a3: {  	v2 =	vand.u32 $0x7FFF, v1;
	v1 =	vshrl.u32 v1, $0xF  }
0x1a4: {  	[tilespmem:$0x8080] =	vst v2  }
0x1a5: {  	[tilespmem:$0x8180] =	vst v1  }
0x1a6: {  	v1 =	vld [tilespmem:s15+$0x8290];
	_ =	sdelay $0x4  }
0x1a7: {  	v2 =	vand.u32 $0x7FFF, v1;
	v1 =	vshrl.u32 v1, $0xF  }
0x1a8: {  	[tilespmem:$0x8090] =	vst v2  }
0x1a9: {  	[tilespmem:$0x8190] =	vst v1  }
0x1aa: {  	v1 =	vld [tilespmem:s15+$0x82A0];
	_ =	sdelay $0x4  }
0x1ab: {  	v2 =	vand.u32 $0x7FFF, v1;
	v1 =	vshrl.u32 v1, $0xF  }
0x1ac: {  	[tilespmem:$0x80A0] =	vst v2  }
0x1ad: {  	[tilespmem:$0x81A0] =	vst v1  }
0x1ae: {  	v1 =	vld [tilespmem:s15+$0x82B0];
	_ =	sdelay $0x4  }
0x1af: {  	v2 =	vand.u32 $0x7FFF, v1;
	v1 =	vshrl.u32 v1, $0xF  }
0x1b0: {  	[tilespmem:$0x80B0] =	vst v2  }
0x1b1: {  	[tilespmem:$0x81B0] =	vst v1  }
0x1b2: {  	v1 =	vld [tilespmem:s15+$0x82C0];
	_ =	sdelay $0x4  }
0x1b3: {  	v2 =	vand.u32 $0x7FFF, v1;
	v1 =	vshrl.u32 v1, $0xF  }
0x1b4: {  	[tilespmem:$0x80C0] =	vst v2  }
0x1b5: {  	[tilespmem:$0x81C0] =	vst v1  }
0x1b6: {  	v1 =	vld [tilespmem:s15+$0x82D0];
	_ =	sdelay $0x4  }
0x1b7: {  	v2 =	vand.u32 $0x7FFF, v1;
	v1 =	vshrl.u32 v1, $0xF  }
0x1b8: {  	[tilespmem:$0x80D0] =	vst v2  }
0x1b9: {  	[tilespmem:$0x81D0] =	vst v1  }
0x1ba: {  	v1 =	vld [tilespmem:s15+$0x82E0];
	_ =	sdelay $0x4  }
0x1bb: {  	v2 =	vand.u32 $0x7FFF, v1;
	v1 =	vshrl.u32 v1, $0xF  }
0x1bc: {  	[tilespmem:$0x80E0] =	vst v2  }
0x1bd: {  	[tilespmem:$0x81E0] =	vst v1  }
0x1be: {  	v1 =	vld [tilespmem:s15+$0x82F0];
	_ =	sdelay $0x2  }
.Ltmp3:
0x1bf: {  	(pc) =	sbr.rel @p0 .LBB2_8-.Ltmp3, $4  }
0x1c0: {  	_ = 	snop  }
0x1c1: {  	v2 =	vand.u32 $0x7FFF, v1;
	v1 =	vshrl.u32 v1, $0xF  }
0x1c2: {  	[tilespmem:$0x80F0] =	vst v2  }
0x1c3: {  	[tilespmem:$0x81F0] =	vst v1  }
0x1c4: {  	[tilespmem:s3], [sflag:$0x1] =	stream.indirect.gather [hbm4b:s5+s31], $0x80, s0, s31, $0xb8;
	[tilespmem:$0x1EA00] =	vst v63  }
0x1c5: {  	_ = 	snop  }
0x1c6: {  	[tilespmem:s6], [sflag:$0x2] =	stream.indirect.gather [hbm4b:s5+s31], $0x80, s1, s31, $0xb8;
	[tilespmem:$0x1EA00] =	vst v63  }
0x1c7: {  	_ =	swait.ge [sflag:s8], $0x4000  }
0x1c8: {  	[sflag:s8] =	ssyncset.done $0x0  }
0x1c9: {  	[sflag:s8] =	ssyncadd.s32 $0xFFFFC000  }
0x1ca: {  	[spmem:s2] =	stream.indirect.scatter.add.f32 [tilespmem:s3], [sflag:$0x3], $0x80, s9, s31, $0xb8;
	[tilespmem:$0x1EA00] =	vst v63  }
0x1cb: {  	_ =	swait.ge [sflag:s30], $0x4000  }
0x1cc: {  	[sflag:s30] =	ssyncset.done $0x0  }
0x1cd: {  	[sflag:s30] =	ssyncadd.s32 $0xFFFFC000  }
0x1ce: {  	_ =	swait.ge [sflag:s11], $0x4000  }
0x1cf: {  	[sflag:s11] =	ssyncset.done $0x0  }
0x1d0: {  	[sflag:s11] =	ssyncadd.s32 $0xFFFFC000  }
0x1d1: {  	[spmem:s2] =	stream.indirect.scatter.add.f32 [tilespmem:s6], [sflag:$0x3], $0x80, s12, s31, $0xb8;
	[tilespmem:$0x1EA00] =	vst v63  }
0x1d2: {  	_ =	swait.ge [sflag:s30], $0x4000  }
0x1d3: {  	[sflag:s30] =	ssyncset.done $0x0  }
0x1d4: {  	[sflag:s30] =	ssyncadd.s32 $0xFFFFC000  }
0x1d5: {  	[bflag:$0x0] =	sbarrier.arrive $0xFFFF  }
0x1d6: {  	[tilespmem:s3], [sflag:$0x3] =	stream.linear.gather [spmem:s7], $0x4000, $0x38;
	[tilespmem:$0x1EA00] =	vst v63  }
0x1d7: {  	_ =	swait.ge [sflag:s30], $0x4000  }
0x1d8: {  	[sflag:s30] =	ssyncset.done $0x0  }
0x1d9: {  	s14 =	rddreg [dreg:$0xb];
	[sflag:s30] =	ssyncadd.s32 $0xFFFFC000  }
0x1da: {  	[hbm4b:s14+s3] =	stream.linear.scatter [tilespmem:s3], [sflag:$0x3], $0x4000, $0x38;
	[tilespmem:$0x1EA00] =	vst v63  }
0x1db: {  	_ =	swait.ge [sflag:s30], $0x4000  }
0x1dc: {  	[sflag:s30] =	ssyncset.done $0x0  }
0x1dd: {  	[sflag:s30] =	ssyncadd.s32 $0xFFFFC000  }
0x1de: {  	[tilespmem:s3], [sflag:$0x3] =	stream.linear.gather [spmem:s22], $0x4000, $0x38;
	[tilespmem:$0x1EA00] =	vst v63  }
0x1df: {  	_ =	swait.ge [sflag:s30], $0x4000  }
0x1e0: {  	[sflag:s30] =	ssyncset.done $0x0  }
0x1e1: {  	s16 =	rddreg [dreg:$0xc];
	[sflag:s30] =	ssyncadd.s32 $0xFFFFC000  }
0x1e2: {  	[hbm4b:s16+s3] =	stream.linear.scatter [tilespmem:s3], [sflag:$0x3], $0x4000, $0x38;
	[tilespmem:$0x1EA00] =	vst v63  }
0x1e3: {  	_ =	swait.ge [sflag:s30], $0x4000  }
0x1e4: {  	[sflag:s30] =	ssyncset.done $0x0  }
0x1e5: {  	[sflag:s30] =	ssyncadd.s32 $0xFFFFC000  }
0x1e6: {  	[tilespmem:s3], [sflag:$0x3] =	stream.linear.gather [spmem:s23], $0x4000, $0x38;
	[tilespmem:$0x1EA00] =	vst v63  }
0x1e7: {  	_ =	swait.ge [sflag:s30], $0x4000  }
0x1e8: {  	[sflag:s30] =	ssyncset.done $0x0  }
0x1e9: {  	[sflag:s30] =	ssyncadd.s32 $0xFFFFC000  }
0x1ea: {  	[hbm4b:s18+s3] =	stream.linear.scatter [tilespmem:s3], [sflag:$0x3], $0x4000, $0x38;
	[tilespmem:$0x1EA00] =	vst v63  }
0x1eb: {  	_ =	swait.ge [sflag:s30], $0x4000  }
0x1ec: {  	[sflag:s30] =	ssyncset.done $0x0  }
0x1ed: {  	[sflag:s30] =	ssyncadd.s32 $0xFFFFC000  }
0x1ee: {  	[tilespmem:s3], [sflag:$0x3] =	stream.linear.gather [spmem:s24], $0x4000, $0x38;
	[tilespmem:$0x1EA00] =	vst v63  }
0x1ef: {  	_ =	swait.ge [sflag:s30], $0x4000  }
0x1f0: {  	[sflag:s30] =	ssyncset.done $0x0  }
0x1f1: {  	[sflag:s30] =	ssyncadd.s32 $0xFFFFC000  }
0x1f2: {  	[hbm4b:s19+s3] =	stream.linear.scatter [tilespmem:s3], [sflag:$0x3], $0x4000, $0x38;
	[tilespmem:$0x1EA00] =	vst v63  }
0x1f3: {  	_ =	swait.ge [sflag:s30], $0x4000  }
0x1f4: {  	[sflag:s30] =	ssyncset.done $0x0  }
0x1f5: {  	[sflag:s30] =	ssyncadd.s32 $0xFFFFC000  }
0x1f6: {  	[tilespmem:s3], [sflag:$0x3] =	stream.linear.gather [spmem:s25], $0x4000, $0x38;
	[tilespmem:$0x1EA00] =	vst v63  }
0x1f7: {  	_ =	swait.ge [sflag:s30], $0x4000  }
0x1f8: {  	[sflag:s30] =	ssyncset.done $0x0  }
0x1f9: {  	[sflag:s30] =	ssyncadd.s32 $0xFFFFC000  }
0x1fa: {  	[hbm4b:s20+s3] =	stream.linear.scatter [tilespmem:s3], [sflag:$0x3], $0x4000, $0x38;
	[tilespmem:$0x1EA00] =	vst v63  }
0x1fb: {  	_ =	swait.ge [sflag:s30], $0x4000  }
0x1fc: {  	s13 =	sadd.s32 $0x1, s13;
	s17 =	rddreg [dreg:$0x5]  }
0x1fd: {  	p0 =	sne.s32 s13, s17  }
.Ltmp4:
0x1fe: {  	_ = 	snop;
	(pc) =	sbr.rel @p0 .LBB2_1-.Ltmp4, $3  }
0x1ff: {  	_ =	sdelay $0x1  }
0x200: {  	[sflag:s30] =	ssyncset.done $0x0  }
0x201: {  	[sflag:s30] =	ssyncadd.s32 $0xFFFFC000  }
0x202: {  	_ =	sfence.sel $0x180000  }
0x203: {  	[bflag:$0x0] =	sbarrier.arrive $0xFFFF  }
0x204: {  	_ =	strace $0x9000004A  }
0x205: {  	s0 =	stileid.u32;
	[bflag:$0x2] =	sbarrier.arrive $0xFFFF  }
0x206: {  	p0 =	sne.s32 s0, $0x0;
	s0 =	rddreg [dreg:$0x2]  }
0x207: {  	s0 =	sadd.s32 @!p0 $0x100000, s0  }
0x208: {  	[sflag:s0] =	ssyncadd.tile.s32 @!p0 $0x1;
	_ =	shalt  }
.Lfunc_end2:
_tile_overlayer_lowered:
.L_overlay_start_2:
0x209: {  	(tag) =	ssettag $0x2  }
0x20a: {  	s0 =	rddreg [dreg:$0x0];
	s2 =	stileid.u32  }
0x20b: {  	s1 =	rddreg [dreg:$0x1];
	p0 =	sne.s32 s2, $0x0  }
0x20c: {  	s3 =	rddreg [dreg:$0x2];
	[bflag:$0x3] =	sbarrier.arrive $0xFFFF;
	s2 =	simm.s32 @!p0 $0x1C03  }
0x20d: {  	[timem:s3], [sflag:s2] =	dma.local @!p0 [hbm:s0], s1  }
0x20e: {  	s0 =	simm.s32 @!p0 $0x3  }
0x20f: {  	_ =	swait.ge @!p0 [sflag:s0], s1  }
0x210: {  	s1 =	ssub.s32 @!p0 $0x0, s1;
	[sflag:s0] =	ssyncset.done @!p0 $0x0  }
0x211: {  	[sflag:s0] =	ssyncadd.s32 @!p0 s1  }
0x212: {  	[bflag:$0x3] =	sbarrier.arrive $0xFFFF  }
0x213: {  	_ =	shalt  }

</sc_bundles>
